<compile_context>
chip_gen: v7x
topology: tpu7x:2x2x1
jax: 0.10.2.dev20260603
libtpu: 0.0.44.dev20260713+nightly
codegen_flags: <defaults>
</compile_context>

<pallas_src>
import functools

import jax
import jax.numpy as jnp
from jax import lax
from jax.experimental import pallas as pl
from jax.experimental.pallas import tpu as pltpu
from jax.experimental.pallas import tpu_sc as plsc

H = 128
N = 10000
NC = 2
NS = 16
NW = NC * NS

CNT0, CNT1, CNT2 = 300000, 200000, 60000
CH = 80
NBUF = 4
CW = 128

_ZROWS = 624
_ZREM = N - _ZROWS * NS


def _worker_id():
    return lax.axis_index("s") * NC + lax.axis_index("c")



def _gather1_body(ns_hbm, idx1, out1, *refs):
    wid = _worker_id()
    nb = len(refs) // 4
    idxs, rows = refs[:nb], refs[nb:2 * nb]
    sis, ses = refs[2 * nb:3 * nb], refs[3 * nb:]
    _pipe_gather(ns_hbm, idx1, out1, CNT1, wid, idxs, rows, sis, ses)


def _pipe_gather(ns_hbm, idx_hbm, out_hbm, cnt, wid, idxs, rows, sis, ses):
    nb = len(idxs)
    nchunks = cnt // CH

    def body(g, carry):
        js = [wid + NW * (g * nb + b) for b in range(nb)]
        for b in range(nb):
            jp = js[b] - NW * nb

            @pl.when((jp >= 0) & (jp < nchunks))
            def _(b=b, jp=jp):
                pltpu.make_async_copy(rows[b],
                                      out_hbm.at[pl.ds(jp * CH, CH)],
                                      sis[b]).wait()
        for b in range(nb):
            @pl.when(js[b] < nchunks)
            def _(b=b):
                pltpu.async_copy(idx_hbm.at[pl.ds(js[b] * CH, CH)],
                                 idxs[b], sis[b])
        for b in range(nb):
            @pl.when(js[b] < nchunks)
            def _(b=b):
                pltpu.make_async_copy(idx_hbm.at[pl.ds(js[b] * CH, CH)],
                                      idxs[b], sis[b]).wait()
                pltpu.async_copy(ns_hbm.at[idxs[b]], rows[b], ses[b])
        for b in range(nb):
            @pl.when(js[b] < nchunks)
            def _(b=b):
                pltpu.make_async_copy(ns_hbm.at[idxs[b]], rows[b],
                                      ses[b]).wait()
                pltpu.async_copy(rows[b],
                                 out_hbm.at[pl.ds(js[b] * CH, CH)],
                                 sis[b])
        return carry

    nt = (nchunks + NW - 1) // NW
    lax.fori_loop(0, (nt + nb - 1) // nb + 1, body, 0)


def _gather2_body(ns_hbm, idx0, idx2, zeros16, ones16,
                  cnta, cntb, out2, acc16, *refs):
    cid = lax.axis_index("c")
    sid = lax.axis_index("s")
    wid = _worker_id()
    nb = len(refs) // 4
    idxs, rows = refs[:nb], refs[nb:2 * nb]
    sis, ses = refs[2 * nb:3 * nb], refs[3 * nb:]

    row0 = sid * _ZROWS
    pltpu.sync_copy(zeros16.at[pl.ds(row0, _ZROWS)],
                    acc16.at[pl.ds(row0, _ZROWS)])

    @pl.when(sid == NS - 1)
    def _():
        pltpu.sync_copy(zeros16.at[pl.ds(_ZROWS * NS, _ZREM)],
                        acc16.at[pl.ds(_ZROWS * NS, _ZREM)])

    ones_v = rows[0]
    pltpu.sync_copy(ones16, ones_v)
    plsc.subcore_barrier()

    nh = CNT0 // CH

    def hbody(g, carry):
        js = [wid + NW * (g * nb + b) for b in range(nb)]
        for b in range(nb):
            jp = js[b] - NW * nb

            @pl.when((jp >= 0) & (jp < nh))
            def _(b=b):
                pltpu.make_async_copy(ones_v, acc16.at[idxs[b]],
                                      ses[b]).wait()
        for b in range(nb):
            @pl.when(js[b] < nh)
            def _(b=b):
                pltpu.async_copy(idx0.at[pl.ds(js[b] * CH, CH)],
                                 idxs[b], sis[b])
        for b in range(nb):
            @pl.when(js[b] < nh)
            def _(b=b):
                pltpu.make_async_copy(idx0.at[pl.ds(js[b] * CH, CH)],
                                      idxs[b], sis[b]).wait()
                pltpu.async_copy(ones_v, acc16.at[idxs[b]], ses[b],
                                 add=True)
        return carry

    nth = (nh + NW - 1) // NW
    lax.fori_loop(0, (nth + nb - 1) // nb + 1, hbody, 0)

    _pipe_gather(ns_hbm, idx2, out2, CNT2, wid, idxs, rows, sis, ses)

    plsc.subcore_barrier()

    def drain(dst):
        pltpu.sync_copy(acc16.at[pl.ds(row0, _ZROWS)],
                        dst.at[pl.ds(row0, _ZROWS)])

        @pl.when(sid == NS - 1)
        def _():
            pltpu.sync_copy(acc16.at[pl.ds(_ZROWS * NS, _ZREM)],
                            dst.at[pl.ds(_ZROWS * NS, _ZREM)])

    @pl.when(cid == 0)
    def _():
        drain(cnta)

    @pl.when(cid == 1)
    def _():
        drain(cntb)


NB1 = 8

_gather1_call = pl.kernel(
    _gather1_body,
    out_type=[jax.ShapeDtypeStruct((CNT1, H), jnp.float32)],
    mesh=plsc.VectorSubcoreMesh(core_axis_name="c", subcore_axis_name="s",
                                num_cores=NC, num_subcores=NS),
    scratch_types=(
        [pltpu.VMEM((CH,), jnp.int32)] * NB1
        + [pltpu.VMEM((CH, H), jnp.float32)] * NB1
        + [pltpu.SemaphoreType.DMA] * (2 * NB1)
    ),
)

_gather2_call = pl.kernel(
    _gather2_body,
    out_type=[jax.ShapeDtypeStruct((N, CW), jnp.float32),
              jax.ShapeDtypeStruct((N, CW), jnp.float32),
              jax.ShapeDtypeStruct((CNT2, H), jnp.float32)],
    mesh=plsc.VectorSubcoreMesh(core_axis_name="c", subcore_axis_name="s",
                                num_cores=NC, num_subcores=NS),
    scratch_types=(
        [pltpu.VMEM_SHARED((N, CW), jnp.float32)]
        + [pltpu.VMEM((CH,), jnp.int32)] * NBUF
        + [pltpu.VMEM((CH, H), jnp.float32)] * NBUF
        + [pltpu.SemaphoreType.DMA] * (2 * NBUF)
    ),
)



def _scatter_body(e1, e2, idx1, idx2, zeros_hbm, outa, outb,
                  acc_sh, *refs):
    cid = lax.axis_index("c")
    sid = lax.axis_index("s")
    wid = _worker_id()
    nb = len(refs) // 5
    idxs, rows = refs[:nb], refs[nb:2 * nb]
    sis, ses, sas = (refs[2 * nb:3 * nb], refs[3 * nb:4 * nb],
                     refs[4 * nb:5 * nb])

    row0 = sid * _ZROWS
    pltpu.sync_copy(zeros_hbm.at[pl.ds(row0, _ZROWS)],
                    acc_sh.at[pl.ds(row0, _ZROWS)])

    @pl.when(sid == NS - 1)
    def _():
        pltpu.sync_copy(zeros_hbm.at[pl.ds(_ZROWS * NS, _ZREM)],
                        acc_sh.at[pl.ds(_ZROWS * NS, _ZREM)])

    plsc.subcore_barrier()

    def do_rel(e_hbm, idx_hbm, cnt):
        nchunks = cnt // CH

        def body(g, carry):
            js = [wid + NW * (g * nb + b) for b in range(nb)]
            for b in range(nb):
                jp = js[b] - NW * nb

                @pl.when((jp >= 0) & (jp < nchunks))
                def _(b=b):
                    pltpu.make_async_copy(rows[b], acc_sh.at[idxs[b]],
                                          sas[b]).wait()
            for b in range(nb):
                @pl.when(js[b] < nchunks)
                def _(b=b):
                    base = js[b] * CH
                    pltpu.async_copy(idx_hbm.at[pl.ds(base, CH)],
                                     idxs[b], sis[b])
                    pltpu.async_copy(e_hbm.at[pl.ds(base, CH)],
                                     rows[b], ses[b])
            for b in range(nb):
                @pl.when(js[b] < nchunks)
                def _(b=b):
                    base = js[b] * CH
                    pltpu.make_async_copy(idx_hbm.at[pl.ds(base, CH)],
                                          idxs[b], sis[b]).wait()
                    pltpu.make_async_copy(e_hbm.at[pl.ds(base, CH)],
                                          rows[b], ses[b]).wait()
                    pltpu.async_copy(rows[b], acc_sh.at[idxs[b]], sas[b],
                                     add=True)
            return carry

        nt = (nchunks + NW - 1) // NW
        lax.fori_loop(0, (nt + nb - 1) // nb + 1, body, 0)

    do_rel(e1, idx1, CNT1)
    do_rel(e2, idx2, CNT2)

    plsc.subcore_barrier()

    def drain(dst):
        pltpu.sync_copy(acc_sh.at[pl.ds(row0, _ZROWS)],
                        dst.at[pl.ds(row0, _ZROWS)])

        @pl.when(sid == NS - 1)
        def _():
            pltpu.sync_copy(acc_sh.at[pl.ds(_ZROWS * NS, _ZREM)],
                            dst.at[pl.ds(_ZROWS * NS, _ZREM)])

    @pl.when(cid == 0)
    def _():
        drain(outa)

    @pl.when(cid == 1)
    def _():
        drain(outb)


_scatter_call = pl.kernel(
    _scatter_body,
    out_type=[jax.ShapeDtypeStruct((N, H), jnp.float32),
              jax.ShapeDtypeStruct((N, H), jnp.float32)],
    mesh=plsc.VectorSubcoreMesh(core_axis_name="c", subcore_axis_name="s",
                                num_cores=NC, num_subcores=NS),
    scratch_types=(
        [pltpu.VMEM_SHARED((N, H), jnp.float32)]
        + [pltpu.VMEM((CH,), jnp.int32)] * NBUF
        + [pltpu.VMEM((CH, H), jnp.float32)] * NBUF
        + [pltpu.SemaphoreType.DMA] * (3 * NBUF)
    ),
)



def _mlp_body(a, bt, x_ref, w1_ref, b1_ref, w2_ref, b2_ref, o_ref, mx_ref):
    io = a * H
    x = x_ref[...].reshape(bt, io)
    h = lax.dot_general(x, w1_ref[...], (((1,), (1,)), ((), ())),
                        preferred_element_type=jnp.float32) + b1_ref[...]
    h = jnp.maximum(h, 0.0)
    o = lax.dot_general(h, w2_ref[...], (((1,), (1,)), ((), ())),
                        preferred_element_type=jnp.float32) + b2_ref[...]
    o_ref[...] = o.reshape(bt * a, H)
    bm = jnp.full((1, 1), jnp.max(o), jnp.float32)
    i = pl.program_id(0)

    @pl.when(i == 0)
    def _():
        mx_ref[...] = bm

    @pl.when(i > 0)
    def _():
        mx_ref[...] = jnp.maximum(mx_ref[...], bm)


def _relation_mlp(x, w1, b1, w2, b2, bt, a):
    cnt = x.shape[0]
    io = a * H
    o, mx = pl.pallas_call(
        functools.partial(_mlp_body, a, bt),
        grid=(cnt // (bt * a),),
        in_specs=[
            pl.BlockSpec((bt * a, H), lambda i: (i, 0)),
            pl.BlockSpec((io, io), lambda i: (0, 0)),
            pl.BlockSpec((1, io), lambda i: (0, 0)),
            pl.BlockSpec((io, io), lambda i: (0, 0)),
            pl.BlockSpec((1, io), lambda i: (0, 0)),
        ],
        out_specs=[
            pl.BlockSpec((bt * a, H), lambda i: (i, 0)),
            pl.BlockSpec((1, 1), lambda i: (0, 0)),
        ],
        out_shape=[
            jax.ShapeDtypeStruct((cnt, H), jnp.float32),
            jax.ShapeDtypeStruct((1, 1), jnp.float32),
        ],
    )(x, w1, b1.reshape(1, io), w2, b2.reshape(1, io))
    return o, mx[0, 0]


def _masked_max_body(o_ref, ca_ref, cb_ref, mx_ref):
    o = o_ref[...]
    c = ca_ref[...][:, :1] + cb_ref[...][:, :1]
    rm = jnp.max(o, axis=1, keepdims=True)
    masked = jnp.where(c > 0.0, rm, jnp.float32(-jnp.inf))
    bm = jnp.full((1, 1), jnp.max(masked), jnp.float32)
    i = pl.program_id(0)

    @pl.when(i == 0)
    def _():
        mx_ref[...] = bm

    @pl.when(i > 0)
    def _():
        mx_ref[...] = jnp.maximum(mx_ref[...], bm)


def _masked_max(o0, cnta, cntb, bt):
    mx = pl.pallas_call(
        _masked_max_body,
        grid=(N // bt,),
        in_specs=[
            pl.BlockSpec((bt, H), lambda i: (i, 0)),
            pl.BlockSpec((bt, CW), lambda i: (i, 0)),
            pl.BlockSpec((bt, CW), lambda i: (i, 0)),
        ],
        out_specs=pl.BlockSpec((1, 1), lambda i: (0, 0)),
        out_shape=jax.ShapeDtypeStruct((1, 1), jnp.float32),
    )(o0, cnta, cntb)
    return mx[0, 0]


def _exp_body(o_ref, m_ref, e_ref):
    e_ref[...] = jnp.exp(8.0 * (o_ref[...] - m_ref[0]))


def _exp_kernel(o, mx, bt):
    t, io = o.shape
    return pl.pallas_call(
        _exp_body,
        grid=(t // bt,),
        in_specs=[
            pl.BlockSpec((bt, io), lambda i: (i, 0)),
            pl.BlockSpec(memory_space=pltpu.SMEM),
        ],
        out_specs=pl.BlockSpec((bt, io), lambda i: (i, 0)),
        out_shape=jax.ShapeDtypeStruct((t, io), jnp.float32),
    )(o, mx.reshape(1))


def _final_body(pa_ref, pb_ref, o0_ref, ca_ref, cb_ref, ns_ref,
                u1a_ref, u1b_ref, bu1_ref, u2_ref, bu2_ref, m_ref, out_ref):
    c = ca_ref[...][:, :1] + cb_ref[...][:, :1]
    e0 = jnp.exp(8.0 * (o0_ref[...] - m_ref[0]))
    hist = jnp.where(c > 0.0, c * e0, 0.0)
    p = pa_ref[...] + pb_ref[...] + hist + 1e-16
    mm = jnp.log(p) * 0.125 + m_ref[0]
    h = (lax.dot_general(mm, u1a_ref[...], (((1,), (1,)), ((), ())),
                         preferred_element_type=jnp.float32)
         + lax.dot_general(ns_ref[...], u1b_ref[...], (((1,), (1,)), ((), ())),
                           preferred_element_type=jnp.float32)
         + bu1_ref[...])
    h = jnp.maximum(h, 0.0)
    out_ref[...] = lax.dot_general(h, u2_ref[...], (((1,), (1,)), ((), ())),
                                   preferred_element_type=jnp.float32) + bu2_ref[...]


def _final_kernel(pa, pb, o0, cnta, cntb, node_states, u1, bu1, u2, bu2,
                  mx, bt):
    u1a = u1[:, :H]
    u1b = u1[:, H:]
    return pl.pallas_call(
        _final_body,
        grid=(N // bt,),
        in_specs=[
            pl.BlockSpec((bt, H), lambda i: (i, 0)),
            pl.BlockSpec((bt, H), lambda i: (i, 0)),
            pl.BlockSpec((bt, H), lambda i: (i, 0)),
            pl.BlockSpec((bt, CW), lambda i: (i, 0)),
            pl.BlockSpec((bt, CW), lambda i: (i, 0)),
            pl.BlockSpec((bt, H), lambda i: (i, 0)),
            pl.BlockSpec((2 * H, H), lambda i: (0, 0)),
            pl.BlockSpec((2 * H, H), lambda i: (0, 0)),
            pl.BlockSpec((1, 2 * H), lambda i: (0, 0)),
            pl.BlockSpec((H, 2 * H), lambda i: (0, 0)),
            pl.BlockSpec((1, H), lambda i: (0, 0)),
            pl.BlockSpec(memory_space=pltpu.SMEM),
        ],
        out_specs=pl.BlockSpec((bt, H), lambda i: (i, 0)),
        out_shape=jax.ShapeDtypeStruct((N, H), jnp.float32),
    )(pa, pb, o0, cnta, cntb, node_states, u1a, u1b,
      bu1.reshape(1, 2 * H), u2, bu2.reshape(1, H), mx.reshape(1))


def kernel(node_states, rel_0, rel_1, rel_2,
           W1_0, b1_0, W2_0, b2_0,
           W1_1, b1_1, W2_1, b2_1,
           W1_2, b1_2, W2_2, b2_2,
           U1, bU1, U2, bU2):
    zeros16 = jnp.zeros((N, CW), dtype=jnp.float32)
    ones16 = jnp.ones((CH, CW), dtype=jnp.float32)

    (x1,) = _gather1_call(node_states, rel_1)
    cnta, cntb, x2 = _gather2_call(node_states, rel_0, rel_2, zeros16, ones16)

    o0, _ = _relation_mlp(node_states, W1_0, b1_0, W2_0, b2_0, 2000, 1)
    mx0 = _masked_max(o0, cnta, cntb, 2000)

    o1, mx1 = _relation_mlp(x1, W1_1, b1_1, W2_1, b2_1, 2000, 2)
    o2, mx2 = _relation_mlp(x2, W1_2, b1_2, W2_2, b2_2, 2000, 3)
    max_offset = jnp.maximum(jnp.maximum(mx0, mx1), mx2)

    e1 = _exp_kernel(o1, max_offset, 8000)
    e2 = _exp_kernel(o2, max_offset, 6000)

    zeros = jnp.zeros((N, H), dtype=jnp.float32)
    pa, pb = _scatter_call(e1, e2, rel_1, rel_2, zeros)

    return _final_kernel(pa, pb, o0, cnta, cntb, node_states,
                         U1, bU1, U2, bU2, max_offset, 1000)

# --- scband reference (transcript-rebuilt; emitter-appended) ---
"""Pipeline reference for scband-relation-message-passing-14096082666191 (READ-ONLY COPY).

The authoritative reference and input builder live on the scoring server;
editing this copy changes nothing except your own understanding.
"""

import jax, jax.numpy as jnp
import numpy as np

H = 128
N = 10000
ARITIES = [1, 2, 3]
REL_INDEX_COUNTS = [300000, 200000, 60000]


def setup_inputs(seed: int = 0):
    key = jax.random.key(seed)
    ks = jax.random.split(key, 40)
    inp = {}
    inp["node_states"] = jax.random.normal(ks[0], (N, H), dtype=jnp.float32)
    for r, cnt in enumerate(REL_INDEX_COUNTS):
        inp["rel_%d" % r] = jax.random.randint(ks[1 + r], (cnt,), 0, N, dtype=jnp.int32)
    d = 4
    for r, a in enumerate(ARITIES):
        io = a * H
        s = 1.0 / np.sqrt(io)
        inp["W1_%d" % r] = jax.random.uniform(ks[d], (io, io), minval=-s, maxval=s, dtype=jnp.float32); d += 1
        inp["b1_%d" % r] = jax.random.uniform(ks[d], (io,), minval=-s, maxval=s, dtype=jnp.float32); d += 1
        inp["W2_%d" % r] = jax.random.uniform(ks[d], (io, io), minval=-s, maxval=s, dtype=jnp.float32); d += 1
        inp["b2_%d" % r] = jax.random.uniform(ks[d], (io,), minval=-s, maxval=s, dtype=jnp.float32); d += 1
    s = 1.0 / np.sqrt(2 * H)
    inp["U1"] = jax.random.uniform(ks[d], (2 * H, 2 * H), minval=-s, maxval=s, dtype=jnp.float32); d += 1
    inp["bU1"] = jax.random.uniform(ks[d], (2 * H,), minval=-s, maxval=s, dtype=jnp.float32); d += 1
    inp["U2"] = jax.random.uniform(ks[d], (H, 2 * H), minval=-s, maxval=s, dtype=jnp.float32); d += 1
    inp["bU2"] = jax.random.uniform(ks[d], (H,), minval=-s, maxval=s, dtype=jnp.float32); d += 1
    return inp


def reference(node_states, rel_0, rel_1, rel_2,
              W1_0, b1_0, W2_0, b2_0,
              W1_1, b1_1, W2_1, b2_1,
              W1_2, b1_2, W2_2, b2_2,
              U1, bU1, U2, bU2):
    rels = [rel_0, rel_1, rel_2]
    mlps = [(W1_0, b1_0, W2_0, b2_0), (W1_1, b1_1, W2_1, b2_1), (W1_2, b1_2, W2_2, b2_2)]
    outputs = []
    max_outputs = []
    for a, vals, (w1, b1, w2, b2) in zip(ARITIES, rels, mlps):
        x = jnp.take(node_states, vals, axis=0).reshape(-1, a * H)
        h = jax.nn.relu(x @ w1.T + b1)
        o = (h @ w2.T + b2).reshape(-1, H)
        max_outputs.append(jnp.max(o))
        outputs.append((o, vals))
    max_offset = jnp.max(jnp.stack(max_outputs))
    exps_sum = jnp.full((N, H), 1e-16, dtype=node_states.dtype)
    for o, vals in outputs:
        exps_sum = exps_sum.at[vals].add(jnp.exp(8.0 * (o - max_offset)))
    max_msg = jnp.log(exps_sum) / 8.0 + max_offset
    z = jnp.concatenate([max_msg, node_states], axis=1)
    return jax.nn.relu(z @ U1.T + bU1) @ U2.T + bU2

if __name__ == "__main__":
    import jax
    _d = setup_inputs()
    print(jax.jit(kernel)(*tuple(_d.values())))

</pallas_src>

<mosaic_0001>
#map = affine_map<(d0, d1) -> (0, 0)>
#map1 = affine_map<(d0, d1) -> (0)>
module attributes {stable_mosaic.version = 14 : i64} {
  func.func @_gather2_body(%arg0: i32, %arg1: i32, %arg2: memref<10000x128xf32, #tpu.memory_space<hbm>>, %arg3: memref<300000xi32, #tpu.memory_space<hbm>>, %arg4: memref<60000xi32, #tpu.memory_space<hbm>>, %arg5: memref<10000x128xf32, #tpu.memory_space<hbm>>, %arg6: memref<80x128xf32, #tpu.memory_space<hbm>>, %arg7: memref<10000x128xf32, #tpu.memory_space<hbm>>, %arg8: memref<10000x128xf32, #tpu.memory_space<hbm>>, %arg9: memref<60000x128xf32, #tpu.memory_space<hbm>>, %arg10: memref<10000x128xf32, #tpu.memory_space<vmem_shared>>, %arg11: memref<80xi32, #tpu.memory_space<vmem>>, %arg12: memref<80xi32, #tpu.memory_space<vmem>>, %arg13: memref<80xi32, #tpu.memory_space<vmem>>, %arg14: memref<80xi32, #tpu.memory_space<vmem>>, %arg15: memref<80x128xf32, #tpu.memory_space<vmem>>, %arg16: memref<80x128xf32, #tpu.memory_space<vmem>>, %arg17: memref<80x128xf32, #tpu.memory_space<vmem>>, %arg18: memref<80x128xf32, #tpu.memory_space<vmem>>, %arg19: memref<!tpu.dma_semaphore, #tpu.memory_space<semaphore_mem>>, %arg20: memref<!tpu.dma_semaphore, #tpu.memory_space<semaphore_mem>>, %arg21: memref<!tpu.dma_semaphore, #tpu.memory_space<semaphore_mem>>, %arg22: memref<!tpu.dma_semaphore, #tpu.memory_space<semaphore_mem>>, %arg23: memref<!tpu.dma_semaphore, #tpu.memory_space<semaphore_mem>>, %arg24: memref<!tpu.dma_semaphore, #tpu.memory_space<semaphore_mem>>, %arg25: memref<!tpu.dma_semaphore, #tpu.memory_space<semaphore_mem>>, %arg26: memref<!tpu.dma_semaphore, #tpu.memory_space<semaphore_mem>>) attributes {dimension_semantics = [#tpu.dimension_semantics<core_parallel>, #tpu.dimension_semantics<subcore_parallel>], iteration_bounds = array<i64: 2, 16>, scalar_prefetch = 0 : i64, scratch_operands = 17 : i64, tpu.core_type = #tpu.core_type<sc_vector_subcore>, window_params = [{transform_indices = #map}, {transform_indices = #map1}, {transform_indices = #map1}, {transform_indices = #map}, {transform_indices = #map}, {transform_indices = #map}, {transform_indices = #map}, {transform_indices = #map}]} {
    %mul3A = arith.constant 2 : i32
    %mul3A_0 = arith.muli %arg1, %mul3A : i32
    %add3A = arith.addi %mul3A_0, %arg0 : i32
    %mul3A_1 = arith.constant 624 : i32
    %mul3A_2 = arith.muli %arg1, %mul3A_1 : i32
    "tpu.region"() ({
      %run_scoped3A = tpu.sem_alloc : memref<!tpu.dma_semaphore, #tpu.memory_space<semaphore_mem>>
      %dma_start3A = arith.constant 0 : i32
      %dma_start3A_27 = tpu.memref_slice %arg10[%mul3A_2, %dma_start3A] : memref<10000x128xf32, #tpu.memory_space<vmem_shared>> -> memref<624x128xf32, #tpu.memory_space<vmem_shared>>
      %dma_start3A_28 = arith.constant 0 : i32
      %dma_start3A_29 = tpu.memref_slice %arg5[%mul3A_2, %dma_start3A_28] : memref<10000x128xf32, #tpu.memory_space<hbm>> -> memref<624x128xf32, #tpu.memory_space<hbm>>
      tpu.enqueue_dma source(%dma_start3A_29 : memref<624x128xf32, #tpu.memory_space<hbm>>) target(%dma_start3A_27 : memref<624x128xf32, #tpu.memory_space<vmem_shared>>) target_semaphore(%run_scoped3A : memref<!tpu.dma_semaphore, #tpu.memory_space<semaphore_mem>>)
      %dma_wait3A = arith.constant 0 : i32
      %dma_wait3A_30 = tpu.memref_slice %arg10[%mul3A_2, %dma_wait3A] : memref<10000x128xf32, #tpu.memory_space<vmem_shared>> -> memref<624x128xf32, #tpu.memory_space<vmem_shared>>
      %dma_wait3A_31 = arith.constant 0 : i32
      %dma_wait3A_32 = tpu.memref_slice %arg5[%mul3A_2, %dma_wait3A_31] : memref<10000x128xf32, #tpu.memory_space<hbm>> -> memref<624x128xf32, #tpu.memory_space<hbm>>
      tpu.wait_dma2 semaphore(%run_scoped3A : memref<!tpu.dma_semaphore, #tpu.memory_space<semaphore_mem>>) src(%dma_wait3A_32 : memref<624x128xf32, #tpu.memory_space<hbm>>) dst(%dma_wait3A_30 : memref<624x128xf32, #tpu.memory_space<vmem_shared>>)
      tpu.yield
    }) : () -> ()
    %eq3A = arith.constant 15 : i32
    %eq3A_3 = arith.cmpi eq, %arg1, %eq3A : i32
    %convert_element_type3A = arith.extui %eq3A_3 : i1 to i32
    %cond3A = arith.constant 0 : i32
    %cond3A_4 = arith.cmpi ne, %convert_element_type3A, %cond3A : i32
    scf.if %cond3A_4 {
      "tpu.region"() ({
        %run_scoped3A = tpu.sem_alloc : memref<!tpu.dma_semaphore, #tpu.memory_space<semaphore_mem>>
        %dma_start3A = arith.constant 9984 : i32
        %dma_start3A_27 = arith.constant 0 : i32
        %dma_start3A_28 = tpu.memref_slice %arg10[%dma_start3A, %dma_start3A_27] : memref<10000x128xf32, #tpu.memory_space<vmem_shared>> -> memref<16x128xf32, #tpu.memory_space<vmem_shared>>
        %dma_start3A_29 = arith.constant 9984 : i32
        %dma_start3A_30 = arith.constant 0 : i32
        %dma_start3A_31 = tpu.memref_slice %arg5[%dma_start3A_29, %dma_start3A_30] : memref<10000x128xf32, #tpu.memory_space<hbm>> -> memref<16x128xf32, #tpu.memory_space<hbm>>
        tpu.enqueue_dma source(%dma_start3A_31 : memref<16x128xf32, #tpu.memory_space<hbm>>) target(%dma_start3A_28 : memref<16x128xf32, #tpu.memory_space<vmem_shared>>) target_semaphore(%run_scoped3A : memref<!tpu.dma_semaphore, #tpu.memory_space<semaphore_mem>>)
        %dma_wait3A = arith.constant 9984 : i32
        %dma_wait3A_32 = arith.constant 0 : i32
        %dma_wait3A_33 = tpu.memref_slice %arg10[%dma_wait3A, %dma_wait3A_32] : memref<10000x128xf32, #tpu.memory_space<vmem_shared>> -> memref<16x128xf32, #tpu.memory_space<vmem_shared>>
        %dma_wait3A_34 = arith.constant 9984 : i32
        %dma_wait3A_35 = arith.constant 0 : i32
        %dma_wait3A_36 = tpu.memref_slice %arg5[%dma_wait3A_34, %dma_wait3A_35] : memref<10000x128xf32, #tpu.memory_space<hbm>> -> memref<16x128xf32, #tpu.memory_space<hbm>>
        tpu.wait_dma2 semaphore(%run_scoped3A : memref<!tpu.dma_semaphore, #tpu.memory_space<semaphore_mem>>) src(%dma_wait3A_36 : memref<16x128xf32, #tpu.memory_space<hbm>>) dst(%dma_wait3A_33 : memref<16x128xf32, #tpu.memory_space<vmem_shared>>)
        tpu.yield
      }) : () -> ()
    } else {
    }
    "tpu.region"() ({
      %run_scoped3A = tpu.sem_alloc : memref<!tpu.dma_semaphore, #tpu.memory_space<semaphore_mem>>
      tpu.enqueue_dma source(%arg6 : memref<80x128xf32, #tpu.memory_space<hbm>>) target(%arg15 : memref<80x128xf32, #tpu.memory_space<vmem>>) target_semaphore(%run_scoped3A : memref<!tpu.dma_semaphore, #tpu.memory_space<semaphore_mem>>)
      tpu.wait_dma2 semaphore(%run_scoped3A : memref<!tpu.dma_semaphore, #tpu.memory_space<semaphore_mem>>) src(%arg6 : memref<80x128xf32, #tpu.memory_space<hbm>>) dst(%arg15 : memref<80x128xf32, #tpu.memory_space<vmem>>)
      tpu.yield
    }) : () -> ()
    %barrier3A = arith.constant 0 : index
    tpu.barrier barrier_id(%barrier3A)
    %scan3A = arith.constant 0 : i32
    %scan3A_5 = arith.constant 0 : i32
    %scan3A_6 = arith.constant 31 : i32
    %scan3A_7 = arith.addi %scan3A_5, %scan3A_6 : i32
    %scan3A_8 = arith.constant 1 : i32
    scf.for %scan3A_27 = %scan3A_5 to %scan3A_7 step %scan3A_8  : i32 {
      %mul3A_28 = arith.constant 4 : i32
      %mul3A_29 = arith.muli %scan3A_27, %mul3A_28 : i32
      %add3A_30 = arith.constant 0 : i32
      %add3A_31 = arith.addi %mul3A_29, %add3A_30 : i32
      %mul3A_32 = arith.constant 32 : i32
      %mul3A_33 = arith.muli %mul3A_32, %add3A_31 : i32
      %add3A_34 = arith.addi %add3A, %mul3A_33 : i32
      %mul3A_35 = arith.constant 4 : i32
      %mul3A_36 = arith.muli %scan3A_27, %mul3A_35 : i32
      %add3A_37 = arith.constant 1 : i32
      %add3A_38 = arith.addi %mul3A_36, %add3A_37 : i32
      %mul3A_39 = arith.constant 32 : i32
      %mul3A_40 = arith.muli %mul3A_39, %add3A_38 : i32
      %add3A_41 = arith.addi %add3A, %mul3A_40 : i32
      %mul3A_42 = arith.constant 4 : i32
      %mul3A_43 = arith.muli %scan3A_27, %mul3A_42 : i32
      %add3A_44 = arith.constant 2 : i32
      %add3A_45 = arith.addi %mul3A_43, %add3A_44 : i32
      %mul3A_46 = arith.constant 32 : i32
      %mul3A_47 = arith.muli %mul3A_46, %add3A_45 : i32
      %add3A_48 = arith.addi %add3A, %mul3A_47 : i32
      %mul3A_49 = arith.constant 4 : i32
      %mul3A_50 = arith.muli %scan3A_27, %mul3A_49 : i32
      %add3A_51 = arith.constant 3 : i32
      %add3A_52 = arith.addi %mul3A_50, %add3A_51 : i32
      %mul3A_53 = arith.constant 32 : i32
      %mul3A_54 = arith.muli %mul3A_53, %add3A_52 : i32
      %add3A_55 = arith.addi %add3A, %mul3A_54 : i32
      %sub3A = arith.constant 128 : i32
      %sub3A_56 = arith.subi %add3A_34, %sub3A : i32
      %ge3A = arith.constant 0 : i32
      %ge3A_57 = arith.cmpi sge, %sub3A_56, %ge3A : i32
      %lt3A = arith.constant 3750 : i32
      %lt3A_58 = arith.cmpi slt, %sub3A_56, %lt3A : i32
      %and3A = arith.andi %ge3A_57, %lt3A_58 : i1
      %convert_element_type3A_59 = arith.extui %and3A : i1 to i32
      %cond3A_60 = arith.constant 0 : i32
      %cond3A_61 = arith.cmpi ne, %convert_element_type3A_59, %cond3A_60 : i32
      scf.if %cond3A_61 {
        %dma_wait3A = arith.constant 0 : i32
        %dma_wait3A_132 = arith.constant 0 : i32
        %dma_wait3A_133 = tpu.memref_slice %arg10[%dma_wait3A, %dma_wait3A_132] : memref<10000x128xf32, #tpu.memory_space<vmem_shared>> -> memref<10000x128xf32, #tpu.memory_space<vmem_shared>>
        tpu.wait_indirect_dma semaphore(%arg23 : memref<!tpu.dma_semaphore, #tpu.memory_space<semaphore_mem>>) src(%arg15 : memref<80x128xf32, #tpu.memory_space<vmem>>) dst(%dma_wait3A_133 : memref<10000x128xf32, #tpu.memory_space<vmem_shared>>)
      } else {
      }
      %sub3A_62 = arith.constant 128 : i32
      %sub3A_63 = arith.subi %add3A_41, %sub3A_62 : i32
      %ge3A_64 = arith.constant 0 : i32
      %ge3A_65 = arith.cmpi sge, %sub3A_63, %ge3A_64 : i32
      %lt3A_66 = arith.constant 3750 : i32
      %lt3A_67 = arith.cmpi slt, %sub3A_63, %lt3A_66 : i32
      %and3A_68 = arith.andi %ge3A_65, %lt3A_67 : i1
      %convert_element_type3A_69 = arith.extui %and3A_68 : i1 to i32
      %cond3A_70 = arith.constant 0 : i32
      %cond3A_71 = arith.cmpi ne, %convert_element_type3A_69, %cond3A_70 : i32
      scf.if %cond3A_71 {
        %dma_wait3A = arith.constant 0 : i32
        %dma_wait3A_132 = arith.constant 0 : i32
        %dma_wait3A_133 = tpu.memref_slice %arg10[%dma_wait3A, %dma_wait3A_132] : memref<10000x128xf32, #tpu.memory_space<vmem_shared>> -> memref<10000x128xf32, #tpu.memory_space<vmem_shared>>
        tpu.wait_indirect_dma semaphore(%arg24 : memref<!tpu.dma_semaphore, #tpu.memory_space<semaphore_mem>>) src(%arg15 : memref<80x128xf32, #tpu.memory_space<vmem>>) dst(%dma_wait3A_133 : memref<10000x128xf32, #tpu.memory_space<vmem_shared>>)
      } else {
      }
      %sub3A_72 = arith.constant 128 : i32
      %sub3A_73 = arith.subi %add3A_48, %sub3A_72 : i32
      %ge3A_74 = arith.constant 0 : i32
      %ge3A_75 = arith.cmpi sge, %sub3A_73, %ge3A_74 : i32
      %lt3A_76 = arith.constant 3750 : i32
      %lt3A_77 = arith.cmpi slt, %sub3A_73, %lt3A_76 : i32
      %and3A_78 = arith.andi %ge3A_75, %lt3A_77 : i1
      %convert_element_type3A_79 = arith.extui %and3A_78 : i1 to i32
      %cond3A_80 = arith.constant 0 : i32
      %cond3A_81 = arith.cmpi ne, %convert_element_type3A_79, %cond3A_80 : i32
      scf.if %cond3A_81 {
        %dma_wait3A = arith.constant 0 : i32
        %dma_wait3A_132 = arith.constant 0 : i32
        %dma_wait3A_133 = tpu.memref_slice %arg10[%dma_wait3A, %dma_wait3A_132] : memref<10000x128xf32, #tpu.memory_space<vmem_shared>> -> memref<10000x128xf32, #tpu.memory_space<vmem_shared>>
        tpu.wait_indirect_dma semaphore(%arg25 : memref<!tpu.dma_semaphore, #tpu.memory_space<semaphore_mem>>) src(%arg15 : memref<80x128xf32, #tpu.memory_space<vmem>>) dst(%dma_wait3A_133 : memref<10000x128xf32, #tpu.memory_space<vmem_shared>>)
      } else {
      }
      %sub3A_82 = arith.constant 128 : i32
      %sub3A_83 = arith.subi %add3A_55, %sub3A_82 : i32
      %ge3A_84 = arith.constant 0 : i32
      %ge3A_85 = arith.cmpi sge, %sub3A_83, %ge3A_84 : i32
      %lt3A_86 = arith.constant 3750 : i32
      %lt3A_87 = arith.cmpi slt, %sub3A_83, %lt3A_86 : i32
      %and3A_88 = arith.andi %ge3A_85, %lt3A_87 : i1
      %convert_element_type3A_89 = arith.extui %and3A_88 : i1 to i32
      %cond3A_90 = arith.constant 0 : i32
      %cond3A_91 = arith.cmpi ne, %convert_element_type3A_89, %cond3A_90 : i32
      scf.if %cond3A_91 {
        %dma_wait3A = arith.constant 0 : i32
        %dma_wait3A_132 = arith.constant 0 : i32
        %dma_wait3A_133 = tpu.memref_slice %arg10[%dma_wait3A, %dma_wait3A_132] : memref<10000x128xf32, #tpu.memory_space<vmem_shared>> -> memref<10000x128xf32, #tpu.memory_space<vmem_shared>>
        tpu.wait_indirect_dma semaphore(%arg26 : memref<!tpu.dma_semaphore, #tpu.memory_space<semaphore_mem>>) src(%arg15 : memref<80x128xf32, #tpu.memory_space<vmem>>) dst(%dma_wait3A_133 : memref<10000x128xf32, #tpu.memory_space<vmem_shared>>)
      } else {
      }
      %lt3A_92 = arith.constant 3750 : i32
      %lt3A_93 = arith.cmpi slt, %add3A_34, %lt3A_92 : i32
      %convert_element_type3A_94 = arith.extui %lt3A_93 : i1 to i32
      %cond3A_95 = arith.constant 0 : i32
      %cond3A_96 = arith.cmpi ne, %convert_element_type3A_94, %cond3A_95 : i32
      scf.if %cond3A_96 {
        %mul3A_132 = arith.constant 80 : i32
        %mul3A_133 = arith.muli %add3A_34, %mul3A_132 : i32
        %dma_start3A = tpu.memref_slice %arg3[%mul3A_133] : memref<300000xi32, #tpu.memory_space<hbm>> -> memref<80xi32, #tpu.memory_space<hbm>>
        %dma_start3A_134 = tpu.memref_slice %arg3[%mul3A_133] : memref<300000xi32, #tpu.memory_space<hbm>> -> memref<80xi32, #tpu.memory_space<hbm>>
        tpu.enqueue_dma source(%dma_start3A_134 : memref<80xi32, #tpu.memory_space<hbm>>) target(%arg11 : memref<80xi32, #tpu.memory_space<vmem>>) target_semaphore(%arg19 : memref<!tpu.dma_semaphore, #tpu.memory_space<semaphore_mem>>)
      } else {
      }
      %lt3A_97 = arith.constant 3750 : i32
      %lt3A_98 = arith.cmpi slt, %add3A_41, %lt3A_97 : i32
      %convert_element_type3A_99 = arith.extui %lt3A_98 : i1 to i32
      %cond3A_100 = arith.constant 0 : i32
      %cond3A_101 = arith.cmpi ne, %convert_element_type3A_99, %cond3A_100 : i32
      scf.if %cond3A_101 {
        %mul3A_132 = arith.constant 80 : i32
        %mul3A_133 = arith.muli %add3A_41, %mul3A_132 : i32
        %dma_start3A = tpu.memref_slice %arg3[%mul3A_133] : memref<300000xi32, #tpu.memory_space<hbm>> -> memref<80xi32, #tpu.memory_space<hbm>>
        %dma_start3A_134 = tpu.memref_slice %arg3[%mul3A_133] : memref<300000xi32, #tpu.memory_space<hbm>> -> memref<80xi32, #tpu.memory_space<hbm>>
        tpu.enqueue_dma source(%dma_start3A_134 : memref<80xi32, #tpu.memory_space<hbm>>) target(%arg12 : memref<80xi32, #tpu.memory_space<vmem>>) target_semaphore(%arg20 : memref<!tpu.dma_semaphore, #tpu.memory_space<semaphore_mem>>)
      } else {
      }
      %lt3A_102 = arith.constant 3750 : i32
      %lt3A_103 = arith.cmpi slt, %add3A_48, %lt3A_102 : i32
      %convert_element_type3A_104 = arith.extui %lt3A_103 : i1 to i32
      %cond3A_105 = arith.constant 0 : i32
      %cond3A_106 = arith.cmpi ne, %convert_element_type3A_104, %cond3A_105 : i32
      scf.if %cond3A_106 {
        %mul3A_132 = arith.constant 80 : i32
        %mul3A_133 = arith.muli %add3A_48, %mul3A_132 : i32
        %dma_start3A = tpu.memref_slice %arg3[%mul3A_133] : memref<300000xi32, #tpu.memory_space<hbm>> -> memref<80xi32, #tpu.memory_space<hbm>>
        %dma_start3A_134 = tpu.memref_slice %arg3[%mul3A_133] : memref<300000xi32, #tpu.memory_space<hbm>> -> memref<80xi32, #tpu.memory_space<hbm>>
        tpu.enqueue_dma source(%dma_start3A_134 : memref<80xi32, #tpu.memory_space<hbm>>) target(%arg13 : memref<80xi32, #tpu.memory_space<vmem>>) target_semaphore(%arg21 : memref<!tpu.dma_semaphore, #tpu.memory_space<semaphore_mem>>)
      } else {
      }
      %lt3A_107 = arith.constant 3750 : i32
      %lt3A_108 = arith.cmpi slt, %add3A_55, %lt3A_107 : i32
      %convert_element_type3A_109 = arith.extui %lt3A_108 : i1 to i32
      %cond3A_110 = arith.constant 0 : i32
      %cond3A_111 = arith.cmpi ne, %convert_element_type3A_109, %cond3A_110 : i32
      scf.if %cond3A_111 {
        %mul3A_132 = arith.constant 80 : i32
        %mul3A_133 = arith.muli %add3A_55, %mul3A_132 : i32
        %dma_start3A = tpu.memref_slice %arg3[%mul3A_133] : memref<300000xi32, #tpu.memory_space<hbm>> -> memref<80xi32, #tpu.memory_space<hbm>>
        %dma_start3A_134 = tpu.memref_slice %arg3[%mul3A_133] : memref<300000xi32, #tpu.memory_space<hbm>> -> memref<80xi32, #tpu.memory_space<hbm>>
        tpu.enqueue_dma source(%dma_start3A_134 : memref<80xi32, #tpu.memory_space<hbm>>) target(%arg14 : memref<80xi32, #tpu.memory_space<vmem>>) target_semaphore(%arg22 : memref<!tpu.dma_semaphore, #tpu.memory_space<semaphore_mem>>)
      } else {
      }
      %lt3A_112 = arith.constant 3750 : i32
      %lt3A_113 = arith.cmpi slt, %add3A_34, %lt3A_112 : i32
      %convert_element_type3A_114 = arith.extui %lt3A_113 : i1 to i32
      %cond3A_115 = arith.constant 0 : i32
      %cond3A_116 = arith.cmpi ne, %convert_element_type3A_114, %cond3A_115 : i32
      scf.if %cond3A_116 {
        %mul3A_132 = arith.constant 80 : i32
        %mul3A_133 = arith.muli %add3A_34, %mul3A_132 : i32
        %dma_wait3A = tpu.memref_slice %arg3[%mul3A_133] : memref<300000xi32, #tpu.memory_space<hbm>> -> memref<80xi32, #tpu.memory_space<hbm>>
        %dma_wait3A_134 = tpu.memref_slice %arg3[%mul3A_133] : memref<300000xi32, #tpu.memory_space<hbm>> -> memref<80xi32, #tpu.memory_space<hbm>>
        tpu.wait_dma2 semaphore(%arg19 : memref<!tpu.dma_semaphore, #tpu.memory_space<semaphore_mem>>) src(%dma_wait3A_134 : memref<80xi32, #tpu.memory_space<hbm>>) dst(%arg11 : memref<80xi32, #tpu.memory_space<vmem>>)
        %dma_start3A = arith.constant 0 : i32
        %dma_start3A_135 = arith.constant 0 : i32
        %dma_start3A_136 = tpu.memref_slice %arg10[%dma_start3A, %dma_start3A_135] : memref<10000x128xf32, #tpu.memory_space<vmem_shared>> -> memref<10000x128xf32, #tpu.memory_space<vmem_shared>>
        tpu.enqueue_indirect_dma source(%arg15 : memref<80x128xf32, #tpu.memory_space<vmem>>) target(%dma_start3A_136 : memref<10000x128xf32, #tpu.memory_space<vmem_shared>>) offsets(%arg11 : memref<80xi32, #tpu.memory_space<vmem>>) semaphore(%arg23 : memref<!tpu.dma_semaphore, #tpu.memory_space<semaphore_mem>>) {add = true}
      } else {
      }
      %lt3A_117 = arith.constant 3750 : i32
      %lt3A_118 = arith.cmpi slt, %add3A_41, %lt3A_117 : i32
      %convert_element_type3A_119 = arith.extui %lt3A_118 : i1 to i32
      %cond3A_120 = arith.constant 0 : i32
      %cond3A_121 = arith.cmpi ne, %convert_element_type3A_119, %cond3A_120 : i32
      scf.if %cond3A_121 {
        %mul3A_132 = arith.constant 80 : i32
        %mul3A_133 = arith.muli %add3A_41, %mul3A_132 : i32
        %dma_wait3A = tpu.memref_slice %arg3[%mul3A_133] : memref<300000xi32, #tpu.memory_space<hbm>> -> memref<80xi32, #tpu.memory_space<hbm>>
        %dma_wait3A_134 = tpu.memref_slice %arg3[%mul3A_133] : memref<300000xi32, #tpu.memory_space<hbm>> -> memref<80xi32, #tpu.memory_space<hbm>>
        tpu.wait_dma2 semaphore(%arg20 : memref<!tpu.dma_semaphore, #tpu.memory_space<semaphore_mem>>) src(%dma_wait3A_134 : memref<80xi32, #tpu.memory_space<hbm>>) dst(%arg12 : memref<80xi32, #tpu.memory_space<vmem>>)
        %dma_start3A = arith.constant 0 : i32
        %dma_start3A_135 = arith.constant 0 : i32
        %dma_start3A_136 = tpu.memref_slice %arg10[%dma_start3A, %dma_start3A_135] : memref<10000x128xf32, #tpu.memory_space<vmem_shared>> -> memref<10000x128xf32, #tpu.memory_space<vmem_shared>>
        tpu.enqueue_indirect_dma source(%arg15 : memref<80x128xf32, #tpu.memory_space<vmem>>) target(%dma_start3A_136 : memref<10000x128xf32, #tpu.memory_space<vmem_shared>>) offsets(%arg12 : memref<80xi32, #tpu.memory_space<vmem>>) semaphore(%arg24 : memref<!tpu.dma_semaphore, #tpu.memory_space<semaphore_mem>>) {add = true}
      } else {
      }
      %lt3A_122 = arith.constant 3750 : i32
      %lt3A_123 = arith.cmpi slt, %add3A_48, %lt3A_122 : i32
      %convert_element_type3A_124 = arith.extui %lt3A_123 : i1 to i32
      %cond3A_125 = arith.constant 0 : i32
      %cond3A_126 = arith.cmpi ne, %convert_element_type3A_124, %cond3A_125 : i32
      scf.if %cond3A_126 {
        %mul3A_132 = arith.constant 80 : i32
        %mul3A_133 = arith.muli %add3A_48, %mul3A_132 : i32
        %dma_wait3A = tpu.memref_slice %arg3[%mul3A_133] : memref<300000xi32, #tpu.memory_space<hbm>> -> memref<80xi32, #tpu.memory_space<hbm>>
        %dma_wait3A_134 = tpu.memref_slice %arg3[%mul3A_133] : memref<300000xi32, #tpu.memory_space<hbm>> -> memref<80xi32, #tpu.memory_space<hbm>>
        tpu.wait_dma2 semaphore(%arg21 : memref<!tpu.dma_semaphore, #tpu.memory_space<semaphore_mem>>) src(%dma_wait3A_134 : memref<80xi32, #tpu.memory_space<hbm>>) dst(%arg13 : memref<80xi32, #tpu.memory_space<vmem>>)
        %dma_start3A = arith.constant 0 : i32
        %dma_start3A_135 = arith.constant 0 : i32
        %dma_start3A_136 = tpu.memref_slice %arg10[%dma_start3A, %dma_start3A_135] : memref<10000x128xf32, #tpu.memory_space<vmem_shared>> -> memref<10000x128xf32, #tpu.memory_space<vmem_shared>>
        tpu.enqueue_indirect_dma source(%arg15 : memref<80x128xf32, #tpu.memory_space<vmem>>) target(%dma_start3A_136 : memref<10000x128xf32, #tpu.memory_space<vmem_shared>>) offsets(%arg13 : memref<80xi32, #tpu.memory_space<vmem>>) semaphore(%arg25 : memref<!tpu.dma_semaphore, #tpu.memory_space<semaphore_mem>>) {add = true}
      } else {
      }
      %lt3A_127 = arith.constant 3750 : i32
      %lt3A_128 = arith.cmpi slt, %add3A_55, %lt3A_127 : i32
      %convert_element_type3A_129 = arith.extui %lt3A_128 : i1 to i32
      %cond3A_130 = arith.constant 0 : i32
      %cond3A_131 = arith.cmpi ne, %convert_element_type3A_129, %cond3A_130 : i32
      scf.if %cond3A_131 {
        %mul3A_132 = arith.constant 80 : i32
        %mul3A_133 = arith.muli %add3A_55, %mul3A_132 : i32
        %dma_wait3A = tpu.memref_slice %arg3[%mul3A_133] : memref<300000xi32, #tpu.memory_space<hbm>> -> memref<80xi32, #tpu.memory_space<hbm>>
        %dma_wait3A_134 = tpu.memref_slice %arg3[%mul3A_133] : memref<300000xi32, #tpu.memory_space<hbm>> -> memref<80xi32, #tpu.memory_space<hbm>>
        tpu.wait_dma2 semaphore(%arg22 : memref<!tpu.dma_semaphore, #tpu.memory_space<semaphore_mem>>) src(%dma_wait3A_134 : memref<80xi32, #tpu.memory_space<hbm>>) dst(%arg14 : memref<80xi32, #tpu.memory_space<vmem>>)
        %dma_start3A = arith.constant 0 : i32
        %dma_start3A_135 = arith.constant 0 : i32
        %dma_start3A_136 = tpu.memref_slice %arg10[%dma_start3A, %dma_start3A_135] : memref<10000x128xf32, #tpu.memory_space<vmem_shared>> -> memref<10000x128xf32, #tpu.memory_space<vmem_shared>>
        tpu.enqueue_indirect_dma source(%arg15 : memref<80x128xf32, #tpu.memory_space<vmem>>) target(%dma_start3A_136 : memref<10000x128xf32, #tpu.memory_space<vmem_shared>>) offsets(%arg14 : memref<80xi32, #tpu.memory_space<vmem>>) semaphore(%arg26 : memref<!tpu.dma_semaphore, #tpu.memory_space<semaphore_mem>>) {add = true}
      } else {
      }
    }
    %scan3A_9 = arith.constant 31 : i32
    %scan3A_10 = arith.constant 0 : i32
    %scan3A_11 = arith.constant 0 : i32
    %scan3A_12 = arith.constant 7 : i32
    %scan3A_13 = arith.addi %scan3A_11, %scan3A_12 : i32
    %scan3A_14 = arith.constant 1 : i32
    scf.for %scan3A_27 = %scan3A_11 to %scan3A_13 step %scan3A_14  : i32 {
      %mul3A_28 = arith.constant 4 : i32
      %mul3A_29 = arith.muli %scan3A_27, %mul3A_28 : i32
      %add3A_30 = arith.constant 0 : i32
      %add3A_31 = arith.addi %mul3A_29, %add3A_30 : i32
      %mul3A_32 = arith.constant 32 : i32
      %mul3A_33 = arith.muli %mul3A_32, %add3A_31 : i32
      %add3A_34 = arith.addi %add3A, %mul3A_33 : i32
      %mul3A_35 = arith.constant 4 : i32
      %mul3A_36 = arith.muli %scan3A_27, %mul3A_35 : i32
      %add3A_37 = arith.constant 1 : i32
      %add3A_38 = arith.addi %mul3A_36, %add3A_37 : i32
      %mul3A_39 = arith.constant 32 : i32
      %mul3A_40 = arith.muli %mul3A_39, %add3A_38 : i32
      %add3A_41 = arith.addi %add3A, %mul3A_40 : i32
      %mul3A_42 = arith.constant 4 : i32
      %mul3A_43 = arith.muli %scan3A_27, %mul3A_42 : i32
      %add3A_44 = arith.constant 2 : i32
      %add3A_45 = arith.addi %mul3A_43, %add3A_44 : i32
      %mul3A_46 = arith.constant 32 : i32
      %mul3A_47 = arith.muli %mul3A_46, %add3A_45 : i32
      %add3A_48 = arith.addi %add3A, %mul3A_47 : i32
      %mul3A_49 = arith.constant 4 : i32
      %mul3A_50 = arith.muli %scan3A_27, %mul3A_49 : i32
      %add3A_51 = arith.constant 3 : i32
      %add3A_52 = arith.addi %mul3A_50, %add3A_51 : i32
      %mul3A_53 = arith.constant 32 : i32
      %mul3A_54 = arith.muli %mul3A_53, %add3A_52 : i32
      %add3A_55 = arith.addi %add3A, %mul3A_54 : i32
      %sub3A = arith.constant 128 : i32
      %sub3A_56 = arith.subi %add3A_34, %sub3A : i32
      %ge3A = arith.constant 0 : i32
      %ge3A_57 = arith.cmpi sge, %sub3A_56, %ge3A : i32
      %lt3A = arith.constant 750 : i32
      %lt3A_58 = arith.cmpi slt, %sub3A_56, %lt3A : i32
      %and3A = arith.andi %ge3A_57, %lt3A_58 : i1
      %convert_element_type3A_59 = arith.extui %and3A : i1 to i32
      %cond3A_60 = arith.constant 0 : i32
      %cond3A_61 = arith.cmpi ne, %convert_element_type3A_59, %cond3A_60 : i32
      scf.if %cond3A_61 {
        %mul3A_152 = arith.constant 80 : i32
        %mul3A_153 = arith.muli %sub3A_56, %mul3A_152 : i32
        %dma_wait3A = arith.constant 0 : i32
        %dma_wait3A_154 = tpu.memref_slice %arg9[%mul3A_153, %dma_wait3A] : memref<60000x128xf32, #tpu.memory_space<hbm>> -> memref<80x128xf32, #tpu.memory_space<hbm>>
        %dma_wait3A_155 = arith.constant 0 : i32
        %dma_wait3A_156 = tpu.memref_slice %arg9[%mul3A_153, %dma_wait3A_155] : memref<60000x128xf32, #tpu.memory_space<hbm>> -> memref<80x128xf32, #tpu.memory_space<hbm>>
        tpu.wait_dma2 semaphore(%arg19 : memref<!tpu.dma_semaphore, #tpu.memory_space<semaphore_mem>>) src(%arg15 : memref<80x128xf32, #tpu.memory_space<vmem>>) dst(%dma_wait3A_156 : memref<80x128xf32, #tpu.memory_space<hbm>>)
      } else {
      }
      %sub3A_62 = arith.constant 128 : i32
      %sub3A_63 = arith.subi %add3A_41, %sub3A_62 : i32
      %ge3A_64 = arith.constant 0 : i32
      %ge3A_65 = arith.cmpi sge, %sub3A_63, %ge3A_64 : i32
      %lt3A_66 = arith.constant 750 : i32
      %lt3A_67 = arith.cmpi slt, %sub3A_63, %lt3A_66 : i32
      %and3A_68 = arith.andi %ge3A_65, %lt3A_67 : i1
      %convert_element_type3A_69 = arith.extui %and3A_68 : i1 to i32
      %cond3A_70 = arith.constant 0 : i32
      %cond3A_71 = arith.cmpi ne, %convert_element_type3A_69, %cond3A_70 : i32
      scf.if %cond3A_71 {
        %mul3A_152 = arith.constant 80 : i32
        %mul3A_153 = arith.muli %sub3A_63, %mul3A_152 : i32
        %dma_wait3A = arith.constant 0 : i32
        %dma_wait3A_154 = tpu.memref_slice %arg9[%mul3A_153, %dma_wait3A] : memref<60000x128xf32, #tpu.memory_space<hbm>> -> memref<80x128xf32, #tpu.memory_space<hbm>>
        %dma_wait3A_155 = arith.constant 0 : i32
        %dma_wait3A_156 = tpu.memref_slice %arg9[%mul3A_153, %dma_wait3A_155] : memref<60000x128xf32, #tpu.memory_space<hbm>> -> memref<80x128xf32, #tpu.memory_space<hbm>>
        tpu.wait_dma2 semaphore(%arg20 : memref<!tpu.dma_semaphore, #tpu.memory_space<semaphore_mem>>) src(%arg16 : memref<80x128xf32, #tpu.memory_space<vmem>>) dst(%dma_wait3A_156 : memref<80x128xf32, #tpu.memory_space<hbm>>)
      } else {
      }
      %sub3A_72 = arith.constant 128 : i32
      %sub3A_73 = arith.subi %add3A_48, %sub3A_72 : i32
      %ge3A_74 = arith.constant 0 : i32
      %ge3A_75 = arith.cmpi sge, %sub3A_73, %ge3A_74 : i32
      %lt3A_76 = arith.constant 750 : i32
      %lt3A_77 = arith.cmpi slt, %sub3A_73, %lt3A_76 : i32
      %and3A_78 = arith.andi %ge3A_75, %lt3A_77 : i1
      %convert_element_type3A_79 = arith.extui %and3A_78 : i1 to i32
      %cond3A_80 = arith.constant 0 : i32
      %cond3A_81 = arith.cmpi ne, %convert_element_type3A_79, %cond3A_80 : i32
      scf.if %cond3A_81 {
        %mul3A_152 = arith.constant 80 : i32
        %mul3A_153 = arith.muli %sub3A_73, %mul3A_152 : i32
        %dma_wait3A = arith.constant 0 : i32
        %dma_wait3A_154 = tpu.memref_slice %arg9[%mul3A_153, %dma_wait3A] : memref<60000x128xf32, #tpu.memory_space<hbm>> -> memref<80x128xf32, #tpu.memory_space<hbm>>
        %dma_wait3A_155 = arith.constant 0 : i32
        %dma_wait3A_156 = tpu.memref_slice %arg9[%mul3A_153, %dma_wait3A_155] : memref<60000x128xf32, #tpu.memory_space<hbm>> -> memref<80x128xf32, #tpu.memory_space<hbm>>
        tpu.wait_dma2 semaphore(%arg21 : memref<!tpu.dma_semaphore, #tpu.memory_space<semaphore_mem>>) src(%arg17 : memref<80x128xf32, #tpu.memory_space<vmem>>) dst(%dma_wait3A_156 : memref<80x128xf32, #tpu.memory_space<hbm>>)
      } else {
      }
      %sub3A_82 = arith.constant 128 : i32
      %sub3A_83 = arith.subi %add3A_55, %sub3A_82 : i32
      %ge3A_84 = arith.constant 0 : i32
      %ge3A_85 = arith.cmpi sge, %sub3A_83, %ge3A_84 : i32
      %lt3A_86 = arith.constant 750 : i32
      %lt3A_87 = arith.cmpi slt, %sub3A_83, %lt3A_86 : i32
      %and3A_88 = arith.andi %ge3A_85, %lt3A_87 : i1
      %convert_element_type3A_89 = arith.extui %and3A_88 : i1 to i32
      %cond3A_90 = arith.constant 0 : i32
      %cond3A_91 = arith.cmpi ne, %convert_element_type3A_89, %cond3A_90 : i32
      scf.if %cond3A_91 {
        %mul3A_152 = arith.constant 80 : i32
        %mul3A_153 = arith.muli %sub3A_83, %mul3A_152 : i32
        %dma_wait3A = arith.constant 0 : i32
        %dma_wait3A_154 = tpu.memref_slice %arg9[%mul3A_153, %dma_wait3A] : memref<60000x128xf32, #tpu.memory_space<hbm>> -> memref<80x128xf32, #tpu.memory_space<hbm>>
        %dma_wait3A_155 = arith.constant 0 : i32
        %dma_wait3A_156 = tpu.memref_slice %arg9[%mul3A_153, %dma_wait3A_155] : memref<60000x128xf32, #tpu.memory_space<hbm>> -> memref<80x128xf32, #tpu.memory_space<hbm>>
        tpu.wait_dma2 semaphore(%arg22 : memref<!tpu.dma_semaphore, #tpu.memory_space<semaphore_mem>>) src(%arg18 : memref<80x128xf32, #tpu.memory_space<vmem>>) dst(%dma_wait3A_156 : memref<80x128xf32, #tpu.memory_space<hbm>>)
      } else {
      }
      %lt3A_92 = arith.constant 750 : i32
      %lt3A_93 = arith.cmpi slt, %add3A_34, %lt3A_92 : i32
      %convert_element_type3A_94 = arith.extui %lt3A_93 : i1 to i32
      %cond3A_95 = arith.constant 0 : i32
      %cond3A_96 = arith.cmpi ne, %convert_element_type3A_94, %cond3A_95 : i32
      scf.if %cond3A_96 {
        %mul3A_152 = arith.constant 80 : i32
        %mul3A_153 = arith.muli %add3A_34, %mul3A_152 : i32
        %dma_start3A = tpu.memref_slice %arg4[%mul3A_153] : memref<60000xi32, #tpu.memory_space<hbm>> -> memref<80xi32, #tpu.memory_space<hbm>>
        %dma_start3A_154 = tpu.memref_slice %arg4[%mul3A_153] : memref<60000xi32, #tpu.memory_space<hbm>> -> memref<80xi32, #tpu.memory_space<hbm>>
        tpu.enqueue_dma source(%dma_start3A_154 : memref<80xi32, #tpu.memory_space<hbm>>) target(%arg11 : memref<80xi32, #tpu.memory_space<vmem>>) target_semaphore(%arg19 : memref<!tpu.dma_semaphore, #tpu.memory_space<semaphore_mem>>)
      } else {
      }
      %lt3A_97 = arith.constant 750 : i32
      %lt3A_98 = arith.cmpi slt, %add3A_41, %lt3A_97 : i32
      %convert_element_type3A_99 = arith.extui %lt3A_98 : i1 to i32
      %cond3A_100 = arith.constant 0 : i32
      %cond3A_101 = arith.cmpi ne, %convert_element_type3A_99, %cond3A_100 : i32
      scf.if %cond3A_101 {
        %mul3A_152 = arith.constant 80 : i32
        %mul3A_153 = arith.muli %add3A_41, %mul3A_152 : i32
        %dma_start3A = tpu.memref_slice %arg4[%mul3A_153] : memref<60000xi32, #tpu.memory_space<hbm>> -> memref<80xi32, #tpu.memory_space<hbm>>
        %dma_start3A_154 = tpu.memref_slice %arg4[%mul3A_153] : memref<60000xi32, #tpu.memory_space<hbm>> -> memref<80xi32, #tpu.memory_space<hbm>>
        tpu.enqueue_dma source(%dma_start3A_154 : memref<80xi32, #tpu.memory_space<hbm>>) target(%arg12 : memref<80xi32, #tpu.memory_space<vmem>>) target_semaphore(%arg20 : memref<!tpu.dma_semaphore, #tpu.memory_space<semaphore_mem>>)
      } else {
      }
      %lt3A_102 = arith.constant 750 : i32
      %lt3A_103 = arith.cmpi slt, %add3A_48, %lt3A_102 : i32
      %convert_element_type3A_104 = arith.extui %lt3A_103 : i1 to i32
      %cond3A_105 = arith.constant 0 : i32
      %cond3A_106 = arith.cmpi ne, %convert_element_type3A_104, %cond3A_105 : i32
      scf.if %cond3A_106 {
        %mul3A_152 = arith.constant 80 : i32
        %mul3A_153 = arith.muli %add3A_48, %mul3A_152 : i32
        %dma_start3A = tpu.memref_slice %arg4[%mul3A_153] : memref<60000xi32, #tpu.memory_space<hbm>> -> memref<80xi32, #tpu.memory_space<hbm>>
        %dma_start3A_154 = tpu.memref_slice %arg4[%mul3A_153] : memref<60000xi32, #tpu.memory_space<hbm>> -> memref<80xi32, #tpu.memory_space<hbm>>
        tpu.enqueue_dma source(%dma_start3A_154 : memref<80xi32, #tpu.memory_space<hbm>>) target(%arg13 : memref<80xi32, #tpu.memory_space<vmem>>) target_semaphore(%arg21 : memref<!tpu.dma_semaphore, #tpu.memory_space<semaphore_mem>>)
      } else {
      }
      %lt3A_107 = arith.constant 750 : i32
      %lt3A_108 = arith.cmpi slt, %add3A_55, %lt3A_107 : i32
      %convert_element_type3A_109 = arith.extui %lt3A_108 : i1 to i32
      %cond3A_110 = arith.constant 0 : i32
      %cond3A_111 = arith.cmpi ne, %convert_element_type3A_109, %cond3A_110 : i32
      scf.if %cond3A_111 {
        %mul3A_152 = arith.constant 80 : i32
        %mul3A_153 = arith.muli %add3A_55, %mul3A_152 : i32
        %dma_start3A = tpu.memref_slice %arg4[%mul3A_153] : memref<60000xi32, #tpu.memory_space<hbm>> -> memref<80xi32, #tpu.memory_space<hbm>>
        %dma_start3A_154 = tpu.memref_slice %arg4[%mul3A_153] : memref<60000xi32, #tpu.memory_space<hbm>> -> memref<80xi32, #tpu.memory_space<hbm>>
        tpu.enqueue_dma source(%dma_start3A_154 : memref<80xi32, #tpu.memory_space<hbm>>) target(%arg14 : memref<80xi32, #tpu.memory_space<vmem>>) target_semaphore(%arg22 : memref<!tpu.dma_semaphore, #tpu.memory_space<semaphore_mem>>)
      } else {
      }
      %lt3A_112 = arith.constant 750 : i32
      %lt3A_113 = arith.cmpi slt, %add3A_34, %lt3A_112 : i32
      %convert_element_type3A_114 = arith.extui %lt3A_113 : i1 to i32
      %cond3A_115 = arith.constant 0 : i32
      %cond3A_116 = arith.cmpi ne, %convert_element_type3A_114, %cond3A_115 : i32
      scf.if %cond3A_116 {
        %mul3A_152 = arith.constant 80 : i32
        %mul3A_153 = arith.muli %add3A_34, %mul3A_152 : i32
        %dma_wait3A = tpu.memref_slice %arg4[%mul3A_153] : memref<60000xi32, #tpu.memory_space<hbm>> -> memref<80xi32, #tpu.memory_space<hbm>>
        %dma_wait3A_154 = tpu.memref_slice %arg4[%mul3A_153] : memref<60000xi32, #tpu.memory_space<hbm>> -> memref<80xi32, #tpu.memory_space<hbm>>
        tpu.wait_dma2 semaphore(%arg19 : memref<!tpu.dma_semaphore, #tpu.memory_space<semaphore_mem>>) src(%dma_wait3A_154 : memref<80xi32, #tpu.memory_space<hbm>>) dst(%arg11 : memref<80xi32, #tpu.memory_space<vmem>>)
        %dma_start3A = arith.constant 0 : i32
        %dma_start3A_155 = arith.constant 0 : i32
        %dma_start3A_156 = tpu.memref_slice %arg2[%dma_start3A, %dma_start3A_155] : memref<10000x128xf32, #tpu.memory_space<hbm>> -> memref<10000x128xf32, #tpu.memory_space<hbm>>
        tpu.enqueue_indirect_dma source(%dma_start3A_156 : memref<10000x128xf32, #tpu.memory_space<hbm>>) target(%arg15 : memref<80x128xf32, #tpu.memory_space<vmem>>) offsets(%arg11 : memref<80xi32, #tpu.memory_space<vmem>>) semaphore(%arg23 : memref<!tpu.dma_semaphore, #tpu.memory_space<semaphore_mem>>)
      } else {
      }
      %lt3A_117 = arith.constant 750 : i32
      %lt3A_118 = arith.cmpi slt, %add3A_41, %lt3A_117 : i32
      %convert_element_type3A_119 = arith.extui %lt3A_118 : i1 to i32
      %cond3A_120 = arith.constant 0 : i32
      %cond3A_121 = arith.cmpi ne, %convert_element_type3A_119, %cond3A_120 : i32
      scf.if %cond3A_121 {
        %mul3A_152 = arith.constant 80 : i32
        %mul3A_153 = arith.muli %add3A_41, %mul3A_152 : i32
        %dma_wait3A = tpu.memref_slice %arg4[%mul3A_153] : memref<60000xi32, #tpu.memory_space<hbm>> -> memref<80xi32, #tpu.memory_space<hbm>>
        %dma_wait3A_154 = tpu.memref_slice %arg4[%mul3A_153] : memref<60000xi32, #tpu.memory_space<hbm>> -> memref<80xi32, #tpu.memory_space<hbm>>
        tpu.wait_dma2 semaphore(%arg20 : memref<!tpu.dma_semaphore, #tpu.memory_space<semaphore_mem>>) src(%dma_wait3A_154 : memref<80xi32, #tpu.memory_space<hbm>>) dst(%arg12 : memref<80xi32, #tpu.memory_space<vmem>>)
        %dma_start3A = arith.constant 0 : i32
        %dma_start3A_155 = arith.constant 0 : i32
        %dma_start3A_156 = tpu.memref_slice %arg2[%dma_start3A, %dma_start3A_155] : memref<10000x128xf32, #tpu.memory_space<hbm>> -> memref<10000x128xf32, #tpu.memory_space<hbm>>
        tpu.enqueue_indirect_dma source(%dma_start3A_156 : memref<10000x128xf32, #tpu.memory_space<hbm>>) target(%arg16 : memref<80x128xf32, #tpu.memory_space<vmem>>) offsets(%arg12 : memref<80xi32, #tpu.memory_space<vmem>>) semaphore(%arg24 : memref<!tpu.dma_semaphore, #tpu.memory_space<semaphore_mem>>)
      } else {
      }
      %lt3A_122 = arith.constant 750 : i32
      %lt3A_123 = arith.cmpi slt, %add3A_48, %lt3A_122 : i32
      %convert_element_type3A_124 = arith.extui %lt3A_123 : i1 to i32
      %cond3A_125 = arith.constant 0 : i32
      %cond3A_126 = arith.cmpi ne, %convert_element_type3A_124, %cond3A_125 : i32
      scf.if %cond3A_126 {
        %mul3A_152 = arith.constant 80 : i32
        %mul3A_153 = arith.muli %add3A_48, %mul3A_152 : i32
        %dma_wait3A = tpu.memref_slice %arg4[%mul3A_153] : memref<60000xi32, #tpu.memory_space<hbm>> -> memref<80xi32, #tpu.memory_space<hbm>>
        %dma_wait3A_154 = tpu.memref_slice %arg4[%mul3A_153] : memref<60000xi32, #tpu.memory_space<hbm>> -> memref<80xi32, #tpu.memory_space<hbm>>
        tpu.wait_dma2 semaphore(%arg21 : memref<!tpu.dma_semaphore, #tpu.memory_space<semaphore_mem>>) src(%dma_wait3A_154 : memref<80xi32, #tpu.memory_space<hbm>>) dst(%arg13 : memref<80xi32, #tpu.memory_space<vmem>>)
        %dma_start3A = arith.constant 0 : i32
        %dma_start3A_155 = arith.constant 0 : i32
        %dma_start3A_156 = tpu.memref_slice %arg2[%dma_start3A, %dma_start3A_155] : memref<10000x128xf32, #tpu.memory_space<hbm>> -> memref<10000x128xf32, #tpu.memory_space<hbm>>
        tpu.enqueue_indirect_dma source(%dma_start3A_156 : memref<10000x128xf32, #tpu.memory_space<hbm>>) target(%arg17 : memref<80x128xf32, #tpu.memory_space<vmem>>) offsets(%arg13 : memref<80xi32, #tpu.memory_space<vmem>>) semaphore(%arg25 : memref<!tpu.dma_semaphore, #tpu.memory_space<semaphore_mem>>)
      } else {
      }
      %lt3A_127 = arith.constant 750 : i32
      %lt3A_128 = arith.cmpi slt, %add3A_55, %lt3A_127 : i32
      %convert_element_type3A_129 = arith.extui %lt3A_128 : i1 to i32
      %cond3A_130 = arith.constant 0 : i32
      %cond3A_131 = arith.cmpi ne, %convert_element_type3A_129, %cond3A_130 : i32
      scf.if %cond3A_131 {
        %mul3A_152 = arith.constant 80 : i32
        %mul3A_153 = arith.muli %add3A_55, %mul3A_152 : i32
        %dma_wait3A = tpu.memref_slice %arg4[%mul3A_153] : memref<60000xi32, #tpu.memory_space<hbm>> -> memref<80xi32, #tpu.memory_space<hbm>>
        %dma_wait3A_154 = tpu.memref_slice %arg4[%mul3A_153] : memref<60000xi32, #tpu.memory_space<hbm>> -> memref<80xi32, #tpu.memory_space<hbm>>
        tpu.wait_dma2 semaphore(%arg22 : memref<!tpu.dma_semaphore, #tpu.memory_space<semaphore_mem>>) src(%dma_wait3A_154 : memref<80xi32, #tpu.memory_space<hbm>>) dst(%arg14 : memref<80xi32, #tpu.memory_space<vmem>>)
        %dma_start3A = arith.constant 0 : i32
        %dma_start3A_155 = arith.constant 0 : i32
        %dma_start3A_156 = tpu.memref_slice %arg2[%dma_start3A, %dma_start3A_155] : memref<10000x128xf32, #tpu.memory_space<hbm>> -> memref<10000x128xf32, #tpu.memory_space<hbm>>
        tpu.enqueue_indirect_dma source(%dma_start3A_156 : memref<10000x128xf32, #tpu.memory_space<hbm>>) target(%arg18 : memref<80x128xf32, #tpu.memory_space<vmem>>) offsets(%arg14 : memref<80xi32, #tpu.memory_space<vmem>>) semaphore(%arg26 : memref<!tpu.dma_semaphore, #tpu.memory_space<semaphore_mem>>)
      } else {
      }
      %lt3A_132 = arith.constant 750 : i32
      %lt3A_133 = arith.cmpi slt, %add3A_34, %lt3A_132 : i32
      %convert_element_type3A_134 = arith.extui %lt3A_133 : i1 to i32
      %cond3A_135 = arith.constant 0 : i32
      %cond3A_136 = arith.cmpi ne, %convert_element_type3A_134, %cond3A_135 : i32
      scf.if %cond3A_136 {
        %dma_wait3A = arith.constant 0 : i32
        %dma_wait3A_152 = arith.constant 0 : i32
        %dma_wait3A_153 = tpu.memref_slice %arg2[%dma_wait3A, %dma_wait3A_152] : memref<10000x128xf32, #tpu.memory_space<hbm>> -> memref<10000x128xf32, #tpu.memory_space<hbm>>
        tpu.wait_indirect_dma semaphore(%arg23 : memref<!tpu.dma_semaphore, #tpu.memory_space<semaphore_mem>>) src(%dma_wait3A_153 : memref<10000x128xf32, #tpu.memory_space<hbm>>) dst(%arg15 : memref<80x128xf32, #tpu.memory_space<vmem>>)
        %mul3A_154 = arith.constant 80 : i32
        %mul3A_155 = arith.muli %add3A_34, %mul3A_154 : i32
        %dma_start3A = arith.constant 0 : i32
        %dma_start3A_156 = tpu.memref_slice %arg9[%mul3A_155, %dma_start3A] : memref<60000x128xf32, #tpu.memory_space<hbm>> -> memref<80x128xf32, #tpu.memory_space<hbm>>
        %dma_start3A_157 = arith.constant 0 : i32
        %dma_start3A_158 = tpu.memref_slice %arg9[%mul3A_155, %dma_start3A_157] : memref<60000x128xf32, #tpu.memory_space<hbm>> -> memref<80x128xf32, #tpu.memory_space<hbm>>
        tpu.enqueue_dma source(%arg15 : memref<80x128xf32, #tpu.memory_space<vmem>>) target(%dma_start3A_158 : memref<80x128xf32, #tpu.memory_space<hbm>>) target_semaphore(%arg19 : memref<!tpu.dma_semaphore, #tpu.memory_space<semaphore_mem>>)
      } else {
      }
      %lt3A_137 = arith.constant 750 : i32
      %lt3A_138 = arith.cmpi slt, %add3A_41, %lt3A_137 : i32
      %convert_element_type3A_139 = arith.extui %lt3A_138 : i1 to i32
      %cond3A_140 = arith.constant 0 : i32
      %cond3A_141 = arith.cmpi ne, %convert_element_type3A_139, %cond3A_140 : i32
      scf.if %cond3A_141 {
        %dma_wait3A = arith.constant 0 : i32
        %dma_wait3A_152 = arith.constant 0 : i32
        %dma_wait3A_153 = tpu.memref_slice %arg2[%dma_wait3A, %dma_wait3A_152] : memref<10000x128xf32, #tpu.memory_space<hbm>> -> memref<10000x128xf32, #tpu.memory_space<hbm>>
        tpu.wait_indirect_dma semaphore(%arg24 : memref<!tpu.dma_semaphore, #tpu.memory_space<semaphore_mem>>) src(%dma_wait3A_153 : memref<10000x128xf32, #tpu.memory_space<hbm>>) dst(%arg16 : memref<80x128xf32, #tpu.memory_space<vmem>>)
        %mul3A_154 = arith.constant 80 : i32
        %mul3A_155 = arith.muli %add3A_41, %mul3A_154 : i32
        %dma_start3A = arith.constant 0 : i32
        %dma_start3A_156 = tpu.memref_slice %arg9[%mul3A_155, %dma_start3A] : memref<60000x128xf32, #tpu.memory_space<hbm>> -> memref<80x128xf32, #tpu.memory_space<hbm>>
        %dma_start3A_157 = arith.constant 0 : i32
        %dma_start3A_158 = tpu.memref_slice %arg9[%mul3A_155, %dma_start3A_157] : memref<60000x128xf32, #tpu.memory_space<hbm>> -> memref<80x128xf32, #tpu.memory_space<hbm>>
        tpu.enqueue_dma source(%arg16 : memref<80x128xf32, #tpu.memory_space<vmem>>) target(%dma_start3A_158 : memref<80x128xf32, #tpu.memory_space<hbm>>) target_semaphore(%arg20 : memref<!tpu.dma_semaphore, #tpu.memory_space<semaphore_mem>>)
      } else {
      }
      %lt3A_142 = arith.constant 750 : i32
      %lt3A_143 = arith.cmpi slt, %add3A_48, %lt3A_142 : i32
      %convert_element_type3A_144 = arith.extui %lt3A_143 : i1 to i32
      %cond3A_145 = arith.constant 0 : i32
      %cond3A_146 = arith.cmpi ne, %convert_element_type3A_144, %cond3A_145 : i32
      scf.if %cond3A_146 {
        %dma_wait3A = arith.constant 0 : i32
        %dma_wait3A_152 = arith.constant 0 : i32
        %dma_wait3A_153 = tpu.memref_slice %arg2[%dma_wait3A, %dma_wait3A_152] : memref<10000x128xf32, #tpu.memory_space<hbm>> -> memref<10000x128xf32, #tpu.memory_space<hbm>>
        tpu.wait_indirect_dma semaphore(%arg25 : memref<!tpu.dma_semaphore, #tpu.memory_space<semaphore_mem>>) src(%dma_wait3A_153 : memref<10000x128xf32, #tpu.memory_space<hbm>>) dst(%arg17 : memref<80x128xf32, #tpu.memory_space<vmem>>)
        %mul3A_154 = arith.constant 80 : i32
        %mul3A_155 = arith.muli %add3A_48, %mul3A_154 : i32
        %dma_start3A = arith.constant 0 : i32
        %dma_start3A_156 = tpu.memref_slice %arg9[%mul3A_155, %dma_start3A] : memref<60000x128xf32, #tpu.memory_space<hbm>> -> memref<80x128xf32, #tpu.memory_space<hbm>>
        %dma_start3A_157 = arith.constant 0 : i32
        %dma_start3A_158 = tpu.memref_slice %arg9[%mul3A_155, %dma_start3A_157] : memref<60000x128xf32, #tpu.memory_space<hbm>> -> memref<80x128xf32, #tpu.memory_space<hbm>>
        tpu.enqueue_dma source(%arg17 : memref<80x128xf32, #tpu.memory_space<vmem>>) target(%dma_start3A_158 : memref<80x128xf32, #tpu.memory_space<hbm>>) target_semaphore(%arg21 : memref<!tpu.dma_semaphore, #tpu.memory_space<semaphore_mem>>)
      } else {
      }
      %lt3A_147 = arith.constant 750 : i32
      %lt3A_148 = arith.cmpi slt, %add3A_55, %lt3A_147 : i32
      %convert_element_type3A_149 = arith.extui %lt3A_148 : i1 to i32
      %cond3A_150 = arith.constant 0 : i32
      %cond3A_151 = arith.cmpi ne, %convert_element_type3A_149, %cond3A_150 : i32
      scf.if %cond3A_151 {
        %dma_wait3A = arith.constant 0 : i32
        %dma_wait3A_152 = arith.constant 0 : i32
        %dma_wait3A_153 = tpu.memref_slice %arg2[%dma_wait3A, %dma_wait3A_152] : memref<10000x128xf32, #tpu.memory_space<hbm>> -> memref<10000x128xf32, #tpu.memory_space<hbm>>
        tpu.wait_indirect_dma semaphore(%arg26 : memref<!tpu.dma_semaphore, #tpu.memory_space<semaphore_mem>>) src(%dma_wait3A_153 : memref<10000x128xf32, #tpu.memory_space<hbm>>) dst(%arg18 : memref<80x128xf32, #tpu.memory_space<vmem>>)
        %mul3A_154 = arith.constant 80 : i32
        %mul3A_155 = arith.muli %add3A_55, %mul3A_154 : i32
        %dma_start3A = arith.constant 0 : i32
        %dma_start3A_156 = tpu.memref_slice %arg9[%mul3A_155, %dma_start3A] : memref<60000x128xf32, #tpu.memory_space<hbm>> -> memref<80x128xf32, #tpu.memory_space<hbm>>
        %dma_start3A_157 = arith.constant 0 : i32
        %dma_start3A_158 = tpu.memref_slice %arg9[%mul3A_155, %dma_start3A_157] : memref<60000x128xf32, #tpu.memory_space<hbm>> -> memref<80x128xf32, #tpu.memory_space<hbm>>
        tpu.enqueue_dma source(%arg18 : memref<80x128xf32, #tpu.memory_space<vmem>>) target(%dma_start3A_158 : memref<80x128xf32, #tpu.memory_space<hbm>>) target_semaphore(%arg22 : memref<!tpu.dma_semaphore, #tpu.memory_space<semaphore_mem>>)
      } else {
      }
    }
    %scan3A_15 = arith.constant 7 : i32
    %barrier3A_16 = arith.constant 0 : index
    tpu.barrier barrier_id(%barrier3A_16)
    %eq3A_17 = arith.constant 0 : i32
    %eq3A_18 = arith.cmpi eq, %arg0, %eq3A_17 : i32
    %convert_element_type3A_19 = arith.extui %eq3A_18 : i1 to i32
    %cond3A_20 = arith.constant 0 : i32
    %cond3A_21 = arith.cmpi ne, %convert_element_type3A_19, %cond3A_20 : i32
    scf.if %cond3A_21 {
      "tpu.region"() ({
        %run_scoped3A = tpu.sem_alloc : memref<!tpu.dma_semaphore, #tpu.memory_space<semaphore_mem>>
        %dma_start3A = arith.constant 0 : i32
        %dma_start3A_32 = tpu.memref_slice %arg7[%mul3A_2, %dma_start3A] : memref<10000x128xf32, #tpu.memory_space<hbm>> -> memref<624x128xf32, #tpu.memory_space<hbm>>
        %dma_start3A_33 = arith.constant 0 : i32
        %dma_start3A_34 = tpu.memref_slice %arg10[%mul3A_2, %dma_start3A_33] : memref<10000x128xf32, #tpu.memory_space<vmem_shared>> -> memref<624x128xf32, #tpu.memory_space<vmem_shared>>
        tpu.enqueue_dma source(%dma_start3A_34 : memref<624x128xf32, #tpu.memory_space<vmem_shared>>) target(%dma_start3A_32 : memref<624x128xf32, #tpu.memory_space<hbm>>) target_semaphore(%run_scoped3A : memref<!tpu.dma_semaphore, #tpu.memory_space<semaphore_mem>>)
        %dma_wait3A = arith.constant 0 : i32
        %dma_wait3A_35 = tpu.memref_slice %arg7[%mul3A_2, %dma_wait3A] : memref<10000x128xf32, #tpu.memory_space<hbm>> -> memref<624x128xf32, #tpu.memory_space<hbm>>
        %dma_wait3A_36 = arith.constant 0 : i32
        %dma_wait3A_37 = tpu.memref_slice %arg10[%mul3A_2, %dma_wait3A_36] : memref<10000x128xf32, #tpu.memory_space<vmem_shared>> -> memref<624x128xf32, #tpu.memory_space<vmem_shared>>
        tpu.wait_dma2 semaphore(%run_scoped3A : memref<!tpu.dma_semaphore, #tpu.memory_space<semaphore_mem>>) src(%dma_wait3A_37 : memref<624x128xf32, #tpu.memory_space<vmem_shared>>) dst(%dma_wait3A_35 : memref<624x128xf32, #tpu.memory_space<hbm>>)
        tpu.yield
      }) : () -> ()
      %eq3A_27 = arith.constant 15 : i32
      %eq3A_28 = arith.cmpi eq, %arg1, %eq3A_27 : i32
      %convert_element_type3A_29 = arith.extui %eq3A_28 : i1 to i32
      %cond3A_30 = arith.constant 0 : i32
      %cond3A_31 = arith.cmpi ne, %convert_element_type3A_29, %cond3A_30 : i32
      scf.if %cond3A_31 {
        "tpu.region"() ({
          %run_scoped3A = tpu.sem_alloc : memref<!tpu.dma_semaphore, #tpu.memory_space<semaphore_mem>>
          %dma_start3A = arith.constant 9984 : i32
          %dma_start3A_32 = arith.constant 0 : i32
          %dma_start3A_33 = tpu.memref_slice %arg7[%dma_start3A, %dma_start3A_32] : memref<10000x128xf32, #tpu.memory_space<hbm>> -> memref<16x128xf32, #tpu.memory_space<hbm>>
          %dma_start3A_34 = arith.constant 9984 : i32
          %dma_start3A_35 = arith.constant 0 : i32
          %dma_start3A_36 = tpu.memref_slice %arg10[%dma_start3A_34, %dma_start3A_35] : memref<10000x128xf32, #tpu.memory_space<vmem_shared>> -> memref<16x128xf32, #tpu.memory_space<vmem_shared>>
          tpu.enqueue_dma source(%dma_start3A_36 : memref<16x128xf32, #tpu.memory_space<vmem_shared>>) target(%dma_start3A_33 : memref<16x128xf32, #tpu.memory_space<hbm>>) target_semaphore(%run_scoped3A : memref<!tpu.dma_semaphore, #tpu.memory_space<semaphore_mem>>)
          %dma_wait3A = arith.constant 9984 : i32
          %dma_wait3A_37 = arith.constant 0 : i32
          %dma_wait3A_38 = tpu.memref_slice %arg7[%dma_wait3A, %dma_wait3A_37] : memref<10000x128xf32, #tpu.memory_space<hbm>> -> memref<16x128xf32, #tpu.memory_space<hbm>>
          %dma_wait3A_39 = arith.constant 9984 : i32
          %dma_wait3A_40 = arith.constant 0 : i32
          %dma_wait3A_41 = tpu.memref_slice %arg10[%dma_wait3A_39, %dma_wait3A_40] : memref<10000x128xf32, #tpu.memory_space<vmem_shared>> -> memref<16x128xf32, #tpu.memory_space<vmem_shared>>
          tpu.wait_dma2 semaphore(%run_scoped3A : memref<!tpu.dma_semaphore, #tpu.memory_space<semaphore_mem>>) src(%dma_wait3A_41 : memref<16x128xf32, #tpu.memory_space<vmem_shared>>) dst(%dma_wait3A_38 : memref<16x128xf32, #tpu.memory_space<hbm>>)
          tpu.yield
        }) : () -> ()
      } else {
      }
    } else {
    }
    %eq3A_22 = arith.constant 1 : i32
    %eq3A_23 = arith.cmpi eq, %arg0, %eq3A_22 : i32
    %convert_element_type3A_24 = arith.extui %eq3A_23 : i1 to i32
    %cond3A_25 = arith.constant 0 : i32
    %cond3A_26 = arith.cmpi ne, %convert_element_type3A_24, %cond3A_25 : i32
    scf.if %cond3A_26 {
      "tpu.region"() ({
        %run_scoped3A = tpu.sem_alloc : memref<!tpu.dma_semaphore, #tpu.memory_space<semaphore_mem>>
        %dma_start3A = arith.constant 0 : i32
        %dma_start3A_32 = tpu.memref_slice %arg8[%mul3A_2, %dma_start3A] : memref<10000x128xf32, #tpu.memory_space<hbm>> -> memref<624x128xf32, #tpu.memory_space<hbm>>
        %dma_start3A_33 = arith.constant 0 : i32
        %dma_start3A_34 = tpu.memref_slice %arg10[%mul3A_2, %dma_start3A_33] : memref<10000x128xf32, #tpu.memory_space<vmem_shared>> -> memref<624x128xf32, #tpu.memory_space<vmem_shared>>
        tpu.enqueue_dma source(%dma_start3A_34 : memref<624x128xf32, #tpu.memory_space<vmem_shared>>) target(%dma_start3A_32 : memref<624x128xf32, #tpu.memory_space<hbm>>) target_semaphore(%run_scoped3A : memref<!tpu.dma_semaphore, #tpu.memory_space<semaphore_mem>>)
        %dma_wait3A = arith.constant 0 : i32
        %dma_wait3A_35 = tpu.memref_slice %arg8[%mul3A_2, %dma_wait3A] : memref<10000x128xf32, #tpu.memory_space<hbm>> -> memref<624x128xf32, #tpu.memory_space<hbm>>
        %dma_wait3A_36 = arith.constant 0 : i32
        %dma_wait3A_37 = tpu.memref_slice %arg10[%mul3A_2, %dma_wait3A_36] : memref<10000x128xf32, #tpu.memory_space<vmem_shared>> -> memref<624x128xf32, #tpu.memory_space<vmem_shared>>
        tpu.wait_dma2 semaphore(%run_scoped3A : memref<!tpu.dma_semaphore, #tpu.memory_space<semaphore_mem>>) src(%dma_wait3A_37 : memref<624x128xf32, #tpu.memory_space<vmem_shared>>) dst(%dma_wait3A_35 : memref<624x128xf32, #tpu.memory_space<hbm>>)
        tpu.yield
      }) : () -> ()
      %eq3A_27 = arith.constant 15 : i32
      %eq3A_28 = arith.cmpi eq, %arg1, %eq3A_27 : i32
      %convert_element_type3A_29 = arith.extui %eq3A_28 : i1 to i32
      %cond3A_30 = arith.constant 0 : i32
      %cond3A_31 = arith.cmpi ne, %convert_element_type3A_29, %cond3A_30 : i32
      scf.if %cond3A_31 {
        "tpu.region"() ({
          %run_scoped3A = tpu.sem_alloc : memref<!tpu.dma_semaphore, #tpu.memory_space<semaphore_mem>>
          %dma_start3A = arith.constant 9984 : i32
          %dma_start3A_32 = arith.constant 0 : i32
          %dma_start3A_33 = tpu.memref_slice %arg8[%dma_start3A, %dma_start3A_32] : memref<10000x128xf32, #tpu.memory_space<hbm>> -> memref<16x128xf32, #tpu.memory_space<hbm>>
          %dma_start3A_34 = arith.constant 9984 : i32
          %dma_start3A_35 = arith.constant 0 : i32
          %dma_start3A_36 = tpu.memref_slice %arg10[%dma_start3A_34, %dma_start3A_35] : memref<10000x128xf32, #tpu.memory_space<vmem_shared>> -> memref<16x128xf32, #tpu.memory_space<vmem_shared>>
          tpu.enqueue_dma source(%dma_start3A_36 : memref<16x128xf32, #tpu.memory_space<vmem_shared>>) target(%dma_start3A_33 : memref<16x128xf32, #tpu.memory_space<hbm>>) target_semaphore(%run_scoped3A : memref<!tpu.dma_semaphore, #tpu.memory_space<semaphore_mem>>)
          %dma_wait3A = arith.constant 9984 : i32
          %dma_wait3A_37 = arith.constant 0 : i32
          %dma_wait3A_38 = tpu.memref_slice %arg8[%dma_wait3A, %dma_wait3A_37] : memref<10000x128xf32, #tpu.memory_space<hbm>> -> memref<16x128xf32, #tpu.memory_space<hbm>>
          %dma_wait3A_39 = arith.constant 9984 : i32
          %dma_wait3A_40 = arith.constant 0 : i32
          %dma_wait3A_41 = tpu.memref_slice %arg10[%dma_wait3A_39, %dma_wait3A_40] : memref<10000x128xf32, #tpu.memory_space<vmem_shared>> -> memref<16x128xf32, #tpu.memory_space<vmem_shared>>
          tpu.wait_dma2 semaphore(%run_scoped3A : memref<!tpu.dma_semaphore, #tpu.memory_space<semaphore_mem>>) src(%dma_wait3A_41 : memref<16x128xf32, #tpu.memory_space<vmem_shared>>) dst(%dma_wait3A_38 : memref<16x128xf32, #tpu.memory_space<hbm>>)
          tpu.yield
        }) : () -> ()
      } else {
      }
    } else {
    }
    return
  }
}

#map = affine_map<(d0, d1) -> (0, 0)>
#map1 = affine_map<(d0, d1) -> (0)>
module attributes {stable_mosaic.version = 14 : i64} {
  func.func @_gather1_body(%arg0: i32, %arg1: i32, %arg2: memref<10000x128xf32, #tpu.memory_space<hbm>>, %arg3: memref<200000xi32, #tpu.memory_space<hbm>>, %arg4: memref<200000x128xf32, #tpu.memory_space<hbm>>, %arg5: memref<80xi32, #tpu.memory_space<vmem>>, %arg6: memref<80xi32, #tpu.memory_space<vmem>>, %arg7: memref<80xi32, #tpu.memory_space<vmem>>, %arg8: memref<80xi32, #tpu.memory_space<vmem>>, %arg9: memref<80xi32, #tpu.memory_space<vmem>>, %arg10: memref<80xi32, #tpu.memory_space<vmem>>, %arg11: memref<80xi32, #tpu.memory_space<vmem>>, %arg12: memref<80xi32, #tpu.memory_space<vmem>>, %arg13: memref<80x128xf32, #tpu.memory_space<vmem>>, %arg14: memref<80x128xf32, #tpu.memory_space<vmem>>, %arg15: memref<80x128xf32, #tpu.memory_space<vmem>>, %arg16: memref<80x128xf32, #tpu.memory_space<vmem>>, %arg17: memref<80x128xf32, #tpu.memory_space<vmem>>, %arg18: memref<80x128xf32, #tpu.memory_space<vmem>>, %arg19: memref<80x128xf32, #tpu.memory_space<vmem>>, %arg20: memref<80x128xf32, #tpu.memory_space<vmem>>, %arg21: memref<!tpu.dma_semaphore, #tpu.memory_space<semaphore_mem>>, %arg22: memref<!tpu.dma_semaphore, #tpu.memory_space<semaphore_mem>>, %arg23: memref<!tpu.dma_semaphore, #tpu.memory_space<semaphore_mem>>, %arg24: memref<!tpu.dma_semaphore, #tpu.memory_space<semaphore_mem>>, %arg25: memref<!tpu.dma_semaphore, #tpu.memory_space<semaphore_mem>>, %arg26: memref<!tpu.dma_semaphore, #tpu.memory_space<semaphore_mem>>, %arg27: memref<!tpu.dma_semaphore, #tpu.memory_space<semaphore_mem>>, %arg28: memref<!tpu.dma_semaphore, #tpu.memory_space<semaphore_mem>>, %arg29: memref<!tpu.dma_semaphore, #tpu.memory_space<semaphore_mem>>, %arg30: memref<!tpu.dma_semaphore, #tpu.memory_space<semaphore_mem>>, %arg31: memref<!tpu.dma_semaphore, #tpu.memory_space<semaphore_mem>>, %arg32: memref<!tpu.dma_semaphore, #tpu.memory_space<semaphore_mem>>, %arg33: memref<!tpu.dma_semaphore, #tpu.memory_space<semaphore_mem>>, %arg34: memref<!tpu.dma_semaphore, #tpu.memory_space<semaphore_mem>>, %arg35: memref<!tpu.dma_semaphore, #tpu.memory_space<semaphore_mem>>, %arg36: memref<!tpu.dma_semaphore, #tpu.memory_space<semaphore_mem>>) attributes {dimension_semantics = [#tpu.dimension_semantics<core_parallel>, #tpu.dimension_semantics<subcore_parallel>], iteration_bounds = array<i64: 2, 16>, scalar_prefetch = 0 : i64, scratch_operands = 32 : i64, tpu.core_type = #tpu.core_type<sc_vector_subcore>, window_params = [{transform_indices = #map}, {transform_indices = #map1}, {transform_indices = #map}]} {
    %mul3A = arith.constant 2 : i32
    %mul3A_0 = arith.muli %arg1, %mul3A : i32
    %add3A = arith.addi %mul3A_0, %arg0 : i32
    %scan3A = arith.constant 0 : i32
    %scan3A_1 = arith.constant 0 : i32
    %scan3A_2 = arith.constant 11 : i32
    %scan3A_3 = arith.addi %scan3A_1, %scan3A_2 : i32
    %scan3A_4 = arith.constant 1 : i32
    scf.for %scan3A_6 = %scan3A_1 to %scan3A_3 step %scan3A_4  : i32 {
      %mul3A_7 = arith.constant 8 : i32
      %mul3A_8 = arith.muli %scan3A_6, %mul3A_7 : i32
      %add3A_9 = arith.constant 0 : i32
      %add3A_10 = arith.addi %mul3A_8, %add3A_9 : i32
      %mul3A_11 = arith.constant 32 : i32
      %mul3A_12 = arith.muli %mul3A_11, %add3A_10 : i32
      %add3A_13 = arith.addi %add3A, %mul3A_12 : i32
      %mul3A_14 = arith.constant 8 : i32
      %mul3A_15 = arith.muli %scan3A_6, %mul3A_14 : i32
      %add3A_16 = arith.constant 1 : i32
      %add3A_17 = arith.addi %mul3A_15, %add3A_16 : i32
      %mul3A_18 = arith.constant 32 : i32
      %mul3A_19 = arith.muli %mul3A_18, %add3A_17 : i32
      %add3A_20 = arith.addi %add3A, %mul3A_19 : i32
      %mul3A_21 = arith.constant 8 : i32
      %mul3A_22 = arith.muli %scan3A_6, %mul3A_21 : i32
      %add3A_23 = arith.constant 2 : i32
      %add3A_24 = arith.addi %mul3A_22, %add3A_23 : i32
      %mul3A_25 = arith.constant 32 : i32
      %mul3A_26 = arith.muli %mul3A_25, %add3A_24 : i32
      %add3A_27 = arith.addi %add3A, %mul3A_26 : i32
      %mul3A_28 = arith.constant 8 : i32
      %mul3A_29 = arith.muli %scan3A_6, %mul3A_28 : i32
      %add3A_30 = arith.constant 3 : i32
      %add3A_31 = arith.addi %mul3A_29, %add3A_30 : i32
      %mul3A_32 = arith.constant 32 : i32
      %mul3A_33 = arith.muli %mul3A_32, %add3A_31 : i32
      %add3A_34 = arith.addi %add3A, %mul3A_33 : i32
      %mul3A_35 = arith.constant 8 : i32
      %mul3A_36 = arith.muli %scan3A_6, %mul3A_35 : i32
      %add3A_37 = arith.constant 4 : i32
      %add3A_38 = arith.addi %mul3A_36, %add3A_37 : i32
      %mul3A_39 = arith.constant 32 : i32
      %mul3A_40 = arith.muli %mul3A_39, %add3A_38 : i32
      %add3A_41 = arith.addi %add3A, %mul3A_40 : i32
      %mul3A_42 = arith.constant 8 : i32
      %mul3A_43 = arith.muli %scan3A_6, %mul3A_42 : i32
      %add3A_44 = arith.constant 5 : i32
      %add3A_45 = arith.addi %mul3A_43, %add3A_44 : i32
      %mul3A_46 = arith.constant 32 : i32
      %mul3A_47 = arith.muli %mul3A_46, %add3A_45 : i32
      %add3A_48 = arith.addi %add3A, %mul3A_47 : i32
      %mul3A_49 = arith.constant 8 : i32
      %mul3A_50 = arith.muli %scan3A_6, %mul3A_49 : i32
      %add3A_51 = arith.constant 6 : i32
      %add3A_52 = arith.addi %mul3A_50, %add3A_51 : i32
      %mul3A_53 = arith.constant 32 : i32
      %mul3A_54 = arith.muli %mul3A_53, %add3A_52 : i32
      %add3A_55 = arith.addi %add3A, %mul3A_54 : i32
      %mul3A_56 = arith.constant 8 : i32
      %mul3A_57 = arith.muli %scan3A_6, %mul3A_56 : i32
      %add3A_58 = arith.constant 7 : i32
      %add3A_59 = arith.addi %mul3A_57, %add3A_58 : i32
      %mul3A_60 = arith.constant 32 : i32
      %mul3A_61 = arith.muli %mul3A_60, %add3A_59 : i32
      %add3A_62 = arith.addi %add3A, %mul3A_61 : i32
      %sub3A = arith.constant 256 : i32
      %sub3A_63 = arith.subi %add3A_13, %sub3A : i32
      %ge3A = arith.constant 0 : i32
      %ge3A_64 = arith.cmpi sge, %sub3A_63, %ge3A : i32
      %lt3A = arith.constant 2500 : i32
      %lt3A_65 = arith.cmpi slt, %sub3A_63, %lt3A : i32
      %and3A = arith.andi %ge3A_64, %lt3A_65 : i1
      %convert_element_type3A = arith.extui %and3A : i1 to i32
      %cond3A = arith.constant 0 : i32
      %cond3A_66 = arith.cmpi ne, %convert_element_type3A, %cond3A : i32
      scf.if %cond3A_66 {
        %mul3A_257 = arith.constant 80 : i32
        %mul3A_258 = arith.muli %sub3A_63, %mul3A_257 : i32
        %dma_wait3A = arith.constant 0 : i32
        %dma_wait3A_259 = tpu.memref_slice %arg4[%mul3A_258, %dma_wait3A] : memref<200000x128xf32, #tpu.memory_space<hbm>> -> memref<80x128xf32, #tpu.memory_space<hbm>>
        %dma_wait3A_260 = arith.constant 0 : i32
        %dma_wait3A_261 = tpu.memref_slice %arg4[%mul3A_258, %dma_wait3A_260] : memref<200000x128xf32, #tpu.memory_space<hbm>> -> memref<80x128xf32, #tpu.memory_space<hbm>>
        tpu.wait_dma2 semaphore(%arg21 : memref<!tpu.dma_semaphore, #tpu.memory_space<semaphore_mem>>) src(%arg13 : memref<80x128xf32, #tpu.memory_space<vmem>>) dst(%dma_wait3A_261 : memref<80x128xf32, #tpu.memory_space<hbm>>)
      } else {
      }
      %sub3A_67 = arith.constant 256 : i32
      %sub3A_68 = arith.subi %add3A_20, %sub3A_67 : i32
      %ge3A_69 = arith.constant 0 : i32
      %ge3A_70 = arith.cmpi sge, %sub3A_68, %ge3A_69 : i32
      %lt3A_71 = arith.constant 2500 : i32
      %lt3A_72 = arith.cmpi slt, %sub3A_68, %lt3A_71 : i32
      %and3A_73 = arith.andi %ge3A_70, %lt3A_72 : i1
      %convert_element_type3A_74 = arith.extui %and3A_73 : i1 to i32
      %cond3A_75 = arith.constant 0 : i32
      %cond3A_76 = arith.cmpi ne, %convert_element_type3A_74, %cond3A_75 : i32
      scf.if %cond3A_76 {
        %mul3A_257 = arith.constant 80 : i32
        %mul3A_258 = arith.muli %sub3A_68, %mul3A_257 : i32
        %dma_wait3A = arith.constant 0 : i32
        %dma_wait3A_259 = tpu.memref_slice %arg4[%mul3A_258, %dma_wait3A] : memref<200000x128xf32, #tpu.memory_space<hbm>> -> memref<80x128xf32, #tpu.memory_space<hbm>>
        %dma_wait3A_260 = arith.constant 0 : i32
        %dma_wait3A_261 = tpu.memref_slice %arg4[%mul3A_258, %dma_wait3A_260] : memref<200000x128xf32, #tpu.memory_space<hbm>> -> memref<80x128xf32, #tpu.memory_space<hbm>>
        tpu.wait_dma2 semaphore(%arg22 : memref<!tpu.dma_semaphore, #tpu.memory_space<semaphore_mem>>) src(%arg14 : memref<80x128xf32, #tpu.memory_space<vmem>>) dst(%dma_wait3A_261 : memref<80x128xf32, #tpu.memory_space<hbm>>)
      } else {
      }
      %sub3A_77 = arith.constant 256 : i32
      %sub3A_78 = arith.subi %add3A_27, %sub3A_77 : i32
      %ge3A_79 = arith.constant 0 : i32
      %ge3A_80 = arith.cmpi sge, %sub3A_78, %ge3A_79 : i32
      %lt3A_81 = arith.constant 2500 : i32
      %lt3A_82 = arith.cmpi slt, %sub3A_78, %lt3A_81 : i32
      %and3A_83 = arith.andi %ge3A_80, %lt3A_82 : i1
      %convert_element_type3A_84 = arith.extui %and3A_83 : i1 to i32
      %cond3A_85 = arith.constant 0 : i32
      %cond3A_86 = arith.cmpi ne, %convert_element_type3A_84, %cond3A_85 : i32
      scf.if %cond3A_86 {
        %mul3A_257 = arith.constant 80 : i32
        %mul3A_258 = arith.muli %sub3A_78, %mul3A_257 : i32
        %dma_wait3A = arith.constant 0 : i32
        %dma_wait3A_259 = tpu.memref_slice %arg4[%mul3A_258, %dma_wait3A] : memref<200000x128xf32, #tpu.memory_space<hbm>> -> memref<80x128xf32, #tpu.memory_space<hbm>>
        %dma_wait3A_260 = arith.constant 0 : i32
        %dma_wait3A_261 = tpu.memref_slice %arg4[%mul3A_258, %dma_wait3A_260] : memref<200000x128xf32, #tpu.memory_space<hbm>> -> memref<80x128xf32, #tpu.memory_space<hbm>>
        tpu.wait_dma2 semaphore(%arg23 : memref<!tpu.dma_semaphore, #tpu.memory_space<semaphore_mem>>) src(%arg15 : memref<80x128xf32, #tpu.memory_space<vmem>>) dst(%dma_wait3A_261 : memref<80x128xf32, #tpu.memory_space<hbm>>)
      } else {
      }
      %sub3A_87 = arith.constant 256 : i32
      %sub3A_88 = arith.subi %add3A_34, %sub3A_87 : i32
      %ge3A_89 = arith.constant 0 : i32
      %ge3A_90 = arith.cmpi sge, %sub3A_88, %ge3A_89 : i32
      %lt3A_91 = arith.constant 2500 : i32
      %lt3A_92 = arith.cmpi slt, %sub3A_88, %lt3A_91 : i32
      %and3A_93 = arith.andi %ge3A_90, %lt3A_92 : i1
      %convert_element_type3A_94 = arith.extui %and3A_93 : i1 to i32
      %cond3A_95 = arith.constant 0 : i32
      %cond3A_96 = arith.cmpi ne, %convert_element_type3A_94, %cond3A_95 : i32
      scf.if %cond3A_96 {
        %mul3A_257 = arith.constant 80 : i32
        %mul3A_258 = arith.muli %sub3A_88, %mul3A_257 : i32
        %dma_wait3A = arith.constant 0 : i32
        %dma_wait3A_259 = tpu.memref_slice %arg4[%mul3A_258, %dma_wait3A] : memref<200000x128xf32, #tpu.memory_space<hbm>> -> memref<80x128xf32, #tpu.memory_space<hbm>>
        %dma_wait3A_260 = arith.constant 0 : i32
        %dma_wait3A_261 = tpu.memref_slice %arg4[%mul3A_258, %dma_wait3A_260] : memref<200000x128xf32, #tpu.memory_space<hbm>> -> memref<80x128xf32, #tpu.memory_space<hbm>>
        tpu.wait_dma2 semaphore(%arg24 : memref<!tpu.dma_semaphore, #tpu.memory_space<semaphore_mem>>) src(%arg16 : memref<80x128xf32, #tpu.memory_space<vmem>>) dst(%dma_wait3A_261 : memref<80x128xf32, #tpu.memory_space<hbm>>)
      } else {
      }
      %sub3A_97 = arith.constant 256 : i32
      %sub3A_98 = arith.subi %add3A_41, %sub3A_97 : i32
      %ge3A_99 = arith.constant 0 : i32
      %ge3A_100 = arith.cmpi sge, %sub3A_98, %ge3A_99 : i32
      %lt3A_101 = arith.constant 2500 : i32
      %lt3A_102 = arith.cmpi slt, %sub3A_98, %lt3A_101 : i32
      %and3A_103 = arith.andi %ge3A_100, %lt3A_102 : i1
      %convert_element_type3A_104 = arith.extui %and3A_103 : i1 to i32
      %cond3A_105 = arith.constant 0 : i32
      %cond3A_106 = arith.cmpi ne, %convert_element_type3A_104, %cond3A_105 : i32
      scf.if %cond3A_106 {
        %mul3A_257 = arith.constant 80 : i32
        %mul3A_258 = arith.muli %sub3A_98, %mul3A_257 : i32
        %dma_wait3A = arith.constant 0 : i32
        %dma_wait3A_259 = tpu.memref_slice %arg4[%mul3A_258, %dma_wait3A] : memref<200000x128xf32, #tpu.memory_space<hbm>> -> memref<80x128xf32, #tpu.memory_space<hbm>>
        %dma_wait3A_260 = arith.constant 0 : i32
        %dma_wait3A_261 = tpu.memref_slice %arg4[%mul3A_258, %dma_wait3A_260] : memref<200000x128xf32, #tpu.memory_space<hbm>> -> memref<80x128xf32, #tpu.memory_space<hbm>>
        tpu.wait_dma2 semaphore(%arg25 : memref<!tpu.dma_semaphore, #tpu.memory_space<semaphore_mem>>) src(%arg17 : memref<80x128xf32, #tpu.memory_space<vmem>>) dst(%dma_wait3A_261 : memref<80x128xf32, #tpu.memory_space<hbm>>)
      } else {
      }
      %sub3A_107 = arith.constant 256 : i32
      %sub3A_108 = arith.subi %add3A_48, %sub3A_107 : i32
      %ge3A_109 = arith.constant 0 : i32
      %ge3A_110 = arith.cmpi sge, %sub3A_108, %ge3A_109 : i32
      %lt3A_111 = arith.constant 2500 : i32
      %lt3A_112 = arith.cmpi slt, %sub3A_108, %lt3A_111 : i32
      %and3A_113 = arith.andi %ge3A_110, %lt3A_112 : i1
      %convert_element_type3A_114 = arith.extui %and3A_113 : i1 to i32
      %cond3A_115 = arith.constant 0 : i32
      %cond3A_116 = arith.cmpi ne, %convert_element_type3A_114, %cond3A_115 : i32
      scf.if %cond3A_116 {
        %mul3A_257 = arith.constant 80 : i32
        %mul3A_258 = arith.muli %sub3A_108, %mul3A_257 : i32
        %dma_wait3A = arith.constant 0 : i32
        %dma_wait3A_259 = tpu.memref_slice %arg4[%mul3A_258, %dma_wait3A] : memref<200000x128xf32, #tpu.memory_space<hbm>> -> memref<80x128xf32, #tpu.memory_space<hbm>>
        %dma_wait3A_260 = arith.constant 0 : i32
        %dma_wait3A_261 = tpu.memref_slice %arg4[%mul3A_258, %dma_wait3A_260] : memref<200000x128xf32, #tpu.memory_space<hbm>> -> memref<80x128xf32, #tpu.memory_space<hbm>>
        tpu.wait_dma2 semaphore(%arg26 : memref<!tpu.dma_semaphore, #tpu.memory_space<semaphore_mem>>) src(%arg18 : memref<80x128xf32, #tpu.memory_space<vmem>>) dst(%dma_wait3A_261 : memref<80x128xf32, #tpu.memory_space<hbm>>)
      } else {
      }
      %sub3A_117 = arith.constant 256 : i32
      %sub3A_118 = arith.subi %add3A_55, %sub3A_117 : i32
      %ge3A_119 = arith.constant 0 : i32
      %ge3A_120 = arith.cmpi sge, %sub3A_118, %ge3A_119 : i32
      %lt3A_121 = arith.constant 2500 : i32
      %lt3A_122 = arith.cmpi slt, %sub3A_118, %lt3A_121 : i32
      %and3A_123 = arith.andi %ge3A_120, %lt3A_122 : i1
      %convert_element_type3A_124 = arith.extui %and3A_123 : i1 to i32
      %cond3A_125 = arith.constant 0 : i32
      %cond3A_126 = arith.cmpi ne, %convert_element_type3A_124, %cond3A_125 : i32
      scf.if %cond3A_126 {
        %mul3A_257 = arith.constant 80 : i32
        %mul3A_258 = arith.muli %sub3A_118, %mul3A_257 : i32
        %dma_wait3A = arith.constant 0 : i32
        %dma_wait3A_259 = tpu.memref_slice %arg4[%mul3A_258, %dma_wait3A] : memref<200000x128xf32, #tpu.memory_space<hbm>> -> memref<80x128xf32, #tpu.memory_space<hbm>>
        %dma_wait3A_260 = arith.constant 0 : i32
        %dma_wait3A_261 = tpu.memref_slice %arg4[%mul3A_258, %dma_wait3A_260] : memref<200000x128xf32, #tpu.memory_space<hbm>> -> memref<80x128xf32, #tpu.memory_space<hbm>>
        tpu.wait_dma2 semaphore(%arg27 : memref<!tpu.dma_semaphore, #tpu.memory_space<semaphore_mem>>) src(%arg19 : memref<80x128xf32, #tpu.memory_space<vmem>>) dst(%dma_wait3A_261 : memref<80x128xf32, #tpu.memory_space<hbm>>)
      } else {
      }
      %sub3A_127 = arith.constant 256 : i32
      %sub3A_128 = arith.subi %add3A_62, %sub3A_127 : i32
      %ge3A_129 = arith.constant 0 : i32
      %ge3A_130 = arith.cmpi sge, %sub3A_128, %ge3A_129 : i32
      %lt3A_131 = arith.constant 2500 : i32
      %lt3A_132 = arith.cmpi slt, %sub3A_128, %lt3A_131 : i32
      %and3A_133 = arith.andi %ge3A_130, %lt3A_132 : i1
      %convert_element_type3A_134 = arith.extui %and3A_133 : i1 to i32
      %cond3A_135 = arith.constant 0 : i32
      %cond3A_136 = arith.cmpi ne, %convert_element_type3A_134, %cond3A_135 : i32
      scf.if %cond3A_136 {
        %mul3A_257 = arith.constant 80 : i32
        %mul3A_258 = arith.muli %sub3A_128, %mul3A_257 : i32
        %dma_wait3A = arith.constant 0 : i32
        %dma_wait3A_259 = tpu.memref_slice %arg4[%mul3A_258, %dma_wait3A] : memref<200000x128xf32, #tpu.memory_space<hbm>> -> memref<80x128xf32, #tpu.memory_space<hbm>>
        %dma_wait3A_260 = arith.constant 0 : i32
        %dma_wait3A_261 = tpu.memref_slice %arg4[%mul3A_258, %dma_wait3A_260] : memref<200000x128xf32, #tpu.memory_space<hbm>> -> memref<80x128xf32, #tpu.memory_space<hbm>>
        tpu.wait_dma2 semaphore(%arg28 : memref<!tpu.dma_semaphore, #tpu.memory_space<semaphore_mem>>) src(%arg20 : memref<80x128xf32, #tpu.memory_space<vmem>>) dst(%dma_wait3A_261 : memref<80x128xf32, #tpu.memory_space<hbm>>)
      } else {
      }
      %lt3A_137 = arith.constant 2500 : i32
      %lt3A_138 = arith.cmpi slt, %add3A_13, %lt3A_137 : i32
      %convert_element_type3A_139 = arith.extui %lt3A_138 : i1 to i32
      %cond3A_140 = arith.constant 0 : i32
      %cond3A_141 = arith.cmpi ne, %convert_element_type3A_139, %cond3A_140 : i32
      scf.if %cond3A_141 {
        %mul3A_257 = arith.constant 80 : i32
        %mul3A_258 = arith.muli %add3A_13, %mul3A_257 : i32
        %dma_start3A = tpu.memref_slice %arg3[%mul3A_258] : memref<200000xi32, #tpu.memory_space<hbm>> -> memref<80xi32, #tpu.memory_space<hbm>>
        %dma_start3A_259 = tpu.memref_slice %arg3[%mul3A_258] : memref<200000xi32, #tpu.memory_space<hbm>> -> memref<80xi32, #tpu.memory_space<hbm>>
        tpu.enqueue_dma source(%dma_start3A_259 : memref<80xi32, #tpu.memory_space<hbm>>) target(%arg5 : memref<80xi32, #tpu.memory_space<vmem>>) target_semaphore(%arg21 : memref<!tpu.dma_semaphore, #tpu.memory_space<semaphore_mem>>)
      } else {
      }
      %lt3A_142 = arith.constant 2500 : i32
      %lt3A_143 = arith.cmpi slt, %add3A_20, %lt3A_142 : i32
      %convert_element_type3A_144 = arith.extui %lt3A_143 : i1 to i32
      %cond3A_145 = arith.constant 0 : i32
      %cond3A_146 = arith.cmpi ne, %convert_element_type3A_144, %cond3A_145 : i32
      scf.if %cond3A_146 {
        %mul3A_257 = arith.constant 80 : i32
        %mul3A_258 = arith.muli %add3A_20, %mul3A_257 : i32
        %dma_start3A = tpu.memref_slice %arg3[%mul3A_258] : memref<200000xi32, #tpu.memory_space<hbm>> -> memref<80xi32, #tpu.memory_space<hbm>>
        %dma_start3A_259 = tpu.memref_slice %arg3[%mul3A_258] : memref<200000xi32, #tpu.memory_space<hbm>> -> memref<80xi32, #tpu.memory_space<hbm>>
        tpu.enqueue_dma source(%dma_start3A_259 : memref<80xi32, #tpu.memory_space<hbm>>) target(%arg6 : memref<80xi32, #tpu.memory_space<vmem>>) target_semaphore(%arg22 : memref<!tpu.dma_semaphore, #tpu.memory_space<semaphore_mem>>)
      } else {
      }
      %lt3A_147 = arith.constant 2500 : i32
      %lt3A_148 = arith.cmpi slt, %add3A_27, %lt3A_147 : i32
      %convert_element_type3A_149 = arith.extui %lt3A_148 : i1 to i32
      %cond3A_150 = arith.constant 0 : i32
      %cond3A_151 = arith.cmpi ne, %convert_element_type3A_149, %cond3A_150 : i32
      scf.if %cond3A_151 {
        %mul3A_257 = arith.constant 80 : i32
        %mul3A_258 = arith.muli %add3A_27, %mul3A_257 : i32
        %dma_start3A = tpu.memref_slice %arg3[%mul3A_258] : memref<200000xi32, #tpu.memory_space<hbm>> -> memref<80xi32, #tpu.memory_space<hbm>>
        %dma_start3A_259 = tpu.memref_slice %arg3[%mul3A_258] : memref<200000xi32, #tpu.memory_space<hbm>> -> memref<80xi32, #tpu.memory_space<hbm>>
        tpu.enqueue_dma source(%dma_start3A_259 : memref<80xi32, #tpu.memory_space<hbm>>) target(%arg7 : memref<80xi32, #tpu.memory_space<vmem>>) target_semaphore(%arg23 : memref<!tpu.dma_semaphore, #tpu.memory_space<semaphore_mem>>)
      } else {
      }
      %lt3A_152 = arith.constant 2500 : i32
      %lt3A_153 = arith.cmpi slt, %add3A_34, %lt3A_152 : i32
      %convert_element_type3A_154 = arith.extui %lt3A_153 : i1 to i32
      %cond3A_155 = arith.constant 0 : i32
      %cond3A_156 = arith.cmpi ne, %convert_element_type3A_154, %cond3A_155 : i32
      scf.if %cond3A_156 {
        %mul3A_257 = arith.constant 80 : i32
        %mul3A_258 = arith.muli %add3A_34, %mul3A_257 : i32
        %dma_start3A = tpu.memref_slice %arg3[%mul3A_258] : memref<200000xi32, #tpu.memory_space<hbm>> -> memref<80xi32, #tpu.memory_space<hbm>>
        %dma_start3A_259 = tpu.memref_slice %arg3[%mul3A_258] : memref<200000xi32, #tpu.memory_space<hbm>> -> memref<80xi32, #tpu.memory_space<hbm>>
        tpu.enqueue_dma source(%dma_start3A_259 : memref<80xi32, #tpu.memory_space<hbm>>) target(%arg8 : memref<80xi32, #tpu.memory_space<vmem>>) target_semaphore(%arg24 : memref<!tpu.dma_semaphore, #tpu.memory_space<semaphore_mem>>)
      } else {
      }
      %lt3A_157 = arith.constant 2500 : i32
      %lt3A_158 = arith.cmpi slt, %add3A_41, %lt3A_157 : i32
      %convert_element_type3A_159 = arith.extui %lt3A_158 : i1 to i32
      %cond3A_160 = arith.constant 0 : i32
      %cond3A_161 = arith.cmpi ne, %convert_element_type3A_159, %cond3A_160 : i32
      scf.if %cond3A_161 {
        %mul3A_257 = arith.constant 80 : i32
        %mul3A_258 = arith.muli %add3A_41, %mul3A_257 : i32
        %dma_start3A = tpu.memref_slice %arg3[%mul3A_258] : memref<200000xi32, #tpu.memory_space<hbm>> -> memref<80xi32, #tpu.memory_space<hbm>>
        %dma_start3A_259 = tpu.memref_slice %arg3[%mul3A_258] : memref<200000xi32, #tpu.memory_space<hbm>> -> memref<80xi32, #tpu.memory_space<hbm>>
        tpu.enqueue_dma source(%dma_start3A_259 : memref<80xi32, #tpu.memory_space<hbm>>) target(%arg9 : memref<80xi32, #tpu.memory_space<vmem>>) target_semaphore(%arg25 : memref<!tpu.dma_semaphore, #tpu.memory_space<semaphore_mem>>)
      } else {
      }
      %lt3A_162 = arith.constant 2500 : i32
      %lt3A_163 = arith.cmpi slt, %add3A_48, %lt3A_162 : i32
      %convert_element_type3A_164 = arith.extui %lt3A_163 : i1 to i32
      %cond3A_165 = arith.constant 0 : i32
      %cond3A_166 = arith.cmpi ne, %convert_element_type3A_164, %cond3A_165 : i32
      scf.if %cond3A_166 {
        %mul3A_257 = arith.constant 80 : i32
        %mul3A_258 = arith.muli %add3A_48, %mul3A_257 : i32
        %dma_start3A = tpu.memref_slice %arg3[%mul3A_258] : memref<200000xi32, #tpu.memory_space<hbm>> -> memref<80xi32, #tpu.memory_space<hbm>>
        %dma_start3A_259 = tpu.memref_slice %arg3[%mul3A_258] : memref<200000xi32, #tpu.memory_space<hbm>> -> memref<80xi32, #tpu.memory_space<hbm>>
        tpu.enqueue_dma source(%dma_start3A_259 : memref<80xi32, #tpu.memory_space<hbm>>) target(%arg10 : memref<80xi32, #tpu.memory_space<vmem>>) target_semaphore(%arg26 : memref<!tpu.dma_semaphore, #tpu.memory_space<semaphore_mem>>)
      } else {
      }
      %lt3A_167 = arith.constant 2500 : i32
      %lt3A_168 = arith.cmpi slt, %add3A_55, %lt3A_167 : i32
      %convert_element_type3A_169 = arith.extui %lt3A_168 : i1 to i32
      %cond3A_170 = arith.constant 0 : i32
      %cond3A_171 = arith.cmpi ne, %convert_element_type3A_169, %cond3A_170 : i32
      scf.if %cond3A_171 {
        %mul3A_257 = arith.constant 80 : i32
        %mul3A_258 = arith.muli %add3A_55, %mul3A_257 : i32
        %dma_start3A = tpu.memref_slice %arg3[%mul3A_258] : memref<200000xi32, #tpu.memory_space<hbm>> -> memref<80xi32, #tpu.memory_space<hbm>>
        %dma_start3A_259 = tpu.memref_slice %arg3[%mul3A_258] : memref<200000xi32, #tpu.memory_space<hbm>> -> memref<80xi32, #tpu.memory_space<hbm>>
        tpu.enqueue_dma source(%dma_start3A_259 : memref<80xi32, #tpu.memory_space<hbm>>) target(%arg11 : memref<80xi32, #tpu.memory_space<vmem>>) target_semaphore(%arg27 : memref<!tpu.dma_semaphore, #tpu.memory_space<semaphore_mem>>)
      } else {
      }
      %lt3A_172 = arith.constant 2500 : i32
      %lt3A_173 = arith.cmpi slt, %add3A_62, %lt3A_172 : i32
      %convert_element_type3A_174 = arith.extui %lt3A_173 : i1 to i32
      %cond3A_175 = arith.constant 0 : i32
      %cond3A_176 = arith.cmpi ne, %convert_element_type3A_174, %cond3A_175 : i32
      scf.if %cond3A_176 {
        %mul3A_257 = arith.constant 80 : i32
        %mul3A_258 = arith.muli %add3A_62, %mul3A_257 : i32
        %dma_start3A = tpu.memref_slice %arg3[%mul3A_258] : memref<200000xi32, #tpu.memory_space<hbm>> -> memref<80xi32, #tpu.memory_space<hbm>>
        %dma_start3A_259 = tpu.memref_slice %arg3[%mul3A_258] : memref<200000xi32, #tpu.memory_space<hbm>> -> memref<80xi32, #tpu.memory_space<hbm>>
        tpu.enqueue_dma source(%dma_start3A_259 : memref<80xi32, #tpu.memory_space<hbm>>) target(%arg12 : memref<80xi32, #tpu.memory_space<vmem>>) target_semaphore(%arg28 : memref<!tpu.dma_semaphore, #tpu.memory_space<semaphore_mem>>)
      } else {
      }
      %lt3A_177 = arith.constant 2500 : i32
      %lt3A_178 = arith.cmpi slt, %add3A_13, %lt3A_177 : i32
      %convert_element_type3A_179 = arith.extui %lt3A_178 : i1 to i32
      %cond3A_180 = arith.constant 0 : i32
      %cond3A_181 = arith.cmpi ne, %convert_element_type3A_179, %cond3A_180 : i32
      scf.if %cond3A_181 {
        %mul3A_257 = arith.constant 80 : i32
        %mul3A_258 = arith.muli %add3A_13, %mul3A_257 : i32
        %dma_wait3A = tpu.memref_slice %arg3[%mul3A_258] : memref<200000xi32, #tpu.memory_space<hbm>> -> memref<80xi32, #tpu.memory_space<hbm>>
        %dma_wait3A_259 = tpu.memref_slice %arg3[%mul3A_258] : memref<200000xi32, #tpu.memory_space<hbm>> -> memref<80xi32, #tpu.memory_space<hbm>>
        tpu.wait_dma2 semaphore(%arg21 : memref<!tpu.dma_semaphore, #tpu.memory_space<semaphore_mem>>) src(%dma_wait3A_259 : memref<80xi32, #tpu.memory_space<hbm>>) dst(%arg5 : memref<80xi32, #tpu.memory_space<vmem>>)
        %dma_start3A = arith.constant 0 : i32
        %dma_start3A_260 = arith.constant 0 : i32
        %dma_start3A_261 = tpu.memref_slice %arg2[%dma_start3A, %dma_start3A_260] : memref<10000x128xf32, #tpu.memory_space<hbm>> -> memref<10000x128xf32, #tpu.memory_space<hbm>>
        tpu.enqueue_indirect_dma source(%dma_start3A_261 : memref<10000x128xf32, #tpu.memory_space<hbm>>) target(%arg13 : memref<80x128xf32, #tpu.memory_space<vmem>>) offsets(%arg5 : memref<80xi32, #tpu.memory_space<vmem>>) semaphore(%arg29 : memref<!tpu.dma_semaphore, #tpu.memory_space<semaphore_mem>>)
      } else {
      }
      %lt3A_182 = arith.constant 2500 : i32
      %lt3A_183 = arith.cmpi slt, %add3A_20, %lt3A_182 : i32
      %convert_element_type3A_184 = arith.extui %lt3A_183 : i1 to i32
      %cond3A_185 = arith.constant 0 : i32
      %cond3A_186 = arith.cmpi ne, %convert_element_type3A_184, %cond3A_185 : i32
      scf.if %cond3A_186 {
        %mul3A_257 = arith.constant 80 : i32
        %mul3A_258 = arith.muli %add3A_20, %mul3A_257 : i32
        %dma_wait3A = tpu.memref_slice %arg3[%mul3A_258] : memref<200000xi32, #tpu.memory_space<hbm>> -> memref<80xi32, #tpu.memory_space<hbm>>
        %dma_wait3A_259 = tpu.memref_slice %arg3[%mul3A_258] : memref<200000xi32, #tpu.memory_space<hbm>> -> memref<80xi32, #tpu.memory_space<hbm>>
        tpu.wait_dma2 semaphore(%arg22 : memref<!tpu.dma_semaphore, #tpu.memory_space<semaphore_mem>>) src(%dma_wait3A_259 : memref<80xi32, #tpu.memory_space<hbm>>) dst(%arg6 : memref<80xi32, #tpu.memory_space<vmem>>)
        %dma_start3A = arith.constant 0 : i32
        %dma_start3A_260 = arith.constant 0 : i32
        %dma_start3A_261 = tpu.memref_slice %arg2[%dma_start3A, %dma_start3A_260] : memref<10000x128xf32, #tpu.memory_space<hbm>> -> memref<10000x128xf32, #tpu.memory_space<hbm>>
        tpu.enqueue_indirect_dma source(%dma_start3A_261 : memref<10000x128xf32, #tpu.memory_space<hbm>>) target(%arg14 : memref<80x128xf32, #tpu.memory_space<vmem>>) offsets(%arg6 : memref<80xi32, #tpu.memory_space<vmem>>) semaphore(%arg30 : memref<!tpu.dma_semaphore, #tpu.memory_space<semaphore_mem>>)
      } else {
      }
      %lt3A_187 = arith.constant 2500 : i32
      %lt3A_188 = arith.cmpi slt, %add3A_27, %lt3A_187 : i32
      %convert_element_type3A_189 = arith.extui %lt3A_188 : i1 to i32
      %cond3A_190 = arith.constant 0 : i32
      %cond3A_191 = arith.cmpi ne, %convert_element_type3A_189, %cond3A_190 : i32
      scf.if %cond3A_191 {
        %mul3A_257 = arith.constant 80 : i32
        %mul3A_258 = arith.muli %add3A_27, %mul3A_257 : i32
        %dma_wait3A = tpu.memref_slice %arg3[%mul3A_258] : memref<200000xi32, #tpu.memory_space<hbm>> -> memref<80xi32, #tpu.memory_space<hbm>>
        %dma_wait3A_259 = tpu.memref_slice %arg3[%mul3A_258] : memref<200000xi32, #tpu.memory_space<hbm>> -> memref<80xi32, #tpu.memory_space<hbm>>
        tpu.wait_dma2 semaphore(%arg23 : memref<!tpu.dma_semaphore, #tpu.memory_space<semaphore_mem>>) src(%dma_wait3A_259 : memref<80xi32, #tpu.memory_space<hbm>>) dst(%arg7 : memref<80xi32, #tpu.memory_space<vmem>>)
        %dma_start3A = arith.constant 0 : i32
        %dma_start3A_260 = arith.constant 0 : i32
        %dma_start3A_261 = tpu.memref_slice %arg2[%dma_start3A, %dma_start3A_260] : memref<10000x128xf32, #tpu.memory_space<hbm>> -> memref<10000x128xf32, #tpu.memory_space<hbm>>
        tpu.enqueue_indirect_dma source(%dma_start3A_261 : memref<10000x128xf32, #tpu.memory_space<hbm>>) target(%arg15 : memref<80x128xf32, #tpu.memory_space<vmem>>) offsets(%arg7 : memref<80xi32, #tpu.memory_space<vmem>>) semaphore(%arg31 : memref<!tpu.dma_semaphore, #tpu.memory_space<semaphore_mem>>)
      } else {
      }
      %lt3A_192 = arith.constant 2500 : i32
      %lt3A_193 = arith.cmpi slt, %add3A_34, %lt3A_192 : i32
      %convert_element_type3A_194 = arith.extui %lt3A_193 : i1 to i32
      %cond3A_195 = arith.constant 0 : i32
      %cond3A_196 = arith.cmpi ne, %convert_element_type3A_194, %cond3A_195 : i32
      scf.if %cond3A_196 {
        %mul3A_257 = arith.constant 80 : i32
        %mul3A_258 = arith.muli %add3A_34, %mul3A_257 : i32
        %dma_wait3A = tpu.memref_slice %arg3[%mul3A_258] : memref<200000xi32, #tpu.memory_space<hbm>> -> memref<80xi32, #tpu.memory_space<hbm>>
        %dma_wait3A_259 = tpu.memref_slice %arg3[%mul3A_258] : memref<200000xi32, #tpu.memory_space<hbm>> -> memref<80xi32, #tpu.memory_space<hbm>>
        tpu.wait_dma2 semaphore(%arg24 : memref<!tpu.dma_semaphore, #tpu.memory_space<semaphore_mem>>) src(%dma_wait3A_259 : memref<80xi32, #tpu.memory_space<hbm>>) dst(%arg8 : memref<80xi32, #tpu.memory_space<vmem>>)
        %dma_start3A = arith.constant 0 : i32
        %dma_start3A_260 = arith.constant 0 : i32
        %dma_start3A_261 = tpu.memref_slice %arg2[%dma_start3A, %dma_start3A_260] : memref<10000x128xf32, #tpu.memory_space<hbm>> -> memref<10000x128xf32, #tpu.memory_space<hbm>>
        tpu.enqueue_indirect_dma source(%dma_start3A_261 : memref<10000x128xf32, #tpu.memory_space<hbm>>) target(%arg16 : memref<80x128xf32, #tpu.memory_space<vmem>>) offsets(%arg8 : memref<80xi32, #tpu.memory_space<vmem>>) semaphore(%arg32 : memref<!tpu.dma_semaphore, #tpu.memory_space<semaphore_mem>>)
      } else {
      }
      %lt3A_197 = arith.constant 2500 : i32
      %lt3A_198 = arith.cmpi slt, %add3A_41, %lt3A_197 : i32
      %convert_element_type3A_199 = arith.extui %lt3A_198 : i1 to i32
      %cond3A_200 = arith.constant 0 : i32
      %cond3A_201 = arith.cmpi ne, %convert_element_type3A_199, %cond3A_200 : i32
      scf.if %cond3A_201 {
        %mul3A_257 = arith.constant 80 : i32
        %mul3A_258 = arith.muli %add3A_41, %mul3A_257 : i32
        %dma_wait3A = tpu.memref_slice %arg3[%mul3A_258] : memref<200000xi32, #tpu.memory_space<hbm>> -> memref<80xi32, #tpu.memory_space<hbm>>
        %dma_wait3A_259 = tpu.memref_slice %arg3[%mul3A_258] : memref<200000xi32, #tpu.memory_space<hbm>> -> memref<80xi32, #tpu.memory_space<hbm>>
        tpu.wait_dma2 semaphore(%arg25 : memref<!tpu.dma_semaphore, #tpu.memory_space<semaphore_mem>>) src(%dma_wait3A_259 : memref<80xi32, #tpu.memory_space<hbm>>) dst(%arg9 : memref<80xi32, #tpu.memory_space<vmem>>)
        %dma_start3A = arith.constant 0 : i32
        %dma_start3A_260 = arith.constant 0 : i32
        %dma_start3A_261 = tpu.memref_slice %arg2[%dma_start3A, %dma_start3A_260] : memref<10000x128xf32, #tpu.memory_space<hbm>> -> memref<10000x128xf32, #tpu.memory_space<hbm>>
        tpu.enqueue_indirect_dma source(%dma_start3A_261 : memref<10000x128xf32, #tpu.memory_space<hbm>>) target(%arg17 : memref<80x128xf32, #tpu.memory_space<vmem>>) offsets(%arg9 : memref<80xi32, #tpu.memory_space<vmem>>) semaphore(%arg33 : memref<!tpu.dma_semaphore, #tpu.memory_space<semaphore_mem>>)
      } else {
      }
      %lt3A_202 = arith.constant 2500 : i32
      %lt3A_203 = arith.cmpi slt, %add3A_48, %lt3A_202 : i32
      %convert_element_type3A_204 = arith.extui %lt3A_203 : i1 to i32
      %cond3A_205 = arith.constant 0 : i32
      %cond3A_206 = arith.cmpi ne, %convert_element_type3A_204, %cond3A_205 : i32
      scf.if %cond3A_206 {
        %mul3A_257 = arith.constant 80 : i32
        %mul3A_258 = arith.muli %add3A_48, %mul3A_257 : i32
        %dma_wait3A = tpu.memref_slice %arg3[%mul3A_258] : memref<200000xi32, #tpu.memory_space<hbm>> -> memref<80xi32, #tpu.memory_space<hbm>>
        %dma_wait3A_259 = tpu.memref_slice %arg3[%mul3A_258] : memref<200000xi32, #tpu.memory_space<hbm>> -> memref<80xi32, #tpu.memory_space<hbm>>
        tpu.wait_dma2 semaphore(%arg26 : memref<!tpu.dma_semaphore, #tpu.memory_space<semaphore_mem>>) src(%dma_wait3A_259 : memref<80xi32, #tpu.memory_space<hbm>>) dst(%arg10 : memref<80xi32, #tpu.memory_space<vmem>>)
        %dma_start3A = arith.constant 0 : i32
        %dma_start3A_260 = arith.constant 0 : i32
        %dma_start3A_261 = tpu.memref_slice %arg2[%dma_start3A, %dma_start3A_260] : memref<10000x128xf32, #tpu.memory_space<hbm>> -> memref<10000x128xf32, #tpu.memory_space<hbm>>
        tpu.enqueue_indirect_dma source(%dma_start3A_261 : memref<10000x128xf32, #tpu.memory_space<hbm>>) target(%arg18 : memref<80x128xf32, #tpu.memory_space<vmem>>) offsets(%arg10 : memref<80xi32, #tpu.memory_space<vmem>>) semaphore(%arg34 : memref<!tpu.dma_semaphore, #tpu.memory_space<semaphore_mem>>)
      } else {
      }
      %lt3A_207 = arith.constant 2500 : i32
      %lt3A_208 = arith.cmpi slt, %add3A_55, %lt3A_207 : i32
      %convert_element_type3A_209 = arith.extui %lt3A_208 : i1 to i32
      %cond3A_210 = arith.constant 0 : i32
      %cond3A_211 = arith.cmpi ne, %convert_element_type3A_209, %cond3A_210 : i32
      scf.if %cond3A_211 {
        %mul3A_257 = arith.constant 80 : i32
        %mul3A_258 = arith.muli %add3A_55, %mul3A_257 : i32
        %dma_wait3A = tpu.memref_slice %arg3[%mul3A_258] : memref<200000xi32, #tpu.memory_space<hbm>> -> memref<80xi32, #tpu.memory_space<hbm>>
        %dma_wait3A_259 = tpu.memref_slice %arg3[%mul3A_258] : memref<200000xi32, #tpu.memory_space<hbm>> -> memref<80xi32, #tpu.memory_space<hbm>>
        tpu.wait_dma2 semaphore(%arg27 : memref<!tpu.dma_semaphore, #tpu.memory_space<semaphore_mem>>) src(%dma_wait3A_259 : memref<80xi32, #tpu.memory_space<hbm>>) dst(%arg11 : memref<80xi32, #tpu.memory_space<vmem>>)
        %dma_start3A = arith.constant 0 : i32
        %dma_start3A_260 = arith.constant 0 : i32
        %dma_start3A_261 = tpu.memref_slice %arg2[%dma_start3A, %dma_start3A_260] : memref<10000x128xf32, #tpu.memory_space<hbm>> -> memref<10000x128xf32, #tpu.memory_space<hbm>>
        tpu.enqueue_indirect_dma source(%dma_start3A_261 : memref<10000x128xf32, #tpu.memory_space<hbm>>) target(%arg19 : memref<80x128xf32, #tpu.memory_space<vmem>>) offsets(%arg11 : memref<80xi32, #tpu.memory_space<vmem>>) semaphore(%arg35 : memref<!tpu.dma_semaphore, #tpu.memory_space<semaphore_mem>>)
      } else {
      }
      %lt3A_212 = arith.constant 2500 : i32
      %lt3A_213 = arith.cmpi slt, %add3A_62, %lt3A_212 : i32
      %convert_element_type3A_214 = arith.extui %lt3A_213 : i1 to i32
      %cond3A_215 = arith.constant 0 : i32
      %cond3A_216 = arith.cmpi ne, %convert_element_type3A_214, %cond3A_215 : i32
      scf.if %cond3A_216 {
        %mul3A_257 = arith.constant 80 : i32
        %mul3A_258 = arith.muli %add3A_62, %mul3A_257 : i32
        %dma_wait3A = tpu.memref_slice %arg3[%mul3A_258] : memref<200000xi32, #tpu.memory_space<hbm>> -> memref<80xi32, #tpu.memory_space<hbm>>
        %dma_wait3A_259 = tpu.memref_slice %arg3[%mul3A_258] : memref<200000xi32, #tpu.memory_space<hbm>> -> memref<80xi32, #tpu.memory_space<hbm>>
        tpu.wait_dma2 semaphore(%arg28 : memref<!tpu.dma_semaphore, #tpu.memory_space<semaphore_mem>>) src(%dma_wait3A_259 : memref<80xi32, #tpu.memory_space<hbm>>) dst(%arg12 : memref<80xi32, #tpu.memory_space<vmem>>)
        %dma_start3A = arith.constant 0 : i32
        %dma_start3A_260 = arith.constant 0 : i32
        %dma_start3A_261 = tpu.memref_slice %arg2[%dma_start3A, %dma_start3A_260] : memref<10000x128xf32, #tpu.memory_space<hbm>> -> memref<10000x128xf32, #tpu.memory_space<hbm>>
        tpu.enqueue_indirect_dma source(%dma_start3A_261 : memref<10000x128xf32, #tpu.memory_space<hbm>>) target(%arg20 : memref<80x128xf32, #tpu.memory_space<vmem>>) offsets(%arg12 : memref<80xi32, #tpu.memory_space<vmem>>) semaphore(%arg36 : memref<!tpu.dma_semaphore, #tpu.memory_space<semaphore_mem>>)
      } else {
      }
      %lt3A_217 = arith.constant 2500 : i32
      %lt3A_218 = arith.cmpi slt, %add3A_13, %lt3A_217 : i32
      %convert_element_type3A_219 = arith.extui %lt3A_218 : i1 to i32
      %cond3A_220 = arith.constant 0 : i32
      %cond3A_221 = arith.cmpi ne, %convert_element_type3A_219, %cond3A_220 : i32
      scf.if %cond3A_221 {
        %dma_wait3A = arith.constant 0 : i32
        %dma_wait3A_257 = arith.constant 0 : i32
        %dma_wait3A_258 = tpu.memref_slice %arg2[%dma_wait3A, %dma_wait3A_257] : memref<10000x128xf32, #tpu.memory_space<hbm>> -> memref<10000x128xf32, #tpu.memory_space<hbm>>
        tpu.wait_indirect_dma semaphore(%arg29 : memref<!tpu.dma_semaphore, #tpu.memory_space<semaphore_mem>>) src(%dma_wait3A_258 : memref<10000x128xf32, #tpu.memory_space<hbm>>) dst(%arg13 : memref<80x128xf32, #tpu.memory_space<vmem>>)
        %mul3A_259 = arith.constant 80 : i32
        %mul3A_260 = arith.muli %add3A_13, %mul3A_259 : i32
        %dma_start3A = arith.constant 0 : i32
        %dma_start3A_261 = tpu.memref_slice %arg4[%mul3A_260, %dma_start3A] : memref<200000x128xf32, #tpu.memory_space<hbm>> -> memref<80x128xf32, #tpu.memory_space<hbm>>
        %dma_start3A_262 = arith.constant 0 : i32
        %dma_start3A_263 = tpu.memref_slice %arg4[%mul3A_260, %dma_start3A_262] : memref<200000x128xf32, #tpu.memory_space<hbm>> -> memref<80x128xf32, #tpu.memory_space<hbm>>
        tpu.enqueue_dma source(%arg13 : memref<80x128xf32, #tpu.memory_space<vmem>>) target(%dma_start3A_263 : memref<80x128xf32, #tpu.memory_space<hbm>>) target_semaphore(%arg21 : memref<!tpu.dma_semaphore, #tpu.memory_space<semaphore_mem>>)
      } else {
      }
      %lt3A_222 = arith.constant 2500 : i32
      %lt3A_223 = arith.cmpi slt, %add3A_20, %lt3A_222 : i32
      %convert_element_type3A_224 = arith.extui %lt3A_223 : i1 to i32
      %cond3A_225 = arith.constant 0 : i32
      %cond3A_226 = arith.cmpi ne, %convert_element_type3A_224, %cond3A_225 : i32
      scf.if %cond3A_226 {
        %dma_wait3A = arith.constant 0 : i32
        %dma_wait3A_257 = arith.constant 0 : i32
        %dma_wait3A_258 = tpu.memref_slice %arg2[%dma_wait3A, %dma_wait3A_257] : memref<10000x128xf32, #tpu.memory_space<hbm>> -> memref<10000x128xf32, #tpu.memory_space<hbm>>
        tpu.wait_indirect_dma semaphore(%arg30 : memref<!tpu.dma_semaphore, #tpu.memory_space<semaphore_mem>>) src(%dma_wait3A_258 : memref<10000x128xf32, #tpu.memory_space<hbm>>) dst(%arg14 : memref<80x128xf32, #tpu.memory_space<vmem>>)
        %mul3A_259 = arith.constant 80 : i32
        %mul3A_260 = arith.muli %add3A_20, %mul3A_259 : i32
        %dma_start3A = arith.constant 0 : i32
        %dma_start3A_261 = tpu.memref_slice %arg4[%mul3A_260, %dma_start3A] : memref<200000x128xf32, #tpu.memory_space<hbm>> -> memref<80x128xf32, #tpu.memory_space<hbm>>
        %dma_start3A_262 = arith.constant 0 : i32
        %dma_start3A_263 = tpu.memref_slice %arg4[%mul3A_260, %dma_start3A_262] : memref<200000x128xf32, #tpu.memory_space<hbm>> -> memref<80x128xf32, #tpu.memory_space<hbm>>
        tpu.enqueue_dma source(%arg14 : memref<80x128xf32, #tpu.memory_space<vmem>>) target(%dma_start3A_263 : memref<80x128xf32, #tpu.memory_space<hbm>>) target_semaphore(%arg22 : memref<!tpu.dma_semaphore, #tpu.memory_space<semaphore_mem>>)
      } else {
      }
      %lt3A_227 = arith.constant 2500 : i32
      %lt3A_228 = arith.cmpi slt, %add3A_27, %lt3A_227 : i32
      %convert_element_type3A_229 = arith.extui %lt3A_228 : i1 to i32
      %cond3A_230 = arith.constant 0 : i32
      %cond3A_231 = arith.cmpi ne, %convert_element_type3A_229, %cond3A_230 : i32
      scf.if %cond3A_231 {
        %dma_wait3A = arith.constant 0 : i32
        %dma_wait3A_257 = arith.constant 0 : i32
        %dma_wait3A_258 = tpu.memref_slice %arg2[%dma_wait3A, %dma_wait3A_257] : memref<10000x128xf32, #tpu.memory_space<hbm>> -> memref<10000x128xf32, #tpu.memory_space<hbm>>
        tpu.wait_indirect_dma semaphore(%arg31 : memref<!tpu.dma_semaphore, #tpu.memory_space<semaphore_mem>>) src(%dma_wait3A_258 : memref<10000x128xf32, #tpu.memory_space<hbm>>) dst(%arg15 : memref<80x128xf32, #tpu.memory_space<vmem>>)
        %mul3A_259 = arith.constant 80 : i32
        %mul3A_260 = arith.muli %add3A_27, %mul3A_259 : i32
        %dma_start3A = arith.constant 0 : i32
        %dma_start3A_261 = tpu.memref_slice %arg4[%mul3A_260, %dma_start3A] : memref<200000x128xf32, #tpu.memory_space<hbm>> -> memref<80x128xf32, #tpu.memory_space<hbm>>
        %dma_start3A_262 = arith.constant 0 : i32
        %dma_start3A_263 = tpu.memref_slice %arg4[%mul3A_260, %dma_start3A_262] : memref<200000x128xf32, #tpu.memory_space<hbm>> -> memref<80x128xf32, #tpu.memory_space<hbm>>
        tpu.enqueue_dma source(%arg15 : memref<80x128xf32, #tpu.memory_space<vmem>>) target(%dma_start3A_263 : memref<80x128xf32, #tpu.memory_space<hbm>>) target_semaphore(%arg23 : memref<!tpu.dma_semaphore, #tpu.memory_space<semaphore_mem>>)
      } else {
      }
      %lt3A_232 = arith.constant 2500 : i32
      %lt3A_233 = arith.cmpi slt, %add3A_34, %lt3A_232 : i32
      %convert_element_type3A_234 = arith.extui %lt3A_233 : i1 to i32
      %cond3A_235 = arith.constant 0 : i32
      %cond3A_236 = arith.cmpi ne, %convert_element_type3A_234, %cond3A_235 : i32
      scf.if %cond3A_236 {
        %dma_wait3A = arith.constant 0 : i32
        %dma_wait3A_257 = arith.constant 0 : i32
        %dma_wait3A_258 = tpu.memref_slice %arg2[%dma_wait3A, %dma_wait3A_257] : memref<10000x128xf32, #tpu.memory_space<hbm>> -> memref<10000x128xf32, #tpu.memory_space<hbm>>
        tpu.wait_indirect_dma semaphore(%arg32 : memref<!tpu.dma_semaphore, #tpu.memory_space<semaphore_mem>>) src(%dma_wait3A_258 : memref<10000x128xf32, #tpu.memory_space<hbm>>) dst(%arg16 : memref<80x128xf32, #tpu.memory_space<vmem>>)
        %mul3A_259 = arith.constant 80 : i32
        %mul3A_260 = arith.muli %add3A_34, %mul3A_259 : i32
        %dma_start3A = arith.constant 0 : i32
        %dma_start3A_261 = tpu.memref_slice %arg4[%mul3A_260, %dma_start3A] : memref<200000x128xf32, #tpu.memory_space<hbm>> -> memref<80x128xf32, #tpu.memory_space<hbm>>
        %dma_start3A_262 = arith.constant 0 : i32
        %dma_start3A_263 = tpu.memref_slice %arg4[%mul3A_260, %dma_start3A_262] : memref<200000x128xf32, #tpu.memory_space<hbm>> -> memref<80x128xf32, #tpu.memory_space<hbm>>
        tpu.enqueue_dma source(%arg16 : memref<80x128xf32, #tpu.memory_space<vmem>>) target(%dma_start3A_263 : memref<80x128xf32, #tpu.memory_space<hbm>>) target_semaphore(%arg24 : memref<!tpu.dma_semaphore, #tpu.memory_space<semaphore_mem>>)
      } else {
      }
      %lt3A_237 = arith.constant 2500 : i32
      %lt3A_238 = arith.cmpi slt, %add3A_41, %lt3A_237 : i32
      %convert_element_type3A_239 = arith.extui %lt3A_238 : i1 to i32
      %cond3A_240 = arith.constant 0 : i32
      %cond3A_241 = arith.cmpi ne, %convert_element_type3A_239, %cond3A_240 : i32
      scf.if %cond3A_241 {
        %dma_wait3A = arith.constant 0 : i32
        %dma_wait3A_257 = arith.constant 0 : i32
        %dma_wait3A_258 = tpu.memref_slice %arg2[%dma_wait3A, %dma_wait3A_257] : memref<10000x128xf32, #tpu.memory_space<hbm>> -> memref<10000x128xf32, #tpu.memory_space<hbm>>
        tpu.wait_indirect_dma semaphore(%arg33 : memref<!tpu.dma_semaphore, #tpu.memory_space<semaphore_mem>>) src(%dma_wait3A_258 : memref<10000x128xf32, #tpu.memory_space<hbm>>) dst(%arg17 : memref<80x128xf32, #tpu.memory_space<vmem>>)
        %mul3A_259 = arith.constant 80 : i32
        %mul3A_260 = arith.muli %add3A_41, %mul3A_259 : i32
        %dma_start3A = arith.constant 0 : i32
        %dma_start3A_261 = tpu.memref_slice %arg4[%mul3A_260, %dma_start3A] : memref<200000x128xf32, #tpu.memory_space<hbm>> -> memref<80x128xf32, #tpu.memory_space<hbm>>
        %dma_start3A_262 = arith.constant 0 : i32
        %dma_start3A_263 = tpu.memref_slice %arg4[%mul3A_260, %dma_start3A_262] : memref<200000x128xf32, #tpu.memory_space<hbm>> -> memref<80x128xf32, #tpu.memory_space<hbm>>
        tpu.enqueue_dma source(%arg17 : memref<80x128xf32, #tpu.memory_space<vmem>>) target(%dma_start3A_263 : memref<80x128xf32, #tpu.memory_space<hbm>>) target_semaphore(%arg25 : memref<!tpu.dma_semaphore, #tpu.memory_space<semaphore_mem>>)
      } else {
      }
      %lt3A_242 = arith.constant 2500 : i32
      %lt3A_243 = arith.cmpi slt, %add3A_48, %lt3A_242 : i32
      %convert_element_type3A_244 = arith.extui %lt3A_243 : i1 to i32
      %cond3A_245 = arith.constant 0 : i32
      %cond3A_246 = arith.cmpi ne, %convert_element_type3A_244, %cond3A_245 : i32
      scf.if %cond3A_246 {
        %dma_wait3A = arith.constant 0 : i32
        %dma_wait3A_257 = arith.constant 0 : i32
        %dma_wait3A_258 = tpu.memref_slice %arg2[%dma_wait3A, %dma_wait3A_257] : memref<10000x128xf32, #tpu.memory_space<hbm>> -> memref<10000x128xf32, #tpu.memory_space<hbm>>
        tpu.wait_indirect_dma semaphore(%arg34 : memref<!tpu.dma_semaphore, #tpu.memory_space<semaphore_mem>>) src(%dma_wait3A_258 : memref<10000x128xf32, #tpu.memory_space<hbm>>) dst(%arg18 : memref<80x128xf32, #tpu.memory_space<vmem>>)
        %mul3A_259 = arith.constant 80 : i32
        %mul3A_260 = arith.muli %add3A_48, %mul3A_259 : i32
        %dma_start3A = arith.constant 0 : i32
        %dma_start3A_261 = tpu.memref_slice %arg4[%mul3A_260, %dma_start3A] : memref<200000x128xf32, #tpu.memory_space<hbm>> -> memref<80x128xf32, #tpu.memory_space<hbm>>
        %dma_start3A_262 = arith.constant 0 : i32
        %dma_start3A_263 = tpu.memref_slice %arg4[%mul3A_260, %dma_start3A_262] : memref<200000x128xf32, #tpu.memory_space<hbm>> -> memref<80x128xf32, #tpu.memory_space<hbm>>
        tpu.enqueue_dma source(%arg18 : memref<80x128xf32, #tpu.memory_space<vmem>>) target(%dma_start3A_263 : memref<80x128xf32, #tpu.memory_space<hbm>>) target_semaphore(%arg26 : memref<!tpu.dma_semaphore, #tpu.memory_space<semaphore_mem>>)
      } else {
      }
      %lt3A_247 = arith.constant 2500 : i32
      %lt3A_248 = arith.cmpi slt, %add3A_55, %lt3A_247 : i32
      %convert_element_type3A_249 = arith.extui %lt3A_248 : i1 to i32
      %cond3A_250 = arith.constant 0 : i32
      %cond3A_251 = arith.cmpi ne, %convert_element_type3A_249, %cond3A_250 : i32
      scf.if %cond3A_251 {
        %dma_wait3A = arith.constant 0 : i32
        %dma_wait3A_257 = arith.constant 0 : i32
        %dma_wait3A_258 = tpu.memref_slice %arg2[%dma_wait3A, %dma_wait3A_257] : memref<10000x128xf32, #tpu.memory_space<hbm>> -> memref<10000x128xf32, #tpu.memory_space<hbm>>
        tpu.wait_indirect_dma semaphore(%arg35 : memref<!tpu.dma_semaphore, #tpu.memory_space<semaphore_mem>>) src(%dma_wait3A_258 : memref<10000x128xf32, #tpu.memory_space<hbm>>) dst(%arg19 : memref<80x128xf32, #tpu.memory_space<vmem>>)
        %mul3A_259 = arith.constant 80 : i32
        %mul3A_260 = arith.muli %add3A_55, %mul3A_259 : i32
        %dma_start3A = arith.constant 0 : i32
        %dma_start3A_261 = tpu.memref_slice %arg4[%mul3A_260, %dma_start3A] : memref<200000x128xf32, #tpu.memory_space<hbm>> -> memref<80x128xf32, #tpu.memory_space<hbm>>
        %dma_start3A_262 = arith.constant 0 : i32
        %dma_start3A_263 = tpu.memref_slice %arg4[%mul3A_260, %dma_start3A_262] : memref<200000x128xf32, #tpu.memory_space<hbm>> -> memref<80x128xf32, #tpu.memory_space<hbm>>
        tpu.enqueue_dma source(%arg19 : memref<80x128xf32, #tpu.memory_space<vmem>>) target(%dma_start3A_263 : memref<80x128xf32, #tpu.memory_space<hbm>>) target_semaphore(%arg27 : memref<!tpu.dma_semaphore, #tpu.memory_space<semaphore_mem>>)
      } else {
      }
      %lt3A_252 = arith.constant 2500 : i32
      %lt3A_253 = arith.cmpi slt, %add3A_62, %lt3A_252 : i32
      %convert_element_type3A_254 = arith.extui %lt3A_253 : i1 to i32
      %cond3A_255 = arith.constant 0 : i32
      %cond3A_256 = arith.cmpi ne, %convert_element_type3A_254, %cond3A_255 : i32
      scf.if %cond3A_256 {
        %dma_wait3A = arith.constant 0 : i32
        %dma_wait3A_257 = arith.constant 0 : i32
        %dma_wait3A_258 = tpu.memref_slice %arg2[%dma_wait3A, %dma_wait3A_257] : memref<10000x128xf32, #tpu.memory_space<hbm>> -> memref<10000x128xf32, #tpu.memory_space<hbm>>
        tpu.wait_indirect_dma semaphore(%arg36 : memref<!tpu.dma_semaphore, #tpu.memory_space<semaphore_mem>>) src(%dma_wait3A_258 : memref<10000x128xf32, #tpu.memory_space<hbm>>) dst(%arg20 : memref<80x128xf32, #tpu.memory_space<vmem>>)
        %mul3A_259 = arith.constant 80 : i32
        %mul3A_260 = arith.muli %add3A_62, %mul3A_259 : i32
        %dma_start3A = arith.constant 0 : i32
        %dma_start3A_261 = tpu.memref_slice %arg4[%mul3A_260, %dma_start3A] : memref<200000x128xf32, #tpu.memory_space<hbm>> -> memref<80x128xf32, #tpu.memory_space<hbm>>
        %dma_start3A_262 = arith.constant 0 : i32
        %dma_start3A_263 = tpu.memref_slice %arg4[%mul3A_260, %dma_start3A_262] : memref<200000x128xf32, #tpu.memory_space<hbm>> -> memref<80x128xf32, #tpu.memory_space<hbm>>
        tpu.enqueue_dma source(%arg20 : memref<80x128xf32, #tpu.memory_space<vmem>>) target(%dma_start3A_263 : memref<80x128xf32, #tpu.memory_space<hbm>>) target_semaphore(%arg28 : memref<!tpu.dma_semaphore, #tpu.memory_space<semaphore_mem>>)
      } else {
      }
    }
    %scan3A_5 = arith.constant 11 : i32
    return
  }
}

#map = affine_map<(d0, d1) -> (0, 0)>
#map1 = affine_map<(d0, d1) -> (0)>
module attributes {stable_mosaic.version = 14 : i64} {
  func.func @_scatter_body(%arg0: i32, %arg1: i32, %arg2: memref<200000x128xf32, #tpu.memory_space<hbm>>, %arg3: memref<60000x128xf32, #tpu.memory_space<hbm>>, %arg4: memref<200000xi32, #tpu.memory_space<hbm>>, %arg5: memref<60000xi32, #tpu.memory_space<hbm>>, %arg6: memref<10000x128xf32, #tpu.memory_space<hbm>>, %arg7: memref<10000x128xf32, #tpu.memory_space<hbm>>, %arg8: memref<10000x128xf32, #tpu.memory_space<hbm>>, %arg9: memref<10000x128xf32, #tpu.memory_space<vmem_shared>>, %arg10: memref<80xi32, #tpu.memory_space<vmem>>, %arg11: memref<80xi32, #tpu.memory_space<vmem>>, %arg12: memref<80xi32, #tpu.memory_space<vmem>>, %arg13: memref<80xi32, #tpu.memory_space<vmem>>, %arg14: memref<80x128xf32, #tpu.memory_space<vmem>>, %arg15: memref<80x128xf32, #tpu.memory_space<vmem>>, %arg16: memref<80x128xf32, #tpu.memory_space<vmem>>, %arg17: memref<80x128xf32, #tpu.memory_space<vmem>>, %arg18: memref<!tpu.dma_semaphore, #tpu.memory_space<semaphore_mem>>, %arg19: memref<!tpu.dma_semaphore, #tpu.memory_space<semaphore_mem>>, %arg20: memref<!tpu.dma_semaphore, #tpu.memory_space<semaphore_mem>>, %arg21: memref<!tpu.dma_semaphore, #tpu.memory_space<semaphore_mem>>, %arg22: memref<!tpu.dma_semaphore, #tpu.memory_space<semaphore_mem>>, %arg23: memref<!tpu.dma_semaphore, #tpu.memory_space<semaphore_mem>>, %arg24: memref<!tpu.dma_semaphore, #tpu.memory_space<semaphore_mem>>, %arg25: memref<!tpu.dma_semaphore, #tpu.memory_space<semaphore_mem>>, %arg26: memref<!tpu.dma_semaphore, #tpu.memory_space<semaphore_mem>>, %arg27: memref<!tpu.dma_semaphore, #tpu.memory_space<semaphore_mem>>, %arg28: memref<!tpu.dma_semaphore, #tpu.memory_space<semaphore_mem>>, %arg29: memref<!tpu.dma_semaphore, #tpu.memory_space<semaphore_mem>>) attributes {dimension_semantics = [#tpu.dimension_semantics<core_parallel>, #tpu.dimension_semantics<subcore_parallel>], iteration_bounds = array<i64: 2, 16>, scalar_prefetch = 0 : i64, scratch_operands = 21 : i64, tpu.core_type = #tpu.core_type<sc_vector_subcore>, window_params = [{transform_indices = #map}, {transform_indices = #map}, {transform_indices = #map1}, {transform_indices = #map1}, {transform_indices = #map}, {transform_indices = #map}, {transform_indices = #map}]} {
    %mul3A = arith.constant 2 : i32
    %mul3A_0 = arith.muli %arg1, %mul3A : i32
    %add3A = arith.addi %mul3A_0, %arg0 : i32
    %mul3A_1 = arith.constant 624 : i32
    %mul3A_2 = arith.muli %arg1, %mul3A_1 : i32
    "tpu.region"() ({
      %run_scoped3A = tpu.sem_alloc : memref<!tpu.dma_semaphore, #tpu.memory_space<semaphore_mem>>
      %dma_start3A = arith.constant 0 : i32
      %dma_start3A_27 = tpu.memref_slice %arg9[%mul3A_2, %dma_start3A] : memref<10000x128xf32, #tpu.memory_space<vmem_shared>> -> memref<624x128xf32, #tpu.memory_space<vmem_shared>>
      %dma_start3A_28 = arith.constant 0 : i32
      %dma_start3A_29 = tpu.memref_slice %arg6[%mul3A_2, %dma_start3A_28] : memref<10000x128xf32, #tpu.memory_space<hbm>> -> memref<624x128xf32, #tpu.memory_space<hbm>>
      tpu.enqueue_dma source(%dma_start3A_29 : memref<624x128xf32, #tpu.memory_space<hbm>>) target(%dma_start3A_27 : memref<624x128xf32, #tpu.memory_space<vmem_shared>>) target_semaphore(%run_scoped3A : memref<!tpu.dma_semaphore, #tpu.memory_space<semaphore_mem>>)
      %dma_wait3A = arith.constant 0 : i32
      %dma_wait3A_30 = tpu.memref_slice %arg9[%mul3A_2, %dma_wait3A] : memref<10000x128xf32, #tpu.memory_space<vmem_shared>> -> memref<624x128xf32, #tpu.memory_space<vmem_shared>>
      %dma_wait3A_31 = arith.constant 0 : i32
      %dma_wait3A_32 = tpu.memref_slice %arg6[%mul3A_2, %dma_wait3A_31] : memref<10000x128xf32, #tpu.memory_space<hbm>> -> memref<624x128xf32, #tpu.memory_space<hbm>>
      tpu.wait_dma2 semaphore(%run_scoped3A : memref<!tpu.dma_semaphore, #tpu.memory_space<semaphore_mem>>) src(%dma_wait3A_32 : memref<624x128xf32, #tpu.memory_space<hbm>>) dst(%dma_wait3A_30 : memref<624x128xf32, #tpu.memory_space<vmem_shared>>)
      tpu.yield
    }) : () -> ()
    %eq3A = arith.constant 15 : i32
    %eq3A_3 = arith.cmpi eq, %arg1, %eq3A : i32
    %convert_element_type3A = arith.extui %eq3A_3 : i1 to i32
    %cond3A = arith.constant 0 : i32
    %cond3A_4 = arith.cmpi ne, %convert_element_type3A, %cond3A : i32
    scf.if %cond3A_4 {
      "tpu.region"() ({
        %run_scoped3A = tpu.sem_alloc : memref<!tpu.dma_semaphore, #tpu.memory_space<semaphore_mem>>
        %dma_start3A = arith.constant 9984 : i32
        %dma_start3A_27 = arith.constant 0 : i32
        %dma_start3A_28 = tpu.memref_slice %arg9[%dma_start3A, %dma_start3A_27] : memref<10000x128xf32, #tpu.memory_space<vmem_shared>> -> memref<16x128xf32, #tpu.memory_space<vmem_shared>>
        %dma_start3A_29 = arith.constant 9984 : i32
        %dma_start3A_30 = arith.constant 0 : i32
        %dma_start3A_31 = tpu.memref_slice %arg6[%dma_start3A_29, %dma_start3A_30] : memref<10000x128xf32, #tpu.memory_space<hbm>> -> memref<16x128xf32, #tpu.memory_space<hbm>>
        tpu.enqueue_dma source(%dma_start3A_31 : memref<16x128xf32, #tpu.memory_space<hbm>>) target(%dma_start3A_28 : memref<16x128xf32, #tpu.memory_space<vmem_shared>>) target_semaphore(%run_scoped3A : memref<!tpu.dma_semaphore, #tpu.memory_space<semaphore_mem>>)
        %dma_wait3A = arith.constant 9984 : i32
        %dma_wait3A_32 = arith.constant 0 : i32
        %dma_wait3A_33 = tpu.memref_slice %arg9[%dma_wait3A, %dma_wait3A_32] : memref<10000x128xf32, #tpu.memory_space<vmem_shared>> -> memref<16x128xf32, #tpu.memory_space<vmem_shared>>
        %dma_wait3A_34 = arith.constant 9984 : i32
        %dma_wait3A_35 = arith.constant 0 : i32
        %dma_wait3A_36 = tpu.memref_slice %arg6[%dma_wait3A_34, %dma_wait3A_35] : memref<10000x128xf32, #tpu.memory_space<hbm>> -> memref<16x128xf32, #tpu.memory_space<hbm>>
        tpu.wait_dma2 semaphore(%run_scoped3A : memref<!tpu.dma_semaphore, #tpu.memory_space<semaphore_mem>>) src(%dma_wait3A_36 : memref<16x128xf32, #tpu.memory_space<hbm>>) dst(%dma_wait3A_33 : memref<16x128xf32, #tpu.memory_space<vmem_shared>>)
        tpu.yield
      }) : () -> ()
    } else {
    }
    %barrier3A = arith.constant 0 : index
    tpu.barrier barrier_id(%barrier3A)
    %scan3A = arith.constant 0 : i32
    %scan3A_5 = arith.constant 0 : i32
    %scan3A_6 = arith.constant 21 : i32
    %scan3A_7 = arith.addi %scan3A_5, %scan3A_6 : i32
    %scan3A_8 = arith.constant 1 : i32
    scf.for %scan3A_27 = %scan3A_5 to %scan3A_7 step %scan3A_8  : i32 {
      %mul3A_28 = arith.constant 4 : i32
      %mul3A_29 = arith.muli %scan3A_27, %mul3A_28 : i32
      %add3A_30 = arith.constant 0 : i32
      %add3A_31 = arith.addi %mul3A_29, %add3A_30 : i32
      %mul3A_32 = arith.constant 32 : i32
      %mul3A_33 = arith.muli %mul3A_32, %add3A_31 : i32
      %add3A_34 = arith.addi %add3A, %mul3A_33 : i32
      %mul3A_35 = arith.constant 4 : i32
      %mul3A_36 = arith.muli %scan3A_27, %mul3A_35 : i32
      %add3A_37 = arith.constant 1 : i32
      %add3A_38 = arith.addi %mul3A_36, %add3A_37 : i32
      %mul3A_39 = arith.constant 32 : i32
      %mul3A_40 = arith.muli %mul3A_39, %add3A_38 : i32
      %add3A_41 = arith.addi %add3A, %mul3A_40 : i32
      %mul3A_42 = arith.constant 4 : i32
      %mul3A_43 = arith.muli %scan3A_27, %mul3A_42 : i32
      %add3A_44 = arith.constant 2 : i32
      %add3A_45 = arith.addi %mul3A_43, %add3A_44 : i32
      %mul3A_46 = arith.constant 32 : i32
      %mul3A_47 = arith.muli %mul3A_46, %add3A_45 : i32
      %add3A_48 = arith.addi %add3A, %mul3A_47 : i32
      %mul3A_49 = arith.constant 4 : i32
      %mul3A_50 = arith.muli %scan3A_27, %mul3A_49 : i32
      %add3A_51 = arith.constant 3 : i32
      %add3A_52 = arith.addi %mul3A_50, %add3A_51 : i32
      %mul3A_53 = arith.constant 32 : i32
      %mul3A_54 = arith.muli %mul3A_53, %add3A_52 : i32
      %add3A_55 = arith.addi %add3A, %mul3A_54 : i32
      %sub3A = arith.constant 128 : i32
      %sub3A_56 = arith.subi %add3A_34, %sub3A : i32
      %ge3A = arith.constant 0 : i32
      %ge3A_57 = arith.cmpi sge, %sub3A_56, %ge3A : i32
      %lt3A = arith.constant 2500 : i32
      %lt3A_58 = arith.cmpi slt, %sub3A_56, %lt3A : i32
      %and3A = arith.andi %ge3A_57, %lt3A_58 : i1
      %convert_element_type3A_59 = arith.extui %and3A : i1 to i32
      %cond3A_60 = arith.constant 0 : i32
      %cond3A_61 = arith.cmpi ne, %convert_element_type3A_59, %cond3A_60 : i32
      scf.if %cond3A_61 {
        %dma_wait3A = arith.constant 0 : i32
        %dma_wait3A_132 = arith.constant 0 : i32
        %dma_wait3A_133 = tpu.memref_slice %arg9[%dma_wait3A, %dma_wait3A_132] : memref<10000x128xf32, #tpu.memory_space<vmem_shared>> -> memref<10000x128xf32, #tpu.memory_space<vmem_shared>>
        tpu.wait_indirect_dma semaphore(%arg26 : memref<!tpu.dma_semaphore, #tpu.memory_space<semaphore_mem>>) src(%arg14 : memref<80x128xf32, #tpu.memory_space<vmem>>) dst(%dma_wait3A_133 : memref<10000x128xf32, #tpu.memory_space<vmem_shared>>)
      } else {
      }
      %sub3A_62 = arith.constant 128 : i32
      %sub3A_63 = arith.subi %add3A_41, %sub3A_62 : i32
      %ge3A_64 = arith.constant 0 : i32
      %ge3A_65 = arith.cmpi sge, %sub3A_63, %ge3A_64 : i32
      %lt3A_66 = arith.constant 2500 : i32
      %lt3A_67 = arith.cmpi slt, %sub3A_63, %lt3A_66 : i32
      %and3A_68 = arith.andi %ge3A_65, %lt3A_67 : i1
      %convert_element_type3A_69 = arith.extui %and3A_68 : i1 to i32
      %cond3A_70 = arith.constant 0 : i32
      %cond3A_71 = arith.cmpi ne, %convert_element_type3A_69, %cond3A_70 : i32
      scf.if %cond3A_71 {
        %dma_wait3A = arith.constant 0 : i32
        %dma_wait3A_132 = arith.constant 0 : i32
        %dma_wait3A_133 = tpu.memref_slice %arg9[%dma_wait3A, %dma_wait3A_132] : memref<10000x128xf32, #tpu.memory_space<vmem_shared>> -> memref<10000x128xf32, #tpu.memory_space<vmem_shared>>
        tpu.wait_indirect_dma semaphore(%arg27 : memref<!tpu.dma_semaphore, #tpu.memory_space<semaphore_mem>>) src(%arg15 : memref<80x128xf32, #tpu.memory_space<vmem>>) dst(%dma_wait3A_133 : memref<10000x128xf32, #tpu.memory_space<vmem_shared>>)
      } else {
      }
      %sub3A_72 = arith.constant 128 : i32
      %sub3A_73 = arith.subi %add3A_48, %sub3A_72 : i32
      %ge3A_74 = arith.constant 0 : i32
      %ge3A_75 = arith.cmpi sge, %sub3A_73, %ge3A_74 : i32
      %lt3A_76 = arith.constant 2500 : i32
      %lt3A_77 = arith.cmpi slt, %sub3A_73, %lt3A_76 : i32
      %and3A_78 = arith.andi %ge3A_75, %lt3A_77 : i1
      %convert_element_type3A_79 = arith.extui %and3A_78 : i1 to i32
      %cond3A_80 = arith.constant 0 : i32
      %cond3A_81 = arith.cmpi ne, %convert_element_type3A_79, %cond3A_80 : i32
      scf.if %cond3A_81 {
        %dma_wait3A = arith.constant 0 : i32
        %dma_wait3A_132 = arith.constant 0 : i32
        %dma_wait3A_133 = tpu.memref_slice %arg9[%dma_wait3A, %dma_wait3A_132] : memref<10000x128xf32, #tpu.memory_space<vmem_shared>> -> memref<10000x128xf32, #tpu.memory_space<vmem_shared>>
        tpu.wait_indirect_dma semaphore(%arg28 : memref<!tpu.dma_semaphore, #tpu.memory_space<semaphore_mem>>) src(%arg16 : memref<80x128xf32, #tpu.memory_space<vmem>>) dst(%dma_wait3A_133 : memref<10000x128xf32, #tpu.memory_space<vmem_shared>>)
      } else {
      }
      %sub3A_82 = arith.constant 128 : i32
      %sub3A_83 = arith.subi %add3A_55, %sub3A_82 : i32
      %ge3A_84 = arith.constant 0 : i32
      %ge3A_85 = arith.cmpi sge, %sub3A_83, %ge3A_84 : i32
      %lt3A_86 = arith.constant 2500 : i32
      %lt3A_87 = arith.cmpi slt, %sub3A_83, %lt3A_86 : i32
      %and3A_88 = arith.andi %ge3A_85, %lt3A_87 : i1
      %convert_element_type3A_89 = arith.extui %and3A_88 : i1 to i32
      %cond3A_90 = arith.constant 0 : i32
      %cond3A_91 = arith.cmpi ne, %convert_element_type3A_89, %cond3A_90 : i32
      scf.if %cond3A_91 {
        %dma_wait3A = arith.constant 0 : i32
        %dma_wait3A_132 = arith.constant 0 : i32
        %dma_wait3A_133 = tpu.memref_slice %arg9[%dma_wait3A, %dma_wait3A_132] : memref<10000x128xf32, #tpu.memory_space<vmem_shared>> -> memref<10000x128xf32, #tpu.memory_space<vmem_shared>>
        tpu.wait_indirect_dma semaphore(%arg29 : memref<!tpu.dma_semaphore, #tpu.memory_space<semaphore_mem>>) src(%arg17 : memref<80x128xf32, #tpu.memory_space<vmem>>) dst(%dma_wait3A_133 : memref<10000x128xf32, #tpu.memory_space<vmem_shared>>)
      } else {
      }
      %lt3A_92 = arith.constant 2500 : i32
      %lt3A_93 = arith.cmpi slt, %add3A_34, %lt3A_92 : i32
      %convert_element_type3A_94 = arith.extui %lt3A_93 : i1 to i32
      %cond3A_95 = arith.constant 0 : i32
      %cond3A_96 = arith.cmpi ne, %convert_element_type3A_94, %cond3A_95 : i32
      scf.if %cond3A_96 {
        %mul3A_132 = arith.constant 80 : i32
        %mul3A_133 = arith.muli %add3A_34, %mul3A_132 : i32
        %dma_start3A = tpu.memref_slice %arg4[%mul3A_133] : memref<200000xi32, #tpu.memory_space<hbm>> -> memref<80xi32, #tpu.memory_space<hbm>>
        %dma_start3A_134 = tpu.memref_slice %arg4[%mul3A_133] : memref<200000xi32, #tpu.memory_space<hbm>> -> memref<80xi32, #tpu.memory_space<hbm>>
        tpu.enqueue_dma source(%dma_start3A_134 : memref<80xi32, #tpu.memory_space<hbm>>) target(%arg10 : memref<80xi32, #tpu.memory_space<vmem>>) target_semaphore(%arg18 : memref<!tpu.dma_semaphore, #tpu.memory_space<semaphore_mem>>)
        %dma_start3A_135 = arith.constant 0 : i32
        %dma_start3A_136 = tpu.memref_slice %arg2[%mul3A_133, %dma_start3A_135] : memref<200000x128xf32, #tpu.memory_space<hbm>> -> memref<80x128xf32, #tpu.memory_space<hbm>>
        %dma_start3A_137 = arith.constant 0 : i32
        %dma_start3A_138 = tpu.memref_slice %arg2[%mul3A_133, %dma_start3A_137] : memref<200000x128xf32, #tpu.memory_space<hbm>> -> memref<80x128xf32, #tpu.memory_space<hbm>>
        tpu.enqueue_dma source(%dma_start3A_138 : memref<80x128xf32, #tpu.memory_space<hbm>>) target(%arg14 : memref<80x128xf32, #tpu.memory_space<vmem>>) target_semaphore(%arg22 : memref<!tpu.dma_semaphore, #tpu.memory_space<semaphore_mem>>)
      } else {
      }
      %lt3A_97 = arith.constant 2500 : i32
      %lt3A_98 = arith.cmpi slt, %add3A_41, %lt3A_97 : i32
      %convert_element_type3A_99 = arith.extui %lt3A_98 : i1 to i32
      %cond3A_100 = arith.constant 0 : i32
      %cond3A_101 = arith.cmpi ne, %convert_element_type3A_99, %cond3A_100 : i32
      scf.if %cond3A_101 {
        %mul3A_132 = arith.constant 80 : i32
        %mul3A_133 = arith.muli %add3A_41, %mul3A_132 : i32
        %dma_start3A = tpu.memref_slice %arg4[%mul3A_133] : memref<200000xi32, #tpu.memory_space<hbm>> -> memref<80xi32, #tpu.memory_space<hbm>>
        %dma_start3A_134 = tpu.memref_slice %arg4[%mul3A_133] : memref<200000xi32, #tpu.memory_space<hbm>> -> memref<80xi32, #tpu.memory_space<hbm>>
        tpu.enqueue_dma source(%dma_start3A_134 : memref<80xi32, #tpu.memory_space<hbm>>) target(%arg11 : memref<80xi32, #tpu.memory_space<vmem>>) target_semaphore(%arg19 : memref<!tpu.dma_semaphore, #tpu.memory_space<semaphore_mem>>)
        %dma_start3A_135 = arith.constant 0 : i32
        %dma_start3A_136 = tpu.memref_slice %arg2[%mul3A_133, %dma_start3A_135] : memref<200000x128xf32, #tpu.memory_space<hbm>> -> memref<80x128xf32, #tpu.memory_space<hbm>>
        %dma_start3A_137 = arith.constant 0 : i32
        %dma_start3A_138 = tpu.memref_slice %arg2[%mul3A_133, %dma_start3A_137] : memref<200000x128xf32, #tpu.memory_space<hbm>> -> memref<80x128xf32, #tpu.memory_space<hbm>>
        tpu.enqueue_dma source(%dma_start3A_138 : memref<80x128xf32, #tpu.memory_space<hbm>>) target(%arg15 : memref<80x128xf32, #tpu.memory_space<vmem>>) target_semaphore(%arg23 : memref<!tpu.dma_semaphore, #tpu.memory_space<semaphore_mem>>)
      } else {
      }
      %lt3A_102 = arith.constant 2500 : i32
      %lt3A_103 = arith.cmpi slt, %add3A_48, %lt3A_102 : i32
      %convert_element_type3A_104 = arith.extui %lt3A_103 : i1 to i32
      %cond3A_105 = arith.constant 0 : i32
      %cond3A_106 = arith.cmpi ne, %convert_element_type3A_104, %cond3A_105 : i32
      scf.if %cond3A_106 {
        %mul3A_132 = arith.constant 80 : i32
        %mul3A_133 = arith.muli %add3A_48, %mul3A_132 : i32
        %dma_start3A = tpu.memref_slice %arg4[%mul3A_133] : memref<200000xi32, #tpu.memory_space<hbm>> -> memref<80xi32, #tpu.memory_space<hbm>>
        %dma_start3A_134 = tpu.memref_slice %arg4[%mul3A_133] : memref<200000xi32, #tpu.memory_space<hbm>> -> memref<80xi32, #tpu.memory_space<hbm>>
        tpu.enqueue_dma source(%dma_start3A_134 : memref<80xi32, #tpu.memory_space<hbm>>) target(%arg12 : memref<80xi32, #tpu.memory_space<vmem>>) target_semaphore(%arg20 : memref<!tpu.dma_semaphore, #tpu.memory_space<semaphore_mem>>)
        %dma_start3A_135 = arith.constant 0 : i32
        %dma_start3A_136 = tpu.memref_slice %arg2[%mul3A_133, %dma_start3A_135] : memref<200000x128xf32, #tpu.memory_space<hbm>> -> memref<80x128xf32, #tpu.memory_space<hbm>>
        %dma_start3A_137 = arith.constant 0 : i32
        %dma_start3A_138 = tpu.memref_slice %arg2[%mul3A_133, %dma_start3A_137] : memref<200000x128xf32, #tpu.memory_space<hbm>> -> memref<80x128xf32, #tpu.memory_space<hbm>>
        tpu.enqueue_dma source(%dma_start3A_138 : memref<80x128xf32, #tpu.memory_space<hbm>>) target(%arg16 : memref<80x128xf32, #tpu.memory_space<vmem>>) target_semaphore(%arg24 : memref<!tpu.dma_semaphore, #tpu.memory_space<semaphore_mem>>)
      } else {
      }
      %lt3A_107 = arith.constant 2500 : i32
      %lt3A_108 = arith.cmpi slt, %add3A_55, %lt3A_107 : i32
      %convert_element_type3A_109 = arith.extui %lt3A_108 : i1 to i32
      %cond3A_110 = arith.constant 0 : i32
      %cond3A_111 = arith.cmpi ne, %convert_element_type3A_109, %cond3A_110 : i32
      scf.if %cond3A_111 {
        %mul3A_132 = arith.constant 80 : i32
        %mul3A_133 = arith.muli %add3A_55, %mul3A_132 : i32
        %dma_start3A = tpu.memref_slice %arg4[%mul3A_133] : memref<200000xi32, #tpu.memory_space<hbm>> -> memref<80xi32, #tpu.memory_space<hbm>>
        %dma_start3A_134 = tpu.memref_slice %arg4[%mul3A_133] : memref<200000xi32, #tpu.memory_space<hbm>> -> memref<80xi32, #tpu.memory_space<hbm>>
        tpu.enqueue_dma source(%dma_start3A_134 : memref<80xi32, #tpu.memory_space<hbm>>) target(%arg13 : memref<80xi32, #tpu.memory_space<vmem>>) target_semaphore(%arg21 : memref<!tpu.dma_semaphore, #tpu.memory_space<semaphore_mem>>)
        %dma_start3A_135 = arith.constant 0 : i32
        %dma_start3A_136 = tpu.memref_slice %arg2[%mul3A_133, %dma_start3A_135] : memref<200000x128xf32, #tpu.memory_space<hbm>> -> memref<80x128xf32, #tpu.memory_space<hbm>>
        %dma_start3A_137 = arith.constant 0 : i32
        %dma_start3A_138 = tpu.memref_slice %arg2[%mul3A_133, %dma_start3A_137] : memref<200000x128xf32, #tpu.memory_space<hbm>> -> memref<80x128xf32, #tpu.memory_space<hbm>>
        tpu.enqueue_dma source(%dma_start3A_138 : memref<80x128xf32, #tpu.memory_space<hbm>>) target(%arg17 : memref<80x128xf32, #tpu.memory_space<vmem>>) target_semaphore(%arg25 : memref<!tpu.dma_semaphore, #tpu.memory_space<semaphore_mem>>)
      } else {
      }
      %lt3A_112 = arith.constant 2500 : i32
      %lt3A_113 = arith.cmpi slt, %add3A_34, %lt3A_112 : i32
      %convert_element_type3A_114 = arith.extui %lt3A_113 : i1 to i32
      %cond3A_115 = arith.constant 0 : i32
      %cond3A_116 = arith.cmpi ne, %convert_element_type3A_114, %cond3A_115 : i32
      scf.if %cond3A_116 {
        %mul3A_132 = arith.constant 80 : i32
        %mul3A_133 = arith.muli %add3A_34, %mul3A_132 : i32
        %dma_wait3A = tpu.memref_slice %arg4[%mul3A_133] : memref<200000xi32, #tpu.memory_space<hbm>> -> memref<80xi32, #tpu.memory_space<hbm>>
        %dma_wait3A_134 = tpu.memref_slice %arg4[%mul3A_133] : memref<200000xi32, #tpu.memory_space<hbm>> -> memref<80xi32, #tpu.memory_space<hbm>>
        tpu.wait_dma2 semaphore(%arg18 : memref<!tpu.dma_semaphore, #tpu.memory_space<semaphore_mem>>) src(%dma_wait3A_134 : memref<80xi32, #tpu.memory_space<hbm>>) dst(%arg10 : memref<80xi32, #tpu.memory_space<vmem>>)
        %dma_wait3A_135 = arith.constant 0 : i32
        %dma_wait3A_136 = tpu.memref_slice %arg2[%mul3A_133, %dma_wait3A_135] : memref<200000x128xf32, #tpu.memory_space<hbm>> -> memref<80x128xf32, #tpu.memory_space<hbm>>
        %dma_wait3A_137 = arith.constant 0 : i32
        %dma_wait3A_138 = tpu.memref_slice %arg2[%mul3A_133, %dma_wait3A_137] : memref<200000x128xf32, #tpu.memory_space<hbm>> -> memref<80x128xf32, #tpu.memory_space<hbm>>
        tpu.wait_dma2 semaphore(%arg22 : memref<!tpu.dma_semaphore, #tpu.memory_space<semaphore_mem>>) src(%dma_wait3A_138 : memref<80x128xf32, #tpu.memory_space<hbm>>) dst(%arg14 : memref<80x128xf32, #tpu.memory_space<vmem>>)
        %dma_start3A = arith.constant 0 : i32
        %dma_start3A_139 = arith.constant 0 : i32
        %dma_start3A_140 = tpu.memref_slice %arg9[%dma_start3A, %dma_start3A_139] : memref<10000x128xf32, #tpu.memory_space<vmem_shared>> -> memref<10000x128xf32, #tpu.memory_space<vmem_shared>>
        tpu.enqueue_indirect_dma source(%arg14 : memref<80x128xf32, #tpu.memory_space<vmem>>) target(%dma_start3A_140 : memref<10000x128xf32, #tpu.memory_space<vmem_shared>>) offsets(%arg10 : memref<80xi32, #tpu.memory_space<vmem>>) semaphore(%arg26 : memref<!tpu.dma_semaphore, #tpu.memory_space<semaphore_mem>>) {add = true}
      } else {
      }
      %lt3A_117 = arith.constant 2500 : i32
      %lt3A_118 = arith.cmpi slt, %add3A_41, %lt3A_117 : i32
      %convert_element_type3A_119 = arith.extui %lt3A_118 : i1 to i32
      %cond3A_120 = arith.constant 0 : i32
      %cond3A_121 = arith.cmpi ne, %convert_element_type3A_119, %cond3A_120 : i32
      scf.if %cond3A_121 {
        %mul3A_132 = arith.constant 80 : i32
        %mul3A_133 = arith.muli %add3A_41, %mul3A_132 : i32
        %dma_wait3A = tpu.memref_slice %arg4[%mul3A_133] : memref<200000xi32, #tpu.memory_space<hbm>> -> memref<80xi32, #tpu.memory_space<hbm>>
        %dma_wait3A_134 = tpu.memref_slice %arg4[%mul3A_133] : memref<200000xi32, #tpu.memory_space<hbm>> -> memref<80xi32, #tpu.memory_space<hbm>>
        tpu.wait_dma2 semaphore(%arg19 : memref<!tpu.dma_semaphore, #tpu.memory_space<semaphore_mem>>) src(%dma_wait3A_134 : memref<80xi32, #tpu.memory_space<hbm>>) dst(%arg11 : memref<80xi32, #tpu.memory_space<vmem>>)
        %dma_wait3A_135 = arith.constant 0 : i32
        %dma_wait3A_136 = tpu.memref_slice %arg2[%mul3A_133, %dma_wait3A_135] : memref<200000x128xf32, #tpu.memory_space<hbm>> -> memref<80x128xf32, #tpu.memory_space<hbm>>
        %dma_wait3A_137 = arith.constant 0 : i32
        %dma_wait3A_138 = tpu.memref_slice %arg2[%mul3A_133, %dma_wait3A_137] : memref<200000x128xf32, #tpu.memory_space<hbm>> -> memref<80x128xf32, #tpu.memory_space<hbm>>
        tpu.wait_dma2 semaphore(%arg23 : memref<!tpu.dma_semaphore, #tpu.memory_space<semaphore_mem>>) src(%dma_wait3A_138 : memref<80x128xf32, #tpu.memory_space<hbm>>) dst(%arg15 : memref<80x128xf32, #tpu.memory_space<vmem>>)
        %dma_start3A = arith.constant 0 : i32
        %dma_start3A_139 = arith.constant 0 : i32
        %dma_start3A_140 = tpu.memref_slice %arg9[%dma_start3A, %dma_start3A_139] : memref<10000x128xf32, #tpu.memory_space<vmem_shared>> -> memref<10000x128xf32, #tpu.memory_space<vmem_shared>>
        tpu.enqueue_indirect_dma source(%arg15 : memref<80x128xf32, #tpu.memory_space<vmem>>) target(%dma_start3A_140 : memref<10000x128xf32, #tpu.memory_space<vmem_shared>>) offsets(%arg11 : memref<80xi32, #tpu.memory_space<vmem>>) semaphore(%arg27 : memref<!tpu.dma_semaphore, #tpu.memory_space<semaphore_mem>>) {add = true}
      } else {
      }
      %lt3A_122 = arith.constant 2500 : i32
      %lt3A_123 = arith.cmpi slt, %add3A_48, %lt3A_122 : i32
      %convert_element_type3A_124 = arith.extui %lt3A_123 : i1 to i32
      %cond3A_125 = arith.constant 0 : i32
      %cond3A_126 = arith.cmpi ne, %convert_element_type3A_124, %cond3A_125 : i32
      scf.if %cond3A_126 {
        %mul3A_132 = arith.constant 80 : i32
        %mul3A_133 = arith.muli %add3A_48, %mul3A_132 : i32
        %dma_wait3A = tpu.memref_slice %arg4[%mul3A_133] : memref<200000xi32, #tpu.memory_space<hbm>> -> memref<80xi32, #tpu.memory_space<hbm>>
        %dma_wait3A_134 = tpu.memref_slice %arg4[%mul3A_133] : memref<200000xi32, #tpu.memory_space<hbm>> -> memref<80xi32, #tpu.memory_space<hbm>>
        tpu.wait_dma2 semaphore(%arg20 : memref<!tpu.dma_semaphore, #tpu.memory_space<semaphore_mem>>) src(%dma_wait3A_134 : memref<80xi32, #tpu.memory_space<hbm>>) dst(%arg12 : memref<80xi32, #tpu.memory_space<vmem>>)
        %dma_wait3A_135 = arith.constant 0 : i32
        %dma_wait3A_136 = tpu.memref_slice %arg2[%mul3A_133, %dma_wait3A_135] : memref<200000x128xf32, #tpu.memory_space<hbm>> -> memref<80x128xf32, #tpu.memory_space<hbm>>
        %dma_wait3A_137 = arith.constant 0 : i32
        %dma_wait3A_138 = tpu.memref_slice %arg2[%mul3A_133, %dma_wait3A_137] : memref<200000x128xf32, #tpu.memory_space<hbm>> -> memref<80x128xf32, #tpu.memory_space<hbm>>
        tpu.wait_dma2 semaphore(%arg24 : memref<!tpu.dma_semaphore, #tpu.memory_space<semaphore_mem>>) src(%dma_wait3A_138 : memref<80x128xf32, #tpu.memory_space<hbm>>) dst(%arg16 : memref<80x128xf32, #tpu.memory_space<vmem>>)
        %dma_start3A = arith.constant 0 : i32
        %dma_start3A_139 = arith.constant 0 : i32
        %dma_start3A_140 = tpu.memref_slice %arg9[%dma_start3A, %dma_start3A_139] : memref<10000x128xf32, #tpu.memory_space<vmem_shared>> -> memref<10000x128xf32, #tpu.memory_space<vmem_shared>>
        tpu.enqueue_indirect_dma source(%arg16 : memref<80x128xf32, #tpu.memory_space<vmem>>) target(%dma_start3A_140 : memref<10000x128xf32, #tpu.memory_space<vmem_shared>>) offsets(%arg12 : memref<80xi32, #tpu.memory_space<vmem>>) semaphore(%arg28 : memref<!tpu.dma_semaphore, #tpu.memory_space<semaphore_mem>>) {add = true}
      } else {
      }
      %lt3A_127 = arith.constant 2500 : i32
      %lt3A_128 = arith.cmpi slt, %add3A_55, %lt3A_127 : i32
      %convert_element_type3A_129 = arith.extui %lt3A_128 : i1 to i32
      %cond3A_130 = arith.constant 0 : i32
      %cond3A_131 = arith.cmpi ne, %convert_element_type3A_129, %cond3A_130 : i32
      scf.if %cond3A_131 {
        %mul3A_132 = arith.constant 80 : i32
        %mul3A_133 = arith.muli %add3A_55, %mul3A_132 : i32
        %dma_wait3A = tpu.memref_slice %arg4[%mul3A_133] : memref<200000xi32, #tpu.memory_space<hbm>> -> memref<80xi32, #tpu.memory_space<hbm>>
        %dma_wait3A_134 = tpu.memref_slice %arg4[%mul3A_133] : memref<200000xi32, #tpu.memory_space<hbm>> -> memref<80xi32, #tpu.memory_space<hbm>>
        tpu.wait_dma2 semaphore(%arg21 : memref<!tpu.dma_semaphore, #tpu.memory_space<semaphore_mem>>) src(%dma_wait3A_134 : memref<80xi32, #tpu.memory_space<hbm>>) dst(%arg13 : memref<80xi32, #tpu.memory_space<vmem>>)
        %dma_wait3A_135 = arith.constant 0 : i32
        %dma_wait3A_136 = tpu.memref_slice %arg2[%mul3A_133, %dma_wait3A_135] : memref<200000x128xf32, #tpu.memory_space<hbm>> -> memref<80x128xf32, #tpu.memory_space<hbm>>
        %dma_wait3A_137 = arith.constant 0 : i32
        %dma_wait3A_138 = tpu.memref_slice %arg2[%mul3A_133, %dma_wait3A_137] : memref<200000x128xf32, #tpu.memory_space<hbm>> -> memref<80x128xf32, #tpu.memory_space<hbm>>
        tpu.wait_dma2 semaphore(%arg25 : memref<!tpu.dma_semaphore, #tpu.memory_space<semaphore_mem>>) src(%dma_wait3A_138 : memref<80x128xf32, #tpu.memory_space<hbm>>) dst(%arg17 : memref<80x128xf32, #tpu.memory_space<vmem>>)
        %dma_start3A = arith.constant 0 : i32
        %dma_start3A_139 = arith.constant 0 : i32
        %dma_start3A_140 = tpu.memref_slice %arg9[%dma_start3A, %dma_start3A_139] : memref<10000x128xf32, #tpu.memory_space<vmem_shared>> -> memref<10000x128xf32, #tpu.memory_space<vmem_shared>>
        tpu.enqueue_indirect_dma source(%arg17 : memref<80x128xf32, #tpu.memory_space<vmem>>) target(%dma_start3A_140 : memref<10000x128xf32, #tpu.memory_space<vmem_shared>>) offsets(%arg13 : memref<80xi32, #tpu.memory_space<vmem>>) semaphore(%arg29 : memref<!tpu.dma_semaphore, #tpu.memory_space<semaphore_mem>>) {add = true}
      } else {
      }
    }
    %scan3A_9 = arith.constant 21 : i32
    %scan3A_10 = arith.constant 0 : i32
    %scan3A_11 = arith.constant 0 : i32
    %scan3A_12 = arith.constant 7 : i32
    %scan3A_13 = arith.addi %scan3A_11, %scan3A_12 : i32
    %scan3A_14 = arith.constant 1 : i32
    scf.for %scan3A_27 = %scan3A_11 to %scan3A_13 step %scan3A_14  : i32 {
      %mul3A_28 = arith.constant 4 : i32
      %mul3A_29 = arith.muli %scan3A_27, %mul3A_28 : i32
      %add3A_30 = arith.constant 0 : i32
      %add3A_31 = arith.addi %mul3A_29, %add3A_30 : i32
      %mul3A_32 = arith.constant 32 : i32
      %mul3A_33 = arith.muli %mul3A_32, %add3A_31 : i32
      %add3A_34 = arith.addi %add3A, %mul3A_33 : i32
      %mul3A_35 = arith.constant 4 : i32
      %mul3A_36 = arith.muli %scan3A_27, %mul3A_35 : i32
      %add3A_37 = arith.constant 1 : i32
      %add3A_38 = arith.addi %mul3A_36, %add3A_37 : i32
      %mul3A_39 = arith.constant 32 : i32
      %mul3A_40 = arith.muli %mul3A_39, %add3A_38 : i32
      %add3A_41 = arith.addi %add3A, %mul3A_40 : i32
      %mul3A_42 = arith.constant 4 : i32
      %mul3A_43 = arith.muli %scan3A_27, %mul3A_42 : i32
      %add3A_44 = arith.constant 2 : i32
      %add3A_45 = arith.addi %mul3A_43, %add3A_44 : i32
      %mul3A_46 = arith.constant 32 : i32
      %mul3A_47 = arith.muli %mul3A_46, %add3A_45 : i32
      %add3A_48 = arith.addi %add3A, %mul3A_47 : i32
      %mul3A_49 = arith.constant 4 : i32
      %mul3A_50 = arith.muli %scan3A_27, %mul3A_49 : i32
      %add3A_51 = arith.constant 3 : i32
      %add3A_52 = arith.addi %mul3A_50, %add3A_51 : i32
      %mul3A_53 = arith.constant 32 : i32
      %mul3A_54 = arith.muli %mul3A_53, %add3A_52 : i32
      %add3A_55 = arith.addi %add3A, %mul3A_54 : i32
      %sub3A = arith.constant 128 : i32
      %sub3A_56 = arith.subi %add3A_34, %sub3A : i32
      %ge3A = arith.constant 0 : i32
      %ge3A_57 = arith.cmpi sge, %sub3A_56, %ge3A : i32
      %lt3A = arith.constant 750 : i32
      %lt3A_58 = arith.cmpi slt, %sub3A_56, %lt3A : i32
      %and3A = arith.andi %ge3A_57, %lt3A_58 : i1
      %convert_element_type3A_59 = arith.extui %and3A : i1 to i32
      %cond3A_60 = arith.constant 0 : i32
      %cond3A_61 = arith.cmpi ne, %convert_element_type3A_59, %cond3A_60 : i32
      scf.if %cond3A_61 {
        %dma_wait3A = arith.constant 0 : i32
        %dma_wait3A_132 = arith.constant 0 : i32
        %dma_wait3A_133 = tpu.memref_slice %arg9[%dma_wait3A, %dma_wait3A_132] : memref<10000x128xf32, #tpu.memory_space<vmem_shared>> -> memref<10000x128xf32, #tpu.memory_space<vmem_shared>>
        tpu.wait_indirect_dma semaphore(%arg26 : memref<!tpu.dma_semaphore, #tpu.memory_space<semaphore_mem>>) src(%arg14 : memref<80x128xf32, #tpu.memory_space<vmem>>) dst(%dma_wait3A_133 : memref<10000x128xf32, #tpu.memory_space<vmem_shared>>)
      } else {
      }
      %sub3A_62 = arith.constant 128 : i32
      %sub3A_63 = arith.subi %add3A_41, %sub3A_62 : i32
      %ge3A_64 = arith.constant 0 : i32
      %ge3A_65 = arith.cmpi sge, %sub3A_63, %ge3A_64 : i32
      %lt3A_66 = arith.constant 750 : i32
      %lt3A_67 = arith.cmpi slt, %sub3A_63, %lt3A_66 : i32
      %and3A_68 = arith.andi %ge3A_65, %lt3A_67 : i1
      %convert_element_type3A_69 = arith.extui %and3A_68 : i1 to i32
      %cond3A_70 = arith.constant 0 : i32
      %cond3A_71 = arith.cmpi ne, %convert_element_type3A_69, %cond3A_70 : i32
      scf.if %cond3A_71 {
        %dma_wait3A = arith.constant 0 : i32
        %dma_wait3A_132 = arith.constant 0 : i32
        %dma_wait3A_133 = tpu.memref_slice %arg9[%dma_wait3A, %dma_wait3A_132] : memref<10000x128xf32, #tpu.memory_space<vmem_shared>> -> memref<10000x128xf32, #tpu.memory_space<vmem_shared>>
        tpu.wait_indirect_dma semaphore(%arg27 : memref<!tpu.dma_semaphore, #tpu.memory_space<semaphore_mem>>) src(%arg15 : memref<80x128xf32, #tpu.memory_space<vmem>>) dst(%dma_wait3A_133 : memref<10000x128xf32, #tpu.memory_space<vmem_shared>>)
      } else {
      }
      %sub3A_72 = arith.constant 128 : i32
      %sub3A_73 = arith.subi %add3A_48, %sub3A_72 : i32
      %ge3A_74 = arith.constant 0 : i32
      %ge3A_75 = arith.cmpi sge, %sub3A_73, %ge3A_74 : i32
      %lt3A_76 = arith.constant 750 : i32
      %lt3A_77 = arith.cmpi slt, %sub3A_73, %lt3A_76 : i32
      %and3A_78 = arith.andi %ge3A_75, %lt3A_77 : i1
      %convert_element_type3A_79 = arith.extui %and3A_78 : i1 to i32
      %cond3A_80 = arith.constant 0 : i32
      %cond3A_81 = arith.cmpi ne, %convert_element_type3A_79, %cond3A_80 : i32
      scf.if %cond3A_81 {
        %dma_wait3A = arith.constant 0 : i32
        %dma_wait3A_132 = arith.constant 0 : i32
        %dma_wait3A_133 = tpu.memref_slice %arg9[%dma_wait3A, %dma_wait3A_132] : memref<10000x128xf32, #tpu.memory_space<vmem_shared>> -> memref<10000x128xf32, #tpu.memory_space<vmem_shared>>
        tpu.wait_indirect_dma semaphore(%arg28 : memref<!tpu.dma_semaphore, #tpu.memory_space<semaphore_mem>>) src(%arg16 : memref<80x128xf32, #tpu.memory_space<vmem>>) dst(%dma_wait3A_133 : memref<10000x128xf32, #tpu.memory_space<vmem_shared>>)
      } else {
      }
      %sub3A_82 = arith.constant 128 : i32
      %sub3A_83 = arith.subi %add3A_55, %sub3A_82 : i32
      %ge3A_84 = arith.constant 0 : i32
      %ge3A_85 = arith.cmpi sge, %sub3A_83, %ge3A_84 : i32
      %lt3A_86 = arith.constant 750 : i32
      %lt3A_87 = arith.cmpi slt, %sub3A_83, %lt3A_86 : i32
      %and3A_88 = arith.andi %ge3A_85, %lt3A_87 : i1
      %convert_element_type3A_89 = arith.extui %and3A_88 : i1 to i32
      %cond3A_90 = arith.constant 0 : i32
      %cond3A_91 = arith.cmpi ne, %convert_element_type3A_89, %cond3A_90 : i32
      scf.if %cond3A_91 {
        %dma_wait3A = arith.constant 0 : i32
        %dma_wait3A_132 = arith.constant 0 : i32
        %dma_wait3A_133 = tpu.memref_slice %arg9[%dma_wait3A, %dma_wait3A_132] : memref<10000x128xf32, #tpu.memory_space<vmem_shared>> -> memref<10000x128xf32, #tpu.memory_space<vmem_shared>>
        tpu.wait_indirect_dma semaphore(%arg29 : memref<!tpu.dma_semaphore, #tpu.memory_space<semaphore_mem>>) src(%arg17 : memref<80x128xf32, #tpu.memory_space<vmem>>) dst(%dma_wait3A_133 : memref<10000x128xf32, #tpu.memory_space<vmem_shared>>)
      } else {
      }
      %lt3A_92 = arith.constant 750 : i32
      %lt3A_93 = arith.cmpi slt, %add3A_34, %lt3A_92 : i32
      %convert_element_type3A_94 = arith.extui %lt3A_93 : i1 to i32
      %cond3A_95 = arith.constant 0 : i32
      %cond3A_96 = arith.cmpi ne, %convert_element_type3A_94, %cond3A_95 : i32
      scf.if %cond3A_96 {
        %mul3A_132 = arith.constant 80 : i32
        %mul3A_133 = arith.muli %add3A_34, %mul3A_132 : i32
        %dma_start3A = tpu.memref_slice %arg5[%mul3A_133] : memref<60000xi32, #tpu.memory_space<hbm>> -> memref<80xi32, #tpu.memory_space<hbm>>
        %dma_start3A_134 = tpu.memref_slice %arg5[%mul3A_133] : memref<60000xi32, #tpu.memory_space<hbm>> -> memref<80xi32, #tpu.memory_space<hbm>>
        tpu.enqueue_dma source(%dma_start3A_134 : memref<80xi32, #tpu.memory_space<hbm>>) target(%arg10 : memref<80xi32, #tpu.memory_space<vmem>>) target_semaphore(%arg18 : memref<!tpu.dma_semaphore, #tpu.memory_space<semaphore_mem>>)
        %dma_start3A_135 = arith.constant 0 : i32
        %dma_start3A_136 = tpu.memref_slice %arg3[%mul3A_133, %dma_start3A_135] : memref<60000x128xf32, #tpu.memory_space<hbm>> -> memref<80x128xf32, #tpu.memory_space<hbm>>
        %dma_start3A_137 = arith.constant 0 : i32
        %dma_start3A_138 = tpu.memref_slice %arg3[%mul3A_133, %dma_start3A_137] : memref<60000x128xf32, #tpu.memory_space<hbm>> -> memref<80x128xf32, #tpu.memory_space<hbm>>
        tpu.enqueue_dma source(%dma_start3A_138 : memref<80x128xf32, #tpu.memory_space<hbm>>) target(%arg14 : memref<80x128xf32, #tpu.memory_space<vmem>>) target_semaphore(%arg22 : memref<!tpu.dma_semaphore, #tpu.memory_space<semaphore_mem>>)
      } else {
      }
      %lt3A_97 = arith.constant 750 : i32
      %lt3A_98 = arith.cmpi slt, %add3A_41, %lt3A_97 : i32
      %convert_element_type3A_99 = arith.extui %lt3A_98 : i1 to i32
      %cond3A_100 = arith.constant 0 : i32
      %cond3A_101 = arith.cmpi ne, %convert_element_type3A_99, %cond3A_100 : i32
      scf.if %cond3A_101 {
        %mul3A_132 = arith.constant 80 : i32
        %mul3A_133 = arith.muli %add3A_41, %mul3A_132 : i32
        %dma_start3A = tpu.memref_slice %arg5[%mul3A_133] : memref<60000xi32, #tpu.memory_space<hbm>> -> memref<80xi32, #tpu.memory_space<hbm>>
        %dma_start3A_134 = tpu.memref_slice %arg5[%mul3A_133] : memref<60000xi32, #tpu.memory_space<hbm>> -> memref<80xi32, #tpu.memory_space<hbm>>
        tpu.enqueue_dma source(%dma_start3A_134 : memref<80xi32, #tpu.memory_space<hbm>>) target(%arg11 : memref<80xi32, #tpu.memory_space<vmem>>) target_semaphore(%arg19 : memref<!tpu.dma_semaphore, #tpu.memory_space<semaphore_mem>>)
        %dma_start3A_135 = arith.constant 0 : i32
        %dma_start3A_136 = tpu.memref_slice %arg3[%mul3A_133, %dma_start3A_135] : memref<60000x128xf32, #tpu.memory_space<hbm>> -> memref<80x128xf32, #tpu.memory_space<hbm>>
        %dma_start3A_137 = arith.constant 0 : i32
        %dma_start3A_138 = tpu.memref_slice %arg3[%mul3A_133, %dma_start3A_137] : memref<60000x128xf32, #tpu.memory_space<hbm>> -> memref<80x128xf32, #tpu.memory_space<hbm>>
        tpu.enqueue_dma source(%dma_start3A_138 : memref<80x128xf32, #tpu.memory_space<hbm>>) target(%arg15 : memref<80x128xf32, #tpu.memory_space<vmem>>) target_semaphore(%arg23 : memref<!tpu.dma_semaphore, #tpu.memory_space<semaphore_mem>>)
      } else {
      }
      %lt3A_102 = arith.constant 750 : i32
      %lt3A_103 = arith.cmpi slt, %add3A_48, %lt3A_102 : i32
      %convert_element_type3A_104 = arith.extui %lt3A_103 : i1 to i32
      %cond3A_105 = arith.constant 0 : i32
      %cond3A_106 = arith.cmpi ne, %convert_element_type3A_104, %cond3A_105 : i32
      scf.if %cond3A_106 {
        %mul3A_132 = arith.constant 80 : i32
        %mul3A_133 = arith.muli %add3A_48, %mul3A_132 : i32
        %dma_start3A = tpu.memref_slice %arg5[%mul3A_133] : memref<60000xi32, #tpu.memory_space<hbm>> -> memref<80xi32, #tpu.memory_space<hbm>>
        %dma_start3A_134 = tpu.memref_slice %arg5[%mul3A_133] : memref<60000xi32, #tpu.memory_space<hbm>> -> memref<80xi32, #tpu.memory_space<hbm>>
        tpu.enqueue_dma source(%dma_start3A_134 : memref<80xi32, #tpu.memory_space<hbm>>) target(%arg12 : memref<80xi32, #tpu.memory_space<vmem>>) target_semaphore(%arg20 : memref<!tpu.dma_semaphore, #tpu.memory_space<semaphore_mem>>)
        %dma_start3A_135 = arith.constant 0 : i32
        %dma_start3A_136 = tpu.memref_slice %arg3[%mul3A_133, %dma_start3A_135] : memref<60000x128xf32, #tpu.memory_space<hbm>> -> memref<80x128xf32, #tpu.memory_space<hbm>>
        %dma_start3A_137 = arith.constant 0 : i32
        %dma_start3A_138 = tpu.memref_slice %arg3[%mul3A_133, %dma_start3A_137] : memref<60000x128xf32, #tpu.memory_space<hbm>> -> memref<80x128xf32, #tpu.memory_space<hbm>>
        tpu.enqueue_dma source(%dma_start3A_138 : memref<80x128xf32, #tpu.memory_space<hbm>>) target(%arg16 : memref<80x128xf32, #tpu.memory_space<vmem>>) target_semaphore(%arg24 : memref<!tpu.dma_semaphore, #tpu.memory_space<semaphore_mem>>)
      } else {
      }
      %lt3A_107 = arith.constant 750 : i32
      %lt3A_108 = arith.cmpi slt, %add3A_55, %lt3A_107 : i32
      %convert_element_type3A_109 = arith.extui %lt3A_108 : i1 to i32
      %cond3A_110 = arith.constant 0 : i32
      %cond3A_111 = arith.cmpi ne, %convert_element_type3A_109, %cond3A_110 : i32
      scf.if %cond3A_111 {
        %mul3A_132 = arith.constant 80 : i32
        %mul3A_133 = arith.muli %add3A_55, %mul3A_132 : i32
        %dma_start3A = tpu.memref_slice %arg5[%mul3A_133] : memref<60000xi32, #tpu.memory_space<hbm>> -> memref<80xi32, #tpu.memory_space<hbm>>
        %dma_start3A_134 = tpu.memref_slice %arg5[%mul3A_133] : memref<60000xi32, #tpu.memory_space<hbm>> -> memref<80xi32, #tpu.memory_space<hbm>>
        tpu.enqueue_dma source(%dma_start3A_134 : memref<80xi32, #tpu.memory_space<hbm>>) target(%arg13 : memref<80xi32, #tpu.memory_space<vmem>>) target_semaphore(%arg21 : memref<!tpu.dma_semaphore, #tpu.memory_space<semaphore_mem>>)
        %dma_start3A_135 = arith.constant 0 : i32
        %dma_start3A_136 = tpu.memref_slice %arg3[%mul3A_133, %dma_start3A_135] : memref<60000x128xf32, #tpu.memory_space<hbm>> -> memref<80x128xf32, #tpu.memory_space<hbm>>
        %dma_start3A_137 = arith.constant 0 : i32
        %dma_start3A_138 = tpu.memref_slice %arg3[%mul3A_133, %dma_start3A_137] : memref<60000x128xf32, #tpu.memory_space<hbm>> -> memref<80x128xf32, #tpu.memory_space<hbm>>
        tpu.enqueue_dma source(%dma_start3A_138 : memref<80x128xf32, #tpu.memory_space<hbm>>) target(%arg17 : memref<80x128xf32, #tpu.memory_space<vmem>>) target_semaphore(%arg25 : memref<!tpu.dma_semaphore, #tpu.memory_space<semaphore_mem>>)
      } else {
      }
      %lt3A_112 = arith.constant 750 : i32
      %lt3A_113 = arith.cmpi slt, %add3A_34, %lt3A_112 : i32
      %convert_element_type3A_114 = arith.extui %lt3A_113 : i1 to i32
      %cond3A_115 = arith.constant 0 : i32
      %cond3A_116 = arith.cmpi ne, %convert_element_type3A_114, %cond3A_115 : i32
      scf.if %cond3A_116 {
        %mul3A_132 = arith.constant 80 : i32
        %mul3A_133 = arith.muli %add3A_34, %mul3A_132 : i32
        %dma_wait3A = tpu.memref_slice %arg5[%mul3A_133] : memref<60000xi32, #tpu.memory_space<hbm>> -> memref<80xi32, #tpu.memory_space<hbm>>
        %dma_wait3A_134 = tpu.memref_slice %arg5[%mul3A_133] : memref<60000xi32, #tpu.memory_space<hbm>> -> memref<80xi32, #tpu.memory_space<hbm>>
        tpu.wait_dma2 semaphore(%arg18 : memref<!tpu.dma_semaphore, #tpu.memory_space<semaphore_mem>>) src(%dma_wait3A_134 : memref<80xi32, #tpu.memory_space<hbm>>) dst(%arg10 : memref<80xi32, #tpu.memory_space<vmem>>)
        %dma_wait3A_135 = arith.constant 0 : i32
        %dma_wait3A_136 = tpu.memref_slice %arg3[%mul3A_133, %dma_wait3A_135] : memref<60000x128xf32, #tpu.memory_space<hbm>> -> memref<80x128xf32, #tpu.memory_space<hbm>>
        %dma_wait3A_137 = arith.constant 0 : i32
        %dma_wait3A_138 = tpu.memref_slice %arg3[%mul3A_133, %dma_wait3A_137] : memref<60000x128xf32, #tpu.memory_space<hbm>> -> memref<80x128xf32, #tpu.memory_space<hbm>>
        tpu.wait_dma2 semaphore(%arg22 : memref<!tpu.dma_semaphore, #tpu.memory_space<semaphore_mem>>) src(%dma_wait3A_138 : memref<80x128xf32, #tpu.memory_space<hbm>>) dst(%arg14 : memref<80x128xf32, #tpu.memory_space<vmem>>)
        %dma_start3A = arith.constant 0 : i32
        %dma_start3A_139 = arith.constant 0 : i32
        %dma_start3A_140 = tpu.memref_slice %arg9[%dma_start3A, %dma_start3A_139] : memref<10000x128xf32, #tpu.memory_space<vmem_shared>> -> memref<10000x128xf32, #tpu.memory_space<vmem_shared>>
        tpu.enqueue_indirect_dma source(%arg14 : memref<80x128xf32, #tpu.memory_space<vmem>>) target(%dma_start3A_140 : memref<10000x128xf32, #tpu.memory_space<vmem_shared>>) offsets(%arg10 : memref<80xi32, #tpu.memory_space<vmem>>) semaphore(%arg26 : memref<!tpu.dma_semaphore, #tpu.memory_space<semaphore_mem>>) {add = true}
      } else {
      }
      %lt3A_117 = arith.constant 750 : i32
      %lt3A_118 = arith.cmpi slt, %add3A_41, %lt3A_117 : i32
      %convert_element_type3A_119 = arith.extui %lt3A_118 : i1 to i32
      %cond3A_120 = arith.constant 0 : i32
      %cond3A_121 = arith.cmpi ne, %convert_element_type3A_119, %cond3A_120 : i32
      scf.if %cond3A_121 {
        %mul3A_132 = arith.constant 80 : i32
        %mul3A_133 = arith.muli %add3A_41, %mul3A_132 : i32
        %dma_wait3A = tpu.memref_slice %arg5[%mul3A_133] : memref<60000xi32, #tpu.memory_space<hbm>> -> memref<80xi32, #tpu.memory_space<hbm>>
        %dma_wait3A_134 = tpu.memref_slice %arg5[%mul3A_133] : memref<60000xi32, #tpu.memory_space<hbm>> -> memref<80xi32, #tpu.memory_space<hbm>>
        tpu.wait_dma2 semaphore(%arg19 : memref<!tpu.dma_semaphore, #tpu.memory_space<semaphore_mem>>) src(%dma_wait3A_134 : memref<80xi32, #tpu.memory_space<hbm>>) dst(%arg11 : memref<80xi32, #tpu.memory_space<vmem>>)
        %dma_wait3A_135 = arith.constant 0 : i32
        %dma_wait3A_136 = tpu.memref_slice %arg3[%mul3A_133, %dma_wait3A_135] : memref<60000x128xf32, #tpu.memory_space<hbm>> -> memref<80x128xf32, #tpu.memory_space<hbm>>
        %dma_wait3A_137 = arith.constant 0 : i32
        %dma_wait3A_138 = tpu.memref_slice %arg3[%mul3A_133, %dma_wait3A_137] : memref<60000x128xf32, #tpu.memory_space<hbm>> -> memref<80x128xf32, #tpu.memory_space<hbm>>
        tpu.wait_dma2 semaphore(%arg23 : memref<!tpu.dma_semaphore, #tpu.memory_space<semaphore_mem>>) src(%dma_wait3A_138 : memref<80x128xf32, #tpu.memory_space<hbm>>) dst(%arg15 : memref<80x128xf32, #tpu.memory_space<vmem>>)
        %dma_start3A = arith.constant 0 : i32
        %dma_start3A_139 = arith.constant 0 : i32
        %dma_start3A_140 = tpu.memref_slice %arg9[%dma_start3A, %dma_start3A_139] : memref<10000x128xf32, #tpu.memory_space<vmem_shared>> -> memref<10000x128xf32, #tpu.memory_space<vmem_shared>>
        tpu.enqueue_indirect_dma source(%arg15 : memref<80x128xf32, #tpu.memory_space<vmem>>) target(%dma_start3A_140 : memref<10000x128xf32, #tpu.memory_space<vmem_shared>>) offsets(%arg11 : memref<80xi32, #tpu.memory_space<vmem>>) semaphore(%arg27 : memref<!tpu.dma_semaphore, #tpu.memory_space<semaphore_mem>>) {add = true}
      } else {
      }
      %lt3A_122 = arith.constant 750 : i32
      %lt3A_123 = arith.cmpi slt, %add3A_48, %lt3A_122 : i32
      %convert_element_type3A_124 = arith.extui %lt3A_123 : i1 to i32
      %cond3A_125 = arith.constant 0 : i32
      %cond3A_126 = arith.cmpi ne, %convert_element_type3A_124, %cond3A_125 : i32
      scf.if %cond3A_126 {
        %mul3A_132 = arith.constant 80 : i32
        %mul3A_133 = arith.muli %add3A_48, %mul3A_132 : i32
        %dma_wait3A = tpu.memref_slice %arg5[%mul3A_133] : memref<60000xi32, #tpu.memory_space<hbm>> -> memref<80xi32, #tpu.memory_space<hbm>>
        %dma_wait3A_134 = tpu.memref_slice %arg5[%mul3A_133] : memref<60000xi32, #tpu.memory_space<hbm>> -> memref<80xi32, #tpu.memory_space<hbm>>
        tpu.wait_dma2 semaphore(%arg20 : memref<!tpu.dma_semaphore, #tpu.memory_space<semaphore_mem>>) src(%dma_wait3A_134 : memref<80xi32, #tpu.memory_space<hbm>>) dst(%arg12 : memref<80xi32, #tpu.memory_space<vmem>>)
        %dma_wait3A_135 = arith.constant 0 : i32
        %dma_wait3A_136 = tpu.memref_slice %arg3[%mul3A_133, %dma_wait3A_135] : memref<60000x128xf32, #tpu.memory_space<hbm>> -> memref<80x128xf32, #tpu.memory_space<hbm>>
        %dma_wait3A_137 = arith.constant 0 : i32
        %dma_wait3A_138 = tpu.memref_slice %arg3[%mul3A_133, %dma_wait3A_137] : memref<60000x128xf32, #tpu.memory_space<hbm>> -> memref<80x128xf32, #tpu.memory_space<hbm>>
        tpu.wait_dma2 semaphore(%arg24 : memref<!tpu.dma_semaphore, #tpu.memory_space<semaphore_mem>>) src(%dma_wait3A_138 : memref<80x128xf32, #tpu.memory_space<hbm>>) dst(%arg16 : memref<80x128xf32, #tpu.memory_space<vmem>>)
        %dma_start3A = arith.constant 0 : i32
        %dma_start3A_139 = arith.constant 0 : i32
        %dma_start3A_140 = tpu.memref_slice %arg9[%dma_start3A, %dma_start3A_139] : memref<10000x128xf32, #tpu.memory_space<vmem_shared>> -> memref<10000x128xf32, #tpu.memory_space<vmem_shared>>
        tpu.enqueue_indirect_dma source(%arg16 : memref<80x128xf32, #tpu.memory_space<vmem>>) target(%dma_start3A_140 : memref<10000x128xf32, #tpu.memory_space<vmem_shared>>) offsets(%arg12 : memref<80xi32, #tpu.memory_space<vmem>>) semaphore(%arg28 : memref<!tpu.dma_semaphore, #tpu.memory_space<semaphore_mem>>) {add = true}
      } else {
      }
      %lt3A_127 = arith.constant 750 : i32
      %lt3A_128 = arith.cmpi slt, %add3A_55, %lt3A_127 : i32
      %convert_element_type3A_129 = arith.extui %lt3A_128 : i1 to i32
      %cond3A_130 = arith.constant 0 : i32
      %cond3A_131 = arith.cmpi ne, %convert_element_type3A_129, %cond3A_130 : i32
      scf.if %cond3A_131 {
        %mul3A_132 = arith.constant 80 : i32
        %mul3A_133 = arith.muli %add3A_55, %mul3A_132 : i32
        %dma_wait3A = tpu.memref_slice %arg5[%mul3A_133] : memref<60000xi32, #tpu.memory_space<hbm>> -> memref<80xi32, #tpu.memory_space<hbm>>
        %dma_wait3A_134 = tpu.memref_slice %arg5[%mul3A_133] : memref<60000xi32, #tpu.memory_space<hbm>> -> memref<80xi32, #tpu.memory_space<hbm>>
        tpu.wait_dma2 semaphore(%arg21 : memref<!tpu.dma_semaphore, #tpu.memory_space<semaphore_mem>>) src(%dma_wait3A_134 : memref<80xi32, #tpu.memory_space<hbm>>) dst(%arg13 : memref<80xi32, #tpu.memory_space<vmem>>)
        %dma_wait3A_135 = arith.constant 0 : i32
        %dma_wait3A_136 = tpu.memref_slice %arg3[%mul3A_133, %dma_wait3A_135] : memref<60000x128xf32, #tpu.memory_space<hbm>> -> memref<80x128xf32, #tpu.memory_space<hbm>>
        %dma_wait3A_137 = arith.constant 0 : i32
        %dma_wait3A_138 = tpu.memref_slice %arg3[%mul3A_133, %dma_wait3A_137] : memref<60000x128xf32, #tpu.memory_space<hbm>> -> memref<80x128xf32, #tpu.memory_space<hbm>>
        tpu.wait_dma2 semaphore(%arg25 : memref<!tpu.dma_semaphore, #tpu.memory_space<semaphore_mem>>) src(%dma_wait3A_138 : memref<80x128xf32, #tpu.memory_space<hbm>>) dst(%arg17 : memref<80x128xf32, #tpu.memory_space<vmem>>)
        %dma_start3A = arith.constant 0 : i32
        %dma_start3A_139 = arith.constant 0 : i32
        %dma_start3A_140 = tpu.memref_slice %arg9[%dma_start3A, %dma_start3A_139] : memref<10000x128xf32, #tpu.memory_space<vmem_shared>> -> memref<10000x128xf32, #tpu.memory_space<vmem_shared>>
        tpu.enqueue_indirect_dma source(%arg17 : memref<80x128xf32, #tpu.memory_space<vmem>>) target(%dma_start3A_140 : memref<10000x128xf32, #tpu.memory_space<vmem_shared>>) offsets(%arg13 : memref<80xi32, #tpu.memory_space<vmem>>) semaphore(%arg29 : memref<!tpu.dma_semaphore, #tpu.memory_space<semaphore_mem>>) {add = true}
      } else {
      }
    }
    %scan3A_15 = arith.constant 7 : i32
    %barrier3A_16 = arith.constant 0 : index
    tpu.barrier barrier_id(%barrier3A_16)
    %eq3A_17 = arith.constant 0 : i32
    %eq3A_18 = arith.cmpi eq, %arg0, %eq3A_17 : i32
    %convert_element_type3A_19 = arith.extui %eq3A_18 : i1 to i32
    %cond3A_20 = arith.constant 0 : i32
    %cond3A_21 = arith.cmpi ne, %convert_element_type3A_19, %cond3A_20 : i32
    scf.if %cond3A_21 {
      "tpu.region"() ({
        %run_scoped3A = tpu.sem_alloc : memref<!tpu.dma_semaphore, #tpu.memory_space<semaphore_mem>>
        %dma_start3A = arith.constant 0 : i32
        %dma_start3A_32 = tpu.memref_slice %arg7[%mul3A_2, %dma_start3A] : memref<10000x128xf32, #tpu.memory_space<hbm>> -> memref<624x128xf32, #tpu.memory_space<hbm>>
        %dma_start3A_33 = arith.constant 0 : i32
        %dma_start3A_34 = tpu.memref_slice %arg9[%mul3A_2, %dma_start3A_33] : memref<10000x128xf32, #tpu.memory_space<vmem_shared>> -> memref<624x128xf32, #tpu.memory_space<vmem_shared>>
        tpu.enqueue_dma source(%dma_start3A_34 : memref<624x128xf32, #tpu.memory_space<vmem_shared>>) target(%dma_start3A_32 : memref<624x128xf32, #tpu.memory_space<hbm>>) target_semaphore(%run_scoped3A : memref<!tpu.dma_semaphore, #tpu.memory_space<semaphore_mem>>)
        %dma_wait3A = arith.constant 0 : i32
        %dma_wait3A_35 = tpu.memref_slice %arg7[%mul3A_2, %dma_wait3A] : memref<10000x128xf32, #tpu.memory_space<hbm>> -> memref<624x128xf32, #tpu.memory_space<hbm>>
        %dma_wait3A_36 = arith.constant 0 : i32
        %dma_wait3A_37 = tpu.memref_slice %arg9[%mul3A_2, %dma_wait3A_36] : memref<10000x128xf32, #tpu.memory_space<vmem_shared>> -> memref<624x128xf32, #tpu.memory_space<vmem_shared>>
        tpu.wait_dma2 semaphore(%run_scoped3A : memref<!tpu.dma_semaphore, #tpu.memory_space<semaphore_mem>>) src(%dma_wait3A_37 : memref<624x128xf32, #tpu.memory_space<vmem_shared>>) dst(%dma_wait3A_35 : memref<624x128xf32, #tpu.memory_space<hbm>>)
        tpu.yield
      }) : () -> ()
      %eq3A_27 = arith.constant 15 : i32
      %eq3A_28 = arith.cmpi eq, %arg1, %eq3A_27 : i32
      %convert_element_type3A_29 = arith.extui %eq3A_28 : i1 to i32
      %cond3A_30 = arith.constant 0 : i32
      %cond3A_31 = arith.cmpi ne, %convert_element_type3A_29, %cond3A_30 : i32
      scf.if %cond3A_31 {
        "tpu.region"() ({
          %run_scoped3A = tpu.sem_alloc : memref<!tpu.dma_semaphore, #tpu.memory_space<semaphore_mem>>
          %dma_start3A = arith.constant 9984 : i32
          %dma_start3A_32 = arith.constant 0 : i32
          %dma_start3A_33 = tpu.memref_slice %arg7[%dma_start3A, %dma_start3A_32] : memref<10000x128xf32, #tpu.memory_space<hbm>> -> memref<16x128xf32, #tpu.memory_space<hbm>>
          %dma_start3A_34 = arith.constant 9984 : i32
          %dma_start3A_35 = arith.constant 0 : i32
          %dma_start3A_36 = tpu.memref_slice %arg9[%dma_start3A_34, %dma_start3A_35] : memref<10000x128xf32, #tpu.memory_space<vmem_shared>> -> memref<16x128xf32, #tpu.memory_space<vmem_shared>>
          tpu.enqueue_dma source(%dma_start3A_36 : memref<16x128xf32, #tpu.memory_space<vmem_shared>>) target(%dma_start3A_33 : memref<16x128xf32, #tpu.memory_space<hbm>>) target_semaphore(%run_scoped3A : memref<!tpu.dma_semaphore, #tpu.memory_space<semaphore_mem>>)
          %dma_wait3A = arith.constant 9984 : i32
          %dma_wait3A_37 = arith.constant 0 : i32
          %dma_wait3A_38 = tpu.memref_slice %arg7[%dma_wait3A, %dma_wait3A_37] : memref<10000x128xf32, #tpu.memory_space<hbm>> -> memref<16x128xf32, #tpu.memory_space<hbm>>
          %dma_wait3A_39 = arith.constant 9984 : i32
          %dma_wait3A_40 = arith.constant 0 : i32
          %dma_wait3A_41 = tpu.memref_slice %arg9[%dma_wait3A_39, %dma_wait3A_40] : memref<10000x128xf32, #tpu.memory_space<vmem_shared>> -> memref<16x128xf32, #tpu.memory_space<vmem_shared>>
          tpu.wait_dma2 semaphore(%run_scoped3A : memref<!tpu.dma_semaphore, #tpu.memory_space<semaphore_mem>>) src(%dma_wait3A_41 : memref<16x128xf32, #tpu.memory_space<vmem_shared>>) dst(%dma_wait3A_38 : memref<16x128xf32, #tpu.memory_space<hbm>>)
          tpu.yield
        }) : () -> ()
      } else {
      }
    } else {
    }
    %eq3A_22 = arith.constant 1 : i32
    %eq3A_23 = arith.cmpi eq, %arg0, %eq3A_22 : i32
    %convert_element_type3A_24 = arith.extui %eq3A_23 : i1 to i32
    %cond3A_25 = arith.constant 0 : i32
    %cond3A_26 = arith.cmpi ne, %convert_element_type3A_24, %cond3A_25 : i32
    scf.if %cond3A_26 {
      "tpu.region"() ({
        %run_scoped3A = tpu.sem_alloc : memref<!tpu.dma_semaphore, #tpu.memory_space<semaphore_mem>>
        %dma_start3A = arith.constant 0 : i32
        %dma_start3A_32 = tpu.memref_slice %arg8[%mul3A_2, %dma_start3A] : memref<10000x128xf32, #tpu.memory_space<hbm>> -> memref<624x128xf32, #tpu.memory_space<hbm>>
        %dma_start3A_33 = arith.constant 0 : i32
        %dma_start3A_34 = tpu.memref_slice %arg9[%mul3A_2, %dma_start3A_33] : memref<10000x128xf32, #tpu.memory_space<vmem_shared>> -> memref<624x128xf32, #tpu.memory_space<vmem_shared>>
        tpu.enqueue_dma source(%dma_start3A_34 : memref<624x128xf32, #tpu.memory_space<vmem_shared>>) target(%dma_start3A_32 : memref<624x128xf32, #tpu.memory_space<hbm>>) target_semaphore(%run_scoped3A : memref<!tpu.dma_semaphore, #tpu.memory_space<semaphore_mem>>)
        %dma_wait3A = arith.constant 0 : i32
        %dma_wait3A_35 = tpu.memref_slice %arg8[%mul3A_2, %dma_wait3A] : memref<10000x128xf32, #tpu.memory_space<hbm>> -> memref<624x128xf32, #tpu.memory_space<hbm>>
        %dma_wait3A_36 = arith.constant 0 : i32
        %dma_wait3A_37 = tpu.memref_slice %arg9[%mul3A_2, %dma_wait3A_36] : memref<10000x128xf32, #tpu.memory_space<vmem_shared>> -> memref<624x128xf32, #tpu.memory_space<vmem_shared>>
        tpu.wait_dma2 semaphore(%run_scoped3A : memref<!tpu.dma_semaphore, #tpu.memory_space<semaphore_mem>>) src(%dma_wait3A_37 : memref<624x128xf32, #tpu.memory_space<vmem_shared>>) dst(%dma_wait3A_35 : memref<624x128xf32, #tpu.memory_space<hbm>>)
        tpu.yield
      }) : () -> ()
      %eq3A_27 = arith.constant 15 : i32
      %eq3A_28 = arith.cmpi eq, %arg1, %eq3A_27 : i32
      %convert_element_type3A_29 = arith.extui %eq3A_28 : i1 to i32
      %cond3A_30 = arith.constant 0 : i32
      %cond3A_31 = arith.cmpi ne, %convert_element_type3A_29, %cond3A_30 : i32
      scf.if %cond3A_31 {
        "tpu.region"() ({
          %run_scoped3A = tpu.sem_alloc : memref<!tpu.dma_semaphore, #tpu.memory_space<semaphore_mem>>
          %dma_start3A = arith.constant 9984 : i32
          %dma_start3A_32 = arith.constant 0 : i32
          %dma_start3A_33 = tpu.memref_slice %arg8[%dma_start3A, %dma_start3A_32] : memref<10000x128xf32, #tpu.memory_space<hbm>> -> memref<16x128xf32, #tpu.memory_space<hbm>>
          %dma_start3A_34 = arith.constant 9984 : i32
          %dma_start3A_35 = arith.constant 0 : i32
          %dma_start3A_36 = tpu.memref_slice %arg9[%dma_start3A_34, %dma_start3A_35] : memref<10000x128xf32, #tpu.memory_space<vmem_shared>> -> memref<16x128xf32, #tpu.memory_space<vmem_shared>>
          tpu.enqueue_dma source(%dma_start3A_36 : memref<16x128xf32, #tpu.memory_space<vmem_shared>>) target(%dma_start3A_33 : memref<16x128xf32, #tpu.memory_space<hbm>>) target_semaphore(%run_scoped3A : memref<!tpu.dma_semaphore, #tpu.memory_space<semaphore_mem>>)
          %dma_wait3A = arith.constant 9984 : i32
          %dma_wait3A_37 = arith.constant 0 : i32
          %dma_wait3A_38 = tpu.memref_slice %arg8[%dma_wait3A, %dma_wait3A_37] : memref<10000x128xf32, #tpu.memory_space<hbm>> -> memref<16x128xf32, #tpu.memory_space<hbm>>
          %dma_wait3A_39 = arith.constant 9984 : i32
          %dma_wait3A_40 = arith.constant 0 : i32
          %dma_wait3A_41 = tpu.memref_slice %arg9[%dma_wait3A_39, %dma_wait3A_40] : memref<10000x128xf32, #tpu.memory_space<vmem_shared>> -> memref<16x128xf32, #tpu.memory_space<vmem_shared>>
          tpu.wait_dma2 semaphore(%run_scoped3A : memref<!tpu.dma_semaphore, #tpu.memory_space<semaphore_mem>>) src(%dma_wait3A_41 : memref<16x128xf32, #tpu.memory_space<vmem_shared>>) dst(%dma_wait3A_38 : memref<16x128xf32, #tpu.memory_space<hbm>>)
          tpu.yield
        }) : () -> ()
      } else {
      }
    } else {
    }
    return
  }
}

module attributes {stable_mosaic.version = 14 : i64} {
  func.func @_mlp_body(%arg0: i32, %arg1: memref<2000x128xf32, #tpu.memory_space<vmem>>, %arg2: memref<128x128xf32, #tpu.memory_space<vmem>>, %arg3: memref<1x128xf32, #tpu.memory_space<vmem>>, %arg4: memref<128x128xf32, #tpu.memory_space<vmem>>, %arg5: memref<1x128xf32, #tpu.memory_space<vmem>>, %arg6: memref<2000x128xf32, #tpu.memory_space<vmem>>, %arg7: memref<1x1xf32, #tpu.memory_space<vmem>>) attributes {dimension_semantics = [#tpu.dimension_semantics<arbitrary>], iteration_bounds = array<i64: 5>, scalar_prefetch = 0 : i64, scratch_operands = 0 : i64, tpu.core_type = #tpu.core_type<tc>, window_params = [{transform_indices = @transform_0, window_bounds = array<i64: 2000, 128>}, {pipeline_mode = #tpu.pipeline_mode<synchronous>, transform_indices = @transform_1, window_bounds = array<i64: 128, 128>}, {pipeline_mode = #tpu.pipeline_mode<synchronous>, transform_indices = @transform_2, window_bounds = array<i64: 1, 128>}, {pipeline_mode = #tpu.pipeline_mode<synchronous>, transform_indices = @transform_3, window_bounds = array<i64: 128, 128>}, {pipeline_mode = #tpu.pipeline_mode<synchronous>, transform_indices = @transform_4, window_bounds = array<i64: 1, 128>}, {transform_indices = @transform_5, window_bounds = array<i64: 2000, 128>}, {pipeline_mode = #tpu.pipeline_mode<synchronous>, transform_indices = @transform_6, window_bounds = array<i64: 1, 1>}]} {
    %get3A = arith.constant 0 : index
    %get3A_0 = arith.constant 0 : index
    %get3A_1 = vector.load %arg1[%get3A, %get3A_0] : memref<2000x128xf32, #tpu.memory_space<vmem>>, vector<2000x128xf32>
    %get3A_2 = arith.constant 0 : index
    %get3A_3 = arith.constant 0 : index
    %get3A_4 = vector.load %arg2[%get3A_2, %get3A_3] : memref<128x128xf32, #tpu.memory_space<vmem>>, vector<128x128xf32>
    %dot_general3A = arith.constant dense<0.000000e+00> : vector<2000x128xf32>
    %dot_general3A_5 = tpu.matmul %get3A_1, %get3A_4, %dot_general3A {dimension_numbers = #tpu.dot_dimension_numbers<[1], [1], [0], [0], [0, 0, 1, 0], [], []>, transpose_lhs_hint = false} : vector<2000x128xf32>, vector<128x128xf32>, vector<2000x128xf32> -> vector<2000x128xf32>
    %get3A_6 = arith.constant 0 : index
    %get3A_7 = arith.constant 0 : index
    %get3A_8 = vector.load %arg3[%get3A_6, %get3A_7] : memref<1x128xf32, #tpu.memory_space<vmem>>, vector<1x128xf32>
    %add3A = vector.broadcast %get3A_8 : vector<1x128xf32> to vector<2000x128xf32>
    %add3A_9 = arith.addf %dot_general3A_5, %add3A : vector<2000x128xf32>
    %max3A = arith.constant 0.000000e+00 : f32
    %max3A_10 = vector.broadcast %max3A : f32 to vector<2000x128xf32>
    %max3A_11 = arith.maximumf %add3A_9, %max3A_10 : vector<2000x128xf32>
    %get3A_12 = arith.constant 0 : index
    %get3A_13 = arith.constant 0 : index
    %get3A_14 = vector.load %arg4[%get3A_12, %get3A_13] : memref<128x128xf32, #tpu.memory_space<vmem>>, vector<128x128xf32>
    %dot_general3A_15 = arith.constant dense<0.000000e+00> : vector<2000x128xf32>
    %dot_general3A_16 = tpu.matmul %max3A_11, %get3A_14, %dot_general3A_15 {dimension_numbers = #tpu.dot_dimension_numbers<[1], [1], [0], [0], [0, 0, 1, 0], [], []>, transpose_lhs_hint = false} : vector<2000x128xf32>, vector<128x128xf32>, vector<2000x128xf32> -> vector<2000x128xf32>
    %get3A_17 = arith.constant 0 : index
    %get3A_18 = arith.constant 0 : index
    %get3A_19 = vector.load %arg5[%get3A_17, %get3A_18] : memref<1x128xf32, #tpu.memory_space<vmem>>, vector<1x128xf32>
    %add3A_20 = vector.broadcast %get3A_19 : vector<1x128xf32> to vector<2000x128xf32>
    %add3A_21 = arith.addf %dot_general3A_16, %add3A_20 : vector<2000x128xf32>
    %swap3A = arith.constant 0 : index
    %swap3A_22 = arith.constant 0 : index
    %swap3A_23 = vector.load %arg6[%swap3A, %swap3A_22] : memref<2000x128xf32, #tpu.memory_space<vmem>>, vector<2000x128xf32>
    tpu.vector_store %arg6[%swap3A, %swap3A_22], %add3A_21 {strides = array<i32>} : memref<2000x128xf32, #tpu.memory_space<vmem>>, vector<2000x128xf32>,
    %reduce_max3A = vector.shape_cast %add3A_21 : vector<2000x128xf32> to vector<1x2000x128xf32>
    %reduce_max3A_24 = arith.constant dense<0xFF800000> : vector<1xf32>
    %reduce_max3A_25 = vector.multi_reduction <maximumf>, %reduce_max3A, %reduce_max3A_24 [1, 2] : vector<1x2000x128xf32> to vector<1xf32>
    %reduce_max3A_26 = vector.shape_cast %reduce_max3A_25 : vector<1xf32> to vector<1x1x1xf32>
    %reduce_max3A_27 = vector.extract %reduce_max3A_26[0, 0, 0] : f32 from vector<1x1x1xf32>
    %broadcast_in_dim3A = vector.broadcast %reduce_max3A_27 : f32 to vector<1x1xf32>
    %eq3A = arith.constant 0 : i32
    %eq3A_28 = arith.cmpi eq, %arg0, %eq3A : i32
    %convert_element_type3A = arith.extui %eq3A_28 : i1 to i32
    %cond3A = arith.constant 0 : i32
    %cond3A_29 = arith.cmpi ne, %convert_element_type3A, %cond3A : i32
    scf.if %cond3A_29 {
      %swap3A_34 = arith.constant 0 : index
      %swap3A_35 = arith.constant 0 : index
      %swap3A_36 = vector.load %arg7[%swap3A_34, %swap3A_35] : memref<1x1xf32, #tpu.memory_space<vmem>>, vector<1x1xf32>
      tpu.vector_store %arg7[%swap3A_34, %swap3A_35], %broadcast_in_dim3A {strides = array<i32>} : memref<1x1xf32, #tpu.memory_space<vmem>>, vector<1x1xf32>,
    } else {
    }
    %gt3A = arith.constant 0 : i32
    %gt3A_30 = arith.cmpi sgt, %arg0, %gt3A : i32
    %convert_element_type3A_31 = arith.extui %gt3A_30 : i1 to i32
    %cond3A_32 = arith.constant 0 : i32
    %cond3A_33 = arith.cmpi ne, %convert_element_type3A_31, %cond3A_32 : i32
    scf.if %cond3A_33 {
      %get3A_34 = arith.constant 0 : index
      %get3A_35 = arith.constant 0 : index
      %get3A_36 = vector.load %arg7[%get3A_34, %get3A_35] : memref<1x1xf32, #tpu.memory_space<vmem>>, vector<1x1xf32>
      %max3A_37 = arith.maximumf %get3A_36, %broadcast_in_dim3A : vector<1x1xf32>
      %swap3A_38 = arith.constant 0 : index
      %swap3A_39 = arith.constant 0 : index
      %swap3A_40 = vector.load %arg7[%swap3A_38, %swap3A_39] : memref<1x1xf32, #tpu.memory_space<vmem>>, vector<1x1xf32>
      tpu.vector_store %arg7[%swap3A_38, %swap3A_39], %max3A_37 {strides = array<i32>} : memref<1x1xf32, #tpu.memory_space<vmem>>, vector<1x1xf32>,
    } else {
    }
    return
  }
  func.func @transform_0(%arg0: i32) -> (i32, i32) {
    %c0_i32 = arith.constant 0 : i32
    %c0_i32_0 = arith.constant 0 : i32
    return %arg0, %c0_i32 : i32, i32
  }
  func.func @transform_1(%arg0: i32) -> (i32, i32) {
    %c0_i32 = arith.constant 0 : i32
    %c0_i32_0 = arith.constant 0 : i32
    %c0_i32_1 = arith.constant 0 : i32
    return %c0_i32, %c0_i32_0 : i32, i32
  }
  func.func @transform_2(%arg0: i32) -> (i32, i32) {
    %c0_i32 = arith.constant 0 : i32
    %c0_i32_0 = arith.constant 0 : i32
    %c0_i32_1 = arith.constant 0 : i32
    return %c0_i32, %c0_i32_0 : i32, i32
  }
  func.func @transform_3(%arg0: i32) -> (i32, i32) {
    %c0_i32 = arith.constant 0 : i32
    %c0_i32_0 = arith.constant 0 : i32
    %c0_i32_1 = arith.constant 0 : i32
    return %c0_i32, %c0_i32_0 : i32, i32
  }
  func.func @transform_4(%arg0: i32) -> (i32, i32) {
    %c0_i32 = arith.constant 0 : i32
    %c0_i32_0 = arith.constant 0 : i32
    %c0_i32_1 = arith.constant 0 : i32
    return %c0_i32, %c0_i32_0 : i32, i32
  }
  func.func @transform_5(%arg0: i32) -> (i32, i32) {
    %c0_i32 = arith.constant 0 : i32
    %c0_i32_0 = arith.constant 0 : i32
    return %arg0, %c0_i32 : i32, i32
  }
  func.func @transform_6(%arg0: i32) -> (i32, i32) {
    %c0_i32 = arith.constant 0 : i32
    %c0_i32_0 = arith.constant 0 : i32
    %c0_i32_1 = arith.constant 0 : i32
    return %c0_i32, %c0_i32_0 : i32, i32
  }
}

module attributes {stable_mosaic.version = 14 : i64} {
  func.func @_masked_max_body(%arg0: i32, %arg1: memref<2000x128xf32, #tpu.memory_space<vmem>>, %arg2: memref<2000x128xf32, #tpu.memory_space<vmem>>, %arg3: memref<2000x128xf32, #tpu.memory_space<vmem>>, %arg4: memref<1x1xf32, #tpu.memory_space<vmem>>) attributes {dimension_semantics = [#tpu.dimension_semantics<arbitrary>], iteration_bounds = array<i64: 5>, scalar_prefetch = 0 : i64, scratch_operands = 0 : i64, tpu.core_type = #tpu.core_type<tc>, window_params = [{transform_indices = @transform_0, window_bounds = array<i64: 2000, 128>}, {transform_indices = @transform_1, window_bounds = array<i64: 2000, 128>}, {transform_indices = @transform_2, window_bounds = array<i64: 2000, 128>}, {pipeline_mode = #tpu.pipeline_mode<synchronous>, transform_indices = @transform_3, window_bounds = array<i64: 1, 1>}]} {
    %get3A = arith.constant 0 : index
    %get3A_0 = arith.constant 0 : index
    %get3A_1 = vector.load %arg1[%get3A, %get3A_0] : memref<2000x128xf32, #tpu.memory_space<vmem>>, vector<2000x128xf32>
    %get3A_2 = arith.constant 0 : index
    %get3A_3 = arith.constant 0 : index
    %get3A_4 = vector.load %arg2[%get3A_2, %get3A_3] : memref<2000x128xf32, #tpu.memory_space<vmem>>, vector<2000x128xf32>
    %slice3A = vector.extract_strided_slice %get3A_4 {offsets = [0, 0], sizes = [2000, 1], strides = [1, 1]} : vector<2000x128xf32> to vector<2000x1xf32>
    %get3A_5 = arith.constant 0 : index
    %get3A_6 = arith.constant 0 : index
    %get3A_7 = vector.load %arg3[%get3A_5, %get3A_6] : memref<2000x128xf32, #tpu.memory_space<vmem>>, vector<2000x128xf32>
    %slice3A_8 = vector.extract_strided_slice %get3A_7 {offsets = [0, 0], sizes = [2000, 1], strides = [1, 1]} : vector<2000x128xf32> to vector<2000x1xf32>
    %add3A = arith.addf %slice3A, %slice3A_8 : vector<2000x1xf32>
    %reduce_max3A = arith.constant dense<0xFF800000> : vector<2000xf32>
    %reduce_max3A_9 = vector.multi_reduction <maximumf>, %get3A_1, %reduce_max3A [1] : vector<2000x128xf32> to vector<2000xf32>
    %broadcast_in_dim3A = vector.shape_cast %reduce_max3A_9 : vector<2000xf32> to vector<2000x1xf32>
    %gt3A = arith.constant 0.000000e+00 : f32
    %gt3A_10 = vector.broadcast %gt3A : f32 to vector<2000x1xf32>
    %gt3A_11 = arith.cmpf ogt, %add3A, %gt3A_10 : vector<2000x1xf32>
    %jit3A = arith.constant 0xFF800000 : f32
    %broadcast_in_dim3A_12 = vector.broadcast %jit3A : f32 to vector<2000x1xf32>
    %select_n3A = arith.select %gt3A_11, %broadcast_in_dim3A, %broadcast_in_dim3A_12 : vector<2000x1xi1>, vector<2000x1xf32>
    %reduce_max3A_13 = vector.shape_cast %select_n3A : vector<2000x1xf32> to vector<1x2000x1xf32>
    %reduce_max3A_14 = arith.constant dense<0xFF800000> : vector<1xf32>
    %reduce_max3A_15 = vector.multi_reduction <maximumf>, %reduce_max3A_13, %reduce_max3A_14 [1, 2] : vector<1x2000x1xf32> to vector<1xf32>
    %reduce_max3A_16 = vector.shape_cast %reduce_max3A_15 : vector<1xf32> to vector<1x1x1xf32>
    %reduce_max3A_17 = vector.extract %reduce_max3A_16[0, 0, 0] : f32 from vector<1x1x1xf32>
    %broadcast_in_dim3A_18 = vector.broadcast %reduce_max3A_17 : f32 to vector<1x1xf32>
    %eq3A = arith.constant 0 : i32
    %eq3A_19 = arith.cmpi eq, %arg0, %eq3A : i32
    %convert_element_type3A = arith.extui %eq3A_19 : i1 to i32
    %cond3A = arith.constant 0 : i32
    %cond3A_20 = arith.cmpi ne, %convert_element_type3A, %cond3A : i32
    scf.if %cond3A_20 {
      %swap3A = arith.constant 0 : index
      %swap3A_26 = arith.constant 0 : index
      %swap3A_27 = vector.load %arg4[%swap3A, %swap3A_26] : memref<1x1xf32, #tpu.memory_space<vmem>>, vector<1x1xf32>
      tpu.vector_store %arg4[%swap3A, %swap3A_26], %broadcast_in_dim3A_18 {strides = array<i32>} : memref<1x1xf32, #tpu.memory_space<vmem>>, vector<1x1xf32>,
    } else {
    }
    %gt3A_21 = arith.constant 0 : i32
    %gt3A_22 = arith.cmpi sgt, %arg0, %gt3A_21 : i32
    %convert_element_type3A_23 = arith.extui %gt3A_22 : i1 to i32
    %cond3A_24 = arith.constant 0 : i32
    %cond3A_25 = arith.cmpi ne, %convert_element_type3A_23, %cond3A_24 : i32
    scf.if %cond3A_25 {
      %get3A_26 = arith.constant 0 : index
      %get3A_27 = arith.constant 0 : index
      %get3A_28 = vector.load %arg4[%get3A_26, %get3A_27] : memref<1x1xf32, #tpu.memory_space<vmem>>, vector<1x1xf32>
      %max3A = arith.maximumf %get3A_28, %broadcast_in_dim3A_18 : vector<1x1xf32>
      %swap3A = arith.constant 0 : index
      %swap3A_29 = arith.constant 0 : index
      %swap3A_30 = vector.load %arg4[%swap3A, %swap3A_29] : memref<1x1xf32, #tpu.memory_space<vmem>>, vector<1x1xf32>
      tpu.vector_store %arg4[%swap3A, %swap3A_29], %max3A {strides = array<i32>} : memref<1x1xf32, #tpu.memory_space<vmem>>, vector<1x1xf32>,
    } else {
    }
    return
  }
  func.func @transform_0(%arg0: i32) -> (i32, i32) {
    %c0_i32 = arith.constant 0 : i32
    %c0_i32_0 = arith.constant 0 : i32
    return %arg0, %c0_i32 : i32, i32
  }
  func.func @transform_1(%arg0: i32) -> (i32, i32) {
    %c0_i32 = arith.constant 0 : i32
    %c0_i32_0 = arith.constant 0 : i32
    return %arg0, %c0_i32 : i32, i32
  }
  func.func @transform_2(%arg0: i32) -> (i32, i32) {
    %c0_i32 = arith.constant 0 : i32
    %c0_i32_0 = arith.constant 0 : i32
    return %arg0, %c0_i32 : i32, i32
  }
  func.func @transform_3(%arg0: i32) -> (i32, i32) {
    %c0_i32 = arith.constant 0 : i32
    %c0_i32_0 = arith.constant 0 : i32
    %c0_i32_1 = arith.constant 0 : i32
    return %c0_i32, %c0_i32_0 : i32, i32
  }
}

module attributes {stable_mosaic.version = 14 : i64} {
  func.func @_mlp_body(%arg0: i32, %arg1: memref<4000x128xf32, #tpu.memory_space<vmem>>, %arg2: memref<256x256xf32, #tpu.memory_space<vmem>>, %arg3: memref<1x256xf32, #tpu.memory_space<vmem>>, %arg4: memref<256x256xf32, #tpu.memory_space<vmem>>, %arg5: memref<1x256xf32, #tpu.memory_space<vmem>>, %arg6: memref<4000x128xf32, #tpu.memory_space<vmem>>, %arg7: memref<1x1xf32, #tpu.memory_space<vmem>>) attributes {dimension_semantics = [#tpu.dimension_semantics<arbitrary>], iteration_bounds = array<i64: 50>, scalar_prefetch = 0 : i64, scratch_operands = 0 : i64, tpu.core_type = #tpu.core_type<tc>, window_params = [{transform_indices = @transform_0, window_bounds = array<i64: 4000, 128>}, {pipeline_mode = #tpu.pipeline_mode<synchronous>, transform_indices = @transform_1, window_bounds = array<i64: 256, 256>}, {pipeline_mode = #tpu.pipeline_mode<synchronous>, transform_indices = @transform_2, window_bounds = array<i64: 1, 256>}, {pipeline_mode = #tpu.pipeline_mode<synchronous>, transform_indices = @transform_3, window_bounds = array<i64: 256, 256>}, {pipeline_mode = #tpu.pipeline_mode<synchronous>, transform_indices = @transform_4, window_bounds = array<i64: 1, 256>}, {transform_indices = @transform_5, window_bounds = array<i64: 4000, 128>}, {pipeline_mode = #tpu.pipeline_mode<synchronous>, transform_indices = @transform_6, window_bounds = array<i64: 1, 1>}]} {
    %get3A = arith.constant 0 : index
    %get3A_0 = arith.constant 0 : index
    %get3A_1 = vector.load %arg1[%get3A, %get3A_0] : memref<4000x128xf32, #tpu.memory_space<vmem>>, vector<4000x128xf32>
    %reshape3A = vector.shape_cast %get3A_1 : vector<4000x128xf32> to vector<2000x256xf32>
    %get3A_2 = arith.constant 0 : index
    %get3A_3 = arith.constant 0 : index
    %get3A_4 = vector.load %arg2[%get3A_2, %get3A_3] : memref<256x256xf32, #tpu.memory_space<vmem>>, vector<256x256xf32>
    %dot_general3A = arith.constant dense<0.000000e+00> : vector<2000x256xf32>
    %dot_general3A_5 = tpu.matmul %reshape3A, %get3A_4, %dot_general3A {dimension_numbers = #tpu.dot_dimension_numbers<[1], [1], [0], [0], [0, 0, 1, 0], [], []>, transpose_lhs_hint = false} : vector<2000x256xf32>, vector<256x256xf32>, vector<2000x256xf32> -> vector<2000x256xf32>
    %get3A_6 = arith.constant 0 : index
    %get3A_7 = arith.constant 0 : index
    %get3A_8 = vector.load %arg3[%get3A_6, %get3A_7] : memref<1x256xf32, #tpu.memory_space<vmem>>, vector<1x256xf32>
    %add3A = vector.broadcast %get3A_8 : vector<1x256xf32> to vector<2000x256xf32>
    %add3A_9 = arith.addf %dot_general3A_5, %add3A : vector<2000x256xf32>
    %max3A = arith.constant 0.000000e+00 : f32
    %max3A_10 = vector.broadcast %max3A : f32 to vector<2000x256xf32>
    %max3A_11 = arith.maximumf %add3A_9, %max3A_10 : vector<2000x256xf32>
    %get3A_12 = arith.constant 0 : index
    %get3A_13 = arith.constant 0 : index
    %get3A_14 = vector.load %arg4[%get3A_12, %get3A_13] : memref<256x256xf32, #tpu.memory_space<vmem>>, vector<256x256xf32>
    %dot_general3A_15 = arith.constant dense<0.000000e+00> : vector<2000x256xf32>
    %dot_general3A_16 = tpu.matmul %max3A_11, %get3A_14, %dot_general3A_15 {dimension_numbers = #tpu.dot_dimension_numbers<[1], [1], [0], [0], [0, 0, 1, 0], [], []>, transpose_lhs_hint = false} : vector<2000x256xf32>, vector<256x256xf32>, vector<2000x256xf32> -> vector<2000x256xf32>
    %get3A_17 = arith.constant 0 : index
    %get3A_18 = arith.constant 0 : index
    %get3A_19 = vector.load %arg5[%get3A_17, %get3A_18] : memref<1x256xf32, #tpu.memory_space<vmem>>, vector<1x256xf32>
    %add3A_20 = vector.broadcast %get3A_19 : vector<1x256xf32> to vector<2000x256xf32>
    %add3A_21 = arith.addf %dot_general3A_16, %add3A_20 : vector<2000x256xf32>
    %reshape3A_22 = vector.shape_cast %add3A_21 : vector<2000x256xf32> to vector<4000x128xf32>
    %swap3A = arith.constant 0 : index
    %swap3A_23 = arith.constant 0 : index
    %swap3A_24 = vector.load %arg6[%swap3A, %swap3A_23] : memref<4000x128xf32, #tpu.memory_space<vmem>>, vector<4000x128xf32>
    tpu.vector_store %arg6[%swap3A, %swap3A_23], %reshape3A_22 {strides = array<i32>} : memref<4000x128xf32, #tpu.memory_space<vmem>>, vector<4000x128xf32>,
    %reduce_max3A = vector.shape_cast %add3A_21 : vector<2000x256xf32> to vector<1x2000x256xf32>
    %reduce_max3A_25 = arith.constant dense<0xFF800000> : vector<1xf32>
    %reduce_max3A_26 = vector.multi_reduction <maximumf>, %reduce_max3A, %reduce_max3A_25 [1, 2] : vector<1x2000x256xf32> to vector<1xf32>
    %reduce_max3A_27 = vector.shape_cast %reduce_max3A_26 : vector<1xf32> to vector<1x1x1xf32>
    %reduce_max3A_28 = vector.extract %reduce_max3A_27[0, 0, 0] : f32 from vector<1x1x1xf32>
    %broadcast_in_dim3A = vector.broadcast %reduce_max3A_28 : f32 to vector<1x1xf32>
    %eq3A = arith.constant 0 : i32
    %eq3A_29 = arith.cmpi eq, %arg0, %eq3A : i32
    %convert_element_type3A = arith.extui %eq3A_29 : i1 to i32
    %cond3A = arith.constant 0 : i32
    %cond3A_30 = arith.cmpi ne, %convert_element_type3A, %cond3A : i32
    scf.if %cond3A_30 {
      %swap3A_35 = arith.constant 0 : index
      %swap3A_36 = arith.constant 0 : index
      %swap3A_37 = vector.load %arg7[%swap3A_35, %swap3A_36] : memref<1x1xf32, #tpu.memory_space<vmem>>, vector<1x1xf32>
      tpu.vector_store %arg7[%swap3A_35, %swap3A_36], %broadcast_in_dim3A {strides = array<i32>} : memref<1x1xf32, #tpu.memory_space<vmem>>, vector<1x1xf32>,
    } else {
    }
    %gt3A = arith.constant 0 : i32
    %gt3A_31 = arith.cmpi sgt, %arg0, %gt3A : i32
    %convert_element_type3A_32 = arith.extui %gt3A_31 : i1 to i32
    %cond3A_33 = arith.constant 0 : i32
    %cond3A_34 = arith.cmpi ne, %convert_element_type3A_32, %cond3A_33 : i32
    scf.if %cond3A_34 {
      %get3A_35 = arith.constant 0 : index
      %get3A_36 = arith.constant 0 : index
      %get3A_37 = vector.load %arg7[%get3A_35, %get3A_36] : memref<1x1xf32, #tpu.memory_space<vmem>>, vector<1x1xf32>
      %max3A_38 = arith.maximumf %get3A_37, %broadcast_in_dim3A : vector<1x1xf32>
      %swap3A_39 = arith.constant 0 : index
      %swap3A_40 = arith.constant 0 : index
      %swap3A_41 = vector.load %arg7[%swap3A_39, %swap3A_40] : memref<1x1xf32, #tpu.memory_space<vmem>>, vector<1x1xf32>
      tpu.vector_store %arg7[%swap3A_39, %swap3A_40], %max3A_38 {strides = array<i32>} : memref<1x1xf32, #tpu.memory_space<vmem>>, vector<1x1xf32>,
    } else {
    }
    return
  }
  func.func @transform_0(%arg0: i32) -> (i32, i32) {
    %c0_i32 = arith.constant 0 : i32
    %c0_i32_0 = arith.constant 0 : i32
    return %arg0, %c0_i32 : i32, i32
  }
  func.func @transform_1(%arg0: i32) -> (i32, i32) {
    %c0_i32 = arith.constant 0 : i32
    %c0_i32_0 = arith.constant 0 : i32
    %c0_i32_1 = arith.constant 0 : i32
    return %c0_i32, %c0_i32_0 : i32, i32
  }
  func.func @transform_2(%arg0: i32) -> (i32, i32) {
    %c0_i32 = arith.constant 0 : i32
    %c0_i32_0 = arith.constant 0 : i32
    %c0_i32_1 = arith.constant 0 : i32
    return %c0_i32, %c0_i32_0 : i32, i32
  }
  func.func @transform_3(%arg0: i32) -> (i32, i32) {
    %c0_i32 = arith.constant 0 : i32
    %c0_i32_0 = arith.constant 0 : i32
    %c0_i32_1 = arith.constant 0 : i32
    return %c0_i32, %c0_i32_0 : i32, i32
  }
  func.func @transform_4(%arg0: i32) -> (i32, i32) {
    %c0_i32 = arith.constant 0 : i32
    %c0_i32_0 = arith.constant 0 : i32
    %c0_i32_1 = arith.constant 0 : i32
    return %c0_i32, %c0_i32_0 : i32, i32
  }
  func.func @transform_5(%arg0: i32) -> (i32, i32) {
    %c0_i32 = arith.constant 0 : i32
    %c0_i32_0 = arith.constant 0 : i32
    return %arg0, %c0_i32 : i32, i32
  }
  func.func @transform_6(%arg0: i32) -> (i32, i32) {
    %c0_i32 = arith.constant 0 : i32
    %c0_i32_0 = arith.constant 0 : i32
    %c0_i32_1 = arith.constant 0 : i32
    return %c0_i32, %c0_i32_0 : i32, i32
  }
}

module attributes {stable_mosaic.version = 14 : i64} {
  func.func @_mlp_body(%arg0: i32, %arg1: memref<6000x128xf32, #tpu.memory_space<vmem>>, %arg2: memref<384x384xf32, #tpu.memory_space<vmem>>, %arg3: memref<1x384xf32, #tpu.memory_space<vmem>>, %arg4: memref<384x384xf32, #tpu.memory_space<vmem>>, %arg5: memref<1x384xf32, #tpu.memory_space<vmem>>, %arg6: memref<6000x128xf32, #tpu.memory_space<vmem>>, %arg7: memref<1x1xf32, #tpu.memory_space<vmem>>) attributes {dimension_semantics = [#tpu.dimension_semantics<arbitrary>], iteration_bounds = array<i64: 10>, scalar_prefetch = 0 : i64, scratch_operands = 0 : i64, tpu.core_type = #tpu.core_type<tc>, window_params = [{transform_indices = @transform_0, window_bounds = array<i64: 6000, 128>}, {pipeline_mode = #tpu.pipeline_mode<synchronous>, transform_indices = @transform_1, window_bounds = array<i64: 384, 384>}, {pipeline_mode = #tpu.pipeline_mode<synchronous>, transform_indices = @transform_2, window_bounds = array<i64: 1, 384>}, {pipeline_mode = #tpu.pipeline_mode<synchronous>, transform_indices = @transform_3, window_bounds = array<i64: 384, 384>}, {pipeline_mode = #tpu.pipeline_mode<synchronous>, transform_indices = @transform_4, window_bounds = array<i64: 1, 384>}, {transform_indices = @transform_5, window_bounds = array<i64: 6000, 128>}, {pipeline_mode = #tpu.pipeline_mode<synchronous>, transform_indices = @transform_6, window_bounds = array<i64: 1, 1>}]} {
    %get3A = arith.constant 0 : index
    %get3A_0 = arith.constant 0 : index
    %get3A_1 = vector.load %arg1[%get3A, %get3A_0] : memref<6000x128xf32, #tpu.memory_space<vmem>>, vector<6000x128xf32>
    %reshape3A = vector.shape_cast %get3A_1 : vector<6000x128xf32> to vector<2000x384xf32>
    %get3A_2 = arith.constant 0 : index
    %get3A_3 = arith.constant 0 : index
    %get3A_4 = vector.load %arg2[%get3A_2, %get3A_3] : memref<384x384xf32, #tpu.memory_space<vmem>>, vector<384x384xf32>
    %dot_general3A = arith.constant dense<0.000000e+00> : vector<2000x384xf32>
    %dot_general3A_5 = tpu.matmul %reshape3A, %get3A_4, %dot_general3A {dimension_numbers = #tpu.dot_dimension_numbers<[1], [1], [0], [0], [0, 0, 1, 0], [], []>, transpose_lhs_hint = false} : vector<2000x384xf32>, vector<384x384xf32>, vector<2000x384xf32> -> vector<2000x384xf32>
    %get3A_6 = arith.constant 0 : index
    %get3A_7 = arith.constant 0 : index
    %get3A_8 = vector.load %arg3[%get3A_6, %get3A_7] : memref<1x384xf32, #tpu.memory_space<vmem>>, vector<1x384xf32>
    %add3A = vector.broadcast %get3A_8 : vector<1x384xf32> to vector<2000x384xf32>
    %add3A_9 = arith.addf %dot_general3A_5, %add3A : vector<2000x384xf32>
    %max3A = arith.constant 0.000000e+00 : f32
    %max3A_10 = vector.broadcast %max3A : f32 to vector<2000x384xf32>
    %max3A_11 = arith.maximumf %add3A_9, %max3A_10 : vector<2000x384xf32>
    %get3A_12 = arith.constant 0 : index
    %get3A_13 = arith.constant 0 : index
    %get3A_14 = vector.load %arg4[%get3A_12, %get3A_13] : memref<384x384xf32, #tpu.memory_space<vmem>>, vector<384x384xf32>
    %dot_general3A_15 = arith.constant dense<0.000000e+00> : vector<2000x384xf32>
    %dot_general3A_16 = tpu.matmul %max3A_11, %get3A_14, %dot_general3A_15 {dimension_numbers = #tpu.dot_dimension_numbers<[1], [1], [0], [0], [0, 0, 1, 0], [], []>, transpose_lhs_hint = false} : vector<2000x384xf32>, vector<384x384xf32>, vector<2000x384xf32> -> vector<2000x384xf32>
    %get3A_17 = arith.constant 0 : index
    %get3A_18 = arith.constant 0 : index
    %get3A_19 = vector.load %arg5[%get3A_17, %get3A_18] : memref<1x384xf32, #tpu.memory_space<vmem>>, vector<1x384xf32>
    %add3A_20 = vector.broadcast %get3A_19 : vector<1x384xf32> to vector<2000x384xf32>
    %add3A_21 = arith.addf %dot_general3A_16, %add3A_20 : vector<2000x384xf32>
    %reshape3A_22 = vector.shape_cast %add3A_21 : vector<2000x384xf32> to vector<6000x128xf32>
    %swap3A = arith.constant 0 : index
    %swap3A_23 = arith.constant 0 : index
    %swap3A_24 = vector.load %arg6[%swap3A, %swap3A_23] : memref<6000x128xf32, #tpu.memory_space<vmem>>, vector<6000x128xf32>
    tpu.vector_store %arg6[%swap3A, %swap3A_23], %reshape3A_22 {strides = array<i32>} : memref<6000x128xf32, #tpu.memory_space<vmem>>, vector<6000x128xf32>,
    %reduce_max3A = vector.shape_cast %add3A_21 : vector<2000x384xf32> to vector<1x2000x384xf32>
    %reduce_max3A_25 = arith.constant dense<0xFF800000> : vector<1xf32>
    %reduce_max3A_26 = vector.multi_reduction <maximumf>, %reduce_max3A, %reduce_max3A_25 [1, 2] : vector<1x2000x384xf32> to vector<1xf32>
    %reduce_max3A_27 = vector.shape_cast %reduce_max3A_26 : vector<1xf32> to vector<1x1x1xf32>
    %reduce_max3A_28 = vector.extract %reduce_max3A_27[0, 0, 0] : f32 from vector<1x1x1xf32>
    %broadcast_in_dim3A = vector.broadcast %reduce_max3A_28 : f32 to vector<1x1xf32>
    %eq3A = arith.constant 0 : i32
    %eq3A_29 = arith.cmpi eq, %arg0, %eq3A : i32
    %convert_element_type3A = arith.extui %eq3A_29 : i1 to i32
    %cond3A = arith.constant 0 : i32
    %cond3A_30 = arith.cmpi ne, %convert_element_type3A, %cond3A : i32
    scf.if %cond3A_30 {
      %swap3A_35 = arith.constant 0 : index
      %swap3A_36 = arith.constant 0 : index
      %swap3A_37 = vector.load %arg7[%swap3A_35, %swap3A_36] : memref<1x1xf32, #tpu.memory_space<vmem>>, vector<1x1xf32>
      tpu.vector_store %arg7[%swap3A_35, %swap3A_36], %broadcast_in_dim3A {strides = array<i32>} : memref<1x1xf32, #tpu.memory_space<vmem>>, vector<1x1xf32>,
    } else {
    }
    %gt3A = arith.constant 0 : i32
    %gt3A_31 = arith.cmpi sgt, %arg0, %gt3A : i32
    %convert_element_type3A_32 = arith.extui %gt3A_31 : i1 to i32
    %cond3A_33 = arith.constant 0 : i32
    %cond3A_34 = arith.cmpi ne, %convert_element_type3A_32, %cond3A_33 : i32
    scf.if %cond3A_34 {
      %get3A_35 = arith.constant 0 : index
      %get3A_36 = arith.constant 0 : index
      %get3A_37 = vector.load %arg7[%get3A_35, %get3A_36] : memref<1x1xf32, #tpu.memory_space<vmem>>, vector<1x1xf32>
      %max3A_38 = arith.maximumf %get3A_37, %broadcast_in_dim3A : vector<1x1xf32>
      %swap3A_39 = arith.constant 0 : index
      %swap3A_40 = arith.constant 0 : index
      %swap3A_41 = vector.load %arg7[%swap3A_39, %swap3A_40] : memref<1x1xf32, #tpu.memory_space<vmem>>, vector<1x1xf32>
      tpu.vector_store %arg7[%swap3A_39, %swap3A_40], %max3A_38 {strides = array<i32>} : memref<1x1xf32, #tpu.memory_space<vmem>>, vector<1x1xf32>,
    } else {
    }
    return
  }
  func.func @transform_0(%arg0: i32) -> (i32, i32) {
    %c0_i32 = arith.constant 0 : i32
    %c0_i32_0 = arith.constant 0 : i32
    return %arg0, %c0_i32 : i32, i32
  }
  func.func @transform_1(%arg0: i32) -> (i32, i32) {
    %c0_i32 = arith.constant 0 : i32
    %c0_i32_0 = arith.constant 0 : i32
    %c0_i32_1 = arith.constant 0 : i32
    return %c0_i32, %c0_i32_0 : i32, i32
  }
  func.func @transform_2(%arg0: i32) -> (i32, i32) {
    %c0_i32 = arith.constant 0 : i32
    %c0_i32_0 = arith.constant 0 : i32
    %c0_i32_1 = arith.constant 0 : i32
    return %c0_i32, %c0_i32_0 : i32, i32
  }
  func.func @transform_3(%arg0: i32) -> (i32, i32) {
    %c0_i32 = arith.constant 0 : i32
    %c0_i32_0 = arith.constant 0 : i32
    %c0_i32_1 = arith.constant 0 : i32
    return %c0_i32, %c0_i32_0 : i32, i32
  }
  func.func @transform_4(%arg0: i32) -> (i32, i32) {
    %c0_i32 = arith.constant 0 : i32
    %c0_i32_0 = arith.constant 0 : i32
    %c0_i32_1 = arith.constant 0 : i32
    return %c0_i32, %c0_i32_0 : i32, i32
  }
  func.func @transform_5(%arg0: i32) -> (i32, i32) {
    %c0_i32 = arith.constant 0 : i32
    %c0_i32_0 = arith.constant 0 : i32
    return %arg0, %c0_i32 : i32, i32
  }
  func.func @transform_6(%arg0: i32) -> (i32, i32) {
    %c0_i32 = arith.constant 0 : i32
    %c0_i32_0 = arith.constant 0 : i32
    %c0_i32_1 = arith.constant 0 : i32
    return %c0_i32, %c0_i32_0 : i32, i32
  }
}

module attributes {stable_mosaic.version = 14 : i64} {
  func.func @_exp_body(%arg0: i32, %arg1: memref<8000x128xf32, #tpu.memory_space<vmem>>, %arg2: memref<1xf32, #tpu.memory_space<smem>>, %arg3: memref<8000x128xf32, #tpu.memory_space<vmem>>) attributes {dimension_semantics = [#tpu.dimension_semantics<arbitrary>], iteration_bounds = array<i64: 25>, scalar_prefetch = 0 : i64, scratch_operands = 0 : i64, tpu.core_type = #tpu.core_type<tc>, window_params = [{transform_indices = @transform_0, window_bounds = array<i64: 8000, 128>}, {transform_indices = @transform_1, window_bounds = array<i64: 1>}, {transform_indices = @transform_2, window_bounds = array<i64: 8000, 128>}]} {
    %get3A = arith.constant 0 : index
    %get3A_0 = arith.constant 0 : index
    %get3A_1 = vector.load %arg1[%get3A, %get3A_0] : memref<8000x128xf32, #tpu.memory_space<vmem>>, vector<8000x128xf32>
    %get3A_2 = arith.constant 0 : index
    %get3A_3 = memref.load %arg2[%get3A_2] : memref<1xf32, #tpu.memory_space<smem>>
    %sub3A = vector.broadcast %get3A_3 : f32 to vector<8000x128xf32>
    %sub3A_4 = arith.subf %get3A_1, %sub3A : vector<8000x128xf32>
    %mul3A = arith.constant 8.000000e+00 : f32
    %mul3A_5 = vector.broadcast %mul3A : f32 to vector<8000x128xf32>
    %mul3A_6 = arith.mulf %mul3A_5, %sub3A_4 : vector<8000x128xf32>
    %exp3A = math.exp %mul3A_6 : vector<8000x128xf32>
    %swap3A = arith.constant 0 : index
    %swap3A_7 = arith.constant 0 : index
    %swap3A_8 = vector.load %arg3[%swap3A, %swap3A_7] : memref<8000x128xf32, #tpu.memory_space<vmem>>, vector<8000x128xf32>
    tpu.vector_store %arg3[%swap3A, %swap3A_7], %exp3A {strides = array<i32>} : memref<8000x128xf32, #tpu.memory_space<vmem>>, vector<8000x128xf32>,
    return
  }
  func.func @transform_0(%arg0: i32) -> (i32, i32) {
    %c0_i32 = arith.constant 0 : i32
    %c0_i32_0 = arith.constant 0 : i32
    return %arg0, %c0_i32 : i32, i32
  }
  func.func @transform_1(%arg0: i32) -> i32 {
    %c0_i32 = arith.constant 0 : i32
    %c0_i32_0 = arith.constant 0 : i32
    return %c0_i32 : i32
  }
  func.func @transform_2(%arg0: i32) -> (i32, i32) {
    %c0_i32 = arith.constant 0 : i32
    %c0_i32_0 = arith.constant 0 : i32
    return %arg0, %c0_i32 : i32, i32
  }
}

module attributes {stable_mosaic.version = 14 : i64} {
  func.func @_exp_body(%arg0: i32, %arg1: memref<6000x128xf32, #tpu.memory_space<vmem>>, %arg2: memref<1xf32, #tpu.memory_space<smem>>, %arg3: memref<6000x128xf32, #tpu.memory_space<vmem>>) attributes {dimension_semantics = [#tpu.dimension_semantics<arbitrary>], iteration_bounds = array<i64: 10>, scalar_prefetch = 0 : i64, scratch_operands = 0 : i64, tpu.core_type = #tpu.core_type<tc>, window_params = [{transform_indices = @transform_0, window_bounds = array<i64: 6000, 128>}, {transform_indices = @transform_1, window_bounds = array<i64: 1>}, {transform_indices = @transform_2, window_bounds = array<i64: 6000, 128>}]} {
    %get3A = arith.constant 0 : index
    %get3A_0 = arith.constant 0 : index
    %get3A_1 = vector.load %arg1[%get3A, %get3A_0] : memref<6000x128xf32, #tpu.memory_space<vmem>>, vector<6000x128xf32>
    %get3A_2 = arith.constant 0 : index
    %get3A_3 = memref.load %arg2[%get3A_2] : memref<1xf32, #tpu.memory_space<smem>>
    %sub3A = vector.broadcast %get3A_3 : f32 to vector<6000x128xf32>
    %sub3A_4 = arith.subf %get3A_1, %sub3A : vector<6000x128xf32>
    %mul3A = arith.constant 8.000000e+00 : f32
    %mul3A_5 = vector.broadcast %mul3A : f32 to vector<6000x128xf32>
    %mul3A_6 = arith.mulf %mul3A_5, %sub3A_4 : vector<6000x128xf32>
    %exp3A = math.exp %mul3A_6 : vector<6000x128xf32>
    %swap3A = arith.constant 0 : index
    %swap3A_7 = arith.constant 0 : index
    %swap3A_8 = vector.load %arg3[%swap3A, %swap3A_7] : memref<6000x128xf32, #tpu.memory_space<vmem>>, vector<6000x128xf32>
    tpu.vector_store %arg3[%swap3A, %swap3A_7], %exp3A {strides = array<i32>} : memref<6000x128xf32, #tpu.memory_space<vmem>>, vector<6000x128xf32>,
    return
  }
  func.func @transform_0(%arg0: i32) -> (i32, i32) {
    %c0_i32 = arith.constant 0 : i32
    %c0_i32_0 = arith.constant 0 : i32
    return %arg0, %c0_i32 : i32, i32
  }
  func.func @transform_1(%arg0: i32) -> i32 {
    %c0_i32 = arith.constant 0 : i32
    %c0_i32_0 = arith.constant 0 : i32
    return %c0_i32 : i32
  }
  func.func @transform_2(%arg0: i32) -> (i32, i32) {
    %c0_i32 = arith.constant 0 : i32
    %c0_i32_0 = arith.constant 0 : i32
    return %arg0, %c0_i32 : i32, i32
  }
}

module attributes {stable_mosaic.version = 14 : i64} {
  func.func @_final_body(%arg0: i32, %arg1: memref<1000x128xf32, #tpu.memory_space<vmem>>, %arg2: memref<1000x128xf32, #tpu.memory_space<vmem>>, %arg3: memref<1000x128xf32, #tpu.memory_space<vmem>>, %arg4: memref<1000x128xf32, #tpu.memory_space<vmem>>, %arg5: memref<1000x128xf32, #tpu.memory_space<vmem>>, %arg6: memref<1000x128xf32, #tpu.memory_space<vmem>>, %arg7: memref<256x128xf32, #tpu.memory_space<vmem>>, %arg8: memref<256x128xf32, #tpu.memory_space<vmem>>, %arg9: memref<1x256xf32, #tpu.memory_space<vmem>>, %arg10: memref<128x256xf32, #tpu.memory_space<vmem>>, %arg11: memref<1x128xf32, #tpu.memory_space<vmem>>, %arg12: memref<1xf32, #tpu.memory_space<smem>>, %arg13: memref<1000x128xf32, #tpu.memory_space<vmem>>) attributes {dimension_semantics = [#tpu.dimension_semantics<arbitrary>], iteration_bounds = array<i64: 10>, scalar_prefetch = 0 : i64, scratch_operands = 0 : i64, tpu.core_type = #tpu.core_type<tc>, window_params = [{transform_indices = @transform_0, window_bounds = array<i64: 1000, 128>}, {transform_indices = @transform_1, window_bounds = array<i64: 1000, 128>}, {transform_indices = @transform_2, window_bounds = array<i64: 1000, 128>}, {transform_indices = @transform_3, window_bounds = array<i64: 1000, 128>}, {transform_indices = @transform_4, window_bounds = array<i64: 1000, 128>}, {transform_indices = @transform_5, window_bounds = array<i64: 1000, 128>}, {pipeline_mode = #tpu.pipeline_mode<synchronous>, transform_indices = @transform_6, window_bounds = array<i64: 256, 128>}, {pipeline_mode = #tpu.pipeline_mode<synchronous>, transform_indices = @transform_7, window_bounds = array<i64: 256, 128>}, {pipeline_mode = #tpu.pipeline_mode<synchronous>, transform_indices = @transform_8, window_bounds = array<i64: 1, 256>}, {pipeline_mode = #tpu.pipeline_mode<synchronous>, transform_indices = @transform_9, window_bounds = array<i64: 128, 256>}, {pipeline_mode = #tpu.pipeline_mode<synchronous>, transform_indices = @transform_10, window_bounds = array<i64: 1, 128>}, {transform_indices = @transform_11, window_bounds = array<i64: 1>}, {transform_indices = @transform_12, window_bounds = array<i64: 1000, 128>}]} {
    %get3A = arith.constant 0 : index
    %get3A_0 = arith.constant 0 : index
    %get3A_1 = vector.load %arg4[%get3A, %get3A_0] : memref<1000x128xf32, #tpu.memory_space<vmem>>, vector<1000x128xf32>
    %slice3A = vector.extract_strided_slice %get3A_1 {offsets = [0, 0], sizes = [1000, 1], strides = [1, 1]} : vector<1000x128xf32> to vector<1000x1xf32>
    %get3A_2 = arith.constant 0 : index
    %get3A_3 = arith.constant 0 : index
    %get3A_4 = vector.load %arg5[%get3A_2, %get3A_3] : memref<1000x128xf32, #tpu.memory_space<vmem>>, vector<1000x128xf32>
    %slice3A_5 = vector.extract_strided_slice %get3A_4 {offsets = [0, 0], sizes = [1000, 1], strides = [1, 1]} : vector<1000x128xf32> to vector<1000x1xf32>
    %add3A = arith.addf %slice3A, %slice3A_5 : vector<1000x1xf32>
    %get3A_6 = arith.constant 0 : index
    %get3A_7 = arith.constant 0 : index
    %get3A_8 = vector.load %arg3[%get3A_6, %get3A_7] : memref<1000x128xf32, #tpu.memory_space<vmem>>, vector<1000x128xf32>
    %get3A_9 = arith.constant 0 : index
    %get3A_10 = memref.load %arg12[%get3A_9] : memref<1xf32, #tpu.memory_space<smem>>
    %sub3A = vector.broadcast %get3A_10 : f32 to vector<1000x128xf32>
    %sub3A_11 = arith.subf %get3A_8, %sub3A : vector<1000x128xf32>
    %mul3A = arith.constant 8.000000e+00 : f32
    %mul3A_12 = vector.broadcast %mul3A : f32 to vector<1000x128xf32>
    %mul3A_13 = arith.mulf %mul3A_12, %sub3A_11 : vector<1000x128xf32>
    %exp3A = math.exp %mul3A_13 : vector<1000x128xf32>
    %gt3A = arith.constant 0.000000e+00 : f32
    %gt3A_14 = vector.broadcast %gt3A : f32 to vector<1000x1xf32>
    %gt3A_15 = arith.cmpf ogt, %add3A, %gt3A_14 : vector<1000x1xf32>
    %mul3A_16 = vector.broadcast %add3A : vector<1000x1xf32> to vector<1000x128xf32>
    %mul3A_17 = arith.mulf %mul3A_16, %exp3A : vector<1000x128xf32>
    %jit3A = arith.constant 0.000000e+00 : f32
    %broadcast_in_dim3A = vector.shape_cast %gt3A_15 : vector<1000x1xi1> to vector<1000x1xi1>
    %broadcast_in_dim3A_18 = vector.broadcast %broadcast_in_dim3A : vector<1000x1xi1> to vector<1000x128xi1>
    %broadcast_in_dim3A_19 = vector.broadcast %jit3A : f32 to vector<1000x128xf32>
    %select_n3A = arith.select %broadcast_in_dim3A_18, %mul3A_17, %broadcast_in_dim3A_19 : vector<1000x128xi1>, vector<1000x128xf32>
    %get3A_20 = arith.constant 0 : index
    %get3A_21 = arith.constant 0 : index
    %get3A_22 = vector.load %arg1[%get3A_20, %get3A_21] : memref<1000x128xf32, #tpu.memory_space<vmem>>, vector<1000x128xf32>
    %get3A_23 = arith.constant 0 : index
    %get3A_24 = arith.constant 0 : index
    %get3A_25 = vector.load %arg2[%get3A_23, %get3A_24] : memref<1000x128xf32, #tpu.memory_space<vmem>>, vector<1000x128xf32>
    %add3A_26 = arith.addf %get3A_22, %get3A_25 : vector<1000x128xf32>
    %add3A_27 = arith.addf %add3A_26, %select_n3A : vector<1000x128xf32>
    %add3A_28 = arith.constant 1.000000e-16 : f32
    %add3A_29 = vector.broadcast %add3A_28 : f32 to vector<1000x128xf32>
    %add3A_30 = arith.addf %add3A_27, %add3A_29 : vector<1000x128xf32>
    %log3A = math.log %add3A_30 : vector<1000x128xf32>
    %mul3A_31 = arith.constant 1.250000e-01 : f32
    %mul3A_32 = vector.broadcast %mul3A_31 : f32 to vector<1000x128xf32>
    %mul3A_33 = arith.mulf %log3A, %mul3A_32 : vector<1000x128xf32>
    %get3A_34 = arith.constant 0 : index
    %get3A_35 = memref.load %arg12[%get3A_34] : memref<1xf32, #tpu.memory_space<smem>>
    %add3A_36 = vector.broadcast %get3A_35 : f32 to vector<1000x128xf32>
    %add3A_37 = arith.addf %mul3A_33, %add3A_36 : vector<1000x128xf32>
    %get3A_38 = arith.constant 0 : index
    %get3A_39 = arith.constant 0 : index
    %get3A_40 = vector.load %arg7[%get3A_38, %get3A_39] : memref<256x128xf32, #tpu.memory_space<vmem>>, vector<256x128xf32>
    %dot_general3A = arith.constant dense<0.000000e+00> : vector<1000x256xf32>
    %dot_general3A_41 = tpu.matmul %add3A_37, %get3A_40, %dot_general3A {dimension_numbers = #tpu.dot_dimension_numbers<[1], [1], [0], [0], [0, 0, 1, 0], [], []>, transpose_lhs_hint = false} : vector<1000x128xf32>, vector<256x128xf32>, vector<1000x256xf32> -> vector<1000x256xf32>
    %get3A_42 = arith.constant 0 : index
    %get3A_43 = arith.constant 0 : index
    %get3A_44 = vector.load %arg6[%get3A_42, %get3A_43] : memref<1000x128xf32, #tpu.memory_space<vmem>>, vector<1000x128xf32>
    %get3A_45 = arith.constant 0 : index
    %get3A_46 = arith.constant 0 : index
    %get3A_47 = vector.load %arg8[%get3A_45, %get3A_46] : memref<256x128xf32, #tpu.memory_space<vmem>>, vector<256x128xf32>
    %dot_general3A_48 = arith.constant dense<0.000000e+00> : vector<1000x256xf32>
    %dot_general3A_49 = tpu.matmul %get3A_44, %get3A_47, %dot_general3A_48 {dimension_numbers = #tpu.dot_dimension_numbers<[1], [1], [0], [0], [0, 0, 1, 0], [], []>, transpose_lhs_hint = false} : vector<1000x128xf32>, vector<256x128xf32>, vector<1000x256xf32> -> vector<1000x256xf32>
    %add3A_50 = arith.addf %dot_general3A_41, %dot_general3A_49 : vector<1000x256xf32>
    %get3A_51 = arith.constant 0 : index
    %get3A_52 = arith.constant 0 : index
    %get3A_53 = vector.load %arg9[%get3A_51, %get3A_52] : memref<1x256xf32, #tpu.memory_space<vmem>>, vector<1x256xf32>
    %add3A_54 = vector.broadcast %get3A_53 : vector<1x256xf32> to vector<1000x256xf32>
    %add3A_55 = arith.addf %add3A_50, %add3A_54 : vector<1000x256xf32>
    %max3A = arith.constant 0.000000e+00 : f32
    %max3A_56 = vector.broadcast %max3A : f32 to vector<1000x256xf32>
    %max3A_57 = arith.maximumf %add3A_55, %max3A_56 : vector<1000x256xf32>
    %get3A_58 = arith.constant 0 : index
    %get3A_59 = arith.constant 0 : index
    %get3A_60 = vector.load %arg10[%get3A_58, %get3A_59] : memref<128x256xf32, #tpu.memory_space<vmem>>, vector<128x256xf32>
    %dot_general3A_61 = arith.constant dense<0.000000e+00> : vector<1000x128xf32>
    %dot_general3A_62 = tpu.matmul %max3A_57, %get3A_60, %dot_general3A_61 {dimension_numbers = #tpu.dot_dimension_numbers<[1], [1], [0], [0], [0, 0, 1, 0], [], []>, transpose_lhs_hint = false} : vector<1000x256xf32>, vector<128x256xf32>, vector<1000x128xf32> -> vector<1000x128xf32>
    %get3A_63 = arith.constant 0 : index
    %get3A_64 = arith.constant 0 : index
    %get3A_65 = vector.load %arg11[%get3A_63, %get3A_64] : memref<1x128xf32, #tpu.memory_space<vmem>>, vector<1x128xf32>
    %add3A_66 = vector.broadcast %get3A_65 : vector<1x128xf32> to vector<1000x128xf32>
    %add3A_67 = arith.addf %dot_general3A_62, %add3A_66 : vector<1000x128xf32>
    %swap3A = arith.constant 0 : index
    %swap3A_68 = arith.constant 0 : index
    %swap3A_69 = vector.load %arg13[%swap3A, %swap3A_68] : memref<1000x128xf32, #tpu.memory_space<vmem>>, vector<1000x128xf32>
    tpu.vector_store %arg13[%swap3A, %swap3A_68], %add3A_67 {strides = array<i32>} : memref<1000x128xf32, #tpu.memory_space<vmem>>, vector<1000x128xf32>,
    return
  }
  func.func @transform_0(%arg0: i32) -> (i32, i32) {
    %c0_i32 = arith.constant 0 : i32
    %c0_i32_0 = arith.constant 0 : i32
    return %arg0, %c0_i32 : i32, i32
  }
  func.func @transform_1(%arg0: i32) -> (i32, i32) {
    %c0_i32 = arith.constant 0 : i32
    %c0_i32_0 = arith.constant 0 : i32
    return %arg0, %c0_i32 : i32, i32
  }
  func.func @transform_2(%arg0: i32) -> (i32, i32) {
    %c0_i32 = arith.constant 0 : i32
    %c0_i32_0 = arith.constant 0 : i32
    return %arg0, %c0_i32 : i32, i32
  }
  func.func @transform_3(%arg0: i32) -> (i32, i32) {
    %c0_i32 = arith.constant 0 : i32
    %c0_i32_0 = arith.constant 0 : i32
    return %arg0, %c0_i32 : i32, i32
  }
  func.func @transform_4(%arg0: i32) -> (i32, i32) {
    %c0_i32 = arith.constant 0 : i32
    %c0_i32_0 = arith.constant 0 : i32
    return %arg0, %c0_i32 : i32, i32
  }
  func.func @transform_5(%arg0: i32) -> (i32, i32) {
    %c0_i32 = arith.constant 0 : i32
    %c0_i32_0 = arith.constant 0 : i32
    return %arg0, %c0_i32 : i32, i32
  }
  func.func @transform_6(%arg0: i32) -> (i32, i32) {
    %c0_i32 = arith.constant 0 : i32
    %c0_i32_0 = arith.constant 0 : i32
    %c0_i32_1 = arith.constant 0 : i32
    return %c0_i32, %c0_i32_0 : i32, i32
  }
  func.func @transform_7(%arg0: i32) -> (i32, i32) {
    %c0_i32 = arith.constant 0 : i32
    %c0_i32_0 = arith.constant 0 : i32
    %c0_i32_1 = arith.constant 0 : i32
    return %c0_i32, %c0_i32_0 : i32, i32
  }
  func.func @transform_8(%arg0: i32) -> (i32, i32) {
    %c0_i32 = arith.constant 0 : i32
    %c0_i32_0 = arith.constant 0 : i32
    %c0_i32_1 = arith.constant 0 : i32
    return %c0_i32, %c0_i32_0 : i32, i32
  }
  func.func @transform_9(%arg0: i32) -> (i32, i32) {
    %c0_i32 = arith.constant 0 : i32
    %c0_i32_0 = arith.constant 0 : i32
    %c0_i32_1 = arith.constant 0 : i32
    return %c0_i32, %c0_i32_0 : i32, i32
  }
  func.func @transform_10(%arg0: i32) -> (i32, i32) {
    %c0_i32 = arith.constant 0 : i32
    %c0_i32_0 = arith.constant 0 : i32
    %c0_i32_1 = arith.constant 0 : i32
    return %c0_i32, %c0_i32_0 : i32, i32
  }
  func.func @transform_11(%arg0: i32) -> i32 {
    %c0_i32 = arith.constant 0 : i32
    %c0_i32_0 = arith.constant 0 : i32
    return %c0_i32 : i32
  }
  func.func @transform_12(%arg0: i32) -> (i32, i32) {
    %c0_i32 = arith.constant 0 : i32
    %c0_i32_0 = arith.constant 0 : i32
    return %arg0, %c0_i32 : i32, i32
  }
}

</mosaic_0001>

<sc_bundles>
// kernel: kernel.12.cloned.1.call-start
scs
__scs_entry_jumppad:
0x0: {  	(pc) =	sbr.rel $0x88, $3  }
0x1: {  	(tag) =	ssettag $0x0;
	lr =	simm.s32 $0x1  }
0x2: {  	[smem:$0x3F8D] =	sst lr;
	_ =	strace $0xD0000000  }
0x3: {  	_ = 	snop  }
0x4: {  	_ = 	snop  }
0x5: {  	_ = 	snop  }
0x6: {  	_ = 	snop  }
0x7: {  	_ = 	snop  }
__scs_overlays_trampoline_lowered:
0x8: {  	[smem:$0x3F9C] =	sst s0  }
0x9: {  	[smem:$0x3F9D] =	sst s1  }
0xa: {  	[smem:$0x3F9E] =	sst s2  }
0xb: {  	[smem:$0x3F9F] =	sst s3  }
0xc: {  	[smem:$0x3FA0] =	sst s4  }
0xd: {  	[smem:$0x3FA1] =	sst s5  }
0xe: {  	[smem:$0x3FA2] =	sst s6  }
0xf: {  	[smem:$0x3FA3] =	sst s7  }
0x10: {  	[smem:$0x3FA4] =	sst s8  }
0x11: {  	[smem:$0x3FA5] =	sst s9;
	s0 =	simm.s32 @!p0 $0x0  }
0x12: {  	s1 =	sld [smem:$0x3F8B];
	s0 =	simm.s32 @p0 $0x1  }
0x13: {  	[smem:$0x3FA6] =	sst s0;
	s0 =	simm.s32 @!p1 $0x0  }
0x14: {  	s2 =	sld [smem:$0x3F8A];
	s0 =	simm.s32 @p1 $0x1  }
0x15: {  	[smem:$0x3FA7] =	sst s0;
	s0 =	simm.s32 @!p2 $0x0  }
0x16: {  	s3 =	sld [smem:$0x3FDB];
	s0 =	simm.s32 @p2 $0x1  }
0x17: {  	s4 =	simm.s32 $0x1BF5;
	[smem:$0x3FA9] =	sst s0  }
0x18: {  	s0 =	sld [smem:$0x3F8C];
	_ =	swait.ge [sflag:s4], $0x0  }
0x19: {  	s7 =	sld [smem:$0x3F8D]  }
0x1a: {  	s8 =	sadd.s32 $0xFFFFE003, lr  }
0x1b: {  	s9 =	sadd.s32 $0xFFFFFEF7, lr;
	s5 =	simm.s32 $0xFFFFFFFF;
	p2 =	slt.u32 s8, $0xFFFFF086  }
0x1c: {  	p1 =	slt.u32 s9, $0xF7A;
	s5 =	simm.s32 @!p2 $0x0  }
0x1d: {  	s5 =	simm.s32 @p1 $0x1;
	p0 =	seq.s32 s7, s2  }
0x1e: {  	s7 =	smul.u32 @!p0 $0xF7A, s2;
	p2 =	seq.s32 @!p0 s5, $0x0  }
0x1f: {  	s9 =	smul.u32 $0xF7A, s1;
	s8 =	simm.s32 @!p0 $0x1BF5;
	p2 =	por !p2, p0  }
0x20: {  	[sflag:s8] =	ssyncset.s32 @!p0 $0xFFFFF086;
	s6 =	sadd.s32 @!p0 s3, s7;
	s7 =	simm.s32 @!p0 $0x108  }
0x21: {  	s3 =	sadd.s32 s3, s9;
	s6 =	sadd.s32 @!p0 $0x88, s6;
	s7 =	simm.s32 @p2 $0x1082  }
0x22: {  	[simem:s7], [sflag:s8] =	dma.local @!p0 [hbm:s6], $0xF7A  }
0x23: {  	s9 =	sor.u32 $0xD0000000, s2;
	s6 =	simm.s32 $0x108;
	_ =	swait.ge @!p0 [sflag:s8], $0x0  }
0x24: {  	s3 =	sadd.s32 $0x88, s3;
	s6 =	simm.s32 @!p1 $0x1082;
	[sflag:s4] =	ssyncset.s32 $0xFFFFF086  }
0x25: {  	[simem:s6], [sflag:s4] =	dma.local [hbm:s3], $0xF7A  }
0x26: {  	[smem:$0x3F8D] =	sst s1;
	(tag) =	ssettag s2;
	_ =	strace s9  }
0x27: {  	s1 =	sld [smem:$0x3F9D]  }
0x28: {  	s2 =	sld [smem:$0x3F9E]  }
0x29: {  	s4 =	sld [smem:$0x3FA0]  }
0x2a: {  	p0 =	seq.s32 s5, $0x0;
	s5 =	sld [smem:$0x3FA1]  }
0x2b: {  	s6 =	sld [smem:$0x3FA2]  }
0x2c: {  	s7 =	sld [smem:$0x3FA3]  }
0x2d: {  	s3 =	simm.s32 $0x108;
	s8 =	sld [smem:$0x3FA4]  }
0x2e: {  	s3 =	simm.s32 @!p0 $0x1082;
	s9 =	sld [smem:$0x3FA5]  }
0x2f: {  	lr =	sadd.s32 s0, s3;
	s0 =	sld [smem:$0x3F9C]  }
0x30: {  	s3 =	sld [smem:$0x3F9F]  }
0x31: {  	[smem:$0x3FA8] =	sst s10  }
0x32: {  	s10 =	sld [smem:$0x3FA6];
	_ =	sdelay $0x3  }
0x33: {  	p0 =	seq.s32 s10, $0x1;
	s10 =	sld [smem:$0x3FA8];
	_ =	sdelay $0x3  }
0x34: {  	[smem:$0x3FA8] =	sst s10  }
0x35: {  	s10 =	sld [smem:$0x3FA7];
	_ =	sdelay $0x3  }
0x36: {  	p1 =	seq.s32 s10, $0x1;
	s10 =	sld [smem:$0x3FA8];
	_ =	sdelay $0x3  }
0x37: {  	[smem:$0x3FA8] =	sst s10  }
0x38: {  	s10 =	sld [smem:$0x3FA9]  }
0x39: {  	_ = 	snop;
	(pc) =	sbr.ind lr, $3  }
0x3a: {  	_ = 	snop  }
0x3b: {  	_ = 	snop  }
0x3c: {  	p2 =	seq.s32 s10, $0x1;
	s10 =	sld [smem:$0x3FA8]  }
0x3d: {  	_ =	shalt  }
0x3e: {  	_ =	shalt  }
0x3f: {  	_ =	shalt  }
0x40: {  	_ =	shalt  }
0x41: {  	_ =	shalt  }
0x42: {  	_ =	shalt  }
0x43: {  	_ =	shalt  }
0x44: {  	_ =	shalt  }
0x45: {  	_ =	shalt  }
0x46: {  	_ =	shalt  }
0x47: {  	_ =	shalt  }
0x48: {  	_ =	shalt  }
0x49: {  	_ =	shalt  }
0x4a: {  	_ =	shalt  }
0x4b: {  	_ =	shalt  }
0x4c: {  	_ =	shalt  }
0x4d: {  	_ =	shalt  }
0x4e: {  	_ =	shalt  }
0x4f: {  	_ =	shalt  }
0x50: {  	_ =	shalt  }
0x51: {  	_ =	shalt  }
0x52: {  	_ =	shalt  }
0x53: {  	_ =	shalt  }
0x54: {  	_ =	shalt  }
0x55: {  	_ =	shalt  }
0x56: {  	_ =	shalt  }
0x57: {  	_ =	shalt  }
0x58: {  	_ =	shalt  }
0x59: {  	_ =	shalt  }
0x5a: {  	_ =	shalt  }
0x5b: {  	_ =	shalt  }
0x5c: {  	_ =	shalt  }
0x5d: {  	_ =	shalt  }
0x5e: {  	_ =	shalt  }
0x5f: {  	_ =	shalt  }
0x60: {  	_ =	shalt  }
0x61: {  	_ =	shalt  }
0x62: {  	_ =	shalt  }
0x63: {  	_ =	shalt  }
0x64: {  	_ =	shalt  }
0x65: {  	_ =	shalt  }
0x66: {  	_ =	shalt  }
0x67: {  	_ =	shalt  }
0x68: {  	_ =	shalt  }
0x69: {  	_ =	shalt  }
0x6a: {  	_ =	shalt  }
0x6b: {  	_ =	shalt  }
0x6c: {  	_ =	shalt  }
0x6d: {  	_ =	shalt  }
0x6e: {  	_ =	shalt  }
0x6f: {  	_ =	shalt  }
0x70: {  	_ =	shalt  }
0x71: {  	_ =	shalt  }
0x72: {  	_ =	shalt  }
0x73: {  	_ =	shalt  }
0x74: {  	_ =	shalt  }
0x75: {  	_ =	shalt  }
0x76: {  	_ =	shalt  }
0x77: {  	_ =	shalt  }
0x78: {  	_ =	shalt  }
0x79: {  	_ =	shalt  }
0x7a: {  	_ =	shalt  }
0x7b: {  	_ =	shalt  }
0x7c: {  	_ =	shalt  }
0x7d: {  	_ =	shalt  }
0x7e: {  	_ =	shalt  }
0x7f: {  	_ =	shalt  }
0x80: {  	_ =	shalt  }
0x81: {  	_ =	shalt  }
0x82: {  	_ =	shalt  }
0x83: {  	_ =	shalt  }
0x84: {  	_ =	shalt  }
0x85: {  	_ =	shalt  }
0x86: {  	_ =	shalt  }
0x87: {  	_ =	shalt  }
.Lfunc_end0:
.L_simem_size_0:
called_computation_lowered:
.L_overlay_start_0:
0x88: {  	s2 =	sld [smem:$0x3FD9]  }
0x89: {  	s3 =	sld [smem:$0x3FFE];
	_ =	sdelay $0x1  }
0x8a: {  	s1 =	srdreg.scid  }
0x8b: {  	s0 =	sand.u32 $0x1, s1  }
0x8c: {  	s17 =	sshll.u32 s0, $0xA;
	s2 =	sadd.s32 s3, s2  }
0x8d: {  	s2 =	sadd.s32 s2, s17  }
0x8e: {  	[smem:$0x3FB4] =	sst s2  }
0x8f: {  	_ = 	snop  }
0x90: {  	s18 =	sld [smem:$0x3FC9]  }
0x91: {  	s4 =	sld [smem:$0x3FC7];
	(tm) =	ssettm $0x1  }
0x92: {  	s19 =	sld [smem:$0x3FFB];
	_ =	sdelay $0x3  }
0x93: {  	_ =	strace s19  }
0x94: {  	s2 =	sld [smem:$0x3FFC];
	_ =	sdelay $0x3  }
0x95: {  	_ =	strace s2  }
0x96: {  	s2 =	sld [smem:$0x3FFD];
	_ =	sdelay $0x3  }
0x97: {  	_ =	strace s2  }
0x98: {  	_ =	strace $0x8FFFFFFF  }
0x99: {  	s20 =	sld [smem:$0x3FDB];
	_ =	sdelay $0x1  }
0x9a: {  	s5 =	simm.s32 $_scs_section_size  }
0x9b: {  	s6 =	simm.s32 $_size__tile_overlayer_lowered;
	s7 =	simm.s32 $_tile_overlayer_lowered  }
0x9c: {  	s8 =	simm.s32 $0x1BFF;
	s21 =	sshll.u32 s7, $0x1;
	s5 =	sadd.s32 s5, s20  }
0x9d: {  	s22 =	simm.s32 $0x0;
	s6 =	sshll.u32 s6, $0x1;
	s7 =	sadd.s32 s21, s5  }
0x9e: {  	[timem:s22], [sflag:s8] =	dma.local [hbm:s7], s6  }
0x9f: {  	_ =	swait.ge [sflag:s8], s6  }
0xa0: {  	s6 =	ssub.s32 $0x0, s6;
	[sflag:s8] =	ssyncset.done $0x0  }
0xa1: {  	[sflag:s8] =	ssyncadd.s32 s6;
	_ =	sdelay $0x1  }
0xa2: {  	s23 =	simm.s32 $0x1B8B  }
0xa3: {  	_ =	swait.ge [sflag:s23], $0x1  }
0xa4: {  	[sflag:s23] =	ssyncset.done $0x0  }
0xa5: {  	[sflag:s23] =	ssyncadd.s32 $0xFFFFFFFF  }
0xa6: {  	s6 =	sld [smem:$0x0]  }
0xa7: {  	s7 =	sand.u32 $0xFFFFFFFE, s1  }
0xa8: {  	p0 =	sne.s32 s1, s7  }
0xa9: {  	s7 =	sshll.u32 @p0 s7, $0xE  }
0xaa: {  	s7 =	sadd.s32 @p0 $0x11B8D, s7;
	s8 =	sshll.u32 @p0 s6, $0x11  }
0xab: {  	s7 =	sor.u32 @p0 s8, s7  }
0xac: {  	[sflag:s7] =	ssyncadd.remote.s32 @p0 $0x1;
	_ =	sdelay $0x1  }
0xad: {  	s7 =	simm.s32 @p0 $0x1B8D  }
0xae: {  	_ =	swait.eq @p0 [sflag:s7], $0x1  }
0xaf: {  	[sflag:s7] =	ssyncadd.s32 @p0 $0xFFFFFFFF  }
0xb0: {  	s8 =	sshll.u32 @!p0 s1, $0xE  }
0xb1: {  	s8 =	sor.u32 @!p0 $0x4000, s8;
	s7 =	simm.s32 @!p0 $0x1B8D  }
0xb2: {  	s6 =	sshll.u32 @!p0 s6, $0x11;
	s8 =	sadd.s32 @!p0 $0x11B8D, s8;
	_ =	swait.eq @!p0 [sflag:s7], $0x1  }
0xb3: {  	s6 =	sor.u32 @!p0 s6, s8;
	[sflag:s7] =	ssyncadd.s32 @!p0 $0xFFFFFFFF  }
0xb4: {  	s25 =	simm.s32 $0x1B8E;
	s24 =	sld [smem:$0x3FFE];
	[sflag:s6] =	ssyncadd.remote.s32 @!p0 $0x1  }
0xb5: {  	s26 =	simm.s32 $execute0_lowered;
	[smem:$0x3FD2] =	sst s25  }
0xb6: {  	s7 =	sshll.u32 s26, $0x1;
	_ =	strace $0x80000049;
	[dreg:$0x1] =	wrdreg $0xFFFFFFFF  }
0xb7: {  	s28 =	simm.s32 $_size_execute0_lowered;
	s5 =	sadd.s32 s5, s7;
	[dreg:$0x0] =	wrdreg $0x0  }
0xb8: {  	s7 =	sshll.u32 s28, $0x1;
	[dreg:$0x2] =	wrdreg s5  }
0xb9: {  	[dreg:$0x3] =	wrdreg s7  }
0xba: {  	[dreg:$0x4] =	wrdreg $0xC0  }
0xbb: {  	_ =	task [dreg:s22], $0x5FFFF  }
0xbc: {  	[dreg:$0x1] =	wrdreg $0xFFFFFFFF  }
0xbd: {  	[dreg:$0x0] =	wrdreg $0x60  }
0xbe: {  	[dreg:$0x2] =	wrdreg s18  }
0xbf: {  	[dreg:$0x3] =	wrdreg s4  }
0xc0: {  	[dreg:$0x4] =	wrdreg s24  }
0xc1: {  	[dreg:$0x5] =	wrdreg $0x9  }
0xc2: {  	_ =	task.clear_ibuf [dreg:s22], $0x6FFFF;
	_ =	strace $0x90000049  }
0xc3: {  	s29 =	simm.s32 $0x9;
	_ =	strace $0x8000004B  }
0xc4: {  	_ =	swait.ge [sflag:s29], $0x1  }
0xc5: {  	[sflag:s29] =	ssyncadd.s32 $0xFFFFFFFF  }
0xc6: {  	_ =	strace $0x9000004B  }
0xc7: {  	_ =	sfence  }
0xc8: {  	s30 =	sld [smem:$0x0];
	_ =	sdelay $0x2  }
0xc9: {  	s31 =	sshll.u32 s1, $0xD;
	s1 =	sshrl.u32 s1, $0x2  }
0xca: {  	s4 =	sand.u32 $0x4000, s31;
	s1 =	sadd.s32 s1, s30  }
0xcb: {  	s0 =	sor.u32 s4, s0;
	s1 =	sshll.u32 s1, $0x11  }
0xcc: {  	s0 =	sor.u32 s1, s0  }
0xcd: {  	s0 =	sadd.s32 $0x8F2B, s0  }
0xce: {  	[sflag:s0] =	ssyncadd.remote.s32 $0x1  }
0xcf: {  	_ =	sfence.sel $0xFFFF  }
0xd0: {  	[dreg:$0x0] =	wrdreg $0xFFFFFFFF;
	(pc) =	sbr.abs _section_cstart, $3  }
0xd1: {  	[dreg:$0x1] =	wrdreg $0xFFFFFFFF  }
0xd2: {  	_ =	task.clear_ibuf [dreg:s22], $0x2FFFF;
	_ =	strace $0x9FFFFFFF  }
0xd3: {  	(tm) =	ssettm $0x7FFFFFFF  }
tec
execute0_lowered:
.L_overlay_start_1:
0x0: {  	(tag) =	ssettag $0x1  }
0x1: {  	s0 =	stileid.u32  }
0x2: {  	s2 =	srdreg.scid;
	s5 =	smul.u32 $0xA00, s0  }
0x3: {  	s1 =	rddreg [dreg:$0x0];
	s6 =	sand.u32 $0x1, s2;
	s29 =	smul.u32 $0x14, s0  }
0x4: {  	s4 =	rddreg [dreg:$0x1];
	s9 =	smul.u32 $0x500, s6  }
0x5: {  	s3 =	rddreg [dreg:$0x2];
	s7 =	ssub.s32 $0x2, s6;
	s10 =	smul.u32 $0xA, s6  }
0x6: {  	s5 =	sadd.s32 s5, s3;
	s8 =	sshrl.u32 s7, $0x1;
	s3 =	simm.s32 $0x0  }
0x7: {  	s7 =	ssub.s32 s7, s8;
	[smem:$0x7FF] =	sst s3;
	s9 =	sadd.s32 s9, s5  }
0x8: {  	s8 =	sadd.s32 s29, s4;
	s4 =	sshll.u32 s0, $0x1;
	_ =	strace $0x8000004A  }
0x9: {  	s5 =	smax.u32 s7, $0x1;
	s30 =	sadd.s32 s10, s8;
	s31 =	sor.u32 s6, s4  }
0xa: {  	s6 =	sadd.s32 $0x166E00, s9;
	s7 =	sadd.s32 $0x500, s30;
	[dreg:$0x4] =	wrdreg s31  }
.LBB2_1:
0xb: {  	s8 =	sadd.s32 $0x0, s4  }
0xc: {  	s9 =	sadd.s32 $0xFFFFFF00, s8  }
0xd: {  	p0 =	sgt.u32 s9, $0x9C3  }
0xe: {  	s10 =	simm.s32 @!p0 $0x1  }
0xf: {  	s19 =	rddreg [dreg:$0x4];
	s11 =	sadd.s32 $0xFFFFFF20, s8;
	_ =	swait.ge @!p0 [sflag:s10], $0x2800  }
0x10: {  	p1 =	sgt.u32 s11, $0x9C3;
	[sflag:s10] =	ssyncset.done @!p0 $0x0  }
0x11: {  	[sflag:s10] =	ssyncadd.s32 @!p0 $0xFFFFD800;
	s10 =	simm.s32 @!p1 $0x2  }
0x12: {  	s20 =	sadd.s32 $0xFFFFFF40, s8;
	s21 =	sadd.s32 $0xFFFFFF60, s8;
	_ =	swait.ge @!p1 [sflag:s10], $0x2800  }
0x13: {  	s22 =	sadd.s32 $0xFFFFFF80, s8;
	p0 =	sgt.u32 s20, $0x9C3;
	[sflag:s10] =	ssyncset.done @!p1 $0x0  }
0x14: {  	s23 =	sadd.s32 $0xFFFFFFA0, s8;
	[sflag:s10] =	ssyncadd.s32 @!p1 $0xFFFFD800;
	s10 =	simm.s32 @!p0 $0x3  }
0x15: {  	s12 =	sadd.s32 $0xFFFFFFC0, s8;
	s25 =	sadd.s32 $0xFFFFFFE0, s8;
	_ =	swait.ge @!p0 [sflag:s10], $0x2800  }
0x16: {  	p5 =	sgt.u32 s8, $0x9C3;
	p1 =	sgt.u32 s21, $0x9C3;
	[sflag:s10] =	ssyncset.done @!p0 $0x0  }
0x17: {  	s9 =	sadd.s32 $0x0, s19;
	[sflag:s10] =	ssyncadd.s32 @!p0 $0xFFFFD800;
	s10 =	simm.s32 @!p1 $0x4  }
0x18: {  	s8 =	sadd.s32 @!p5 $0xFFFFFB00, s7;
	s24 =	sadd.s32 $0x20, s9;
	_ =	swait.ge @!p1 [sflag:s10], $0x2800  }
0x19: {  	s13 =	sadd.s32 $0x40, s9;
	p0 =	sgt.u32 s22, $0x9C3;
	[sflag:s10] =	ssyncset.done @!p1 $0x0  }
0x1a: {  	s14 =	sadd.s32 $0x60, s9;
	[sflag:s10] =	ssyncadd.s32 @!p1 $0xFFFFD800;
	s10 =	simm.s32 @!p0 $0x5  }
0x1b: {  	s15 =	sadd.s32 $0x80, s9;
	s16 =	sadd.s32 $0xA0, s9;
	_ =	swait.ge @!p0 [sflag:s10], $0x2800  }
0x1c: {  	s26 =	sadd.s32 $0xC0, s9;
	p1 =	sgt.u32 s23, $0x9C3;
	[sflag:s10] =	ssyncset.done @!p0 $0x0  }
0x1d: {  	s9 =	sadd.s32 $0xE0, s9;
	[sflag:s10] =	ssyncadd.s32 @!p0 $0xFFFFD800;
	s10 =	simm.s32 @!p1 $0x6  }
0x1e: {  	p4 =	sgt.u32 s9, $0x9C3;
	p6 =	sgt.u32 s24, $0x9C3;
	_ =	swait.ge @!p1 [sflag:s10], $0x2800  }
0x1f: {  	p2 =	sgt.u32 s15, $0x9C3;
	p0 =	sgt.u32 s12, $0x9C3;
	[sflag:s10] =	ssyncset.done @!p1 $0x0  }
0x20: {  	p3 =	sgt.u32 s16, $0x9C3;
	[sflag:s10] =	ssyncadd.s32 @!p1 $0xFFFFD800;
	s10 =	simm.s32 @!p0 $0x7  }
0x21: {  	s24 =	simm.s32 @!p5 $0x1;
	s2 =	simm.s32 @!p2 $0x0;
	_ =	swait.ge @!p0 [sflag:s10], $0x2800  }
0x22: {  	s15 =	simm.s32 @!p6 $0x0;
	p1 =	sgt.u32 s25, $0x9C3;
	[sflag:s10] =	ssyncset.done @!p0 $0x0  }
0x23: {  	s17 =	simm.s32 @!p6 $0x80;
	[sflag:s10] =	ssyncadd.s32 @!p0 $0xFFFFD800;
	s10 =	simm.s32 @!p1 $0x8  }
0x24: {  	s9 =	sadd.s32 @!p3 $0x140, s7;
	s16 =	simm.s32 @!p4 $0x380;
	_ =	swait.ge @!p1 [sflag:s10], $0x2800  }
0x25: {  	s2 =	simm.s32 @p2 $0x1;
	s20 =	simm.s32 @!p2 $0x200;
	[sflag:s10] =	ssyncset.done @!p1 $0x0  }
0x26: {  	p0 =	sgt.u32 s14, $0x9C3;
	s14 =	simm.s32 @!p5 $0x0;
	[sflag:s10] =	ssyncadd.s32 @!p1 $0xFFFFD800  }
0x27: {  	[tilespmem:s14], [sflag:$0x1] =	stream.linear.gather @!p5 [hbm4b:s8+s14], $0x50, $0x38;
	[tilespmem:$0x14400] =	vst v63  }
0x28: {  	s21 =	simm.s32 @!p3 $0x280;
	p1 =	sgt.u32 s13, $0x9C3;
	s8 =	sadd.s32 @!p6 $0xFFFFFC40, s7  }
0x29: {  	[tilespmem:s17], [sflag:$0x2] =	stream.linear.gather @!p6 [hbm4b:s8+s15], $0x50, $0x38;
	[tilespmem:$0x14400] =	vst v63  }
0x2a: {  	s13 =	simm.s32 @!p1 $0x0;
	s18 =	simm.s32 @!p1 $0x100;
	s8 =	sadd.s32 @!p1 $0xFFFFFD80, s7  }
0x2b: {  	[tilespmem:s18], [sflag:$0x3] =	stream.linear.gather @!p1 [hbm4b:s8+s13], $0x50, $0x38;
	[tilespmem:$0x14400] =	vst v63  }
0x2c: {  	s11 =	simm.s32 @!p0 $0x0;
	s19 =	simm.s32 @!p0 $0x180;
	s8 =	sadd.s32 @!p0 $0xFFFFFEC0, s7  }
0x2d: {  	[tilespmem:s19], [sflag:$0x4] =	stream.linear.gather @!p0 [hbm4b:s8+s11], $0x50, $0x38;
	[tilespmem:$0x14400] =	vst v63  }
0x2e: {  	[smem:$0x7FB] =	sst s2;
	s2 =	simm.s32 @!p4 $0x0;
	s10 =	simm.s32 @!p2 $0x0  }
0x2f: {  	[tilespmem:s20], [sflag:$0x5] =	stream.linear.gather @!p2 [hbm4b:s7+s10], $0x50, $0x38;
	[tilespmem:$0x14400] =	vst v63  }
0x30: {  	s2 =	simm.s32 @p4 $0x1;
	s8 =	simm.s32 @!p3 $0x0;
	p2 =	sgt.u32 s26, $0x9C3  }
0x31: {  	[tilespmem:s21], [sflag:$0x6] =	stream.linear.gather @!p3 [hbm4b:s9+s8], $0x50, $0x38;
	[tilespmem:$0x14400] =	vst v63  }
0x32: {  	s12 =	sadd.s32 @!p2 $0x280, s7;
	s22 =	simm.s32 @!p2 $0x300;
	s9 =	simm.s32 @!p2 $0x0  }
0x33: {  	[tilespmem:s22], [sflag:$0x7] =	stream.linear.gather @!p2 [hbm4b:s12+s9], $0x50, $0x38;
	[tilespmem:$0x14400] =	vst v63  }
0x34: {  	s23 =	sadd.s32 @!p4 $0x3C0, s7;
	[smem:$0x7FD] =	sst s2;
	s12 =	simm.s32 @!p4 $0x0  }
0x35: {  	[tilespmem:s16], [sflag:$0x8] =	stream.linear.gather @!p4 [hbm4b:s23+s12], $0x50, $0x38;
	[tilespmem:$0x14400] =	vst v63  }
0x36: {  	_ =	swait.ge @!p5 [sflag:s24], $0x50  }
0x37: {  	s25 =	simm.s32 @!p5 $0x400;
	[sflag:s24] =	ssyncset.done @!p5 $0x0  }
0x38: {  	s23 =	simm.s32 @!p6 $0x2;
	[sflag:s24] =	ssyncadd.s32 @!p5 $0xFFFFFFB0;
	s24 =	simm.s32 @!p5 $0x50  }
0x39: {  	[tilespmem:s25], [sflag:$0x9] =	stream.indirect.gather @!p5 [hbm4b:s1+s24], $0x80, s14, s24, $0xb8;
	[tilespmem:$0x14400] =	vst v63  }
0x3a: {  	_ =	swait.ge @!p6 [sflag:s23], $0x50  }
0x3b: {  	s2 =	simm.s32 @!p0 $0x0;
	s26 =	simm.s32 @!p6 $0x2C00;
	[sflag:s23] =	ssyncset.done @!p6 $0x0  }
0x3c: {  	s24 =	simm.s32 @!p6 $0x50;
	[sflag:s23] =	ssyncadd.s32 @!p6 $0xFFFFFFB0;
	s23 =	simm.s32 @!p1 $0x3  }
0x3d: {  	[tilespmem:s26], [sflag:$0xA] =	stream.indirect.gather @!p6 [hbm4b:s1+s24], $0x80, s17, s24, $0xb8;
	[tilespmem:$0x14400] =	vst v63  }
0x3e: {  	s2 =	simm.s32 @p0 $0x1;
	_ =	swait.ge @!p1 [sflag:s23], $0x50  }
0x3f: {  	s17 =	simm.s32 @!p1 $0x5400;
	s24 =	simm.s32 @!p0 $0x4;
	[sflag:s23] =	ssyncset.done @!p1 $0x0  }
0x40: {  	[smem:$0x7FC] =	sst s2;
	[sflag:s23] =	ssyncadd.s32 @!p1 $0xFFFFFFB0;
	s23 =	simm.s32 @!p1 $0x50  }
0x41: {  	[tilespmem:s17], [sflag:$0xB] =	stream.indirect.gather @!p1 [hbm4b:s1+s23], $0x80, s18, s23, $0xb8;
	[tilespmem:$0x14400] =	vst v63  }
0x42: {  	_ =	swait.ge @!p0 [sflag:s24], $0x50  }
0x43: {  	[sflag:s24] =	ssyncset.done @!p0 $0x0;
	s28 =	sld [smem:$0x7FB]  }
0x44: {  	s23 =	simm.s32 @!p0 $0x50;
	[sflag:s24] =	ssyncadd.s32 @!p0 $0xFFFFFFB0;
	s24 =	simm.s32 @!p0 $0x7C00  }
0x45: {  	[tilespmem:s24], [sflag:$0xC] =	stream.indirect.gather @!p0 [hbm4b:s1+s23], $0x80, s19, s23, $0xb8;
	[tilespmem:$0x14400] =	vst v63  }
0x46: {  	p4 =	seq.s32 s28, $0x1  }
0x47: {  	s18 =	simm.s32 @!p4 $0x5  }
0x48: {  	_ =	swait.ge @!p4 [sflag:s18], $0x50  }
0x49: {  	s23 =	simm.s32 @!p3 $0x6;
	[sflag:s18] =	ssyncset.done @!p4 $0x0  }
0x4a: {  	s19 =	simm.s32 @!p4 $0xA400;
	[sflag:s18] =	ssyncadd.s32 @!p4 $0xFFFFFFB0;
	s18 =	simm.s32 @!p4 $0x50  }
0x4b: {  	[tilespmem:s19], [sflag:$0xD] =	stream.indirect.gather @!p4 [hbm4b:s1+s18], $0x80, s20, s18, $0xb8;
	[tilespmem:$0x14400] =	vst v63  }
0x4c: {  	_ =	swait.ge @!p3 [sflag:s23], $0x50  }
0x4d: {  	s18 =	simm.s32 @!p2 $0x7;
	[sflag:s23] =	ssyncset.done @!p3 $0x0  }
0x4e: {  	s20 =	simm.s32 @!p3 $0x50;
	[sflag:s23] =	ssyncadd.s32 @!p3 $0xFFFFFFB0;
	s23 =	simm.s32 @!p3 $0xCC00  }
0x4f: {  	[tilespmem:s23], [sflag:$0xE] =	stream.indirect.gather @!p3 [hbm4b:s1+s20], $0x80, s21, s20, $0xb8;
	[tilespmem:$0x14400] =	vst v63  }
0x50: {  	_ =	swait.ge @!p2 [sflag:s18], $0x50  }
0x51: {  	[sflag:s18] =	ssyncset.done @!p2 $0x0;
	s29 =	sld [smem:$0x7FD]  }
0x52: {  	s21 =	simm.s32 @!p2 $0xF400;
	[sflag:s18] =	ssyncadd.s32 @!p2 $0xFFFFFFB0;
	s18 =	simm.s32 @!p2 $0x50  }
0x53: {  	[tilespmem:s21], [sflag:$0xF] =	stream.indirect.gather @!p2 [hbm4b:s1+s18], $0x80, s22, s18, $0xb8;
	[tilespmem:$0x14400] =	vst v63  }
0x54: {  	p0 =	seq.s32 s29, $0x1  }
0x55: {  	s20 =	simm.s32 @!p0 $0x8  }
0x56: {  	_ =	swait.ge @!p0 [sflag:s20], $0x50  }
0x57: {  	s22 =	simm.s32 @!p5 $0x9;
	[sflag:s20] =	ssyncset.done @!p0 $0x0  }
0x58: {  	s18 =	simm.s32 @!p0 $0x11C00;
	[sflag:s20] =	ssyncadd.s32 @!p0 $0xFFFFFFB0;
	s20 =	simm.s32 @!p0 $0x50  }
0x59: {  	[tilespmem:s18], [sflag:$0x10] =	stream.indirect.gather @!p0 [hbm4b:s1+s20], $0x80, s16, s20, $0xb8;
	[tilespmem:$0x14400] =	vst v63  }
0x5a: {  	_ =	swait.ge @!p5 [sflag:s22], $0x2800  }
0x5b: {  	[sflag:s22] =	ssyncset.done @!p5 $0x0  }
0x5c: {  	s16 =	sadd.s32 @!p5 $0xFFFD8000, s6;
	[sflag:s22] =	ssyncadd.s32 @!p5 $0xFFFFD800  }
0x5d: {  	[hbm4b:s16+s14] =	stream.linear.scatter @!p5 [tilespmem:s25], [sflag:$0x1], $0x2800, $0x38;
	[tilespmem:$0x14400] =	vst v63  }
0x5e: {  	s14 =	simm.s32 @!p6 $0xA  }
0x5f: {  	_ =	swait.ge @!p6 [sflag:s14], $0x2800  }
0x60: {  	[sflag:s14] =	ssyncset.done @!p6 $0x0  }
0x61: {  	[sflag:s14] =	ssyncadd.s32 @!p6 $0xFFFFD800;
	s14 =	sadd.s32 @!p6 $0xFFFE2000, s6  }
0x62: {  	[hbm4b:s14+s15] =	stream.linear.scatter @!p6 [tilespmem:s26], [sflag:$0x2], $0x2800, $0x38;
	[tilespmem:$0x14400] =	vst v63  }
0x63: {  	s14 =	simm.s32 @!p1 $0xB  }
0x64: {  	_ =	swait.ge @!p1 [sflag:s14], $0x2800  }
0x65: {  	[sflag:s14] =	ssyncset.done @!p1 $0x0;
	s30 =	sld [smem:$0x7FC]  }
0x66: {  	[sflag:s14] =	ssyncadd.s32 @!p1 $0xFFFFD800;
	s14 =	sadd.s32 @!p1 $0xFFFEC000, s6  }
0x67: {  	[hbm4b:s14+s13] =	stream.linear.scatter @!p1 [tilespmem:s17], [sflag:$0x3], $0x2800, $0x38;
	[tilespmem:$0x14400] =	vst v63  }
0x68: {  	p0 =	seq.s32 s30, $0x1  }
0x69: {  	s13 =	simm.s32 @!p0 $0xC  }
0x6a: {  	_ =	swait.ge @!p0 [sflag:s13], $0x2800  }
0x6b: {  	[sflag:s13] =	ssyncset.done @!p0 $0x0  }
0x6c: {  	[sflag:s13] =	ssyncadd.s32 @!p0 $0xFFFFD800;
	s13 =	sadd.s32 @!p0 $0xFFFF6000, s6  }
0x6d: {  	[hbm4b:s13+s11] =	stream.linear.scatter @!p0 [tilespmem:s24], [sflag:$0x4], $0x2800, $0x38;
	[tilespmem:$0x14400] =	vst v63  }
0x6e: {  	s11 =	simm.s32 @!p4 $0xD  }
0x6f: {  	_ =	swait.ge @!p4 [sflag:s11], $0x2800  }
0x70: {  	[sflag:s11] =	ssyncset.done @!p4 $0x0  }
0x71: {  	[sflag:s11] =	ssyncadd.s32 @!p4 $0xFFFFD800  }
0x72: {  	[hbm4b:s6+s10] =	stream.linear.scatter @!p4 [tilespmem:s19], [sflag:$0x5], $0x2800, $0x38;
	[tilespmem:$0x14400] =	vst v63  }
0x73: {  	s10 =	simm.s32 @!p3 $0xE  }
0x74: {  	s31 =	sld [smem:$0x7FD];
	_ =	swait.ge @!p3 [sflag:s10], $0x2800  }
0x75: {  	s15 =	sadd.s32 $0x100, s4;
	[sflag:s10] =	ssyncset.done @!p3 $0x0  }
0x76: {  	s16 =	sadd.s32 $0xFFFFFF60, s15;
	[sflag:s10] =	ssyncadd.s32 @!p3 $0xFFFFD800;
	s10 =	sadd.s32 @!p3 $0xA000, s6  }
0x77: {  	[hbm4b:s10+s8] =	stream.linear.scatter @!p3 [tilespmem:s23], [sflag:$0x6], $0x2800, $0x38;
	[tilespmem:$0x14400] =	vst v63  }
0x78: {  	s14 =	sadd.s32 $0xFFFFFF20, s15;
	s13 =	sadd.s32 $0xFFFFFF00, s15;
	s8 =	simm.s32 @!p2 $0xF  }
0x79: {  	s11 =	simm.s32 $0x200;
	p1 =	seq.s32 s31, $0x1;
	_ =	swait.ge @!p2 [sflag:s8], $0x2800  }
0x7a: {  	s17 =	simm.s32 @!p1 $0x10;
	s19 =	sadd.s32 @!p1 $0x1E000, s6;
	[sflag:s8] =	ssyncset.done @!p2 $0x0  }
0x7b: {  	s10 =	simm.s32 $0x100;
	[sflag:s8] =	ssyncadd.s32 @!p2 $0xFFFFD800;
	s8 =	sadd.s32 @!p2 $0x14000, s6  }
0x7c: {  	[hbm4b:s8+s9] =	stream.linear.scatter @!p2 [tilespmem:s21], [sflag:$0x7], $0x2800, $0x38;
	[tilespmem:$0x14400] =	vst v63  }
0x7d: {  	s9 =	sadd.s32 $0xA00, s7;
	s8 =	sadd.s32 $0x50000, s6;
	_ =	swait.ge @!p1 [sflag:s17], $0x2800  }
.LBB2_2:
0x7e: {  	p0 =	sgt.u32 s13, $0x9C3;
	[sflag:s17] =	ssyncset.done @!p1 $0x0  }
0x7f: {  	s23 =	simm.s32 @!p0 $0x1;
	[sflag:s17] =	ssyncadd.s32 @!p1 $0xFFFFD800  }
0x80: {  	[hbm4b:s19+s12] =	stream.linear.scatter @!p1 [tilespmem:s18], [sflag:$0x8], $0x2800, $0x38;
	[tilespmem:$0x14400] =	vst v63  }
0x81: {  	s22 =	rddreg [dreg:$0x4];
	_ =	swait.ge @!p0 [sflag:s23], $0x2800  }
0x82: {  	p1 =	sgt.u32 s14, $0x9C3;
	[sflag:s23] =	ssyncset.done @!p0 $0x0  }
0x83: {  	s12 =	simm.s32 @!p1 $0x2;
	[sflag:s23] =	ssyncadd.s32 @!p0 $0xFFFFD800  }
0x84: {  	s20 =	sadd.s32 $0xFFFFFF40, s15;
	_ =	swait.ge @!p1 [sflag:s12], $0x2800  }
0x85: {  	p0 =	sgt.u32 s20, $0x9C3;
	[sflag:s12] =	ssyncset.done @!p1 $0x0  }
0x86: {  	s20 =	simm.s32 @!p0 $0x3;
	[sflag:s12] =	ssyncadd.s32 @!p1 $0xFFFFD800  }
0x87: {  	s21 =	smov.u32 s11;
	s24 =	sadd.s32 $0xFFFFFFA0, s15;
	_ =	swait.ge @!p0 [sflag:s20], $0x2800  }
0x88: {  	s28 =	sadd.s32 $0xFFFFFFE0, s15;
	s11 =	sadd.s32 $0x100, s11;
	[sflag:s20] =	ssyncset.done @!p0 $0x0  }
0x89: {  	p3 =	sgt.u32 s15, $0x9C3;
	[sflag:s20] =	ssyncadd.s32 @!p0 $0xFFFFD800;
	p0 =	sne.s32 s11, $0xB00  }
0x8a: {  	s10 =	sadd.s32 s10, s22;
	s19 =	sadd.s32 $0xFFFFFF80, s15;
	s2 =	simm.s32 @!p0 $0x0  }
0x8b: {  	s17 =	sadd.s32 $0x20, s10;
	p1 =	sgt.u32 s16, $0x9C3;
	s2 =	simm.s32 @p0 $0x1  }
0x8c: {  	s18 =	sadd.s32 $0x40, s10;
	s16 =	simm.s32 @!p1 $0x4;
	[smem:$0x7FA] =	sst s2  }
0x8d: {  	s29 =	sadd.s32 $0x60, s10;
	s30 =	sadd.s32 $0x80, s10;
	_ =	swait.ge @!p1 [sflag:s16], $0x2800  }
0x8e: {  	s31 =	sadd.s32 $0xA0, s10;
	p0 =	sgt.u32 s19, $0x9C3;
	[sflag:s16] =	ssyncset.done @!p1 $0x0  }
0x8f: {  	s25 =	sadd.s32 $0xC0, s10;
	[sflag:s16] =	ssyncadd.s32 @!p1 $0xFFFFD800;
	s16 =	simm.s32 @!p0 $0x5  }
0x90: {  	s26 =	sadd.s32 $0xE0, s10;
	s10 =	smov.u32 s21;
	_ =	swait.ge @!p0 [sflag:s16], $0x2800  }
0x91: {  	s14 =	sadd.s32 @!p3 $0xFFFFFB00, s9;
	p1 =	sgt.u32 s24, $0x9C3;
	[sflag:s16] =	ssyncset.done @!p0 $0x0  }
0x92: {  	p2 =	sgt.u32 s26, $0x9C3;
	[sflag:s16] =	ssyncadd.s32 @!p0 $0xFFFFD800;
	s16 =	simm.s32 @!p1 $0x6  }
0x93: {  	p4 =	sgt.u32 s29, $0x9C3;
	s24 =	sadd.s32 $0xFFFFFFC0, s15;
	_ =	swait.ge @!p1 [sflag:s16], $0x2800  }
0x94: {  	p6 =	sgt.u32 s18, $0x9C3;
	p0 =	sgt.u32 s24, $0x9C3;
	[sflag:s16] =	ssyncset.done @!p1 $0x0  }
0x95: {  	p5 =	sgt.u32 s31, $0x9C3;
	[sflag:s16] =	ssyncadd.s32 @!p1 $0xFFFFD800;
	s16 =	simm.s32 @!p0 $0x7  }
0x96: {  	s22 =	simm.s32 @!p2 $0x380;
	s29 =	simm.s32 @!p6 $0x100;
	_ =	swait.ge @!p0 [sflag:s16], $0x2800  }
0x97: {  	s26 =	simm.s32 @!p4 $0x180;
	p1 =	sgt.u32 s28, $0x9C3;
	[sflag:s16] =	ssyncset.done @!p0 $0x0  }
0x98: {  	s12 =	sadd.s32 @!p5 $0x140, s9;
	[sflag:s16] =	ssyncadd.s32 @!p0 $0xFFFFD800;
	s16 =	simm.s32 @!p1 $0x8  }
0x99: {  	s20 =	simm.s32 @!p3 $0x0;
	s2 =	simm.s32 @!p2 $0x0;
	_ =	swait.ge @!p1 [sflag:s16], $0x2800  }
0x9a: {  	s19 =	simm.s32 @!p6 $0x0;
	s2 =	simm.s32 @p2 $0x1;
	[sflag:s16] =	ssyncset.done @!p1 $0x0  }
0x9b: {  	p2 =	sgt.u32 s17, $0x9C3;
	s17 =	simm.s32 @!p4 $0x0;
	[sflag:s16] =	ssyncadd.s32 @!p1 $0xFFFFD800  }
0x9c: {  	[tilespmem:s20], [sflag:$0x1] =	stream.linear.gather @!p3 [hbm4b:s14+s20], $0x50, $0x38;
	[tilespmem:$0x14400] =	vst v63  }
0x9d: {  	s21 =	simm.s32 @!p2 $0x0;
	s24 =	simm.s32 @!p2 $0x80;
	s14 =	sadd.s32 @!p2 $0xFFFFFC40, s9  }
0x9e: {  	[tilespmem:s24], [sflag:$0x2] =	stream.linear.gather @!p2 [hbm4b:s14+s21], $0x50, $0x38;
	[tilespmem:$0x14400] =	vst v63  }
0x9f: {  	s15 =	simm.s32 @!p5 $0x0;
	s28 =	simm.s32 @!p5 $0x280;
	s14 =	sadd.s32 @!p6 $0xFFFFFD80, s9  }
0xa0: {  	[tilespmem:s29], [sflag:$0x3] =	stream.linear.gather @!p6 [hbm4b:s14+s19], $0x50, $0x38;
	[tilespmem:$0x14400] =	vst v63  }
0xa1: {  	p0 =	sgt.u32 s25, $0x9C3;
	p1 =	sgt.u32 s30, $0x9C3;
	s14 =	sadd.s32 @!p4 $0xFFFFFEC0, s9  }
0xa2: {  	[tilespmem:s26], [sflag:$0x4] =	stream.linear.gather @!p4 [hbm4b:s14+s17], $0x50, $0x38;
	[tilespmem:$0x14400] =	vst v63  }
0xa3: {  	[smem:$0x7FD] =	sst s2;
	s16 =	simm.s32 @!p1 $0x0;
	s30 =	simm.s32 @!p1 $0x200  }
0xa4: {  	[tilespmem:s30], [sflag:$0x5] =	stream.linear.gather @!p1 [hbm4b:s9+s16], $0x50, $0x38;
	[tilespmem:$0x14400] =	vst v63  }
0xa5: {  	s18 =	simm.s32 @!p0 $0x300;
	s2 =	simm.s32 @!p0 $0x0;
	s25 =	sld [smem:$0x7FD]  }
0xa6: {  	[tilespmem:s28], [sflag:$0x6] =	stream.linear.gather @!p5 [hbm4b:s12+s15], $0x50, $0x38;
	[tilespmem:$0x14400] =	vst v63  }
0xa7: {  	s2 =	simm.s32 @p0 $0x1;
	s14 =	simm.s32 @!p0 $0x0;
	s12 =	sadd.s32 @!p0 $0x280, s9  }
0xa8: {  	[tilespmem:s18], [sflag:$0x7] =	stream.linear.gather @!p0 [hbm4b:s12+s14], $0x50, $0x38;
	[tilespmem:$0x14400] =	vst v63  }
0xa9: {  	[smem:$0x7F9] =	sst s2;
	p0 =	seq.s32 s25, $0x1  }
0xaa: {  	s25 =	simm.s32 @!p3 $0x1;
	s23 =	sadd.s32 @!p0 $0x3C0, s9;
	s12 =	simm.s32 @!p0 $0x0  }
0xab: {  	[tilespmem:s22], [sflag:$0x8] =	stream.linear.gather @!p0 [hbm4b:s23+s12], $0x50, $0x38;
	[tilespmem:$0x14400] =	vst v63  }
0xac: {  	_ =	swait.ge @!p3 [sflag:s25], $0x50  }
0xad: {  	s31 =	simm.s32 @!p2 $0x2;
	[sflag:s25] =	ssyncset.done @!p3 $0x0  }
0xae: {  	s23 =	simm.s32 @!p3 $0x50;
	[sflag:s25] =	ssyncadd.s32 @!p3 $0xFFFFFFB0;
	s25 =	simm.s32 @!p3 $0x400  }
0xaf: {  	[tilespmem:s25], [sflag:$0x9] =	stream.indirect.gather @!p3 [hbm4b:s1+s23], $0x80, s20, s23, $0xb8;
	[tilespmem:$0x14400] =	vst v63  }
0xb0: {  	_ =	swait.ge @!p2 [sflag:s31], $0x50  }
0xb1: {  	s2 =	simm.s32 @!p2 $0x50;
	[sflag:s31] =	ssyncset.done @!p2 $0x0  }
0xb2: {  	s23 =	simm.s32 @!p2 $0x2C00;
	[sflag:s31] =	ssyncadd.s32 @!p2 $0xFFFFFFB0;
	s31 =	simm.s32 @!p6 $0x3  }
0xb3: {  	[tilespmem:s23], [sflag:$0xA] =	stream.indirect.gather @!p2 [hbm4b:s1+s2], $0x80, s24, s2, $0xb8;
	[tilespmem:$0x14400] =	vst v63  }
0xb4: {  	_ =	swait.ge @!p6 [sflag:s31], $0x50  }
0xb5: {  	[sflag:s31] =	ssyncset.done @!p6 $0x0  }
0xb6: {  	s24 =	simm.s32 @!p6 $0x5400;
	s2 =	simm.s32 @!p6 $0x50;
	[sflag:s31] =	ssyncadd.s32 @!p6 $0xFFFFFFB0  }
0xb7: {  	[tilespmem:s24], [sflag:$0xB] =	stream.indirect.gather @!p6 [hbm4b:s1+s2], $0x80, s29, s2, $0xb8;
	[tilespmem:$0x14400] =	vst v63  }
0xb8: {  	s31 =	simm.s32 @!p4 $0x4;
	s2 =	simm.s32 @!p1 $0x0  }
0xb9: {  	_ =	swait.ge @!p4 [sflag:s31], $0x50;
	s2 =	simm.s32 @p1 $0x1  }
0xba: {  	s29 =	simm.s32 @!p4 $0x7C00;
	[sflag:s31] =	ssyncset.done @!p4 $0x0;
	[smem:$0x7F8] =	sst s2  }
0xbb: {  	s2 =	simm.s32 @!p1 $0x5;
	[sflag:s31] =	ssyncadd.s32 @!p4 $0xFFFFFFB0;
	s31 =	simm.s32 @!p4 $0x50  }
0xbc: {  	[tilespmem:s29], [sflag:$0xC] =	stream.indirect.gather @!p4 [hbm4b:s1+s31], $0x80, s26, s31, $0xb8;
	[tilespmem:$0x14400] =	vst v63  }
0xbd: {  	_ =	swait.ge @!p1 [sflag:s2], $0x50  }
0xbe: {  	s26 =	simm.s32 @!p1 $0xA400;
	[sflag:s2] =	ssyncset.done @!p1 $0x0  }
0xbf: {  	s31 =	simm.s32 @!p5 $0x6;
	[sflag:s2] =	ssyncadd.s32 @!p1 $0xFFFFFFB0;
	s2 =	simm.s32 @!p1 $0x50  }
0xc0: {  	[tilespmem:s26], [sflag:$0xD] =	stream.indirect.gather @!p1 [hbm4b:s1+s2], $0x80, s30, s2, $0xb8;
	[tilespmem:$0x14400] =	vst v63  }
0xc1: {  	_ =	swait.ge @!p5 [sflag:s31], $0x50  }
0xc2: {  	s30 =	sld [smem:$0x7F9];
	_ =	sdelay $0x1  }
0xc3: {  	[sflag:s31] =	ssyncset.done @!p5 $0x0  }
0xc4: {  	[sflag:s31] =	ssyncadd.s32 @!p5 $0xFFFFFFB0;
	p1 =	seq.s32 s30, $0x1  }
0xc5: {  	s31 =	simm.s32 @!p5 $0x50;
	s30 =	simm.s32 @!p5 $0xCC00;
	s2 =	simm.s32 @!p1 $0x7  }
0xc6: {  	[tilespmem:s30], [sflag:$0xE] =	stream.indirect.gather @!p5 [hbm4b:s1+s31], $0x80, s28, s31, $0xb8;
	[tilespmem:$0x14400] =	vst v63  }
0xc7: {  	_ =	swait.ge @!p1 [sflag:s2], $0x50  }
0xc8: {  	s31 =	simm.s32 @!p0 $0x8;
	[sflag:s2] =	ssyncset.done @!p1 $0x0  }
0xc9: {  	s28 =	simm.s32 @!p1 $0xF400;
	[sflag:s2] =	ssyncadd.s32 @!p1 $0xFFFFFFB0;
	s2 =	simm.s32 @!p1 $0x50  }
0xca: {  	[tilespmem:s28], [sflag:$0xF] =	stream.indirect.gather @!p1 [hbm4b:s1+s2], $0x80, s18, s2, $0xb8;
	[tilespmem:$0x14400] =	vst v63  }
0xcb: {  	_ =	swait.ge @!p0 [sflag:s31], $0x50  }
0xcc: {  	s2 =	simm.s32 @!p3 $0x9;
	[sflag:s31] =	ssyncset.done @!p0 $0x0  }
0xcd: {  	s18 =	simm.s32 @!p0 $0x11C00;
	[sflag:s31] =	ssyncadd.s32 @!p0 $0xFFFFFFB0;
	s31 =	simm.s32 @!p0 $0x50  }
0xce: {  	[tilespmem:s18], [sflag:$0x10] =	stream.indirect.gather @!p0 [hbm4b:s1+s31], $0x80, s22, s31, $0xb8;
	[tilespmem:$0x14400] =	vst v63  }
0xcf: {  	_ =	swait.ge @!p3 [sflag:s2], $0x2800  }
0xd0: {  	[sflag:s2] =	ssyncset.done @!p3 $0x0  }
0xd1: {  	s22 =	simm.s32 @!p2 $0xA;
	[sflag:s2] =	ssyncadd.s32 @!p3 $0xFFFFD800;
	s2 =	sadd.s32 @!p3 $0xFFFD8000, s8  }
0xd2: {  	[hbm4b:s2+s20] =	stream.linear.scatter @!p3 [tilespmem:s25], [sflag:$0x1], $0x2800, $0x38;
	[tilespmem:$0x14400] =	vst v63  }
0xd3: {  	_ =	swait.ge @!p2 [sflag:s22], $0x2800  }
0xd4: {  	[sflag:s22] =	ssyncset.done @!p2 $0x0  }
0xd5: {  	s2 =	sadd.s32 @!p2 $0xFFFE2000, s8;
	s20 =	simm.s32 @!p6 $0xB;
	[sflag:s22] =	ssyncadd.s32 @!p2 $0xFFFFD800  }
0xd6: {  	[hbm4b:s2+s21] =	stream.linear.scatter @!p2 [tilespmem:s23], [sflag:$0x2], $0x2800, $0x38;
	[tilespmem:$0x14400] =	vst v63  }
0xd7: {  	_ =	swait.ge @!p6 [sflag:s20], $0x2800  }
0xd8: {  	[sflag:s20] =	ssyncset.done @!p6 $0x0  }
0xd9: {  	s2 =	sadd.s32 @!p6 $0xFFFEC000, s8;
	[sflag:s20] =	ssyncadd.s32 @!p6 $0xFFFFD800;
	s20 =	simm.s32 @!p4 $0xC  }
0xda: {  	[hbm4b:s2+s19] =	stream.linear.scatter @!p6 [tilespmem:s24], [sflag:$0x3], $0x2800, $0x38;
	[tilespmem:$0x14400] =	vst v63  }
0xdb: {  	_ =	swait.ge @!p4 [sflag:s20], $0x2800  }
0xdc: {  	[sflag:s20] =	ssyncset.done @!p4 $0x0;
	s25 =	sld [smem:$0x7F8]  }
0xdd: {  	s2 =	sadd.s32 @!p4 $0xFFFF6000, s8;
	[sflag:s20] =	ssyncadd.s32 @!p4 $0xFFFFD800  }
0xde: {  	[hbm4b:s2+s17] =	stream.linear.scatter @!p4 [tilespmem:s29], [sflag:$0x4], $0x2800, $0x38;
	[tilespmem:$0x14400] =	vst v63  }
0xdf: {  	p1 =	por p0, p0;
	p0 =	seq.s32 s25, $0x1  }
0xe0: {  	s19 =	simm.s32 @!p0 $0xD  }
0xe1: {  	_ =	swait.ge @!p0 [sflag:s19], $0x2800  }
0xe2: {  	[sflag:s19] =	ssyncset.done @!p0 $0x0  }
0xe3: {  	s2 =	simm.s32 @!p5 $0xE;
	[sflag:s19] =	ssyncadd.s32 @!p0 $0xFFFFD800  }
0xe4: {  	[hbm4b:s8+s16] =	stream.linear.scatter @!p0 [tilespmem:s26], [sflag:$0x5], $0x2800, $0x38;
	[tilespmem:$0x14400] =	vst v63  }
0xe5: {  	_ =	swait.ge @!p5 [sflag:s2], $0x2800  }
0xe6: {  	[sflag:s2] =	ssyncset.done @!p5 $0x0;
	s29 =	sld [smem:$0x7F9]  }
0xe7: {  	[sflag:s2] =	ssyncadd.s32 @!p5 $0xFFFFD800;
	s2 =	sadd.s32 @!p5 $0xA000, s8  }
0xe8: {  	[hbm4b:s2+s15] =	stream.linear.scatter @!p5 [tilespmem:s30], [sflag:$0x6], $0x2800, $0x38;
	[tilespmem:$0x14400] =	vst v63  }
0xe9: {  	p0 =	seq.s32 s29, $0x1  }
0xea: {  	s20 =	simm.s32 @!p0 $0xF  }
0xeb: {  	_ =	swait.ge @!p0 [sflag:s20], $0x2800  }
0xec: {  	s13 =	smov.u32 s8;
	[sflag:s20] =	ssyncset.done @!p0 $0x0  }
0xed: {  	s17 =	simm.s32 @!p1 $0x10;
	s2 =	sadd.s32 @!p0 $0x14000, s13;
	[sflag:s20] =	ssyncadd.s32 @!p0 $0xFFFFD800  }
0xee: {  	[hbm4b:s2+s14] =	stream.linear.scatter @!p0 [tilespmem:s28], [sflag:$0x7], $0x2800, $0x38;
	[tilespmem:$0x14400] =	vst v63  }
0xef: {  	_ =	swait.ge @!p1 [sflag:s17], $0x2800  }
0xf0: {  	s31 =	sld [smem:$0x7FA];
	_ =	sdelay $0x2  }
0xf1: {  	p0 =	seq.s32 s31, $0x1  }
.Ltmp0:
0xf2: {  	_ = 	snop;
	(pc) =	sbr.rel @p0 .LBB2_2-.Ltmp0, $4  }
0xf3: {  	_ = 	snop  }
0xf4: {  	s9 =	sadd.s32 $0xA00, s9  }
0xf5: {  	s19 =	sadd.s32 @!p1 $0x1E000, s13;
	s8 =	sadd.s32 $0x50000, s8;
	s15 =	sadd.s32 s10, s4  }
0xf6: {  	s16 =	sadd.s32 $0xFFFFFF60, s15;
	s13 =	sadd.s32 $0xFFFFFF00, s15;
	s14 =	sadd.s32 $0xFFFFFF20, s15  }
0xf7: {  	p0 =	sgt.u32 s13, $0x9C3;
	[sflag:s17] =	ssyncset.done @!p1 $0x0  }
0xf8: {  	s11 =	simm.s32 @!p0 $0x1;
	[sflag:s17] =	ssyncadd.s32 @!p1 $0xFFFFD800  }
0xf9: {  	[hbm4b:s19+s12] =	stream.linear.scatter @!p1 [tilespmem:s18], [sflag:$0x8], $0x2800, $0x38;
	[tilespmem:$0x14400] =	vst v63  }
0xfa: {  	s2 =	rddreg [dreg:$0x4];
	_ =	swait.ge @!p0 [sflag:s11], $0x2800  }
0xfb: {  	p1 =	sgt.u32 s14, $0x9C3;
	[sflag:s11] =	ssyncset.done @!p0 $0x0  }
0xfc: {  	[sflag:s11] =	ssyncadd.s32 @!p0 $0xFFFFD800;
	s11 =	simm.s32 @!p1 $0x2  }
0xfd: {  	s14 =	sadd.s32 $0xFFFFFF40, s15;
	_ =	swait.ge @!p1 [sflag:s11], $0x2800  }
0xfe: {  	p0 =	sgt.u32 s14, $0x9C3;
	[sflag:s11] =	ssyncset.done @!p1 $0x0  }
0xff: {  	[sflag:s11] =	ssyncadd.s32 @!p1 $0xFFFFD800;
	s11 =	simm.s32 @!p0 $0x3  }
0x100: {  	_ =	swait.ge @!p0 [sflag:s11], $0x2800  }
0x101: {  	p1 =	sgt.u32 s16, $0x9C3;
	[sflag:s11] =	ssyncset.done @!p0 $0x0  }
0x102: {  	s20 =	sadd.s32 $0xFFFFFFC0, s15;
	[sflag:s11] =	ssyncadd.s32 @!p0 $0xFFFFD800;
	s11 =	simm.s32 @!p1 $0x4  }
0x103: {  	s22 =	sadd.s32 $0xFFFFFFE0, s15;
	s17 =	sadd.s32 $0xFFFFFF80, s15;
	_ =	swait.ge @!p1 [sflag:s11], $0x2800  }
0x104: {  	p6 =	sgt.u32 s15, $0x9C3;
	p0 =	sgt.u32 s17, $0x9C3;
	[sflag:s11] =	ssyncset.done @!p1 $0x0  }
0x105: {  	s2 =	sadd.s32 s10, s2;
	[sflag:s11] =	ssyncadd.s32 @!p1 $0xFFFFD800;
	s11 =	simm.s32 @!p0 $0x5  }
0x106: {  	p2 =	sgt.u32 s22, $0x9C3;
	s18 =	sadd.s32 $0xFFFFFFA0, s15;
	_ =	swait.ge @!p0 [sflag:s11], $0x2800  }
0x107: {  	s19 =	sadd.s32 $0x20, s2;
	p1 =	sgt.u32 s18, $0x9C3;
	[sflag:s11] =	ssyncset.done @!p0 $0x0  }
0x108: {  	s21 =	sadd.s32 $0x40, s2;
	s10 =	simm.s32 @!p1 $0x6;
	[sflag:s11] =	ssyncadd.s32 @!p0 $0xFFFFD800  }
0x109: {  	s23 =	sadd.s32 $0x60, s2;
	s24 =	sadd.s32 $0x80, s2;
	_ =	swait.ge @!p1 [sflag:s10], $0x2800  }
0x10a: {  	s25 =	sadd.s32 $0xA0, s2;
	p0 =	sgt.u32 s20, $0x9C3;
	[sflag:s10] =	ssyncset.done @!p1 $0x0  }
0x10b: {  	s26 =	sadd.s32 $0xC0, s2;
	[sflag:s10] =	ssyncadd.s32 @!p1 $0xFFFFD800;
	s10 =	simm.s32 @!p0 $0x7  }
0x10c: {  	s2 =	sadd.s32 $0xE0, s2;
	s15 =	simm.s32 @!p6 $0x0;
	_ =	swait.ge @!p0 [sflag:s10], $0x2800  }
0x10d: {  	p5 =	sgt.u32 s2, $0x9C3;
	s2 =	sadd.s32 @!p6 $0xFFFFFB00, s9;
	[sflag:s10] =	ssyncset.done @!p0 $0x0  }
0x10e: {  	p4 =	sgt.u32 s25, $0x9C3;
	[sflag:s10] =	ssyncadd.s32 @!p0 $0xFFFFD800;
	s10 =	simm.s32 @!p2 $0x8  }
0x10f: {  	p3 =	sgt.u32 s21, $0x9C3;
	s22 =	simm.s32 @!p4 $0x280;
	_ =	swait.ge @!p2 [sflag:s10], $0x2800  }
0x110: {  	s14 =	simm.s32 @!p3 $0x0;
	p1 =	sgt.u32 s19, $0x9C3;
	[sflag:s10] =	ssyncset.done @!p2 $0x0  }
0x111: {  	s20 =	simm.s32 @!p3 $0x100;
	s16 =	simm.s32 @!p1 $0x0;
	[sflag:s10] =	ssyncadd.s32 @!p2 $0xFFFFD800  }
0x112: {  	[tilespmem:s15], [sflag:$0x1] =	stream.linear.gather @!p6 [hbm4b:s2+s15], $0x50, $0x38;
	[tilespmem:$0x14400] =	vst v63  }
0x113: {  	s19 =	simm.s32 @!p1 $0x80;
	p0 =	sgt.u32 s23, $0x9C3;
	s2 =	sadd.s32 @!p1 $0xFFFFFC40, s9  }
0x114: {  	[tilespmem:s19], [sflag:$0x2] =	stream.linear.gather @!p1 [hbm4b:s2+s16], $0x50, $0x38;
	[tilespmem:$0x14400] =	vst v63  }
0x115: {  	s13 =	simm.s32 @!p0 $0x0;
	p2 =	sgt.u32 s24, $0x9C3;
	s2 =	sadd.s32 @!p3 $0xFFFFFD80, s9  }
0x116: {  	[tilespmem:s20], [sflag:$0x3] =	stream.linear.gather @!p3 [hbm4b:s2+s14], $0x50, $0x38;
	[tilespmem:$0x14400] =	vst v63  }
0x117: {  	s21 =	simm.s32 @!p0 $0x180;
	s10 =	simm.s32 @!p2 $0x0;
	s2 =	sadd.s32 @!p0 $0xFFFFFEC0, s9  }
0x118: {  	[tilespmem:s21], [sflag:$0x4] =	stream.linear.gather @!p0 [hbm4b:s2+s13], $0x50, $0x38;
	[tilespmem:$0x14400] =	vst v63  }
0x119: {  	s12 =	simm.s32 @!p2 $0x0;
	s10 =	simm.s32 @p2 $0x1;
	s2 =	simm.s32 @!p2 $0x200  }
0x11a: {  	[tilespmem:s2], [sflag:$0x5] =	stream.linear.gather @!p2 [hbm4b:s9+s12], $0x50, $0x38;
	[tilespmem:$0x14400] =	vst v63  }
0x11b: {  	s11 =	sadd.s32 @!p4 $0x140, s9;
	[smem:$0x7F5] =	sst s10;
	s10 =	simm.s32 @!p4 $0x0  }
0x11c: {  	[tilespmem:s22], [sflag:$0x6] =	stream.linear.gather @!p4 [hbm4b:s11+s10], $0x50, $0x38;
	[tilespmem:$0x14400] =	vst v63  }
0x11d: {  	p2 =	sgt.u32 s26, $0x9C3;
	s11 =	simm.s32 @!p5 $0x0  }
0x11e: {  	s17 =	simm.s32 @!p5 $0x380;
	s18 =	sadd.s32 @!p2 $0x280, s9;
	s11 =	simm.s32 @p5 $0x1  }
0x11f: {  	s23 =	simm.s32 @!p2 $0x300;
	[smem:$0x7F7] =	sst s11;
	s11 =	simm.s32 @!p2 $0x0  }
0x120: {  	[tilespmem:s23], [sflag:$0x7] =	stream.linear.gather @!p2 [hbm4b:s18+s11], $0x50, $0x38;
	[tilespmem:$0x14400] =	vst v63  }
0x121: {  	s24 =	simm.s32 @!p6 $0x1;
	s18 =	sadd.s32 @!p5 $0x3C0, s9;
	s9 =	simm.s32 @!p5 $0x0  }
0x122: {  	[tilespmem:s17], [sflag:$0x8] =	stream.linear.gather @!p5 [hbm4b:s18+s9], $0x50, $0x38;
	[tilespmem:$0x14400] =	vst v63  }
0x123: {  	_ =	swait.ge @!p6 [sflag:s24], $0x50  }
0x124: {  	s25 =	simm.s32 @!p6 $0x400;
	[sflag:s24] =	ssyncset.done @!p6 $0x0  }
0x125: {  	s18 =	simm.s32 @!p1 $0x2;
	[sflag:s24] =	ssyncadd.s32 @!p6 $0xFFFFFFB0;
	s24 =	simm.s32 @!p6 $0x50  }
0x126: {  	[tilespmem:s25], [sflag:$0x9] =	stream.indirect.gather @!p6 [hbm4b:s1+s24], $0x80, s15, s24, $0xb8;
	[tilespmem:$0x14400] =	vst v63  }
0x127: {  	_ =	swait.ge @!p1 [sflag:s18], $0x50  }
0x128: {  	[sflag:s18] =	ssyncset.done @!p1 $0x0  }
0x129: {  	s26 =	simm.s32 @!p1 $0x2C00;
	s24 =	simm.s32 @!p1 $0x50;
	[sflag:s18] =	ssyncadd.s32 @!p1 $0xFFFFFFB0  }
0x12a: {  	[tilespmem:s26], [sflag:$0xA] =	stream.indirect.gather @!p1 [hbm4b:s1+s24], $0x80, s19, s24, $0xb8;
	[tilespmem:$0x14400] =	vst v63  }
0x12b: {  	s18 =	simm.s32 @!p3 $0x3;
	s24 =	simm.s32 @!p0 $0x0  }
0x12c: {  	_ =	swait.ge @!p3 [sflag:s18], $0x50;
	s24 =	simm.s32 @p0 $0x1  }
0x12d: {  	s19 =	simm.s32 @!p3 $0x5400;
	[sflag:s18] =	ssyncset.done @!p3 $0x0;
	[smem:$0x7F6] =	sst s24  }
0x12e: {  	s24 =	simm.s32 @!p0 $0x4;
	[sflag:s18] =	ssyncadd.s32 @!p3 $0xFFFFFFB0;
	s18 =	simm.s32 @!p3 $0x50  }
0x12f: {  	[tilespmem:s19], [sflag:$0xB] =	stream.indirect.gather @!p3 [hbm4b:s1+s18], $0x80, s20, s18, $0xb8;
	[tilespmem:$0x14400] =	vst v63  }
0x130: {  	_ =	swait.ge @!p0 [sflag:s24], $0x50  }
0x131: {  	[sflag:s24] =	ssyncset.done @!p0 $0x0;
	s28 =	sld [smem:$0x7F5]  }
0x132: {  	s20 =	simm.s32 @!p0 $0x50;
	[sflag:s24] =	ssyncadd.s32 @!p0 $0xFFFFFFB0;
	s24 =	simm.s32 @!p0 $0x7C00  }
0x133: {  	[tilespmem:s24], [sflag:$0xC] =	stream.indirect.gather @!p0 [hbm4b:s1+s20], $0x80, s21, s20, $0xb8;
	[tilespmem:$0x14400] =	vst v63  }
0x134: {  	p5 =	seq.s32 s28, $0x1  }
0x135: {  	s18 =	simm.s32 @!p5 $0x5  }
0x136: {  	_ =	swait.ge @!p5 [sflag:s18], $0x50  }
0x137: {  	s21 =	simm.s32 @!p4 $0x6;
	[sflag:s18] =	ssyncset.done @!p5 $0x0  }
0x138: {  	s20 =	simm.s32 @!p5 $0xA400;
	[sflag:s18] =	ssyncadd.s32 @!p5 $0xFFFFFFB0;
	s18 =	simm.s32 @!p5 $0x50  }
0x139: {  	[tilespmem:s20], [sflag:$0xD] =	stream.indirect.gather @!p5 [hbm4b:s1+s18], $0x80, s2, s18, $0xb8;
	[tilespmem:$0x14400] =	vst v63  }
0x13a: {  	_ =	swait.ge @!p4 [sflag:s21], $0x50  }
0x13b: {  	s2 =	simm.s32 @!p2 $0x7;
	[sflag:s21] =	ssyncset.done @!p4 $0x0  }
0x13c: {  	s18 =	simm.s32 @!p4 $0x50;
	[sflag:s21] =	ssyncadd.s32 @!p4 $0xFFFFFFB0;
	s21 =	simm.s32 @!p4 $0xCC00  }
0x13d: {  	[tilespmem:s21], [sflag:$0xE] =	stream.indirect.gather @!p4 [hbm4b:s1+s18], $0x80, s22, s18, $0xb8;
	[tilespmem:$0x14400] =	vst v63  }
0x13e: {  	_ =	swait.ge @!p2 [sflag:s2], $0x50  }
0x13f: {  	[sflag:s2] =	ssyncset.done @!p2 $0x0;
	s29 =	sld [smem:$0x7F7]  }
0x140: {  	s22 =	simm.s32 @!p2 $0xF400;
	[sflag:s2] =	ssyncadd.s32 @!p2 $0xFFFFFFB0;
	s2 =	simm.s32 @!p2 $0x50  }
0x141: {  	[tilespmem:s22], [sflag:$0xF] =	stream.indirect.gather @!p2 [hbm4b:s1+s2], $0x80, s23, s2, $0xb8;
	[tilespmem:$0x14400] =	vst v63  }
0x142: {  	p0 =	seq.s32 s29, $0x1  }
0x143: {  	s18 =	simm.s32 @!p0 $0x8  }
0x144: {  	_ =	swait.ge @!p0 [sflag:s18], $0x50  }
0x145: {  	s2 =	simm.s32 @!p6 $0x9;
	[sflag:s18] =	ssyncset.done @!p0 $0x0  }
0x146: {  	s23 =	simm.s32 @!p0 $0x11C00;
	[sflag:s18] =	ssyncadd.s32 @!p0 $0xFFFFFFB0;
	s18 =	simm.s32 @!p0 $0x50  }
0x147: {  	[tilespmem:s23], [sflag:$0x10] =	stream.indirect.gather @!p0 [hbm4b:s1+s18], $0x80, s17, s18, $0xb8;
	[tilespmem:$0x14400] =	vst v63  }
0x148: {  	_ =	swait.ge @!p6 [sflag:s2], $0x2800  }
0x149: {  	[sflag:s2] =	ssyncset.done @!p6 $0x0  }
0x14a: {  	[sflag:s2] =	ssyncadd.s32 @!p6 $0xFFFFD800;
	s2 =	sadd.s32 @!p6 $0xFFFD8000, s8  }
0x14b: {  	[hbm4b:s2+s15] =	stream.linear.scatter @!p6 [tilespmem:s25], [sflag:$0x1], $0x2800, $0x38;
	[tilespmem:$0x14400] =	vst v63  }
0x14c: {  	s2 =	simm.s32 @!p1 $0xA  }
0x14d: {  	_ =	swait.ge @!p1 [sflag:s2], $0x2800  }
0x14e: {  	[sflag:s2] =	ssyncset.done @!p1 $0x0  }
0x14f: {  	[sflag:s2] =	ssyncadd.s32 @!p1 $0xFFFFD800;
	s2 =	sadd.s32 @!p1 $0xFFFE2000, s8  }
0x150: {  	[hbm4b:s2+s16] =	stream.linear.scatter @!p1 [tilespmem:s26], [sflag:$0x2], $0x2800, $0x38;
	[tilespmem:$0x14400] =	vst v63  }
0x151: {  	s2 =	simm.s32 @!p3 $0xB  }
0x152: {  	_ =	swait.ge @!p3 [sflag:s2], $0x2800  }
0x153: {  	[sflag:s2] =	ssyncset.done @!p3 $0x0;
	s30 =	sld [smem:$0x7F6]  }
0x154: {  	[sflag:s2] =	ssyncadd.s32 @!p3 $0xFFFFD800;
	s2 =	sadd.s32 @!p3 $0xFFFEC000, s8  }
0x155: {  	[hbm4b:s2+s14] =	stream.linear.scatter @!p3 [tilespmem:s19], [sflag:$0x3], $0x2800, $0x38;
	[tilespmem:$0x14400] =	vst v63  }
0x156: {  	p0 =	seq.s32 s30, $0x1  }
0x157: {  	s2 =	simm.s32 @!p0 $0xC  }
0x158: {  	_ =	swait.ge @!p0 [sflag:s2], $0x2800  }
0x159: {  	[sflag:s2] =	ssyncset.done @!p0 $0x0  }
0x15a: {  	[sflag:s2] =	ssyncadd.s32 @!p0 $0xFFFFD800;
	s2 =	sadd.s32 @!p0 $0xFFFF6000, s8  }
0x15b: {  	[hbm4b:s2+s13] =	stream.linear.scatter @!p0 [tilespmem:s24], [sflag:$0x4], $0x2800, $0x38;
	[tilespmem:$0x14400] =	vst v63  }
0x15c: {  	s2 =	simm.s32 @!p5 $0xD  }
0x15d: {  	_ =	swait.ge @!p5 [sflag:s2], $0x2800  }
0x15e: {  	[sflag:s2] =	ssyncset.done @!p5 $0x0  }
0x15f: {  	[sflag:s2] =	ssyncadd.s32 @!p5 $0xFFFFD800;
	s2 =	simm.s32 @!p4 $0xE  }
0x160: {  	[hbm4b:s8+s12] =	stream.linear.scatter @!p5 [tilespmem:s20], [sflag:$0x5], $0x2800, $0x38;
	[tilespmem:$0x14400] =	vst v63  }
0x161: {  	_ =	swait.ge @!p4 [sflag:s2], $0x2800  }
0x162: {  	[sflag:s2] =	ssyncset.done @!p4 $0x0  }
0x163: {  	[sflag:s2] =	ssyncadd.s32 @!p4 $0xFFFFD800;
	s2 =	sadd.s32 @!p4 $0xA000, s8  }
0x164: {  	[hbm4b:s2+s10] =	stream.linear.scatter @!p4 [tilespmem:s21], [sflag:$0x6], $0x2800, $0x38;
	[tilespmem:$0x14400] =	vst v63  }
0x165: {  	s2 =	simm.s32 @!p2 $0xF  }
0x166: {  	_ =	swait.ge @!p2 [sflag:s2], $0x2800  }
0x167: {  	[sflag:s2] =	ssyncset.done @!p2 $0x0;
	s31 =	sld [smem:$0x7F7]  }
0x168: {  	[sflag:s2] =	ssyncadd.s32 @!p2 $0xFFFFD800;
	s2 =	sadd.s32 @!p2 $0x14000, s8  }
0x169: {  	[hbm4b:s2+s11] =	stream.linear.scatter @!p2 [tilespmem:s22], [sflag:$0x7], $0x2800, $0x38;
	[tilespmem:$0x14400] =	vst v63  }
0x16a: {  	p0 =	seq.s32 s31, $0x1  }
0x16b: {  	s2 =	simm.s32 @!p0 $0x10  }
0x16c: {  	_ =	swait.ge @!p0 [sflag:s2], $0x2800  }
0x16d: {  	[sflag:s2] =	ssyncset.done @!p0 $0x0  }
0x16e: {  	s3 =	sadd.s32 $0x1, s3;
	s8 =	sadd.s32 @!p0 $0x1E000, s8;
	[sflag:s2] =	ssyncadd.s32 @!p0 $0xFFFFD800  }
0x16f: {  	[hbm4b:s8+s9] =	stream.linear.scatter @!p0 [tilespmem:s23], [sflag:$0x8], $0x2800, $0x38;
	[tilespmem:$0x14400] =	vst v63  }
0x170: {  	p0 =	sne.s32 s3, s5  }
.Ltmp1:
0x171: {  	_ = 	snop;
	(pc) =	sbr.rel @p0 .LBB2_1-.Ltmp1, $1  }
0x172: {  	_ =	sdelay $0x3  }
0x173: {  	_ =	sfence.sel $0x180000  }
0x174: {  	[bflag:$0x0] =	sbarrier.arrive $0xFFFF  }
0x175: {  	_ =	strace $0x9000004A  }
0x176: {  	[bflag:$0x2] =	sbarrier.arrive $0xFFFF  }
0x177: {  	p0 =	sne.s32 s0, $0x0;
	s0 =	rddreg [dreg:$0x3]  }
0x178: {  	s0 =	sadd.s32 @!p0 $0x100000, s0  }
0x179: {  	[sflag:s0] =	ssyncadd.tile.s32 @!p0 $0x1;
	_ =	shalt  }
.Lfunc_end2:
_tile_overlayer_lowered:
.L_overlay_start_2:
0x17a: {  	(tag) =	ssettag $0x2  }
0x17b: {  	s0 =	rddreg [dreg:$0x0];
	s2 =	stileid.u32  }
0x17c: {  	s1 =	rddreg [dreg:$0x1];
	p0 =	sne.s32 s2, $0x0  }
0x17d: {  	s3 =	rddreg [dreg:$0x2];
	[bflag:$0x3] =	sbarrier.arrive $0xFFFF;
	s2 =	simm.s32 @!p0 $0x1C11  }
0x17e: {  	[timem:s3], [sflag:s2] =	dma.local @!p0 [hbm:s0], s1  }
0x17f: {  	s0 =	simm.s32 @!p0 $0x11  }
0x180: {  	_ =	swait.ge @!p0 [sflag:s0], s1  }
0x181: {  	s1 =	ssub.s32 @!p0 $0x0, s1;
	[sflag:s0] =	ssyncset.done @!p0 $0x0  }
0x182: {  	[sflag:s0] =	ssyncadd.s32 @!p0 s1  }
0x183: {  	[bflag:$0x3] =	sbarrier.arrive $0xFFFF  }
0x184: {  	_ =	shalt  }

// kernel: kernel.15.cloned.1.call-start
scs
__scs_entry_jumppad:
0x0: {  	(pc) =	sbr.rel $0x88, $3  }
0x1: {  	(tag) =	ssettag $0x0;
	lr =	simm.s32 $0x1  }
0x2: {  	[smem:$0x3F8D] =	sst lr;
	_ =	strace $0xD0000000  }
0x3: {  	_ = 	snop  }
0x4: {  	_ = 	snop  }
0x5: {  	_ = 	snop  }
0x6: {  	_ = 	snop  }
0x7: {  	_ = 	snop  }
__scs_overlays_trampoline_lowered:
0x8: {  	[smem:$0x3F9C] =	sst s0  }
0x9: {  	[smem:$0x3F9D] =	sst s1  }
0xa: {  	[smem:$0x3F9E] =	sst s2  }
0xb: {  	[smem:$0x3F9F] =	sst s3  }
0xc: {  	[smem:$0x3FA0] =	sst s4  }
0xd: {  	[smem:$0x3FA1] =	sst s5  }
0xe: {  	[smem:$0x3FA2] =	sst s6  }
0xf: {  	[smem:$0x3FA3] =	sst s7  }
0x10: {  	[smem:$0x3FA4] =	sst s8  }
0x11: {  	[smem:$0x3FA5] =	sst s9;
	s0 =	simm.s32 @!p0 $0x0  }
0x12: {  	s1 =	sld [smem:$0x3F8B];
	s0 =	simm.s32 @p0 $0x1  }
0x13: {  	[smem:$0x3FA6] =	sst s0;
	s0 =	simm.s32 @!p1 $0x0  }
0x14: {  	s2 =	sld [smem:$0x3F8A];
	s0 =	simm.s32 @p1 $0x1  }
0x15: {  	[smem:$0x3FA7] =	sst s0;
	s0 =	simm.s32 @!p2 $0x0  }
0x16: {  	s3 =	sld [smem:$0x3FDB];
	s0 =	simm.s32 @p2 $0x1  }
0x17: {  	s4 =	simm.s32 $0x1BF5;
	[smem:$0x3FA9] =	sst s0  }
0x18: {  	s0 =	sld [smem:$0x3F8C];
	_ =	swait.ge [sflag:s4], $0x0  }
0x19: {  	s7 =	sld [smem:$0x3F8D]  }
0x1a: {  	s8 =	sadd.s32 $0xFFFFE003, lr  }
0x1b: {  	s9 =	sadd.s32 $0xFFFFFEF7, lr;
	s5 =	simm.s32 $0xFFFFFFFF;
	p2 =	slt.u32 s8, $0xFFFFF086  }
0x1c: {  	p1 =	slt.u32 s9, $0xF7A;
	s5 =	simm.s32 @!p2 $0x0  }
0x1d: {  	s5 =	simm.s32 @p1 $0x1;
	p0 =	seq.s32 s7, s2  }
0x1e: {  	s7 =	smul.u32 @!p0 $0xF7A, s2;
	p2 =	seq.s32 @!p0 s5, $0x0  }
0x1f: {  	s9 =	smul.u32 $0xF7A, s1;
	s8 =	simm.s32 @!p0 $0x1BF5;
	p2 =	por !p2, p0  }
0x20: {  	[sflag:s8] =	ssyncset.s32 @!p0 $0xFFFFF086;
	s6 =	sadd.s32 @!p0 s3, s7;
	s7 =	simm.s32 @!p0 $0x108  }
0x21: {  	s3 =	sadd.s32 s3, s9;
	s6 =	sadd.s32 @!p0 $0x88, s6;
	s7 =	simm.s32 @p2 $0x1082  }
0x22: {  	[simem:s7], [sflag:s8] =	dma.local @!p0 [hbm:s6], $0xF7A  }
0x23: {  	s9 =	sor.u32 $0xD0000000, s2;
	s6 =	simm.s32 $0x108;
	_ =	swait.ge @!p0 [sflag:s8], $0x0  }
0x24: {  	s3 =	sadd.s32 $0x88, s3;
	s6 =	simm.s32 @!p1 $0x1082;
	[sflag:s4] =	ssyncset.s32 $0xFFFFF086  }
0x25: {  	[simem:s6], [sflag:s4] =	dma.local [hbm:s3], $0xF7A  }
0x26: {  	[smem:$0x3F8D] =	sst s1;
	(tag) =	ssettag s2;
	_ =	strace s9  }
0x27: {  	s1 =	sld [smem:$0x3F9D]  }
0x28: {  	s2 =	sld [smem:$0x3F9E]  }
0x29: {  	s4 =	sld [smem:$0x3FA0]  }
0x2a: {  	p0 =	seq.s32 s5, $0x0;
	s5 =	sld [smem:$0x3FA1]  }
0x2b: {  	s6 =	sld [smem:$0x3FA2]  }
0x2c: {  	s7 =	sld [smem:$0x3FA3]  }
0x2d: {  	s3 =	simm.s32 $0x108;
	s8 =	sld [smem:$0x3FA4]  }
0x2e: {  	s3 =	simm.s32 @!p0 $0x1082;
	s9 =	sld [smem:$0x3FA5]  }
0x2f: {  	lr =	sadd.s32 s0, s3;
	s0 =	sld [smem:$0x3F9C]  }
0x30: {  	s3 =	sld [smem:$0x3F9F]  }
0x31: {  	[smem:$0x3FA8] =	sst s10  }
0x32: {  	s10 =	sld [smem:$0x3FA6];
	_ =	sdelay $0x3  }
0x33: {  	p0 =	seq.s32 s10, $0x1;
	s10 =	sld [smem:$0x3FA8];
	_ =	sdelay $0x3  }
0x34: {  	[smem:$0x3FA8] =	sst s10  }
0x35: {  	s10 =	sld [smem:$0x3FA7];
	_ =	sdelay $0x3  }
0x36: {  	p1 =	seq.s32 s10, $0x1;
	s10 =	sld [smem:$0x3FA8];
	_ =	sdelay $0x3  }
0x37: {  	[smem:$0x3FA8] =	sst s10  }
0x38: {  	s10 =	sld [smem:$0x3FA9]  }
0x39: {  	_ = 	snop;
	(pc) =	sbr.ind lr, $3  }
0x3a: {  	_ = 	snop  }
0x3b: {  	_ = 	snop  }
0x3c: {  	p2 =	seq.s32 s10, $0x1;
	s10 =	sld [smem:$0x3FA8]  }
0x3d: {  	_ =	shalt  }
0x3e: {  	_ =	shalt  }
0x3f: {  	_ =	shalt  }
0x40: {  	_ =	shalt  }
0x41: {  	_ =	shalt  }
0x42: {  	_ =	shalt  }
0x43: {  	_ =	shalt  }
0x44: {  	_ =	shalt  }
0x45: {  	_ =	shalt  }
0x46: {  	_ =	shalt  }
0x47: {  	_ =	shalt  }
0x48: {  	_ =	shalt  }
0x49: {  	_ =	shalt  }
0x4a: {  	_ =	shalt  }
0x4b: {  	_ =	shalt  }
0x4c: {  	_ =	shalt  }
0x4d: {  	_ =	shalt  }
0x4e: {  	_ =	shalt  }
0x4f: {  	_ =	shalt  }
0x50: {  	_ =	shalt  }
0x51: {  	_ =	shalt  }
0x52: {  	_ =	shalt  }
0x53: {  	_ =	shalt  }
0x54: {  	_ =	shalt  }
0x55: {  	_ =	shalt  }
0x56: {  	_ =	shalt  }
0x57: {  	_ =	shalt  }
0x58: {  	_ =	shalt  }
0x59: {  	_ =	shalt  }
0x5a: {  	_ =	shalt  }
0x5b: {  	_ =	shalt  }
0x5c: {  	_ =	shalt  }
0x5d: {  	_ =	shalt  }
0x5e: {  	_ =	shalt  }
0x5f: {  	_ =	shalt  }
0x60: {  	_ =	shalt  }
0x61: {  	_ =	shalt  }
0x62: {  	_ =	shalt  }
0x63: {  	_ =	shalt  }
0x64: {  	_ =	shalt  }
0x65: {  	_ =	shalt  }
0x66: {  	_ =	shalt  }
0x67: {  	_ =	shalt  }
0x68: {  	_ =	shalt  }
0x69: {  	_ =	shalt  }
0x6a: {  	_ =	shalt  }
0x6b: {  	_ =	shalt  }
0x6c: {  	_ =	shalt  }
0x6d: {  	_ =	shalt  }
0x6e: {  	_ =	shalt  }
0x6f: {  	_ =	shalt  }
0x70: {  	_ =	shalt  }
0x71: {  	_ =	shalt  }
0x72: {  	_ =	shalt  }
0x73: {  	_ =	shalt  }
0x74: {  	_ =	shalt  }
0x75: {  	_ =	shalt  }
0x76: {  	_ =	shalt  }
0x77: {  	_ =	shalt  }
0x78: {  	_ =	shalt  }
0x79: {  	_ =	shalt  }
0x7a: {  	_ =	shalt  }
0x7b: {  	_ =	shalt  }
0x7c: {  	_ =	shalt  }
0x7d: {  	_ =	shalt  }
0x7e: {  	_ =	shalt  }
0x7f: {  	_ =	shalt  }
0x80: {  	_ =	shalt  }
0x81: {  	_ =	shalt  }
0x82: {  	_ =	shalt  }
0x83: {  	_ =	shalt  }
0x84: {  	_ =	shalt  }
0x85: {  	_ =	shalt  }
0x86: {  	_ =	shalt  }
0x87: {  	_ =	shalt  }
.Lfunc_end0:
.L_simem_size_0:
called_computation.1_lowered:
.L_overlay_start_0:
0x88: {  	s2 =	sld [smem:$0x3FD9]  }
0x89: {  	s3 =	sld [smem:$0x3FFE];
	_ =	sdelay $0x1  }
0x8a: {  	s1 =	srdreg.scid  }
0x8b: {  	s0 =	sand.u32 $0x1, s1  }
0x8c: {  	s17 =	sshll.u32 s0, $0xA;
	s2 =	sadd.s32 s3, s2  }
0x8d: {  	s2 =	sadd.s32 s2, s17  }
0x8e: {  	[smem:$0x3FB4] =	sst s2  }
0x8f: {  	_ = 	snop  }
0x90: {  	s2 =	sld [smem:$0x3FC9]  }
0x91: {  	s18 =	sld [smem:$0x3FC8]  }
0x92: {  	s4 =	sld [smem:$0x3FC6]  }
0x93: {  	s5 =	sld [smem:$0x3FD0];
	(tm) =	ssettm $0x1  }
0x94: {  	s6 =	sld [smem:$0x3FFB];
	_ =	sdelay $0x3  }
0x95: {  	_ =	strace s6  }
0x96: {  	s6 =	sld [smem:$0x3FFC];
	_ =	sdelay $0x3  }
0x97: {  	_ =	strace s6  }
0x98: {  	s6 =	sld [smem:$0x3FFD];
	_ =	sdelay $0x3  }
0x99: {  	_ =	strace s6  }
0x9a: {  	_ =	strace $0x8FFFFFFF  }
0x9b: {  	s19 =	sld [smem:$0x3FDB];
	_ =	sdelay $0x1  }
0x9c: {  	s7 =	simm.s32 $_scs_section_size  }
0x9d: {  	s8 =	simm.s32 $_size__tile_overlayer_lowered;
	s9 =	simm.s32 $_tile_overlayer_lowered  }
0x9e: {  	s22 =	simm.s32 $0x1BFF;
	s21 =	sshll.u32 s9, $0x1;
	s6 =	sadd.s32 s7, s19  }
0x9f: {  	s10 =	simm.s32 $0x0;
	s20 =	sshll.u32 s8, $0x1;
	s8 =	sadd.s32 s21, s6  }
0xa0: {  	[timem:s10], [sflag:s22] =	dma.local [hbm:s8], s20  }
0xa1: {  	_ =	swait.ge [sflag:s22], s20  }
0xa2: {  	s7 =	ssub.s32 $0x0, s20;
	[sflag:s22] =	ssyncset.done $0x0  }
0xa3: {  	[sflag:s22] =	ssyncadd.s32 s7;
	_ =	sdelay $0x1  }
0xa4: {  	s23 =	simm.s32 $0x1B8B  }
0xa5: {  	_ =	swait.ge [sflag:s23], $0x1  }
0xa6: {  	[sflag:s23] =	ssyncset.done $0x0  }
0xa7: {  	s25 =	simm.s32 $0x1B8E;
	s24 =	sld [smem:$0x3FFE];
	[sflag:s23] =	ssyncadd.s32 $0xFFFFFFFF  }
0xa8: {  	s26 =	simm.s32 $execute0_lowered;
	[smem:$0x3FD2] =	sst s25  }
0xa9: {  	s8 =	sshll.u32 s26, $0x1;
	_ =	strace $0x80000046;
	[dreg:$0x1] =	wrdreg $0xFFFFFFFF  }
0xaa: {  	s28 =	simm.s32 $_size_execute0_lowered;
	s6 =	sadd.s32 s6, s8;
	[dreg:$0x0] =	wrdreg $0x0  }
0xab: {  	s8 =	sshll.u32 s28, $0x1;
	[dreg:$0x2] =	wrdreg s6  }
0xac: {  	[dreg:$0x3] =	wrdreg s8  }
0xad: {  	[dreg:$0x4] =	wrdreg $0xC0  }
0xae: {  	_ =	task [dreg:s10], $0x5FFFF  }
0xaf: {  	[dreg:$0x1] =	wrdreg $0xFFFFFFFF  }
0xb0: {  	[dreg:$0x0] =	wrdreg $0x60  }
0xb1: {  	[dreg:$0x2] =	wrdreg s2  }
0xb2: {  	[dreg:$0x3] =	wrdreg s18  }
0xb3: {  	[dreg:$0x4] =	wrdreg s4  }
0xb4: {  	[dreg:$0x5] =	wrdreg s5  }
0xb5: {  	[dreg:$0x6] =	wrdreg s24  }
0xb6: {  	[dreg:$0x7] =	wrdreg $0x0  }
0xb7: {  	[dreg:$0x8] =	wrdreg $0xA  }
0xb8: {  	_ =	task.clear_ibuf [dreg:s10], $0x9FFFF;
	_ =	strace $0x90000046  }
0xb9: {  	s29 =	simm.s32 $0xA;
	_ =	strace $0x80000048  }
0xba: {  	_ =	swait.ge [sflag:s29], $0x1  }
0xbb: {  	[sflag:s29] =	ssyncadd.s32 $0xFFFFFFFF  }
0xbc: {  	_ =	strace $0x90000048  }
0xbd: {  	_ =	sfence  }
0xbe: {  	s30 =	sld [smem:$0x0];
	_ =	sdelay $0x2  }
0xbf: {  	s31 =	sshll.u32 s1, $0xD;
	s1 =	sshrl.u32 s1, $0x2  }
0xc0: {  	s3 =	sand.u32 $0x4000, s31;
	s1 =	sadd.s32 s1, s30  }
0xc1: {  	s0 =	sor.u32 s3, s0;
	s1 =	sshll.u32 s1, $0x11  }
0xc2: {  	s0 =	sor.u32 s1, s0  }
0xc3: {  	s0 =	sadd.s32 $0x8F2B, s0  }
0xc4: {  	[sflag:s0] =	ssyncadd.remote.s32 $0x1  }
0xc5: {  	_ =	sfence.sel $0xFFFF  }
0xc6: {  	[dreg:$0x0] =	wrdreg $0xFFFFFFFF;
	(pc) =	sbr.abs _section_cstart, $3  }
0xc7: {  	[dreg:$0x1] =	wrdreg $0xFFFFFFFF  }
0xc8: {  	_ =	task.clear_ibuf [dreg:s10], $0x2FFFF;
	_ =	strace $0x9FFFFFFF  }
0xc9: {  	(tm) =	ssettm $0x7FFFFFFF  }
tec
execute0_lowered:
.L_overlay_start_1:
0x0: {  	(tag) =	ssettag $0x1  }
0x1: {  	s1 =	rddreg [dreg:$0x0]  }
0x2: {  	s0 =	rddreg [dreg:$0x1]  }
0x3: {  	s3 =	rddreg [dreg:$0x2]  }
0x4: {  	s5 =	rddreg [dreg:$0x3]  }
0x5: {  	s6 =	rddreg [dreg:$0x4]  }
0x6: {  	s2 =	rddreg [dreg:$0x5];
	s4 =	simm.s32 $0x0;
	s15 =	stileid.u32  }
0x7: {  	s8 =	srdreg.scid;
	s28 =	simm.s32 $0x13900;
	s29 =	simm.s32 $0x3  }
0x8: {  	s30 =	simm.s32 $0x13980;
	s31 =	simm.s32 $0x4;
	[smem:$0x7FF] =	sst s4  }
0x9: {  	s7 =	sadd.s32 $0x5E00, s6;
	s19 =	smul.u32 $0xA00, s15;
	s16 =	sadd.s32 $0xF0A00, s6  }
0xa: {  	s8 =	sand.u32 $0x1, s8;
	s9 =	smul.u32 $0x4E000, s15;
	s17 =	sadd.s32 $0x117C00, s6  }
0xb: {  	s11 =	smul.u32 $0x2700, s15;
	s21 =	sshll.u32 s15, $0x1;
	s23 =	sshll.u32 s15, $0x6  }
0xc: {  	s13 =	smul.u32 $0x14, s15;
	p1 =	sne.s32 s15, $0xF;
	p2 =	seq.s32 s15, $0xF  }
0xd: {  	_ =	strace $0x80000047;
	[dreg:$0x7] =	wrdreg s7;
	s20 =	ssub.s32 $0x2, s8  }
0xe: {  	s18 =	sor.u32 $0x1C09, s23;
	s14 =	smul.u32 $0xA, s8;
	[dreg:$0x8] =	wrdreg s16  }
0xf: {  	p0 =	seq.s32 s8, $0x1;
	s24 =	smul.u32 $0x500, s8;
	[dreg:$0x9] =	wrdreg s17  }
0x10: {  	s23 =	simm.s32 $0x13880;
	s6 =	sadd.s32 s19, s6;
	s10 =	sshrl.u32 s20, $0x1  }
0x11: {  	s9 =	sshrl.u32 s9, $0x2;
	s22 =	sadd.s32 s5, s11;
	s5 =	sadd.s32 $0x27000, s5  }
0x12: {  	s16 =	sadd.s32 s16, s11;
	s11 =	sadd.s32 s17, s11;
	[dreg:$0xb] =	wrdreg s18  }
0x13: {  	s0 =	sadd.s32 s13, s0;
	s26 =	sadd.s32 s13, s3;
	[dreg:$0xa] =	wrdreg s22  }
0x14: {  	s3 =	simm.s32 $0x16280;
	s13 =	simm.s32 $0x1B280;
	[dreg:$0xd] =	wrdreg s5  }
0x15: {  	s7 =	ssub.s32 s20, s10;
	s12 =	sadd.s32 s9, s2;
	[dreg:$0xe] =	wrdreg s16  }
0x16: {  	s9 =	sadd.s32 $0x138000, s2;
	[dreg:$0xf] =	wrdreg s11;
	s0 =	sadd.s32 s14, s0  }
0x17: {  	s25 =	sadd.s32 s24, s6;
	s16 =	sor.u32 s8, s21;
	s20 =	simm.s32 $0x9  }
0x18: {  	s22 =	simm.s32 $0x13A80;
	s24 =	simm.s32 $0x1;
	s6 =	simm.s32 $0x5  }
0x19: {  	s10 =	simm.s32 $0x7;
	s5 =	simm.s32 $0x8;
	[dreg:$0x11] =	wrdreg s0  }
0x1a: {  	s8 =	simm.s32 $0x0;
	s7 =	smax.u32 s7, $0x1;
	[dreg:$0xc] =	wrdreg s9  }
.Ltmp0:
0x1b: {  	s0 =	sadd.s32 $0x6400, s25;
	[dreg:$0x10] =	wrdreg s7;
	(pc) =	sbr.rel .LBB2_1-.Ltmp0, $4  }
0x1c: {  	s25 =	simm.s32 $0x50;
	[dreg:$0x12] =	wrdreg s0;
	s0 =	sadd.s32 s14, s26  }
0x1d: {  	s14 =	sshrl.u32 s12, $0x3;
	s26 =	simm.s32 $0x2;
	[dreg:$0x13] =	wrdreg s0  }
0x1e: {  	s12 =	simm.s32 $0x18A80;
	s0 =	sshrl.u32 @!p1 s9, $0x3;
	[dreg:$0x14] =	wrdreg s14  }
0x1f: {  	s7 =	simm.s32 $0x6;
	[dreg:$0x15] =	wrdreg s0;
	s0 =	simm.s32 $0x13A00  }
.LBB2_28:
0x20: {  	s21 =	rddreg [dreg:$0xc]  }
0x21: {  	s9 =	sadd.s32 $0x27000, s11;
	s11 =	sshrl.u32 s21, $0x3  }
0x22: {  	[hbm:s9], [sflag:s18] =	dma.local [spmem:s11], $0x100  }
0x23: {  	_ =	swait.ge [sflag:s20], $0x100  }
0x24: {  	[sflag:s20] =	ssyncset.done $0x0  }
0x25: {  	[sflag:s20] =	ssyncadd.s32 $0xFFFFFF00  }
.LBB2_29:
0x26: {  	s8 =	sadd.s32 $0x1, s8;
	s9 =	rddreg [dreg:$0x10]  }
0x27: {  	p3 =	sne.s32 s8, s9  }
.Ltmp1:
0x28: {  	_ = 	snop;
	(pc) =	sbr.rel @!p3 .LBB2_30-.Ltmp1, $1  }
0x29: {  	_ =	sdelay $0x3  }
.LBB2_1:
0x2a: {  	s9 =	rddreg [dreg:$0xa]  }
0x2b: {  	[spmem:s14], [sflag:s18] =	dma.local [hbm:s9], $0x2700  }
0x2c: {  	_ =	swait.ge [sflag:s20], $0x2700  }
0x2d: {  	[sflag:s20] =	ssyncset.done $0x0;
	s9 =	rddreg [dreg:$0xd]  }
0x2e: {  	s11 =	rddreg [dreg:$0x15];
	[sflag:s20] =	ssyncadd.s32 $0xFFFFD900  }
0x2f: {  	[spmem:s11], [sflag:s18] =	dma.local @!p1 [hbm:s9], $0x100  }
0x30: {  	s11 =	simm.s32 @!p1 $0x9  }
0x31: {  	_ =	swait.ge @!p1 [sflag:s11], $0x100  }
0x32: {  	[sflag:s11] =	ssyncset.done @!p1 $0x0  }
0x33: {  	s21 =	rddreg [dreg:$0x7];
	[sflag:s11] =	ssyncadd.s32 @!p1 $0xFFFFFF00  }
0x34: {  	[tilespmem:s22], [sflag:$0x9] =	stream.linear.gather [hbm4b:s21+s4], $0x2800, $0x38;
	[tilespmem:$0x1DA80] =	vst v63  }
.Ltmp2:
0x35: {  	_ =	swait.ge [sflag:s20], $0x2800;
	(pc) =	sbr.rel .LBB2_2-.Ltmp2, $4  }
0x36: {  	[sflag:s20] =	ssyncset.done $0x0  }
0x37: {  	[sflag:s20] =	ssyncadd.s32 $0xFFFFD800  }
0x38: {  	[bflag:$0x0] =	sbarrier.arrive $0xFFFF  }
0x39: {  	s17 =	simm.s32 $0x0;
	s11 =	rddreg [dreg:$0x11]  }
.LBB2_8:
0x3a: {  	_ =	swait.ge [sflag:s31], $0x50  }
0x3b: {  	[sflag:s31] =	ssyncset.done $0x0  }
0x3c: {  	[sflag:s31] =	ssyncadd.s32 $0xFFFFFFB0  }
0x3d: {  	[spmem:s2] =	stream.indirect.scatter.add.f32 [tilespmem:s22], [sflag:$0x8], $0x80, s0, s25, $0xb8;
	[tilespmem:$0x1DA80] =	vst v63  }
.LBB2_9:
0x3e: {  	s17 =	sadd.s32 $0x80, s17  }
0x3f: {  	p3 =	sne.s32 s17, $0xF80  }
.Ltmp3:
0x40: {  	_ = 	snop;
	(pc) =	sbr.rel @!p3 .LBB2_10-.Ltmp3, $2  }
0x41: {  	_ =	sdelay $0x2  }
0x42: {  	s11 =	sadd.s32 $0x500, s11  }
.LBB2_2:
0x43: {  	s18 =	sadd.s32 s17, s16  }
0x44: {  	s14 =	sadd.s32 $0xFFFFFF80, s18  }
0x45: {  	p3 =	sgt.u32 s14, $0xEA5  }
0x46: {  	s14 =	simm.s32 @!p3 $0x5  }
0x47: {  	s15 =	sadd.s32 $0xFFFFFFA0, s18;
	_ =	swait.ge @!p3 [sflag:s14], $0x2800  }
0x48: {  	p4 =	sgt.u32 s15, $0xEA5;
	[sflag:s14] =	ssyncset.done @!p3 $0x0  }
0x49: {  	[sflag:s14] =	ssyncadd.s32 @!p3 $0xFFFFD800;
	s14 =	simm.s32 @!p4 $0x6  }
0x4a: {  	s19 =	sadd.s32 $0xFFFFFFC0, s18;
	_ =	swait.ge @!p4 [sflag:s14], $0x2800  }
0x4b: {  	p3 =	sgt.u32 s19, $0xEA5;
	[sflag:s14] =	ssyncset.done @!p4 $0x0  }
0x4c: {  	[sflag:s14] =	ssyncadd.s32 @!p4 $0xFFFFD800;
	s14 =	simm.s32 @!p3 $0x7  }
0x4d: {  	_ =	swait.ge @!p3 [sflag:s14], $0x2800  }
0x4e: {  	[sflag:s14] =	ssyncset.done @!p3 $0x0  }
0x4f: {  	s21 =	sadd.s32 $0xFFFFFFE0, s18;
	[sflag:s14] =	ssyncadd.s32 @!p3 $0xFFFFD800;
	p3 =	sgt.u32 s18, $0xEA5  }
.Ltmp4:
0x50: {  	p4 =	sgt.u32 s21, $0xEA5;
	(pc) =	sbr.rel @p3 .LBB2_9-.Ltmp4, $4  }
0x51: {  	s14 =	simm.s32 @!p4 $0x8  }
0x52: {  	_ =	swait.ge @!p4 [sflag:s14], $0x2800  }
0x53: {  	[sflag:s14] =	ssyncset.done @!p4 $0x0  }
0x54: {  	[sflag:s14] =	ssyncadd.s32 @!p4 $0xFFFFD800  }
0x55: {  	[tilespmem:s23], [sflag:$0x1] =	stream.linear.gather [hbm4b:s11+s4], $0x50, $0x38;
	[tilespmem:$0x1DA80] =	vst v63  }
0x56: {  	s15 =	sadd.s32 $0x20, s18;
	s14 =	sadd.s32 $0x40, s18  }
0x57: {  	p4 =	sgt.u32 s15, $0xEA5;
	p5 =	sgt.u32 s14, $0xEA5  }
0x58: {  	s15 =	sadd.s32 @!p4 $0x140, s11;
	s21 =	simm.s32 @!p4 $0x0;
	s19 =	simm.s32 @!p4 $0x13900  }
0x59: {  	[tilespmem:s19], [sflag:$0x2] =	stream.linear.gather @!p4 [hbm4b:s15+s21], $0x50, $0x38;
	[tilespmem:$0x1DA80] =	vst v63  }
0x5a: {  	s15 =	sadd.s32 $0x60, s18;
	s18 =	sadd.s32 @!p5 $0x280, s11  }
0x5b: {  	s19 =	simm.s32 @!p5 $0x0;
	s21 =	simm.s32 @!p5 $0x13980;
	p3 =	sgt.u32 s15, $0xEA5  }
0x5c: {  	[tilespmem:s21], [sflag:$0x3] =	stream.linear.gather @!p5 [hbm4b:s18+s19], $0x50, $0x38;
	[tilespmem:$0x1DA80] =	vst v63  }
0x5d: {  	s18 =	sadd.s32 @!p3 $0x3C0, s11;
	s19 =	simm.s32 @!p3 $0x0;
	s21 =	simm.s32 @!p3 $0x13A00  }
0x5e: {  	[tilespmem:s21], [sflag:$0x4] =	stream.linear.gather @!p3 [hbm4b:s18+s19], $0x50, $0x38;
	[tilespmem:$0x1DA80] =	vst v63  }
.Ltmp5:
0x5f: {  	_ = 	snop;
	(pc) =	sbr.rel @p4 .LBB2_6-.Ltmp5, $4  }
0x60: {  	_ =	swait.ge [sflag:s24], $0x50  }
0x61: {  	[sflag:s24] =	ssyncset.done $0x0  }
0x62: {  	[sflag:s24] =	ssyncadd.s32 $0xFFFFFFB0  }
0x63: {  	[spmem:s2] =	stream.indirect.scatter.add.f32 [tilespmem:s22], [sflag:$0x5], $0x80, s23, s25, $0xb8;
	[tilespmem:$0x1DA80] =	vst v63  }
0x64: {  	p4 =	slt.u32 s14, $0xEA6  }
.Ltmp6:
0x65: {  	_ = 	snop;
	(pc) =	sbr.rel @p4 .LBB2_7-.Ltmp6, $4  }
0x66: {  	_ =	swait.ge [sflag:s26], $0x50  }
0x67: {  	[sflag:s26] =	ssyncset.done $0x0  }
0x68: {  	[sflag:s26] =	ssyncadd.s32 $0xFFFFFFB0  }
0x69: {  	[spmem:s2] =	stream.indirect.scatter.add.f32 [tilespmem:s22], [sflag:$0x6], $0x80, s28, s25, $0xb8;
	[tilespmem:$0x1DA80] =	vst v63  }
.LBB2_5:
.Ltmp7:
0x6a: {  	(pc) =	sbr.rel @p3 .LBB2_9-.Ltmp7, $4  }
.Ltmp8:
0x6b: {  	(pc) =	sbr.rel @!p3 .LBB2_8-.Ltmp8, $4  }
0x6c: {  	_ = 	snop  }
0x6d: {  	_ = 	snop  }
0x6e: {  	_ = 	snop  }
0x6f: {  	_ = 	snop  }
.LBB2_6:
.Ltmp9:
0x70: {  	(pc) =	sbr.rel @p5 .LBB2_5-.Ltmp9, $1  }
0x71: {  	_ =	sdelay $0x3  }
.LBB2_7:
0x72: {  	p3 =	slt.u32 s15, $0xEA6  }
.Ltmp10:
0x73: {  	_ = 	snop;
	(pc) =	sbr.rel @!p3 .LBB2_9-.Ltmp10, $4  }
.Ltmp11:
0x74: {  	_ =	swait.ge [sflag:s29], $0x50;
	(pc) =	sbr.rel @p3 .LBB2_8-.Ltmp11, $4  }
0x75: {  	[sflag:s29] =	ssyncset.done $0x0  }
0x76: {  	[sflag:s29] =	ssyncadd.s32 $0xFFFFFFB0  }
0x77: {  	[spmem:s2] =	stream.indirect.scatter.add.f32 [tilespmem:s22], [sflag:$0x7], $0x80, s30, s25, $0xb8;
	[tilespmem:$0x1DA80] =	vst v63  }
0x78: {  	_ = 	snop  }
.LBB2_10:
.Ltmp12:
0x79: {  	(pc) =	sbr.rel .LBB2_11-.Ltmp12, $3  }
0x7a: {  	_ =	sdelay $0x1  }
0x7b: {  	s18 =	rddreg [dreg:$0x13]  }
0x7c: {  	s11 =	simm.s32 $0x0;
	s17 =	rddreg [dreg:$0x12]  }
.LBB2_23:
0x7d: {  	_ =	swait.ge [sflag:s5], $0x2800  }
0x7e: {  	[sflag:s5] =	ssyncset.done $0x0  }
0x7f: {  	s9 =	sadd.s32 $0x1E000, s17;
	[sflag:s5] =	ssyncadd.s32 $0xFFFFD800  }
0x80: {  	[hbm4b:s9+s4] =	stream.linear.scatter [tilespmem:s13], [sflag:$0x4], $0x2800, $0x38;
	[tilespmem:$0x1DA80] =	vst v63  }
.LBB2_24:
0x81: {  	s11 =	sadd.s32 $0x80, s11  }
0x82: {  	p3 =	sne.s32 s11, $0x380  }
.Ltmp13:
0x83: {  	_ = 	snop;
	(pc) =	sbr.rel @!p3 .LBB2_25-.Ltmp13, $2  }
0x84: {  	_ =	sdelay $0x2  }
0x85: {  	s17 =	sadd.s32 $0x28000, s17;
	s18 =	sadd.s32 $0x500, s18  }
.LBB2_11:
0x86: {  	s15 =	sadd.s32 s11, s16  }
0x87: {  	s14 =	sadd.s32 $0xFFFFFF80, s15  }
0x88: {  	p3 =	sgt.u32 s14, $0x2ED  }
0x89: {  	s14 =	simm.s32 @!p3 $0x1  }
0x8a: {  	s19 =	sadd.s32 $0xFFFFFFA0, s15;
	_ =	swait.ge @!p3 [sflag:s14], $0x2800  }
0x8b: {  	p4 =	sgt.u32 s19, $0x2ED;
	[sflag:s14] =	ssyncset.done @!p3 $0x0  }
0x8c: {  	[sflag:s14] =	ssyncadd.s32 @!p3 $0xFFFFD800;
	s14 =	simm.s32 @!p4 $0x2  }
0x8d: {  	s9 =	sadd.s32 $0xFFFFFFC0, s15;
	_ =	swait.ge @!p4 [sflag:s14], $0x2800  }
0x8e: {  	p3 =	sgt.u32 s9, $0x2ED;
	[sflag:s14] =	ssyncset.done @!p4 $0x0  }
0x8f: {  	[sflag:s14] =	ssyncadd.s32 @!p4 $0xFFFFD800;
	s14 =	simm.s32 @!p3 $0x3  }
0x90: {  	_ =	swait.ge @!p3 [sflag:s14], $0x2800  }
0x91: {  	[sflag:s14] =	ssyncset.done @!p3 $0x0  }
0x92: {  	s21 =	sadd.s32 $0xFFFFFFE0, s15;
	[sflag:s14] =	ssyncadd.s32 @!p3 $0xFFFFD800;
	p3 =	sgt.u32 s15, $0x2ED  }
.Ltmp14:
0x93: {  	p4 =	sgt.u32 s21, $0x2ED;
	(pc) =	sbr.rel @p3 .LBB2_24-.Ltmp14, $4  }
0x94: {  	s14 =	simm.s32 @!p4 $0x4  }
0x95: {  	_ =	swait.ge @!p4 [sflag:s14], $0x2800  }
0x96: {  	[sflag:s14] =	ssyncset.done @!p4 $0x0  }
0x97: {  	[sflag:s14] =	ssyncadd.s32 @!p4 $0xFFFFD800  }
0x98: {  	[tilespmem:s23], [sflag:$0x1] =	stream.linear.gather [hbm4b:s18+s4], $0x50, $0x38;
	[tilespmem:$0x1DA80] =	vst v63  }
0x99: {  	s19 =	sadd.s32 $0x20, s15;
	s14 =	sadd.s32 $0x40, s15;
	s15 =	sadd.s32 $0x60, s15  }
0x9a: {  	p3 =	sgt.u32 s19, $0x2ED;
	p4 =	sgt.u32 s14, $0x2ED;
	p6 =	sgt.u32 s15, $0x2ED  }
0x9b: {  	s19 =	sadd.s32 @!p3 $0x140, s18;
	s21 =	simm.s32 @!p3 $0x0;
	s9 =	simm.s32 @!p3 $0x13900  }
0x9c: {  	[tilespmem:s9], [sflag:$0x2] =	stream.linear.gather @!p3 [hbm4b:s19+s21], $0x50, $0x38;
	[tilespmem:$0x1DA80] =	vst v63  }
0x9d: {  	s9 =	sadd.s32 @!p4 $0x280, s18;
	s19 =	simm.s32 @!p4 $0x0;
	s21 =	simm.s32 @!p4 $0x13980  }
0x9e: {  	[tilespmem:s21], [sflag:$0x3] =	stream.linear.gather @!p4 [hbm4b:s9+s19], $0x50, $0x38;
	[tilespmem:$0x1DA80] =	vst v63  }
0x9f: {  	s9 =	sadd.s32 @!p6 $0x3C0, s18;
	s19 =	simm.s32 @!p6 $0x0;
	s21 =	simm.s32 @!p6 $0x13A00  }
0xa0: {  	[tilespmem:s21], [sflag:$0x4] =	stream.linear.gather @!p6 [hbm4b:s9+s19], $0x50, $0x38;
	[tilespmem:$0x1DA80] =	vst v63  }
.Ltmp15:
0xa1: {  	_ = 	snop;
	(pc) =	sbr.rel @p3 .LBB2_15-.Ltmp15, $4  }
0xa2: {  	_ =	swait.ge [sflag:s24], $0x50  }
0xa3: {  	[sflag:s24] =	ssyncset.done $0x0  }
0xa4: {  	[sflag:s24] =	ssyncadd.s32 $0xFFFFFFB0  }
0xa5: {  	[tilespmem:s22], [sflag:$0x5] =	stream.indirect.gather [hbm4b:s1+s25], $0x80, s23, s25, $0xb8;
	[tilespmem:$0x1DA80] =	vst v63  }
0xa6: {  	p4 =	slt.u32 s14, $0x2EE  }
.Ltmp16:
0xa7: {  	_ = 	snop;
	(pc) =	sbr.rel @p4 .LBB2_16-.Ltmp16, $4  }
0xa8: {  	_ =	swait.ge [sflag:s26], $0x50  }
0xa9: {  	[sflag:s26] =	ssyncset.done $0x0  }
0xaa: {  	[sflag:s26] =	ssyncadd.s32 $0xFFFFFFB0  }
0xab: {  	[tilespmem:s3], [sflag:$0x6] =	stream.indirect.gather [hbm4b:s1+s25], $0x80, s28, s25, $0xb8;
	[tilespmem:$0x1DA80] =	vst v63  }
.LBB2_14:
.Ltmp17:
0xac: {  	(pc) =	sbr.rel @p6 .LBB2_18-.Ltmp17, $2  }
0xad: {  	_ =	sdelay $0x2  }
0xae: {  	p5 =	por $0x0, $0x0;
	p4 =	por $0x0, $0x0  }
.LBB2_17:
0xaf: {  	_ =	swait.ge [sflag:s31], $0x50  }
0xb0: {  	[sflag:s31] =	ssyncset.done $0x0  }
0xb1: {  	p4 =	por $0x1, $0x1;
	[sflag:s31] =	ssyncadd.s32 $0xFFFFFFB0  }
0xb2: {  	[tilespmem:s13], [sflag:$0x8] =	stream.indirect.gather [hbm4b:s1+s25], $0x80, s0, s25, $0xb8;
	[tilespmem:$0x1DA80] =	vst v63  }
.LBB2_18:
.Ltmp18:
0xb3: {  	(pc) =	sbr.rel @p3 .LBB2_21-.Ltmp18, $4  }
0xb4: {  	_ =	swait.ge [sflag:s6], $0x2800  }
0xb5: {  	[sflag:s6] =	ssyncset.done $0x0  }
0xb6: {  	[sflag:s6] =	ssyncadd.s32 $0xFFFFD800  }
0xb7: {  	[hbm4b:s17+s4] =	stream.linear.scatter [tilespmem:s22], [sflag:$0x1], $0x2800, $0x38;
	[tilespmem:$0x1DA80] =	vst v63  }
.Ltmp19:
0xb8: {  	(pc) =	sbr.rel @p5 .LBB2_22-.Ltmp19, $4  }
0xb9: {  	_ =	swait.ge [sflag:s7], $0x2800  }
0xba: {  	[sflag:s7] =	ssyncset.done $0x0  }
0xbb: {  	s9 =	sadd.s32 $0xA000, s17;
	[sflag:s7] =	ssyncadd.s32 $0xFFFFD800  }
0xbc: {  	[hbm4b:s9+s4] =	stream.linear.scatter [tilespmem:s3], [sflag:$0x2], $0x2800, $0x38;
	[tilespmem:$0x1DA80] =	vst v63  }
.LBB2_20:
.Ltmp20:
0xbd: {  	(pc) =	sbr.rel @!p4 .LBB2_24-.Ltmp20, $4  }
.Ltmp21:
0xbe: {  	(pc) =	sbr.rel @p4 .LBB2_23-.Ltmp21, $4  }
0xbf: {  	_ = 	snop  }
0xc0: {  	_ = 	snop  }
0xc1: {  	_ = 	snop  }
0xc2: {  	_ = 	snop  }
.LBB2_15:
.Ltmp22:
0xc3: {  	(pc) =	sbr.rel @p4 .LBB2_14-.Ltmp22, $1  }
0xc4: {  	_ =	sdelay $0x3  }
.LBB2_16:
0xc5: {  	p6 =	slt.u32 s15, $0x2EE  }
.Ltmp23:
0xc6: {  	_ = 	snop;
	(pc) =	sbr.rel @!p6 .LBB2_18-.Ltmp23, $4  }
.Ltmp24:
0xc7: {  	_ =	swait.ge [sflag:s29], $0x50;
	(pc) =	sbr.rel @p6 .LBB2_17-.Ltmp24, $4  }
0xc8: {  	[sflag:s29] =	ssyncset.done $0x0  }
0xc9: {  	p4 =	por $0x0, $0x0;
	p5 =	por $0x1, $0x1;
	[sflag:s29] =	ssyncadd.s32 $0xFFFFFFB0  }
0xca: {  	[tilespmem:s12], [sflag:$0x7] =	stream.indirect.gather [hbm4b:s1+s25], $0x80, s30, s25, $0xb8;
	[tilespmem:$0x1DA80] =	vst v63  }
0xcb: {  	_ = 	snop  }
.LBB2_21:
.Ltmp25:
0xcc: {  	(pc) =	sbr.rel @!p5 .LBB2_20-.Ltmp25, $1  }
0xcd: {  	_ =	sdelay $0x3  }
.LBB2_22:
.Ltmp26:
0xce: {  	(pc) =	sbr.rel @!p4 .LBB2_24-.Ltmp26, $4  }
.Ltmp27:
0xcf: {  	_ =	swait.ge [sflag:s10], $0x2800;
	(pc) =	sbr.rel @p4 .LBB2_23-.Ltmp27, $4  }
0xd0: {  	[sflag:s10] =	ssyncset.done $0x0  }
0xd1: {  	s9 =	sadd.s32 $0x14000, s17;
	[sflag:s10] =	ssyncadd.s32 $0xFFFFD800  }
0xd2: {  	[hbm4b:s9+s4] =	stream.linear.scatter [tilespmem:s12], [sflag:$0x3], $0x2800, $0x38;
	[tilespmem:$0x1DA80] =	vst v63  }
0xd3: {  	_ = 	snop  }
.LBB2_25:
.Ltmp28:
0xd4: {  	(pc) =	sbr.rel @!p0 .LBB2_26-.Ltmp28, $3  }
0xd5: {  	_ =	sdelay $0x1  }
0xd6: {  	[bflag:$0x0] =	sbarrier.arrive $0xFFFF  }
0xd7: {  	s14 =	rddreg [dreg:$0x14]  }
0xd8: {  	s18 =	rddreg [dreg:$0xb]  }
0xd9: {  	s9 =	rddreg [dreg:$0xf]  }
0xda: {  	[hbm:s9], [sflag:s18] =	dma.local [spmem:s14], $0x2700  }
.Ltmp29:
0xdb: {  	_ = 	snop;
	(pc) =	sbr.rel @p1 .LBB2_29-.Ltmp29, $4  }
.Ltmp30:
0xdc: {  	_ = 	snop;
	(pc) =	sbr.rel @!p1 .LBB2_28-.Ltmp30, $4  }
0xdd: {  	_ =	swait.ge [sflag:s20], $0x2700  }
0xde: {  	[sflag:s20] =	ssyncset.done $0x0  }
0xdf: {  	s11 =	rddreg [dreg:$0x9];
	[sflag:s20] =	ssyncadd.s32 $0xFFFFD900  }
0xe0: {  	_ = 	snop  }
.LBB2_26:
0xe1: {  	s18 =	rddreg [dreg:$0xb]  }
0xe2: {  	s9 =	rddreg [dreg:$0xe]  }
0xe3: {  	[hbm:s9], [sflag:s18] =	dma.local [spmem:s14], $0x2700  }
.Ltmp31:
0xe4: {  	_ = 	snop;
	(pc) =	sbr.rel @p2 .LBB2_28-.Ltmp31, $4  }
.Ltmp32:
0xe5: {  	_ = 	snop;
	(pc) =	sbr.rel @!p2 .LBB2_29-.Ltmp32, $4  }
0xe6: {  	_ =	swait.ge [sflag:s20], $0x2700  }
0xe7: {  	[sflag:s20] =	ssyncset.done $0x0  }
0xe8: {  	s11 =	rddreg [dreg:$0x8];
	[sflag:s20] =	ssyncadd.s32 $0xFFFFD900  }
0xe9: {  	_ = 	snop  }
.LBB2_30:
0xea: {  	_ =	sfence.sel $0x180000  }
0xeb: {  	[bflag:$0x0] =	sbarrier.arrive $0xFFFF  }
0xec: {  	_ =	strace $0x90000047  }
0xed: {  	s0 =	stileid.u32;
	[bflag:$0x2] =	sbarrier.arrive $0xFFFF  }
0xee: {  	p0 =	sne.s32 s0, $0x0;
	s0 =	rddreg [dreg:$0x6]  }
0xef: {  	s0 =	sadd.s32 @!p0 $0x100000, s0  }
0xf0: {  	[sflag:s0] =	ssyncadd.tile.s32 @!p0 $0x1;
	_ =	shalt  }
.Lfunc_end2:
_tile_overlayer_lowered:
.L_overlay_start_2:
0xf1: {  	(tag) =	ssettag $0x2  }
0xf2: {  	s0 =	rddreg [dreg:$0x0];
	s2 =	stileid.u32  }
0xf3: {  	s1 =	rddreg [dreg:$0x1];
	p0 =	sne.s32 s2, $0x0  }
0xf4: {  	s3 =	rddreg [dreg:$0x2];
	[bflag:$0x3] =	sbarrier.arrive $0xFFFF;
	s2 =	simm.s32 @!p0 $0x1C09  }
0xf5: {  	[timem:s3], [sflag:s2] =	dma.local @!p0 [hbm:s0], s1  }
0xf6: {  	s0 =	simm.s32 @!p0 $0x9  }
0xf7: {  	_ =	swait.ge @!p0 [sflag:s0], s1  }
0xf8: {  	s1 =	ssub.s32 @!p0 $0x0, s1;
	[sflag:s0] =	ssyncset.done @!p0 $0x0  }
0xf9: {  	[sflag:s0] =	ssyncadd.s32 @!p0 s1  }
0xfa: {  	[bflag:$0x3] =	sbarrier.arrive $0xFFFF  }
0xfb: {  	_ =	shalt  }

// kernel: kernel.18.cloned.1.call-start
scs
__scs_entry_jumppad:
0x0: {  	(pc) =	sbr.rel $0x88, $3  }
0x1: {  	(tag) =	ssettag $0x0;
	lr =	simm.s32 $0x1  }
0x2: {  	[smem:$0x3F8D] =	sst lr;
	_ =	strace $0xD0000000  }
0x3: {  	_ = 	snop  }
0x4: {  	_ = 	snop  }
0x5: {  	_ = 	snop  }
0x6: {  	_ = 	snop  }
0x7: {  	_ = 	snop  }
__scs_overlays_trampoline_lowered:
0x8: {  	[smem:$0x3F9C] =	sst s0  }
0x9: {  	[smem:$0x3F9D] =	sst s1  }
0xa: {  	[smem:$0x3F9E] =	sst s2  }
0xb: {  	[smem:$0x3F9F] =	sst s3  }
0xc: {  	[smem:$0x3FA0] =	sst s4  }
0xd: {  	[smem:$0x3FA1] =	sst s5  }
0xe: {  	[smem:$0x3FA2] =	sst s6  }
0xf: {  	[smem:$0x3FA3] =	sst s7  }
0x10: {  	[smem:$0x3FA4] =	sst s8  }
0x11: {  	[smem:$0x3FA5] =	sst s9;
	s0 =	simm.s32 @!p0 $0x0  }
0x12: {  	s1 =	sld [smem:$0x3F8B];
	s0 =	simm.s32 @p0 $0x1  }
0x13: {  	[smem:$0x3FA6] =	sst s0;
	s0 =	simm.s32 @!p1 $0x0  }
0x14: {  	s2 =	sld [smem:$0x3F8A];
	s0 =	simm.s32 @p1 $0x1  }
0x15: {  	[smem:$0x3FA7] =	sst s0;
	s0 =	simm.s32 @!p2 $0x0  }
0x16: {  	s3 =	sld [smem:$0x3FDB];
	s0 =	simm.s32 @p2 $0x1  }
0x17: {  	s4 =	simm.s32 $0x1BF5;
	[smem:$0x3FA9] =	sst s0  }
0x18: {  	s0 =	sld [smem:$0x3F8C];
	_ =	swait.ge [sflag:s4], $0x0  }
0x19: {  	s7 =	sld [smem:$0x3F8D]  }
0x1a: {  	s8 =	sadd.s32 $0xFFFFE003, lr  }
0x1b: {  	s9 =	sadd.s32 $0xFFFFFEF7, lr;
	s5 =	simm.s32 $0xFFFFFFFF;
	p2 =	slt.u32 s8, $0xFFFFF086  }
0x1c: {  	p1 =	slt.u32 s9, $0xF7A;
	s5 =	simm.s32 @!p2 $0x0  }
0x1d: {  	s5 =	simm.s32 @p1 $0x1;
	p0 =	seq.s32 s7, s2  }
0x1e: {  	s7 =	smul.u32 @!p0 $0xF7A, s2;
	p2 =	seq.s32 @!p0 s5, $0x0  }
0x1f: {  	s9 =	smul.u32 $0xF7A, s1;
	s8 =	simm.s32 @!p0 $0x1BF5;
	p2 =	por !p2, p0  }
0x20: {  	[sflag:s8] =	ssyncset.s32 @!p0 $0xFFFFF086;
	s6 =	sadd.s32 @!p0 s3, s7;
	s7 =	simm.s32 @!p0 $0x108  }
0x21: {  	s3 =	sadd.s32 s3, s9;
	s6 =	sadd.s32 @!p0 $0x88, s6;
	s7 =	simm.s32 @p2 $0x1082  }
0x22: {  	[simem:s7], [sflag:s8] =	dma.local @!p0 [hbm:s6], $0xF7A  }
0x23: {  	s9 =	sor.u32 $0xD0000000, s2;
	s6 =	simm.s32 $0x108;
	_ =	swait.ge @!p0 [sflag:s8], $0x0  }
0x24: {  	s3 =	sadd.s32 $0x88, s3;
	s6 =	simm.s32 @!p1 $0x1082;
	[sflag:s4] =	ssyncset.s32 $0xFFFFF086  }
0x25: {  	[simem:s6], [sflag:s4] =	dma.local [hbm:s3], $0xF7A  }
0x26: {  	[smem:$0x3F8D] =	sst s1;
	(tag) =	ssettag s2;
	_ =	strace s9  }
0x27: {  	s1 =	sld [smem:$0x3F9D]  }
0x28: {  	s2 =	sld [smem:$0x3F9E]  }
0x29: {  	s4 =	sld [smem:$0x3FA0]  }
0x2a: {  	p0 =	seq.s32 s5, $0x0;
	s5 =	sld [smem:$0x3FA1]  }
0x2b: {  	s6 =	sld [smem:$0x3FA2]  }
0x2c: {  	s7 =	sld [smem:$0x3FA3]  }
0x2d: {  	s3 =	simm.s32 $0x108;
	s8 =	sld [smem:$0x3FA4]  }
0x2e: {  	s3 =	simm.s32 @!p0 $0x1082;
	s9 =	sld [smem:$0x3FA5]  }
0x2f: {  	lr =	sadd.s32 s0, s3;
	s0 =	sld [smem:$0x3F9C]  }
0x30: {  	s3 =	sld [smem:$0x3F9F]  }
0x31: {  	[smem:$0x3FA8] =	sst s10  }
0x32: {  	s10 =	sld [smem:$0x3FA6];
	_ =	sdelay $0x3  }
0x33: {  	p0 =	seq.s32 s10, $0x1;
	s10 =	sld [smem:$0x3FA8];
	_ =	sdelay $0x3  }
0x34: {  	[smem:$0x3FA8] =	sst s10  }
0x35: {  	s10 =	sld [smem:$0x3FA7];
	_ =	sdelay $0x3  }
0x36: {  	p1 =	seq.s32 s10, $0x1;
	s10 =	sld [smem:$0x3FA8];
	_ =	sdelay $0x3  }
0x37: {  	[smem:$0x3FA8] =	sst s10  }
0x38: {  	s10 =	sld [smem:$0x3FA9]  }
0x39: {  	_ = 	snop;
	(pc) =	sbr.ind lr, $3  }
0x3a: {  	_ = 	snop  }
0x3b: {  	_ = 	snop  }
0x3c: {  	p2 =	seq.s32 s10, $0x1;
	s10 =	sld [smem:$0x3FA8]  }
0x3d: {  	_ =	shalt  }
0x3e: {  	_ =	shalt  }
0x3f: {  	_ =	shalt  }
0x40: {  	_ =	shalt  }
0x41: {  	_ =	shalt  }
0x42: {  	_ =	shalt  }
0x43: {  	_ =	shalt  }
0x44: {  	_ =	shalt  }
0x45: {  	_ =	shalt  }
0x46: {  	_ =	shalt  }
0x47: {  	_ =	shalt  }
0x48: {  	_ =	shalt  }
0x49: {  	_ =	shalt  }
0x4a: {  	_ =	shalt  }
0x4b: {  	_ =	shalt  }
0x4c: {  	_ =	shalt  }
0x4d: {  	_ =	shalt  }
0x4e: {  	_ =	shalt  }
0x4f: {  	_ =	shalt  }
0x50: {  	_ =	shalt  }
0x51: {  	_ =	shalt  }
0x52: {  	_ =	shalt  }
0x53: {  	_ =	shalt  }
0x54: {  	_ =	shalt  }
0x55: {  	_ =	shalt  }
0x56: {  	_ =	shalt  }
0x57: {  	_ =	shalt  }
0x58: {  	_ =	shalt  }
0x59: {  	_ =	shalt  }
0x5a: {  	_ =	shalt  }
0x5b: {  	_ =	shalt  }
0x5c: {  	_ =	shalt  }
0x5d: {  	_ =	shalt  }
0x5e: {  	_ =	shalt  }
0x5f: {  	_ =	shalt  }
0x60: {  	_ =	shalt  }
0x61: {  	_ =	shalt  }
0x62: {  	_ =	shalt  }
0x63: {  	_ =	shalt  }
0x64: {  	_ =	shalt  }
0x65: {  	_ =	shalt  }
0x66: {  	_ =	shalt  }
0x67: {  	_ =	shalt  }
0x68: {  	_ =	shalt  }
0x69: {  	_ =	shalt  }
0x6a: {  	_ =	shalt  }
0x6b: {  	_ =	shalt  }
0x6c: {  	_ =	shalt  }
0x6d: {  	_ =	shalt  }
0x6e: {  	_ =	shalt  }
0x6f: {  	_ =	shalt  }
0x70: {  	_ =	shalt  }
0x71: {  	_ =	shalt  }
0x72: {  	_ =	shalt  }
0x73: {  	_ =	shalt  }
0x74: {  	_ =	shalt  }
0x75: {  	_ =	shalt  }
0x76: {  	_ =	shalt  }
0x77: {  	_ =	shalt  }
0x78: {  	_ =	shalt  }
0x79: {  	_ =	shalt  }
0x7a: {  	_ =	shalt  }
0x7b: {  	_ =	shalt  }
0x7c: {  	_ =	shalt  }
0x7d: {  	_ =	shalt  }
0x7e: {  	_ =	shalt  }
0x7f: {  	_ =	shalt  }
0x80: {  	_ =	shalt  }
0x81: {  	_ =	shalt  }
0x82: {  	_ =	shalt  }
0x83: {  	_ =	shalt  }
0x84: {  	_ =	shalt  }
0x85: {  	_ =	shalt  }
0x86: {  	_ =	shalt  }
0x87: {  	_ =	shalt  }
.Lfunc_end0:
.L_simem_size_0:
called_computation.2_lowered:
.L_overlay_start_0:
0x88: {  	s2 =	sld [smem:$0x3FD9]  }
0x89: {  	s3 =	sld [smem:$0x3FFE];
	_ =	sdelay $0x1  }
0x8a: {  	s1 =	srdreg.scid  }
0x8b: {  	s0 =	sand.u32 $0x1, s1  }
0x8c: {  	s17 =	sshll.u32 s0, $0xA;
	s2 =	sadd.s32 s3, s2  }
0x8d: {  	s2 =	sadd.s32 s2, s17  }
0x8e: {  	[smem:$0x3FB4] =	sst s2  }
0x8f: {  	_ = 	snop  }
0x90: {  	s2 =	sld [smem:$0x3FC7]  }
0x91: {  	s18 =	sld [smem:$0x3FC6]  }
0x92: {  	s4 =	sld [smem:$0x3FD0];
	(tm) =	ssettm $0x1  }
0x93: {  	s5 =	sld [smem:$0x3FFB];
	_ =	sdelay $0x3  }
0x94: {  	_ =	strace s5  }
0x95: {  	s5 =	sld [smem:$0x3FFC];
	_ =	sdelay $0x3  }
0x96: {  	_ =	strace s5  }
0x97: {  	s5 =	sld [smem:$0x3FFD];
	_ =	sdelay $0x3  }
0x98: {  	_ =	strace s5  }
0x99: {  	_ =	strace $0x8FFFFFFF  }
0x9a: {  	s19 =	sld [smem:$0x3FDB];
	_ =	sdelay $0x1  }
0x9b: {  	s6 =	simm.s32 $_scs_section_size  }
0x9c: {  	s7 =	simm.s32 $_size__tile_overlayer_lowered;
	s8 =	simm.s32 $_tile_overlayer_lowered  }
0x9d: {  	s22 =	simm.s32 $0x1BFF;
	s21 =	sshll.u32 s8, $0x1;
	s5 =	sadd.s32 s6, s19  }
0x9e: {  	s9 =	simm.s32 $0x0;
	s20 =	sshll.u32 s7, $0x1;
	s7 =	sadd.s32 s21, s5  }
0x9f: {  	[timem:s9], [sflag:s22] =	dma.local [hbm:s7], s20  }
0xa0: {  	_ =	swait.ge [sflag:s22], s20  }
0xa1: {  	s6 =	ssub.s32 $0x0, s20;
	[sflag:s22] =	ssyncset.done $0x0  }
0xa2: {  	[sflag:s22] =	ssyncadd.s32 s6;
	_ =	sdelay $0x1  }
0xa3: {  	s23 =	simm.s32 $0x1B8B  }
0xa4: {  	_ =	swait.ge [sflag:s23], $0x1  }
0xa5: {  	[sflag:s23] =	ssyncset.done $0x0  }
0xa6: {  	s25 =	simm.s32 $0x1B8E;
	s24 =	sld [smem:$0x3FFE];
	[sflag:s23] =	ssyncadd.s32 $0xFFFFFFFF  }
0xa7: {  	s26 =	simm.s32 $execute0_lowered;
	[smem:$0x3FD2] =	sst s25  }
0xa8: {  	s7 =	sshll.u32 s26, $0x1;
	_ =	strace $0x8000004C;
	[dreg:$0x1] =	wrdreg $0xFFFFFFFF  }
0xa9: {  	s28 =	simm.s32 $_size_execute0_lowered;
	s5 =	sadd.s32 s5, s7;
	[dreg:$0x0] =	wrdreg $0x0  }
0xaa: {  	s7 =	sshll.u32 s28, $0x1;
	[dreg:$0x2] =	wrdreg s5  }
0xab: {  	[dreg:$0x3] =	wrdreg s7  }
0xac: {  	[dreg:$0x4] =	wrdreg $0xC0  }
0xad: {  	_ =	task [dreg:s9], $0x5FFFF  }
0xae: {  	[dreg:$0x1] =	wrdreg $0xFFFFFFFF  }
0xaf: {  	[dreg:$0x0] =	wrdreg $0x60  }
0xb0: {  	[dreg:$0x2] =	wrdreg s24  }
0xb1: {  	[dreg:$0x3] =	wrdreg s2  }
0xb2: {  	[dreg:$0x4] =	wrdreg s18  }
0xb3: {  	[dreg:$0x5] =	wrdreg s4  }
0xb4: {  	[dreg:$0x6] =	wrdreg $0x0  }
0xb5: {  	[dreg:$0x7] =	wrdreg $0x9  }
0xb6: {  	_ =	task.clear_ibuf [dreg:s9], $0x8FFFF;
	_ =	strace $0x9000004C  }
0xb7: {  	s29 =	simm.s32 $0x9;
	_ =	strace $0x8000004E  }
0xb8: {  	_ =	swait.ge [sflag:s29], $0x1  }
0xb9: {  	[sflag:s29] =	ssyncadd.s32 $0xFFFFFFFF  }
0xba: {  	_ =	strace $0x9000004E  }
0xbb: {  	_ =	sfence  }
0xbc: {  	s30 =	sld [smem:$0x0];
	_ =	sdelay $0x2  }
0xbd: {  	s31 =	sshll.u32 s1, $0xD;
	s1 =	sshrl.u32 s1, $0x2  }
0xbe: {  	s3 =	sand.u32 $0x4000, s31;
	s1 =	sadd.s32 s1, s30  }
0xbf: {  	s0 =	sor.u32 s3, s0;
	s1 =	sshll.u32 s1, $0x11  }
0xc0: {  	s0 =	sor.u32 s1, s0  }
0xc1: {  	s0 =	sadd.s32 $0x8F2B, s0  }
0xc2: {  	[sflag:s0] =	ssyncadd.remote.s32 $0x1  }
0xc3: {  	_ =	sfence.sel $0xFFFF  }
0xc4: {  	[dreg:$0x0] =	wrdreg $0xFFFFFFFF;
	(pc) =	sbr.abs _section_cstart, $3  }
0xc5: {  	[dreg:$0x1] =	wrdreg $0xFFFFFFFF  }
0xc6: {  	_ =	task.clear_ibuf [dreg:s9], $0x2FFFF;
	_ =	strace $0x9FFFFFFF  }
0xc7: {  	(tm) =	ssettm $0x7FFFFFFF  }
tec
execute0_lowered:
.L_overlay_start_1:
0x0: {  	(tag) =	ssettag $0x1  }
0x1: {  	s0 =	rddreg [dreg:$0x0]  }
0x2: {  	s1 =	rddreg [dreg:$0x1]  }
0x3: {  	s4 =	rddreg [dreg:$0x2]  }
0x4: {  	s5 =	rddreg [dreg:$0x3]  }
0x5: {  	s2 =	rddreg [dreg:$0x4];
	s3 =	simm.s32 $0x0  }
0x6: {  	s14 =	stileid.u32;
	s7 =	srdreg.scid;
	s28 =	simm.s32 $0x6  }
0x7: {  	s29 =	simm.s32 $0x13900;
	s30 =	simm.s32 $0x16280;
	s31 =	simm.s32 $0x3  }
0x8: {  	[smem:$0x7FF] =	sst s3;
	s6 =	smul.u32 $0xA00, s14;
	s8 =	sand.u32 $0x1, s7  }
0x9: {  	s9 =	smul.u32 $0x4E000, s14;
	s13 =	sadd.s32 $0x13EE00, s0;
	s15 =	sadd.s32 $0x166000, s0  }
0xa: {  	s18 =	smul.u32 $0x2700, s14;
	s10 =	sshll.u32 s14, $0x1;
	s19 =	sshll.u32 s14, $0x6  }
0xb: {  	s20 =	smul.u32 $0x14, s14;
	p1 =	sne.s32 s14, $0xF;
	p2 =	seq.s32 s14, $0xF  }
0xc: {  	_ =	strace $0x8000004D;
	s7 =	ssub.s32 $0x2, s8;
	s21 =	smul.u32 $0xA, s8  }
0xd: {  	p0 =	seq.s32 s8, $0x1;
	[dreg:$0x6] =	wrdreg s13;
	s22 =	smul.u32 $0x500, s8  }
0xe: {  	[dreg:$0x7] =	wrdreg s15;
	s6 =	sadd.s32 s6, s0;
	s16 =	sshrl.u32 s7, $0x1  }
0xf: {  	s17 =	sshrl.u32 s9, $0x2;
	s12 =	sadd.s32 s5, s18;
	s5 =	sadd.s32 $0x27000, s5  }
0x10: {  	s13 =	sadd.s32 s13, s18;
	s9 =	sadd.s32 s15, s18;
	s23 =	sadd.s32 s20, s1  }
0x11: {  	s25 =	sadd.s32 s20, s4;
	s15 =	sor.u32 s8, s10;
	s10 =	simm.s32 $0x18A80  }
0x12: {  	s4 =	simm.s32 $0x8;
	s8 =	simm.s32 $0x1B280;
	[dreg:$0x8] =	wrdreg s12  }
0x13: {  	s0 =	ssub.s32 s7, s16;
	s11 =	sadd.s32 s17, s2;
	[dreg:$0xa] =	wrdreg s5  }
0x14: {  	s7 =	sor.u32 $0x1C0D, s19;
	s16 =	sadd.s32 $0x138000, s2;
	[dreg:$0xb] =	wrdreg s13  }
0x15: {  	[dreg:$0xc] =	wrdreg s9;
	s24 =	sadd.s32 s22, s6;
	s1 =	sadd.s32 s21, s25  }
0x16: {  	s19 =	simm.s32 $0xD;
	s22 =	simm.s32 $0x13A80;
	s25 =	simm.s32 $0x50  }
0x17: {  	s5 =	simm.s32 $0x13A00;
	s6 =	simm.s32 $0x0;
	[dreg:$0x10] =	wrdreg s1  }
0x18: {  	s0 =	smax.u32 s0, $0x1;
	s26 =	sadd.s32 $0x780800, s24;
	[dreg:$0x9] =	wrdreg s16  }
0x19: {  	s13 =	sshrl.u32 s11, $0x3;
	s1 =	simm.s32 $0x13980;
	[dreg:$0xd] =	wrdreg s0  }
.Ltmp0:
0x1a: {  	s11 =	simm.s32 $0x4;
	[dreg:$0xf] =	wrdreg s26;
	(pc) =	sbr.rel .LBB2_1-.Ltmp0, $4  }
0x1b: {  	s0 =	sadd.s32 s21, s23;
	s21 =	simm.s32 $0x13880;
	[dreg:$0x12] =	wrdreg s13  }
0x1c: {  	s23 =	simm.s32 $0x1;
	[dreg:$0xe] =	wrdreg s0;
	s0 =	sadd.s32 $0x6200, s24  }
0x1d: {  	s26 =	simm.s32 $0x2;
	[dreg:$0x11] =	wrdreg s0;
	s0 =	sshrl.u32 @!p1 s16, $0x3  }
0x1e: {  	s24 =	simm.s32 $0x5;
	[dreg:$0x13] =	wrdreg s0;
	s0 =	simm.s32 $0x7  }
.LBB2_22:
0x1f: {  	s12 =	rddreg [dreg:$0x9]  }
0x20: {  	s9 =	sadd.s32 $0x27000, s9;
	s12 =	sshrl.u32 s12, $0x3  }
0x21: {  	[hbm:s9], [sflag:s7] =	dma.local [spmem:s12], $0x100  }
0x22: {  	_ =	swait.ge [sflag:s19], $0x100  }
0x23: {  	[sflag:s19] =	ssyncset.done $0x0  }
0x24: {  	[sflag:s19] =	ssyncadd.s32 $0xFFFFFF00  }
.LBB2_23:
0x25: {  	s6 =	sadd.s32 $0x1, s6;
	s9 =	rddreg [dreg:$0xd]  }
0x26: {  	p3 =	sne.s32 s6, s9  }
.Ltmp1:
0x27: {  	_ = 	snop;
	(pc) =	sbr.rel @!p3 .LBB2_24-.Ltmp1, $1  }
0x28: {  	_ =	sdelay $0x3  }
.LBB2_1:
0x29: {  	s9 =	rddreg [dreg:$0x8]  }
0x2a: {  	[spmem:s13], [sflag:s7] =	dma.local [hbm:s9], $0x2700  }
0x2b: {  	_ =	swait.ge [sflag:s19], $0x2700  }
0x2c: {  	[sflag:s19] =	ssyncset.done $0x0;
	s9 =	rddreg [dreg:$0xa]  }
0x2d: {  	s12 =	rddreg [dreg:$0x13];
	[sflag:s19] =	ssyncadd.s32 $0xFFFFD900  }
0x2e: {  	[spmem:s12], [sflag:s7] =	dma.local @!p1 [hbm:s9], $0x100  }
0x2f: {  	s9 =	simm.s32 @!p1 $0xD  }
0x30: {  	_ =	swait.ge @!p1 [sflag:s9], $0x100  }
.Ltmp2:
0x31: {  	[sflag:s9] =	ssyncset.done @!p1 $0x0;
	(pc) =	sbr.rel .LBB2_2-.Ltmp2, $4  }
0x32: {  	[sflag:s9] =	ssyncadd.s32 @!p1 $0xFFFFFF00  }
0x33: {  	[bflag:$0x0] =	sbarrier.arrive $0xFFFF  }
0x34: {  	s9 =	rddreg [dreg:$0xf]  }
0x35: {  	s16 =	simm.s32 $0x0;
	s17 =	rddreg [dreg:$0xe]  }
.LBB2_8:
0x36: {  	_ =	swait.ge [sflag:s11], $0x50  }
0x37: {  	[sflag:s11] =	ssyncset.done $0x0  }
0x38: {  	[sflag:s11] =	ssyncadd.s32 $0xFFFFFFB0  }
0x39: {  	_ =	swait.ge [sflag:s4], $0x2800  }
0x3a: {  	[sflag:s4] =	ssyncset.done $0x0  }
0x3b: {  	[sflag:s4] =	ssyncadd.s32 $0xFFFFD800  }
0x3c: {  	[spmem:s2] =	stream.indirect.scatter.add.f32 [tilespmem:s8], [sflag:$0xC], $0x80, s5, s25, $0xb8;
	[tilespmem:$0x1DA80] =	vst v63  }
.LBB2_9:
0x3d: {  	s16 =	sadd.s32 $0x80, s16  }
0x3e: {  	p3 =	sne.s32 s16, $0xA80  }
.Ltmp3:
0x3f: {  	_ = 	snop;
	(pc) =	sbr.rel @!p3 .LBB2_10-.Ltmp3, $2  }
0x40: {  	_ =	sdelay $0x2  }
0x41: {  	s17 =	sadd.s32 $0x500, s17;
	s9 =	sadd.s32 $0x28000, s9  }
.LBB2_2:
0x42: {  	s14 =	sadd.s32 s16, s15  }
0x43: {  	s13 =	sadd.s32 $0xFFFFFF80, s14  }
0x44: {  	p3 =	sgt.u32 s13, $0x9C3  }
0x45: {  	s13 =	simm.s32 @!p3 $0x9  }
0x46: {  	s12 =	sadd.s32 $0xFFFFFFA0, s14;
	_ =	swait.ge @!p3 [sflag:s13], $0x2800  }
0x47: {  	p4 =	sgt.u32 s12, $0x9C3;
	[sflag:s13] =	ssyncset.done @!p3 $0x0  }
0x48: {  	s12 =	simm.s32 @!p4 $0xA;
	[sflag:s13] =	ssyncadd.s32 @!p3 $0xFFFFD800  }
0x49: {  	s18 =	sadd.s32 $0xFFFFFFC0, s14;
	_ =	swait.ge @!p4 [sflag:s12], $0x2800  }
0x4a: {  	p3 =	sgt.u32 s18, $0x9C3;
	[sflag:s12] =	ssyncset.done @!p4 $0x0  }
0x4b: {  	[sflag:s12] =	ssyncadd.s32 @!p4 $0xFFFFD800;
	s12 =	simm.s32 @!p3 $0xB  }
0x4c: {  	_ =	swait.ge @!p3 [sflag:s12], $0x2800  }
0x4d: {  	[sflag:s12] =	ssyncset.done @!p3 $0x0  }
0x4e: {  	s20 =	sadd.s32 $0xFFFFFFE0, s14;
	[sflag:s12] =	ssyncadd.s32 @!p3 $0xFFFFD800;
	p3 =	sgt.u32 s14, $0x9C3  }
.Ltmp4:
0x4f: {  	p4 =	sgt.u32 s20, $0x9C3;
	(pc) =	sbr.rel @p3 .LBB2_9-.Ltmp4, $4  }
0x50: {  	s12 =	simm.s32 @!p4 $0xC  }
0x51: {  	_ =	swait.ge @!p4 [sflag:s12], $0x2800  }
0x52: {  	[sflag:s12] =	ssyncset.done @!p4 $0x0  }
0x53: {  	[sflag:s12] =	ssyncadd.s32 @!p4 $0xFFFFD800  }
0x54: {  	[tilespmem:s21], [sflag:$0x1] =	stream.linear.gather [hbm4b:s17+s3], $0x50, $0x38;
	[tilespmem:$0x1DA80] =	vst v63  }
0x55: {  	s12 =	sadd.s32 $0x20, s14  }
0x56: {  	p3 =	sgt.u32 s12, $0x9C3  }
0x57: {  	[tilespmem:s22], [sflag:$0x5] =	stream.linear.gather [hbm4b:s9+s3], $0x2800, $0x38;
	[tilespmem:$0x1DA80] =	vst v63  }
0x58: {  	s12 =	sadd.s32 @!p3 $0x140, s17;
	s20 =	simm.s32 @!p3 $0x0;
	s13 =	simm.s32 @!p3 $0x13900  }
0x59: {  	[tilespmem:s13], [sflag:$0x2] =	stream.linear.gather @!p3 [hbm4b:s12+s20], $0x50, $0x38;
	[tilespmem:$0x1DA80] =	vst v63  }
0x5a: {  	s18 =	simm.s32 @!p3 $0x16280;
	s13 =	sadd.s32 $0x40, s14  }
0x5b: {  	s12 =	sadd.s32 @!p3 $0xA000, s9;
	s14 =	sadd.s32 $0x60, s14;
	p5 =	sgt.u32 s13, $0x9C3  }
0x5c: {  	[tilespmem:s18], [sflag:$0x6] =	stream.linear.gather @!p3 [hbm4b:s12+s20], $0x2800, $0x38;
	[tilespmem:$0x1DA80] =	vst v63  }
0x5d: {  	s12 =	sadd.s32 @!p5 $0x280, s17;
	s18 =	simm.s32 @!p5 $0x0;
	s20 =	simm.s32 @!p5 $0x13980  }
0x5e: {  	[tilespmem:s20], [sflag:$0x3] =	stream.linear.gather @!p5 [hbm4b:s12+s18], $0x50, $0x38;
	[tilespmem:$0x1DA80] =	vst v63  }
0x5f: {  	p4 =	sgt.u32 s14, $0x9C3;
	s12 =	sadd.s32 @!p5 $0x14000, s9;
	s20 =	simm.s32 @!p5 $0x18A80  }
0x60: {  	[tilespmem:s20], [sflag:$0x7] =	stream.linear.gather @!p5 [hbm4b:s12+s18], $0x2800, $0x38;
	[tilespmem:$0x1DA80] =	vst v63  }
0x61: {  	s12 =	sadd.s32 @!p4 $0x3C0, s17;
	s18 =	simm.s32 @!p4 $0x0;
	s20 =	simm.s32 @!p4 $0x13A00  }
0x62: {  	[tilespmem:s20], [sflag:$0x4] =	stream.linear.gather @!p4 [hbm4b:s12+s18], $0x50, $0x38;
	[tilespmem:$0x1DA80] =	vst v63  }
0x63: {  	s12 =	sadd.s32 @!p4 $0x1E000, s9;
	s20 =	simm.s32 @!p4 $0x1B280  }
0x64: {  	[tilespmem:s20], [sflag:$0x8] =	stream.linear.gather @!p4 [hbm4b:s12+s18], $0x2800, $0x38;
	[tilespmem:$0x1DA80] =	vst v63  }
0x65: {  	_ =	swait.ge [sflag:s23], $0x50  }
0x66: {  	[sflag:s23] =	ssyncset.done $0x0  }
.Ltmp5:
0x67: {  	[sflag:s23] =	ssyncadd.s32 $0xFFFFFFB0;
	(pc) =	sbr.rel @p3 .LBB2_6-.Ltmp5, $4  }
0x68: {  	_ =	swait.ge [sflag:s24], $0x2800  }
0x69: {  	[sflag:s24] =	ssyncset.done $0x0  }
0x6a: {  	[sflag:s24] =	ssyncadd.s32 $0xFFFFD800  }
0x6b: {  	[spmem:s2] =	stream.indirect.scatter.add.f32 [tilespmem:s22], [sflag:$0x9], $0x80, s21, s25, $0xb8;
	[tilespmem:$0x1DA80] =	vst v63  }
0x6c: {  	_ =	swait.ge [sflag:s26], $0x50  }
0x6d: {  	p3 =	slt.u32 s13, $0x9C4;
	[sflag:s26] =	ssyncset.done $0x0  }
.Ltmp6:
0x6e: {  	[sflag:s26] =	ssyncadd.s32 $0xFFFFFFB0;
	(pc) =	sbr.rel @p3 .LBB2_7-.Ltmp6, $4  }
0x6f: {  	_ =	swait.ge [sflag:s28], $0x2800  }
0x70: {  	[sflag:s28] =	ssyncset.done $0x0  }
0x71: {  	[sflag:s28] =	ssyncadd.s32 $0xFFFFD800  }
0x72: {  	[spmem:s2] =	stream.indirect.scatter.add.f32 [tilespmem:s30], [sflag:$0xA], $0x80, s29, s25, $0xb8;
	[tilespmem:$0x1DA80] =	vst v63  }
.LBB2_5:
.Ltmp7:
0x73: {  	(pc) =	sbr.rel @p4 .LBB2_9-.Ltmp7, $4  }
.Ltmp8:
0x74: {  	(pc) =	sbr.rel @!p4 .LBB2_8-.Ltmp8, $4  }
0x75: {  	_ = 	snop  }
0x76: {  	_ = 	snop  }
0x77: {  	_ = 	snop  }
0x78: {  	_ = 	snop  }
.LBB2_6:
.Ltmp9:
0x79: {  	(pc) =	sbr.rel @p5 .LBB2_5-.Ltmp9, $1  }
0x7a: {  	_ =	sdelay $0x3  }
.LBB2_7:
0x7b: {  	_ =	swait.ge [sflag:s31], $0x50  }
0x7c: {  	p3 =	slt.u32 s14, $0x9C4;
	[sflag:s31] =	ssyncset.done $0x0  }
.Ltmp10:
0x7d: {  	[sflag:s31] =	ssyncadd.s32 $0xFFFFFFB0;
	(pc) =	sbr.rel @!p3 .LBB2_9-.Ltmp10, $4  }
.Ltmp11:
0x7e: {  	_ =	swait.ge [sflag:s0], $0x2800;
	(pc) =	sbr.rel @p3 .LBB2_8-.Ltmp11, $4  }
0x7f: {  	[sflag:s0] =	ssyncset.done $0x0  }
0x80: {  	[sflag:s0] =	ssyncadd.s32 $0xFFFFD800  }
0x81: {  	[spmem:s2] =	stream.indirect.scatter.add.f32 [tilespmem:s10], [sflag:$0xB], $0x80, s1, s25, $0xb8;
	[tilespmem:$0x1DA80] =	vst v63  }
0x82: {  	_ = 	snop  }
.LBB2_10:
.Ltmp12:
0x83: {  	(pc) =	sbr.rel .LBB2_11-.Ltmp12, $3  }
0x84: {  	_ =	sdelay $0x1  }
0x85: {  	s17 =	rddreg [dreg:$0x11]  }
0x86: {  	s9 =	simm.s32 $0x0;
	s16 =	rddreg [dreg:$0x10]  }
.LBB2_17:
0x87: {  	_ =	swait.ge [sflag:s11], $0x50  }
0x88: {  	[sflag:s11] =	ssyncset.done $0x0  }
0x89: {  	[sflag:s11] =	ssyncadd.s32 $0xFFFFFFB0  }
0x8a: {  	_ =	swait.ge [sflag:s4], $0x2800  }
0x8b: {  	[sflag:s4] =	ssyncset.done $0x0  }
0x8c: {  	[sflag:s4] =	ssyncadd.s32 $0xFFFFD800  }
0x8d: {  	[spmem:s2] =	stream.indirect.scatter.add.f32 [tilespmem:s8], [sflag:$0xC], $0x80, s5, s25, $0xb8;
	[tilespmem:$0x1DA80] =	vst v63  }
.LBB2_18:
0x8e: {  	s9 =	sadd.s32 $0x80, s9  }
0x8f: {  	p3 =	sne.s32 s9, $0x380  }
.Ltmp13:
0x90: {  	_ = 	snop;
	(pc) =	sbr.rel @!p3 .LBB2_19-.Ltmp13, $2  }
0x91: {  	_ =	sdelay $0x2  }
0x92: {  	s16 =	sadd.s32 $0x500, s16;
	s17 =	sadd.s32 $0x28000, s17  }
.LBB2_11:
0x93: {  	s14 =	sadd.s32 s9, s15  }
0x94: {  	s12 =	sadd.s32 $0xFFFFFF80, s14  }
0x95: {  	p3 =	sgt.u32 s12, $0x2ED  }
0x96: {  	s12 =	simm.s32 @!p3 $0x9  }
0x97: {  	s13 =	sadd.s32 $0xFFFFFFA0, s14;
	_ =	swait.ge @!p3 [sflag:s12], $0x2800  }
0x98: {  	p4 =	sgt.u32 s13, $0x2ED;
	[sflag:s12] =	ssyncset.done @!p3 $0x0  }
0x99: {  	[sflag:s12] =	ssyncadd.s32 @!p3 $0xFFFFD800;
	s12 =	simm.s32 @!p4 $0xA  }
0x9a: {  	s18 =	sadd.s32 $0xFFFFFFC0, s14;
	_ =	swait.ge @!p4 [sflag:s12], $0x2800  }
0x9b: {  	p3 =	sgt.u32 s18, $0x2ED;
	[sflag:s12] =	ssyncset.done @!p4 $0x0  }
0x9c: {  	[sflag:s12] =	ssyncadd.s32 @!p4 $0xFFFFD800;
	s12 =	simm.s32 @!p3 $0xB  }
0x9d: {  	_ =	swait.ge @!p3 [sflag:s12], $0x2800  }
0x9e: {  	[sflag:s12] =	ssyncset.done @!p3 $0x0  }
0x9f: {  	s20 =	sadd.s32 $0xFFFFFFE0, s14;
	[sflag:s12] =	ssyncadd.s32 @!p3 $0xFFFFD800;
	p3 =	sgt.u32 s14, $0x2ED  }
.Ltmp14:
0xa0: {  	p4 =	sgt.u32 s20, $0x2ED;
	(pc) =	sbr.rel @p3 .LBB2_18-.Ltmp14, $4  }
0xa1: {  	s12 =	simm.s32 @!p4 $0xC  }
0xa2: {  	_ =	swait.ge @!p4 [sflag:s12], $0x2800  }
0xa3: {  	[sflag:s12] =	ssyncset.done @!p4 $0x0  }
0xa4: {  	[sflag:s12] =	ssyncadd.s32 @!p4 $0xFFFFD800  }
0xa5: {  	[tilespmem:s21], [sflag:$0x1] =	stream.linear.gather [hbm4b:s16+s3], $0x50, $0x38;
	[tilespmem:$0x1DA80] =	vst v63  }
0xa6: {  	s12 =	sadd.s32 $0x20, s14  }
0xa7: {  	p3 =	sgt.u32 s12, $0x2ED  }
0xa8: {  	[tilespmem:s22], [sflag:$0x5] =	stream.linear.gather [hbm4b:s17+s3], $0x2800, $0x38;
	[tilespmem:$0x1DA80] =	vst v63  }
0xa9: {  	s12 =	sadd.s32 @!p3 $0x140, s16;
	s18 =	simm.s32 @!p3 $0x0;
	s13 =	simm.s32 @!p3 $0x13900  }
0xaa: {  	[tilespmem:s13], [sflag:$0x2] =	stream.linear.gather @!p3 [hbm4b:s12+s18], $0x50, $0x38;
	[tilespmem:$0x1DA80] =	vst v63  }
0xab: {  	s20 =	simm.s32 @!p3 $0x16280;
	s13 =	sadd.s32 $0x40, s14  }
0xac: {  	s12 =	sadd.s32 @!p3 $0xA000, s17;
	s14 =	sadd.s32 $0x60, s14;
	p5 =	sgt.u32 s13, $0x2ED  }
0xad: {  	[tilespmem:s20], [sflag:$0x6] =	stream.linear.gather @!p3 [hbm4b:s12+s18], $0x2800, $0x38;
	[tilespmem:$0x1DA80] =	vst v63  }
0xae: {  	s12 =	sadd.s32 @!p5 $0x280, s16;
	s18 =	simm.s32 @!p5 $0x0;
	s20 =	simm.s32 @!p5 $0x13980  }
0xaf: {  	[tilespmem:s20], [sflag:$0x3] =	stream.linear.gather @!p5 [hbm4b:s12+s18], $0x50, $0x38;
	[tilespmem:$0x1DA80] =	vst v63  }
0xb0: {  	p4 =	sgt.u32 s14, $0x2ED;
	s12 =	sadd.s32 @!p5 $0x14000, s17;
	s20 =	simm.s32 @!p5 $0x18A80  }
0xb1: {  	[tilespmem:s20], [sflag:$0x7] =	stream.linear.gather @!p5 [hbm4b:s12+s18], $0x2800, $0x38;
	[tilespmem:$0x1DA80] =	vst v63  }
0xb2: {  	s12 =	sadd.s32 @!p4 $0x3C0, s16;
	s18 =	simm.s32 @!p4 $0x0;
	s20 =	simm.s32 @!p4 $0x13A00  }
0xb3: {  	[tilespmem:s20], [sflag:$0x4] =	stream.linear.gather @!p4 [hbm4b:s12+s18], $0x50, $0x38;
	[tilespmem:$0x1DA80] =	vst v63  }
0xb4: {  	s12 =	sadd.s32 @!p4 $0x1E000, s17;
	s20 =	simm.s32 @!p4 $0x1B280  }
0xb5: {  	[tilespmem:s20], [sflag:$0x8] =	stream.linear.gather @!p4 [hbm4b:s12+s18], $0x2800, $0x38;
	[tilespmem:$0x1DA80] =	vst v63  }
0xb6: {  	_ =	swait.ge [sflag:s23], $0x50  }
0xb7: {  	[sflag:s23] =	ssyncset.done $0x0  }
.Ltmp15:
0xb8: {  	[sflag:s23] =	ssyncadd.s32 $0xFFFFFFB0;
	(pc) =	sbr.rel @p3 .LBB2_15-.Ltmp15, $4  }
0xb9: {  	_ =	swait.ge [sflag:s24], $0x2800  }
0xba: {  	[sflag:s24] =	ssyncset.done $0x0  }
0xbb: {  	[sflag:s24] =	ssyncadd.s32 $0xFFFFD800  }
0xbc: {  	[spmem:s2] =	stream.indirect.scatter.add.f32 [tilespmem:s22], [sflag:$0x9], $0x80, s21, s25, $0xb8;
	[tilespmem:$0x1DA80] =	vst v63  }
0xbd: {  	_ =	swait.ge [sflag:s26], $0x50  }
0xbe: {  	p3 =	slt.u32 s13, $0x2EE;
	[sflag:s26] =	ssyncset.done $0x0  }
.Ltmp16:
0xbf: {  	[sflag:s26] =	ssyncadd.s32 $0xFFFFFFB0;
	(pc) =	sbr.rel @p3 .LBB2_16-.Ltmp16, $4  }
0xc0: {  	_ =	swait.ge [sflag:s28], $0x2800  }
0xc1: {  	[sflag:s28] =	ssyncset.done $0x0  }
0xc2: {  	[sflag:s28] =	ssyncadd.s32 $0xFFFFD800  }
0xc3: {  	[spmem:s2] =	stream.indirect.scatter.add.f32 [tilespmem:s30], [sflag:$0xA], $0x80, s29, s25, $0xb8;
	[tilespmem:$0x1DA80] =	vst v63  }
.LBB2_14:
.Ltmp17:
0xc4: {  	(pc) =	sbr.rel @p4 .LBB2_18-.Ltmp17, $4  }
.Ltmp18:
0xc5: {  	(pc) =	sbr.rel @!p4 .LBB2_17-.Ltmp18, $4  }
0xc6: {  	_ = 	snop  }
0xc7: {  	_ = 	snop  }
0xc8: {  	_ = 	snop  }
0xc9: {  	_ = 	snop  }
.LBB2_15:
.Ltmp19:
0xca: {  	(pc) =	sbr.rel @p5 .LBB2_14-.Ltmp19, $1  }
0xcb: {  	_ =	sdelay $0x3  }
.LBB2_16:
0xcc: {  	_ =	swait.ge [sflag:s31], $0x50  }
0xcd: {  	p3 =	slt.u32 s14, $0x2EE;
	[sflag:s31] =	ssyncset.done $0x0  }
.Ltmp20:
0xce: {  	[sflag:s31] =	ssyncadd.s32 $0xFFFFFFB0;
	(pc) =	sbr.rel @!p3 .LBB2_18-.Ltmp20, $4  }
.Ltmp21:
0xcf: {  	_ =	swait.ge [sflag:s0], $0x2800;
	(pc) =	sbr.rel @p3 .LBB2_17-.Ltmp21, $4  }
0xd0: {  	[sflag:s0] =	ssyncset.done $0x0  }
0xd1: {  	[sflag:s0] =	ssyncadd.s32 $0xFFFFD800  }
0xd2: {  	[spmem:s2] =	stream.indirect.scatter.add.f32 [tilespmem:s10], [sflag:$0xB], $0x80, s1, s25, $0xb8;
	[tilespmem:$0x1DA80] =	vst v63  }
0xd3: {  	_ = 	snop  }
.LBB2_19:
.Ltmp22:
0xd4: {  	(pc) =	sbr.rel @!p0 .LBB2_20-.Ltmp22, $3  }
0xd5: {  	_ =	sdelay $0x1  }
0xd6: {  	[bflag:$0x0] =	sbarrier.arrive $0xFFFF  }
0xd7: {  	s13 =	rddreg [dreg:$0x12]  }
0xd8: {  	s9 =	rddreg [dreg:$0xc]  }
0xd9: {  	[hbm:s9], [sflag:s7] =	dma.local [spmem:s13], $0x2700  }
.Ltmp23:
0xda: {  	_ = 	snop;
	(pc) =	sbr.rel @p1 .LBB2_23-.Ltmp23, $4  }
.Ltmp24:
0xdb: {  	_ = 	snop;
	(pc) =	sbr.rel @!p1 .LBB2_22-.Ltmp24, $4  }
0xdc: {  	_ =	swait.ge [sflag:s19], $0x2700  }
0xdd: {  	[sflag:s19] =	ssyncset.done $0x0  }
0xde: {  	s9 =	rddreg [dreg:$0x7];
	[sflag:s19] =	ssyncadd.s32 $0xFFFFD900  }
0xdf: {  	_ = 	snop  }
.LBB2_20:
0xe0: {  	s9 =	rddreg [dreg:$0xb]  }
0xe1: {  	[hbm:s9], [sflag:s7] =	dma.local [spmem:s13], $0x2700  }
.Ltmp25:
0xe2: {  	_ = 	snop;
	(pc) =	sbr.rel @p2 .LBB2_22-.Ltmp25, $4  }
.Ltmp26:
0xe3: {  	_ = 	snop;
	(pc) =	sbr.rel @!p2 .LBB2_23-.Ltmp26, $4  }
0xe4: {  	_ =	swait.ge [sflag:s19], $0x2700  }
0xe5: {  	[sflag:s19] =	ssyncset.done $0x0  }
0xe6: {  	s9 =	rddreg [dreg:$0x6];
	[sflag:s19] =	ssyncadd.s32 $0xFFFFD900  }
0xe7: {  	_ = 	snop  }
.LBB2_24:
0xe8: {  	_ =	sfence.sel $0x180000  }
0xe9: {  	[bflag:$0x0] =	sbarrier.arrive $0xFFFF  }
0xea: {  	_ =	strace $0x9000004D  }
0xeb: {  	s0 =	stileid.u32;
	[bflag:$0x2] =	sbarrier.arrive $0xFFFF  }
0xec: {  	p0 =	sne.s32 s0, $0x0;
	s0 =	rddreg [dreg:$0x5]  }
0xed: {  	s0 =	sadd.s32 @!p0 $0x100000, s0  }
0xee: {  	[sflag:s0] =	ssyncadd.tile.s32 @!p0 $0x1;
	_ =	shalt  }
.Lfunc_end2:
_tile_overlayer_lowered:
.L_overlay_start_2:
0xef: {  	(tag) =	ssettag $0x2  }
0xf0: {  	s0 =	rddreg [dreg:$0x0];
	s2 =	stileid.u32  }
0xf1: {  	s1 =	rddreg [dreg:$0x1];
	p0 =	sne.s32 s2, $0x0  }
0xf2: {  	s3 =	rddreg [dreg:$0x2];
	[bflag:$0x3] =	sbarrier.arrive $0xFFFF;
	s2 =	simm.s32 @!p0 $0x1C0D  }
0xf3: {  	[timem:s3], [sflag:s2] =	dma.local @!p0 [hbm:s0], s1  }
0xf4: {  	s0 =	simm.s32 @!p0 $0xD  }
0xf5: {  	_ =	swait.ge @!p0 [sflag:s0], s1  }
0xf6: {  	s1 =	ssub.s32 @!p0 $0x0, s1;
	[sflag:s0] =	ssyncset.done @!p0 $0x0  }
0xf7: {  	[sflag:s0] =	ssyncadd.s32 @!p0 s1  }
0xf8: {  	[bflag:$0x3] =	sbarrier.arrive $0xFFFF  }
0xf9: {  	_ =	shalt  }

</sc_bundles>
